<compile_context>
chip_gen: v7x
topology: tpu7x:2x2x1
jax: 0.10.2.dev20260603
libtpu: 0.0.44.dev20260713+nightly
codegen_flags: <defaults>
</compile_context>

<pallas_src>
import jax
import jax.numpy as jnp
from jax import lax
from jax.experimental import pallas as pl
from jax.experimental.pallas import tpu as pltpu
from jax.experimental.pallas import tpu_sc as plsc

N = 8192
D = 768
E = 64
F = 1024
RB = 512
NRB = N // RB
TM = 256
NPAD = 24576
NT = NPAD // TM

SC_CORES = 2
SC_SUBCORES = 16
NW = SC_CORES * SC_SUBCORES
TPW = N // NW
CB = 64
NCH = TPW // CB



def _router_body(x_ref, ws_ref, bs_ref, routes_ref, ranks_ref, pmax_ref,
                 aux_ref, starts_ref, te_ref, ut_ref,
                 tri_ref, counts_ref, colsum_ref):
    i = pl.program_id(0)

    @pl.when(i == 0)
    def _init():
        counts_ref[...] = jnp.zeros_like(counts_ref)
        colsum_ref[...] = jnp.zeros_like(colsum_ref)
        ri = lax.broadcasted_iota(jnp.int32, (RB, RB), 0)
        rj = lax.broadcasted_iota(jnp.int32, (RB, RB), 1)
        tri_ref[...] = (rj <= ri).astype(jnp.bfloat16)

    x = x_ref[...]
    logits = jnp.dot(x, ws_ref[...], preferred_element_type=jnp.float32)
    logits = logits + bs_ref[...]

    m = jnp.max(logits, axis=1, keepdims=True)
    p = jnp.exp(logits - m)
    s = jnp.sum(p, axis=1, keepdims=True)
    probs = p / s
    pmax = 1.0 / s[:, 0]

    iota_e = lax.broadcasted_iota(jnp.int32, (RB, E), 1)
    is_max = logits == m
    routes = jnp.min(jnp.where(is_max, iota_e, E), axis=1)

    onehot = (iota_e == routes[:, None]).astype(jnp.float32)

    csum = jnp.dot(tri_ref[...], onehot.astype(jnp.bfloat16),
                   preferred_element_type=jnp.float32)
    rank_in_blk = jnp.sum(csum * onehot, axis=1) - 1.0
    running = counts_ref[...]
    rank = rank_in_blk + jnp.sum(onehot * running, axis=1)

    cnt_blk = jnp.sum(onehot, axis=0, keepdims=True)
    counts_ref[...] = running + cnt_blk
    colsum_ref[...] = colsum_ref[...] + jnp.sum(probs, axis=0, keepdims=True)

    routes_ref[...] = routes.reshape(1, 1, RB)
    ranks_ref[...] = rank.astype(jnp.int32).reshape(1, 1, RB)
    pmax_ref[...] = pmax.reshape(1, 1, RB)

    @pl.when(i == NRB - 1)
    def _fin():
        counts = counts_ref[...]
        aux_ref[...] = ((E / N) * jnp.sum(counts * colsum_ref[...])
                        ).reshape(1, 1)
        padded = jnp.ceil(counts / TM) * TM
        ei = lax.broadcasted_iota(jnp.int32, (E, E), 0)
        ej = lax.broadcasted_iota(jnp.int32, (E, E), 1)
        triu = (ei <= ej).astype(jnp.bfloat16)
        ends = jnp.dot(padded.astype(jnp.bfloat16), triu,
                       preferred_element_type=jnp.float32)
        starts_ref[...] = (ends - padded).astype(jnp.int32)
        ends_last = jnp.max(ends, axis=1, keepdims=True)
        used = ends_last / TM
        ut_ref[...] = used.astype(jnp.int32)
        tgrid = lax.broadcasted_iota(jnp.int32, (NT, E), 0).astype(
            jnp.float32) * TM
        endsg = jnp.broadcast_to(ends, (NT, E))
        te_raw = jnp.sum((endsg <= tgrid).astype(jnp.float32), axis=1)
        te_last = jnp.minimum(
            jnp.sum((ends <= ends_last - TM).astype(jnp.float32)), E - 1.0)
        ti = lax.broadcasted_iota(jnp.int32, (NT,), 0).astype(jnp.float32)
        te = jnp.where(ti < used[0, 0], jnp.minimum(te_raw, E - 1.0), te_last)
        te_ref[...] = te.astype(jnp.int32).reshape(1, NT)


def _router(xf, Ws, bs):
    return pl.pallas_call(
        _router_body,
        grid=(NRB,),
        in_specs=[
            pl.BlockSpec((RB, D), lambda i: (i, 0)),
            pl.BlockSpec((D, E), lambda i: (0, 0)),
            pl.BlockSpec((1, E), lambda i: (0, 0)),
        ],
        out_specs=[
            pl.BlockSpec((1, 1, RB), lambda i: (i, 0, 0)),
            pl.BlockSpec((1, 1, RB), lambda i: (i, 0, 0)),
            pl.BlockSpec((1, 1, RB), lambda i: (i, 0, 0)),
            pl.BlockSpec((1, 1), lambda i: (0, 0)),
            pl.BlockSpec((1, E), lambda i: (0, 0)),
            pl.BlockSpec((1, NT), lambda i: (0, 0)),
            pl.BlockSpec((1, 1), lambda i: (0, 0)),
        ],
        out_shape=[
            jax.ShapeDtypeStruct((NRB, 1, RB), jnp.int32),
            jax.ShapeDtypeStruct((NRB, 1, RB), jnp.int32),
            jax.ShapeDtypeStruct((NRB, 1, RB), jnp.float32),
            jax.ShapeDtypeStruct((1, 1), jnp.float32),
            jax.ShapeDtypeStruct((1, E), jnp.int32),
            jax.ShapeDtypeStruct((1, NT), jnp.int32),
            jax.ShapeDtypeStruct((1, 1), jnp.int32),
        ],
        scratch_shapes=[
            pltpu.VMEM((RB, RB), jnp.bfloat16),
            pltpu.VMEM((1, E), jnp.float32),
            pltpu.VMEM((1, E), jnp.float32),
        ],
    )(xf, Ws, bs.reshape(1, E))



def _sc_mesh():
    return plsc.VectorSubcoreMesh(
        core_axis_name="c", subcore_axis_name="s",
        num_cores=SC_CORES, num_subcores=SC_SUBCORES)


_SC_PARAMS = pltpu.CompilerParams(needs_layout_passes=False)


def _sc_scatter_body(xf, routes, ranks, starts, xs, dest,
                     rows0, rows1, rr0, rr1, idx_v, starts_v,
                     sr0, sr1, sq0, sq1, sk0, sk1, sem):
    wid = lax.axis_index("s") * SC_CORES + lax.axis_index("c")
    wbase = wid * TPW
    rows = (rows0, rows1)
    rr = (rr0, rr1)
    srow = (sr0, sr1)
    srt = (sq0, sq1)
    srk = (sk0, sk1)
    pltpu.sync_copy(starts, starts_v)

    def start_in(c):
        b = c % 2
        base = wbase + c * CB
        return (
            pltpu.async_copy(xf.at[pl.ds(base, CB)], rows[b], srow[b]),
            pltpu.async_copy(routes.at[pl.ds(base, CB)], rr[b].at[0], srt[b]),
            pltpu.async_copy(ranks.at[pl.ds(base, CB)], rr[b].at[1], srk[b]),
        )

    h_in = start_in(0)
    for c in range(NCH):
        b = c % 2
        for h in h_in:
            h.wait()
        if c + 1 < NCH:
            h_in = start_in(c + 1)
        for k in range(CB // 16):
            r = rr[b][0, pl.ds(k * 16, 16)]
            s_r = plsc.load_gather(starts_v, [r])
            idx_v[c, pl.ds(k * 16, 16)] = s_r + rr[b][1, pl.ds(k * 16, 16)]
        pltpu.async_copy(rows[b], xs.at[idx_v.at[c]], sem).wait()
        pltpu.sync_copy(idx_v.at[c], dest.at[pl.ds(wbase + c * CB, CB)])


def _sc_scatter(xf, routes, ranks, starts):
    return pl.kernel(
        _sc_scatter_body,
        out_type=[
            jax.ShapeDtypeStruct((NPAD, D), jnp.float32),
            jax.ShapeDtypeStruct((N,), jnp.int32),
        ],
        mesh=_sc_mesh(),
        compiler_params=_SC_PARAMS,
        scratch_types=[
            pltpu.VMEM((CB, D), jnp.float32),
            pltpu.VMEM((CB, D), jnp.float32),
            pltpu.VMEM((2, CB), jnp.int32),
            pltpu.VMEM((2, CB), jnp.int32),
            pltpu.VMEM((NCH, CB), jnp.int32),
            pltpu.VMEM((E,), jnp.int32),
            pltpu.SemaphoreType.DMA,
            pltpu.SemaphoreType.DMA,
            pltpu.SemaphoreType.DMA,
            pltpu.SemaphoreType.DMA,
            pltpu.SemaphoreType.DMA,
            pltpu.SemaphoreType.DMA,
            pltpu.SemaphoreType.DMA,
        ],
    )(xf, routes, ranks, starts)


def _sc_gather_body(outp, dest, pmax, final,
                    rows_v, idx0, idx1, pm0, pm1,
                    si0, si1, sp0, sp1, sem):
    wid = lax.axis_index("s") * SC_CORES + lax.axis_index("c")
    wbase = wid * TPW
    idxb = (idx0, idx1)
    pmb = (pm0, pm1)
    sidx = (si0, si1)
    spm = (sp0, sp1)

    def start_idx(c):
        b = c % 2
        base = wbase + c * CB
        return (
            pltpu.async_copy(dest.at[pl.ds(base, CB)], idxb[b], sidx[b]),
            pltpu.async_copy(pmax.at[pl.ds(base, CB)], pmb[b], spm[b]),
        )

    h_in = start_idx(0)
    for c in range(NCH):
        b = c % 2
        for h in h_in:
            h.wait()
        if c + 1 < NCH:
            h_in = start_idx(c + 1)
        pltpu.async_copy(outp.at[idxb[b]], rows_v, sem).wait()

        def _scale(k, carry):
            pv = plsc.load_gather(pmb[b], [jnp.zeros((16,), jnp.int32) + k])
            for j in range(D // 16):
                rows_v[k, pl.ds(j * 16, 16)] = rows_v[k, pl.ds(j * 16, 16)] * pv
            return carry

        lax.fori_loop(0, CB, _scale, 0)
        pltpu.sync_copy(rows_v, final.at[pl.ds(wbase + c * CB, CB)])


def _sc_gather(outp, dest, pmax):
    return pl.kernel(
        _sc_gather_body,
        out_type=jax.ShapeDtypeStruct((N, D), jnp.float32),
        mesh=_sc_mesh(),
        compiler_params=_SC_PARAMS,
        scratch_types=[
            pltpu.VMEM((CB, D), jnp.float32),
            pltpu.VMEM((CB,), jnp.int32),
            pltpu.VMEM((CB,), jnp.int32),
            pltpu.VMEM((CB,), jnp.float32),
            pltpu.VMEM((CB,), jnp.float32),
            pltpu.SemaphoreType.DMA,
            pltpu.SemaphoreType.DMA,
            pltpu.SemaphoreType.DMA,
            pltpu.SemaphoreType.DMA,
            pltpu.SemaphoreType.DMA,
        ],
    )(outp, dest, pmax)



def _ffn_body(te_ref, ut_ref, x_ref, w1_ref, b1_ref, w2_ref, b2_ref, out_ref):
    i = pl.program_id(0)

    @pl.when(i < ut_ref[0])
    def _compute():
        x = x_ref[...]
        h = jnp.dot(x, w1_ref[0], preferred_element_type=jnp.float32)
        h = jnp.maximum(h + b1_ref[0], 0.0)
        o = jnp.dot(h, w2_ref[0], preferred_element_type=jnp.float32)
        out_ref[...] = o + b2_ref[0]


def _grouped_ffn(xs_padded, W1, b1, W2, b2, tile_expert, used_tiles):
    grid_spec = pltpu.PrefetchScalarGridSpec(
        num_scalar_prefetch=2,
        grid=(NT,),
        in_specs=[
            pl.BlockSpec((TM, D), lambda i, te, ut: (jnp.minimum(i, ut[0] - 1), 0)),
            pl.BlockSpec((1, D, F), lambda i, te, ut: (te[i], 0, 0)),
            pl.BlockSpec((1, 1, F), lambda i, te, ut: (te[i], 0, 0)),
            pl.BlockSpec((1, F, D), lambda i, te, ut: (te[i], 0, 0)),
            pl.BlockSpec((1, 1, D), lambda i, te, ut: (te[i], 0, 0)),
        ],
        out_specs=pl.BlockSpec(
            (TM, D), lambda i, te, ut: (jnp.minimum(i, ut[0] - 1), 0)),
    )
    return pl.pallas_call(
        _ffn_body,
        grid_spec=grid_spec,
        out_shape=jax.ShapeDtypeStruct((NPAD, D), jnp.float32),
    )(tile_expert, used_tiles, xs_padded, W1, b1.reshape(E, 1, F), W2,
      b2.reshape(E, 1, D))


def kernel(x, Ws, bs, W1, b1, W2, b2):
    bsz, seq, d_model = x.shape
    xf = x.reshape(-1, d_model)

    routes3, ranks3, pmax3, aux, starts2, te2, ut2 = _router(xf, Ws, bs)
    routes = routes3.reshape(N)
    ranks = ranks3.reshape(N)
    pmax = pmax3.reshape(N)
    starts = starts2.reshape(E)
    tile_expert = te2.reshape(NT)
    used_tiles = ut2.reshape(1)

    xs_padded, dest = _sc_scatter(xf, routes, ranks, starts)
    out_padded = _grouped_ffn(xs_padded, W1, b1, W2, b2, tile_expert, used_tiles)
    final = _sc_gather(out_padded, dest, pmax)

    return final.reshape(bsz, seq, d_model), aux[0, 0]

# --- scband reference (transcript-rebuilt; emitter-appended) ---
"""Pipeline reference for scband-switch-feed-forward-43035572305972 (READ-ONLY COPY).

The authoritative reference and input builder live on the scoring server;
editing this copy changes nothing except your own understanding.
"""

import jax, jax.numpy as jnp
import numpy as np

B, S, D, E, F = 4, 2048, 768, 64, 1024


def setup_inputs(seed: int = 0) -> dict:
    key = jax.random.key(seed)
    ks = jax.random.split(key, 8)
    x = jax.random.normal(ks[0], (B, S, D), dtype=jnp.float32)
    Ws = jax.random.normal(ks[1], (D, E), dtype=jnp.float32) * 0.02
    bs = jnp.zeros((E,), dtype=jnp.float32)
    W1 = jax.random.normal(ks[2], (E, D, F), dtype=jnp.float32) * 0.02
    b1 = jnp.zeros((E, F), dtype=jnp.float32)
    W2 = jax.random.normal(ks[3], (E, F, D), dtype=jnp.float32) * 0.02
    b2 = jnp.zeros((E, D), dtype=jnp.float32)
    return {"x": x, "Ws": Ws, "bs": bs, "W1": W1, "b1": b1, "W2": W2, "b2": b2}


def reference(x, Ws, bs, W1, b1, W2, b2):
    batch_size, seq_len, d_model = x.shape
    n_experts = Ws.shape[1]
    d_out = W2.shape[2]
    xf = x.reshape(-1, d_model)
    route_prob = jax.nn.softmax(xf @ Ws + bs, axis=-1)
    route_prob_max = jnp.max(route_prob, axis=-1)
    routes = jnp.argmax(route_prob, axis=-1)
    counts = jnp.bincount(routes, length=n_experts).astype(jnp.float32)
    final_output = jnp.zeros((xf.shape[0], d_out), dtype=x.dtype)
    # drop_tokens=False: every token goes to its argmax expert (SwitchTransformer top-1)
    def expert_body(i, acc):
        hi = jax.nn.relu(xf @ W1[i] + b1[i])
        oi = hi @ W2[i] + b2[i]
        return jnp.where((routes == i)[:, None], oi, acc)
    final_output = jax.lax.fori_loop(0, n_experts, expert_body, final_output)
    # is_scale_prob=True: scale output by the max routing probability
    final_output = final_output * route_prob_max[:, None]
    final_output = final_output.reshape(batch_size, seq_len, d_out)
    total = counts.sum()
    route_frac = counts / total
    aux_loss = n_experts * (route_frac * route_prob.sum(0)).sum()
    # output_routing_distribution=0 -> return (final_output, aux_loss)
    return (final_output, aux_loss)

if __name__ == "__main__":
    import jax
    _d = setup_inputs()
    print(jax.jit(kernel)(*tuple(_d.values())))

</pallas_src>

<mosaic_0001>
#map = affine_map<(d0, d1) -> (0, 0)>
#map1 = affine_map<(d0, d1) -> (0)>
module attributes {stable_mosaic.version = 14 : i64} {
  func.func @_sc_scatter_body(%arg0: i32, %arg1: i32, %arg2: memref<8192x768xf32, #tpu.memory_space<hbm>>, %arg3: memref<8192xi32, #tpu.memory_space<hbm>>, %arg4: memref<8192xi32, #tpu.memory_space<hbm>>, %arg5: memref<64xi32, #tpu.memory_space<hbm>>, %arg6: memref<24576x768xf32, #tpu.memory_space<hbm>>, %arg7: memref<8192xi32, #tpu.memory_space<hbm>>, %arg8: memref<64x768xf32, #tpu.memory_space<vmem>>, %arg9: memref<64x768xf32, #tpu.memory_space<vmem>>, %arg10: memref<2x64xi32, #tpu.memory_space<vmem>>, %arg11: memref<2x64xi32, #tpu.memory_space<vmem>>, %arg12: memref<4x64xi32, #tpu.memory_space<vmem>>, %arg13: memref<64xi32, #tpu.memory_space<vmem>>, %arg14: memref<!tpu.dma_semaphore, #tpu.memory_space<semaphore_mem>>, %arg15: memref<!tpu.dma_semaphore, #tpu.memory_space<semaphore_mem>>, %arg16: memref<!tpu.dma_semaphore, #tpu.memory_space<semaphore_mem>>, %arg17: memref<!tpu.dma_semaphore, #tpu.memory_space<semaphore_mem>>, %arg18: memref<!tpu.dma_semaphore, #tpu.memory_space<semaphore_mem>>, %arg19: memref<!tpu.dma_semaphore, #tpu.memory_space<semaphore_mem>>, %arg20: memref<!tpu.dma_semaphore, #tpu.memory_space<semaphore_mem>>) attributes {dimension_semantics = [#tpu.dimension_semantics<core_parallel>, #tpu.dimension_semantics<subcore_parallel>], iteration_bounds = array<i64: 2, 16>, scalar_prefetch = 0 : i64, scratch_operands = 13 : i64, tpu.core_type = #tpu.core_type<sc_vector_subcore>, window_params = [{transform_indices = #map}, {transform_indices = #map1}, {transform_indices = #map1}, {transform_indices = #map1}, {transform_indices = #map}, {transform_indices = #map1}]} {
    %mul3A = arith.constant 2 : i32
    %mul3A_0 = arith.muli %arg1, %mul3A : i32
    %add3A = arith.addi %mul3A_0, %arg0 : i32
    %mul3A_1 = arith.constant 256 : i32
    %mul3A_2 = arith.muli %add3A, %mul3A_1 : i32
    "tpu.region"() ({
      %run_scoped3A_473 = tpu.sem_alloc : memref<!tpu.dma_semaphore, #tpu.memory_space<semaphore_mem>>
      tpu.enqueue_dma source(%arg5 : memref<64xi32, #tpu.memory_space<hbm>>) target(%arg13 : memref<64xi32, #tpu.memory_space<vmem>>) target_semaphore(%run_scoped3A_473 : memref<!tpu.dma_semaphore, #tpu.memory_space<semaphore_mem>>)
      tpu.wait_dma2 semaphore(%run_scoped3A_473 : memref<!tpu.dma_semaphore, #tpu.memory_space<semaphore_mem>>) src(%arg5 : memref<64xi32, #tpu.memory_space<hbm>>) dst(%arg13 : memref<64xi32, #tpu.memory_space<vmem>>)
      tpu.yield
    }) : () -> ()
    %add3A_3 = arith.constant 0 : i32
    %add3A_4 = arith.addi %mul3A_2, %add3A_3 : i32
    %dma_start3A = arith.constant 0 : i32
    %dma_start3A_5 = tpu.memref_slice %arg2[%add3A_4, %dma_start3A] : memref<8192x768xf32, #tpu.memory_space<hbm>> -> memref<64x768xf32, #tpu.memory_space<hbm>>
    %dma_start3A_6 = arith.constant 0 : i32
    %dma_start3A_7 = tpu.memref_slice %arg2[%add3A_4, %dma_start3A_6] : memref<8192x768xf32, #tpu.memory_space<hbm>> -> memref<64x768xf32, #tpu.memory_space<hbm>>
    tpu.enqueue_dma source(%dma_start3A_7 : memref<64x768xf32, #tpu.memory_space<hbm>>) target(%arg8 : memref<64x768xf32, #tpu.memory_space<vmem>>) target_semaphore(%arg14 : memref<!tpu.dma_semaphore, #tpu.memory_space<semaphore_mem>>)
    %dma_start3A_8 = arith.constant 0 : i32
    %dma_start3A_9 = arith.constant 0 : i32
    %dma_start3A_10 = tpu.memref_slice %arg10[%dma_start3A_8, %dma_start3A_9] : memref<2x64xi32, #tpu.memory_space<vmem>> -> memref<1x64xi32, #tpu.memory_space<vmem>>
    %dma_start3A_11 = tpu.memref_squeeze %dma_start3A_10 : memref<1x64xi32, #tpu.memory_space<vmem>> -> memref<64xi32, #tpu.memory_space<vmem>>
    %dma_start3A_12 = tpu.memref_slice %arg3[%add3A_4] : memref<8192xi32, #tpu.memory_space<hbm>> -> memref<64xi32, #tpu.memory_space<hbm>>
    %dma_start3A_13 = arith.constant 0 : i32
    %dma_start3A_14 = tpu.memref_slice %arg10[%dma_start3A_8, %dma_start3A_13] : memref<2x64xi32, #tpu.memory_space<vmem>> -> memref<1x64xi32, #tpu.memory_space<vmem>>
    %dma_start3A_15 = tpu.memref_squeeze %dma_start3A_14 : memref<1x64xi32, #tpu.memory_space<vmem>> -> memref<64xi32, #tpu.memory_space<vmem>>
    %dma_start3A_16 = tpu.memref_slice %arg3[%add3A_4] : memref<8192xi32, #tpu.memory_space<hbm>> -> memref<64xi32, #tpu.memory_space<hbm>>
    tpu.enqueue_dma source(%dma_start3A_16 : memref<64xi32, #tpu.memory_space<hbm>>) target(%dma_start3A_15 : memref<64xi32, #tpu.memory_space<vmem>>) target_semaphore(%arg16 : memref<!tpu.dma_semaphore, #tpu.memory_space<semaphore_mem>>)
    %dma_start3A_17 = arith.constant 1 : i32
    %dma_start3A_18 = arith.constant 0 : i32
    %dma_start3A_19 = tpu.memref_slice %arg10[%dma_start3A_17, %dma_start3A_18] : memref<2x64xi32, #tpu.memory_space<vmem>> -> memref<1x64xi32, #tpu.memory_space<vmem>>
    %dma_start3A_20 = tpu.memref_squeeze %dma_start3A_19 : memref<1x64xi32, #tpu.memory_space<vmem>> -> memref<64xi32, #tpu.memory_space<vmem>>
    %dma_start3A_21 = tpu.memref_slice %arg4[%add3A_4] : memref<8192xi32, #tpu.memory_space<hbm>> -> memref<64xi32, #tpu.memory_space<hbm>>
    %dma_start3A_22 = arith.constant 0 : i32
    %dma_start3A_23 = tpu.memref_slice %arg10[%dma_start3A_17, %dma_start3A_22] : memref<2x64xi32, #tpu.memory_space<vmem>> -> memref<1x64xi32, #tpu.memory_space<vmem>>
    %dma_start3A_24 = tpu.memref_squeeze %dma_start3A_23 : memref<1x64xi32, #tpu.memory_space<vmem>> -> memref<64xi32, #tpu.memory_space<vmem>>
    %dma_start3A_25 = tpu.memref_slice %arg4[%add3A_4] : memref<8192xi32, #tpu.memory_space<hbm>> -> memref<64xi32, #tpu.memory_space<hbm>>
    tpu.enqueue_dma source(%dma_start3A_25 : memref<64xi32, #tpu.memory_space<hbm>>) target(%dma_start3A_24 : memref<64xi32, #tpu.memory_space<vmem>>) target_semaphore(%arg18 : memref<!tpu.dma_semaphore, #tpu.memory_space<semaphore_mem>>)
    %dma_wait3A = arith.constant 0 : i32
    %dma_wait3A_26 = tpu.memref_slice %arg2[%add3A_4, %dma_wait3A] : memref<8192x768xf32, #tpu.memory_space<hbm>> -> memref<64x768xf32, #tpu.memory_space<hbm>>
    %dma_wait3A_27 = arith.constant 0 : i32
    %dma_wait3A_28 = tpu.memref_slice %arg2[%add3A_4, %dma_wait3A_27] : memref<8192x768xf32, #tpu.memory_space<hbm>> -> memref<64x768xf32, #tpu.memory_space<hbm>>
    tpu.wait_dma2 semaphore(%arg14 : memref<!tpu.dma_semaphore, #tpu.memory_space<semaphore_mem>>) src(%dma_wait3A_28 : memref<64x768xf32, #tpu.memory_space<hbm>>) dst(%arg8 : memref<64x768xf32, #tpu.memory_space<vmem>>)
    %dma_wait3A_29 = arith.constant 0 : i32
    %dma_wait3A_30 = arith.constant 0 : i32
    %dma_wait3A_31 = tpu.memref_slice %arg10[%dma_wait3A_29, %dma_wait3A_30] : memref<2x64xi32, #tpu.memory_space<vmem>> -> memref<1x64xi32, #tpu.memory_space<vmem>>
    %dma_wait3A_32 = tpu.memref_squeeze %dma_wait3A_31 : memref<1x64xi32, #tpu.memory_space<vmem>> -> memref<64xi32, #tpu.memory_space<vmem>>
    %dma_wait3A_33 = tpu.memref_slice %arg3[%add3A_4] : memref<8192xi32, #tpu.memory_space<hbm>> -> memref<64xi32, #tpu.memory_space<hbm>>
    %dma_wait3A_34 = arith.constant 0 : i32
    %dma_wait3A_35 = tpu.memref_slice %arg10[%dma_wait3A_29, %dma_wait3A_34] : memref<2x64xi32, #tpu.memory_space<vmem>> -> memref<1x64xi32, #tpu.memory_space<vmem>>
    %dma_wait3A_36 = tpu.memref_squeeze %dma_wait3A_35 : memref<1x64xi32, #tpu.memory_space<vmem>> -> memref<64xi32, #tpu.memory_space<vmem>>
    %dma_wait3A_37 = tpu.memref_slice %arg3[%add3A_4] : memref<8192xi32, #tpu.memory_space<hbm>> -> memref<64xi32, #tpu.memory_space<hbm>>
    tpu.wait_dma2 semaphore(%arg16 : memref<!tpu.dma_semaphore, #tpu.memory_space<semaphore_mem>>) src(%dma_wait3A_37 : memref<64xi32, #tpu.memory_space<hbm>>) dst(%dma_wait3A_36 : memref<64xi32, #tpu.memory_space<vmem>>)
    %dma_wait3A_38 = arith.constant 1 : i32
    %dma_wait3A_39 = arith.constant 0 : i32
    %dma_wait3A_40 = tpu.memref_slice %arg10[%dma_wait3A_38, %dma_wait3A_39] : memref<2x64xi32, #tpu.memory_space<vmem>> -> memref<1x64xi32, #tpu.memory_space<vmem>>
    %dma_wait3A_41 = tpu.memref_squeeze %dma_wait3A_40 : memref<1x64xi32, #tpu.memory_space<vmem>> -> memref<64xi32, #tpu.memory_space<vmem>>
    %dma_wait3A_42 = tpu.memref_slice %arg4[%add3A_4] : memref<8192xi32, #tpu.memory_space<hbm>> -> memref<64xi32, #tpu.memory_space<hbm>>
    %dma_wait3A_43 = arith.constant 0 : i32
    %dma_wait3A_44 = tpu.memref_slice %arg10[%dma_wait3A_38, %dma_wait3A_43] : memref<2x64xi32, #tpu.memory_space<vmem>> -> memref<1x64xi32, #tpu.memory_space<vmem>>
    %dma_wait3A_45 = tpu.memref_squeeze %dma_wait3A_44 : memref<1x64xi32, #tpu.memory_space<vmem>> -> memref<64xi32, #tpu.memory_space<vmem>>
    %dma_wait3A_46 = tpu.memref_slice %arg4[%add3A_4] : memref<8192xi32, #tpu.memory_space<hbm>> -> memref<64xi32, #tpu.memory_space<hbm>>
    tpu.wait_dma2 semaphore(%arg18 : memref<!tpu.dma_semaphore, #tpu.memory_space<semaphore_mem>>) src(%dma_wait3A_46 : memref<64xi32, #tpu.memory_space<hbm>>) dst(%dma_wait3A_45 : memref<64xi32, #tpu.memory_space<vmem>>)
    %add3A_47 = arith.constant 64 : i32
    %add3A_48 = arith.addi %mul3A_2, %add3A_47 : i32
    %dma_start3A_49 = arith.constant 0 : i32
    %dma_start3A_50 = tpu.memref_slice %arg2[%add3A_48, %dma_start3A_49] : memref<8192x768xf32, #tpu.memory_space<hbm>> -> memref<64x768xf32, #tpu.memory_space<hbm>>
    %dma_start3A_51 = arith.constant 0 : i32
    %dma_start3A_52 = tpu.memref_slice %arg2[%add3A_48, %dma_start3A_51] : memref<8192x768xf32, #tpu.memory_space<hbm>> -> memref<64x768xf32, #tpu.memory_space<hbm>>
    tpu.enqueue_dma source(%dma_start3A_52 : memref<64x768xf32, #tpu.memory_space<hbm>>) target(%arg9 : memref<64x768xf32, #tpu.memory_space<vmem>>) target_semaphore(%arg15 : memref<!tpu.dma_semaphore, #tpu.memory_space<semaphore_mem>>)
    %dma_start3A_53 = arith.constant 0 : i32
    %dma_start3A_54 = arith.constant 0 : i32
    %dma_start3A_55 = tpu.memref_slice %arg11[%dma_start3A_53, %dma_start3A_54] : memref<2x64xi32, #tpu.memory_space<vmem>> -> memref<1x64xi32, #tpu.memory_space<vmem>>
    %dma_start3A_56 = tpu.memref_squeeze %dma_start3A_55 : memref<1x64xi32, #tpu.memory_space<vmem>> -> memref<64xi32, #tpu.memory_space<vmem>>
    %dma_start3A_57 = tpu.memref_slice %arg3[%add3A_48] : memref<8192xi32, #tpu.memory_space<hbm>> -> memref<64xi32, #tpu.memory_space<hbm>>
    %dma_start3A_58 = arith.constant 0 : i32
    %dma_start3A_59 = tpu.memref_slice %arg11[%dma_start3A_53, %dma_start3A_58] : memref<2x64xi32, #tpu.memory_space<vmem>> -> memref<1x64xi32, #tpu.memory_space<vmem>>
    %dma_start3A_60 = tpu.memref_squeeze %dma_start3A_59 : memref<1x64xi32, #tpu.memory_space<vmem>> -> memref<64xi32, #tpu.memory_space<vmem>>
    %dma_start3A_61 = tpu.memref_slice %arg3[%add3A_48] : memref<8192xi32, #tpu.memory_space<hbm>> -> memref<64xi32, #tpu.memory_space<hbm>>
    tpu.enqueue_dma source(%dma_start3A_61 : memref<64xi32, #tpu.memory_space<hbm>>) target(%dma_start3A_60 : memref<64xi32, #tpu.memory_space<vmem>>) target_semaphore(%arg17 : memref<!tpu.dma_semaphore, #tpu.memory_space<semaphore_mem>>)
    %dma_start3A_62 = arith.constant 1 : i32
    %dma_start3A_63 = arith.constant 0 : i32
    %dma_start3A_64 = tpu.memref_slice %arg11[%dma_start3A_62, %dma_start3A_63] : memref<2x64xi32, #tpu.memory_space<vmem>> -> memref<1x64xi32, #tpu.memory_space<vmem>>
    %dma_start3A_65 = tpu.memref_squeeze %dma_start3A_64 : memref<1x64xi32, #tpu.memory_space<vmem>> -> memref<64xi32, #tpu.memory_space<vmem>>
    %dma_start3A_66 = tpu.memref_slice %arg4[%add3A_48] : memref<8192xi32, #tpu.memory_space<hbm>> -> memref<64xi32, #tpu.memory_space<hbm>>
    %dma_start3A_67 = arith.constant 0 : i32
    %dma_start3A_68 = tpu.memref_slice %arg11[%dma_start3A_62, %dma_start3A_67] : memref<2x64xi32, #tpu.memory_space<vmem>> -> memref<1x64xi32, #tpu.memory_space<vmem>>
    %dma_start3A_69 = tpu.memref_squeeze %dma_start3A_68 : memref<1x64xi32, #tpu.memory_space<vmem>> -> memref<64xi32, #tpu.memory_space<vmem>>
    %dma_start3A_70 = tpu.memref_slice %arg4[%add3A_48] : memref<8192xi32, #tpu.memory_space<hbm>> -> memref<64xi32, #tpu.memory_space<hbm>>
    tpu.enqueue_dma source(%dma_start3A_70 : memref<64xi32, #tpu.memory_space<hbm>>) target(%dma_start3A_69 : memref<64xi32, #tpu.memory_space<vmem>>) target_semaphore(%arg19 : memref<!tpu.dma_semaphore, #tpu.memory_space<semaphore_mem>>)
    %get3A = arith.constant 0 : i32
    %get3A_71 = arith.index_cast %get3A : i32 to index
    %get3A_72 = arith.constant 0 : index
    %get3A_73 = tpu.vector_load %arg10[%get3A_71, %get3A_72] {strides = array<i32>} : memref<2x64xi32, #tpu.memory_space<vmem>>, vector<16xi32>,
    %gather3A = tpu.vector_load_idx %arg13[%get3A_73] : memref<64xi32, #tpu.memory_space<vmem>>[vector<16xi32>], vector<16xi32>,
    %get3A_74 = arith.constant 1 : i32
    %get3A_75 = arith.index_cast %get3A_74 : i32 to index
    %get3A_76 = arith.constant 0 : index
    %get3A_77 = tpu.vector_load %arg10[%get3A_75, %get3A_76] {strides = array<i32>} : memref<2x64xi32, #tpu.memory_space<vmem>>, vector<16xi32>,
    %add3A_78 = arith.addi %gather3A, %get3A_77 : vector<16xi32>
    %swap3A = arith.constant 0 : i32
    %swap3A_79 = arith.index_cast %swap3A : i32 to index
    %swap3A_80 = arith.constant 0 : index
    %swap3A_81 = tpu.vector_load %arg12[%swap3A_79, %swap3A_80] {strides = array<i32>} : memref<4x64xi32, #tpu.memory_space<vmem>>, vector<16xi32>,
    tpu.vector_store %arg12[%swap3A_79, %swap3A_80], %add3A_78 {strides = array<i32>} : memref<4x64xi32, #tpu.memory_space<vmem>>, vector<16xi32>,
    %get3A_82 = arith.constant 0 : i32
    %get3A_83 = arith.index_cast %get3A_82 : i32 to index
    %get3A_84 = arith.constant 16 : index
    %get3A_85 = tpu.vector_load %arg10[%get3A_83, %get3A_84] {strides = array<i32>} : memref<2x64xi32, #tpu.memory_space<vmem>>, vector<16xi32>,
    %gather3A_86 = tpu.vector_load_idx %arg13[%get3A_85] : memref<64xi32, #tpu.memory_space<vmem>>[vector<16xi32>], vector<16xi32>,
    %get3A_87 = arith.constant 1 : i32
    %get3A_88 = arith.index_cast %get3A_87 : i32 to index
    %get3A_89 = arith.constant 16 : index
    %get3A_90 = tpu.vector_load %arg10[%get3A_88, %get3A_89] {strides = array<i32>} : memref<2x64xi32, #tpu.memory_space<vmem>>, vector<16xi32>,
    %add3A_91 = arith.addi %gather3A_86, %get3A_90 : vector<16xi32>
    %swap3A_92 = arith.constant 0 : i32
    %swap3A_93 = arith.index_cast %swap3A_92 : i32 to index
    %swap3A_94 = arith.constant 16 : index
    %swap3A_95 = tpu.vector_load %arg12[%swap3A_93, %swap3A_94] {strides = array<i32>} : memref<4x64xi32, #tpu.memory_space<vmem>>, vector<16xi32>,
    tpu.vector_store %arg12[%swap3A_93, %swap3A_94], %add3A_91 {strides = array<i32>} : memref<4x64xi32, #tpu.memory_space<vmem>>, vector<16xi32>,
    %get3A_96 = arith.constant 0 : i32
    %get3A_97 = arith.index_cast %get3A_96 : i32 to index
    %get3A_98 = arith.constant 32 : index
    %get3A_99 = tpu.vector_load %arg10[%get3A_97, %get3A_98] {strides = array<i32>} : memref<2x64xi32, #tpu.memory_space<vmem>>, vector<16xi32>,
    %gather3A_100 = tpu.vector_load_idx %arg13[%get3A_99] : memref<64xi32, #tpu.memory_space<vmem>>[vector<16xi32>], vector<16xi32>,
    %get3A_101 = arith.constant 1 : i32
    %get3A_102 = arith.index_cast %get3A_101 : i32 to index
    %get3A_103 = arith.constant 32 : index
    %get3A_104 = tpu.vector_load %arg10[%get3A_102, %get3A_103] {strides = array<i32>} : memref<2x64xi32, #tpu.memory_space<vmem>>, vector<16xi32>,
    %add3A_105 = arith.addi %gather3A_100, %get3A_104 : vector<16xi32>
    %swap3A_106 = arith.constant 0 : i32
    %swap3A_107 = arith.index_cast %swap3A_106 : i32 to index
    %swap3A_108 = arith.constant 32 : index
    %swap3A_109 = tpu.vector_load %arg12[%swap3A_107, %swap3A_108] {strides = array<i32>} : memref<4x64xi32, #tpu.memory_space<vmem>>, vector<16xi32>,
    tpu.vector_store %arg12[%swap3A_107, %swap3A_108], %add3A_105 {strides = array<i32>} : memref<4x64xi32, #tpu.memory_space<vmem>>, vector<16xi32>,
    %get3A_110 = arith.constant 0 : i32
    %get3A_111 = arith.index_cast %get3A_110 : i32 to index
    %get3A_112 = arith.constant 48 : index
    %get3A_113 = tpu.vector_load %arg10[%get3A_111, %get3A_112] {strides = array<i32>} : memref<2x64xi32, #tpu.memory_space<vmem>>, vector<16xi32>,
    %gather3A_114 = tpu.vector_load_idx %arg13[%get3A_113] : memref<64xi32, #tpu.memory_space<vmem>>[vector<16xi32>], vector<16xi32>,
    %get3A_115 = arith.constant 1 : i32
    %get3A_116 = arith.index_cast %get3A_115 : i32 to index
    %get3A_117 = arith.constant 48 : index
    %get3A_118 = tpu.vector_load %arg10[%get3A_116, %get3A_117] {strides = array<i32>} : memref<2x64xi32, #tpu.memory_space<vmem>>, vector<16xi32>,
    %add3A_119 = arith.addi %gather3A_114, %get3A_118 : vector<16xi32>
    %swap3A_120 = arith.constant 0 : i32
    %swap3A_121 = arith.index_cast %swap3A_120 : i32 to index
    %swap3A_122 = arith.constant 48 : index
    %swap3A_123 = tpu.vector_load %arg12[%swap3A_121, %swap3A_122] {strides = array<i32>} : memref<4x64xi32, #tpu.memory_space<vmem>>, vector<16xi32>,
    tpu.vector_store %arg12[%swap3A_121, %swap3A_122], %add3A_119 {strides = array<i32>} : memref<4x64xi32, #tpu.memory_space<vmem>>, vector<16xi32>,
    %dma_start3A_124 = arith.constant 0 : i32
    %dma_start3A_125 = arith.constant 0 : i32
    %dma_start3A_126 = tpu.memref_slice %arg12[%dma_start3A_124, %dma_start3A_125] : memref<4x64xi32, #tpu.memory_space<vmem>> -> memref<1x64xi32, #tpu.memory_space<vmem>>
    %dma_start3A_127 = tpu.memref_squeeze %dma_start3A_126 : memref<1x64xi32, #tpu.memory_space<vmem>> -> memref<64xi32, #tpu.memory_space<vmem>>
    %dma_start3A_128 = arith.constant 0 : i32
    %dma_start3A_129 = arith.constant 0 : i32
    %dma_start3A_130 = tpu.memref_slice %arg6[%dma_start3A_128, %dma_start3A_129] : memref<24576x768xf32, #tpu.memory_space<hbm>> -> memref<24576x768xf32, #tpu.memory_space<hbm>>
    tpu.enqueue_indirect_dma source(%arg8 : memref<64x768xf32, #tpu.memory_space<vmem>>) target(%dma_start3A_130 : memref<24576x768xf32, #tpu.memory_space<hbm>>) offsets(%dma_start3A_127 : memref<64xi32, #tpu.memory_space<vmem>>) semaphore(%arg20 : memref<!tpu.dma_semaphore, #tpu.memory_space<semaphore_mem>>)
    %dma_wait3A_131 = arith.constant 0 : i32
    %dma_wait3A_132 = arith.constant 0 : i32
    %dma_wait3A_133 = tpu.memref_slice %arg12[%dma_wait3A_131, %dma_wait3A_132] : memref<4x64xi32, #tpu.memory_space<vmem>> -> memref<1x64xi32, #tpu.memory_space<vmem>>
    %dma_wait3A_134 = tpu.memref_squeeze %dma_wait3A_133 : memref<1x64xi32, #tpu.memory_space<vmem>> -> memref<64xi32, #tpu.memory_space<vmem>>
    %dma_wait3A_135 = arith.constant 0 : i32
    %dma_wait3A_136 = arith.constant 0 : i32
    %dma_wait3A_137 = tpu.memref_slice %arg6[%dma_wait3A_135, %dma_wait3A_136] : memref<24576x768xf32, #tpu.memory_space<hbm>> -> memref<24576x768xf32, #tpu.memory_space<hbm>>
    tpu.wait_indirect_dma semaphore(%arg20 : memref<!tpu.dma_semaphore, #tpu.memory_space<semaphore_mem>>) src(%arg8 : memref<64x768xf32, #tpu.memory_space<vmem>>) dst(%dma_wait3A_137 : memref<24576x768xf32, #tpu.memory_space<hbm>>)
    %add3A_138 = arith.constant 0 : i32
    %add3A_139 = arith.addi %mul3A_2, %add3A_138 : i32
    %run_scoped3A = arith.constant 0 : i32
    "tpu.region"() ({
      %run_scoped3A_473 = tpu.sem_alloc : memref<!tpu.dma_semaphore, #tpu.memory_space<semaphore_mem>>
      %dma_start3A_474 = arith.constant 0 : i32
      %dma_start3A_475 = tpu.memref_slice %arg12[%run_scoped3A, %dma_start3A_474] : memref<4x64xi32, #tpu.memory_space<vmem>> -> memref<1x64xi32, #tpu.memory_space<vmem>>
      %dma_start3A_476 = tpu.memref_squeeze %dma_start3A_475 : memref<1x64xi32, #tpu.memory_space<vmem>> -> memref<64xi32, #tpu.memory_space<vmem>>
      %dma_start3A_477 = tpu.memref_slice %arg7[%add3A_139] : memref<8192xi32, #tpu.memory_space<hbm>> -> memref<64xi32, #tpu.memory_space<hbm>>
      %dma_start3A_478 = tpu.memref_slice %arg7[%add3A_139] : memref<8192xi32, #tpu.memory_space<hbm>> -> memref<64xi32, #tpu.memory_space<hbm>>
      %dma_start3A_479 = arith.constant 0 : i32
      %dma_start3A_480 = tpu.memref_slice %arg12[%run_scoped3A, %dma_start3A_479] : memref<4x64xi32, #tpu.memory_space<vmem>> -> memref<1x64xi32, #tpu.memory_space<vmem>>
      %dma_start3A_481 = tpu.memref_squeeze %dma_start3A_480 : memref<1x64xi32, #tpu.memory_space<vmem>> -> memref<64xi32, #tpu.memory_space<vmem>>
      tpu.enqueue_dma source(%dma_start3A_481 : memref<64xi32, #tpu.memory_space<vmem>>) target(%dma_start3A_478 : memref<64xi32, #tpu.memory_space<hbm>>) target_semaphore(%run_scoped3A_473 : memref<!tpu.dma_semaphore, #tpu.memory_space<semaphore_mem>>)
      %dma_wait3A_482 = arith.constant 0 : i32
      %dma_wait3A_483 = tpu.memref_slice %arg12[%run_scoped3A, %dma_wait3A_482] : memref<4x64xi32, #tpu.memory_space<vmem>> -> memref<1x64xi32, #tpu.memory_space<vmem>>
      %dma_wait3A_484 = tpu.memref_squeeze %dma_wait3A_483 : memref<1x64xi32, #tpu.memory_space<vmem>> -> memref<64xi32, #tpu.memory_space<vmem>>
      %dma_wait3A_485 = tpu.memref_slice %arg7[%add3A_139] : memref<8192xi32, #tpu.memory_space<hbm>> -> memref<64xi32, #tpu.memory_space<hbm>>
      %dma_wait3A_486 = tpu.memref_slice %arg7[%add3A_139] : memref<8192xi32, #tpu.memory_space<hbm>> -> memref<64xi32, #tpu.memory_space<hbm>>
      %dma_wait3A_487 = arith.constant 0 : i32
      %dma_wait3A_488 = tpu.memref_slice %arg12[%run_scoped3A, %dma_wait3A_487] : memref<4x64xi32, #tpu.memory_space<vmem>> -> memref<1x64xi32, #tpu.memory_space<vmem>>
      %dma_wait3A_489 = tpu.memref_squeeze %dma_wait3A_488 : memref<1x64xi32, #tpu.memory_space<vmem>> -> memref<64xi32, #tpu.memory_space<vmem>>
      tpu.wait_dma2 semaphore(%run_scoped3A_473 : memref<!tpu.dma_semaphore, #tpu.memory_space<semaphore_mem>>) src(%dma_wait3A_489 : memref<64xi32, #tpu.memory_space<vmem>>) dst(%dma_wait3A_486 : memref<64xi32, #tpu.memory_space<hbm>>)
      tpu.yield
    }) : () -> ()
    %dma_wait3A_140 = arith.constant 0 : i32
    %dma_wait3A_141 = tpu.memref_slice %arg2[%add3A_48, %dma_wait3A_140] : memref<8192x768xf32, #tpu.memory_space<hbm>> -> memref<64x768xf32, #tpu.memory_space<hbm>>
    %dma_wait3A_142 = arith.constant 0 : i32
    %dma_wait3A_143 = tpu.memref_slice %arg2[%add3A_48, %dma_wait3A_142] : memref<8192x768xf32, #tpu.memory_space<hbm>> -> memref<64x768xf32, #tpu.memory_space<hbm>>
    tpu.wait_dma2 semaphore(%arg15 : memref<!tpu.dma_semaphore, #tpu.memory_space<semaphore_mem>>) src(%dma_wait3A_143 : memref<64x768xf32, #tpu.memory_space<hbm>>) dst(%arg9 : memref<64x768xf32, #tpu.memory_space<vmem>>)
    %dma_wait3A_144 = arith.constant 0 : i32
    %dma_wait3A_145 = arith.constant 0 : i32
    %dma_wait3A_146 = tpu.memref_slice %arg11[%dma_wait3A_144, %dma_wait3A_145] : memref<2x64xi32, #tpu.memory_space<vmem>> -> memref<1x64xi32, #tpu.memory_space<vmem>>
    %dma_wait3A_147 = tpu.memref_squeeze %dma_wait3A_146 : memref<1x64xi32, #tpu.memory_space<vmem>> -> memref<64xi32, #tpu.memory_space<vmem>>
    %dma_wait3A_148 = tpu.memref_slice %arg3[%add3A_48] : memref<8192xi32, #tpu.memory_space<hbm>> -> memref<64xi32, #tpu.memory_space<hbm>>
    %dma_wait3A_149 = arith.constant 0 : i32
    %dma_wait3A_150 = tpu.memref_slice %arg11[%dma_wait3A_144, %dma_wait3A_149] : memref<2x64xi32, #tpu.memory_space<vmem>> -> memref<1x64xi32, #tpu.memory_space<vmem>>
    %dma_wait3A_151 = tpu.memref_squeeze %dma_wait3A_150 : memref<1x64xi32, #tpu.memory_space<vmem>> -> memref<64xi32, #tpu.memory_space<vmem>>
    %dma_wait3A_152 = tpu.memref_slice %arg3[%add3A_48] : memref<8192xi32, #tpu.memory_space<hbm>> -> memref<64xi32, #tpu.memory_space<hbm>>
    tpu.wait_dma2 semaphore(%arg17 : memref<!tpu.dma_semaphore, #tpu.memory_space<semaphore_mem>>) src(%dma_wait3A_152 : memref<64xi32, #tpu.memory_space<hbm>>) dst(%dma_wait3A_151 : memref<64xi32, #tpu.memory_space<vmem>>)
    %dma_wait3A_153 = arith.constant 1 : i32
    %dma_wait3A_154 = arith.constant 0 : i32
    %dma_wait3A_155 = tpu.memref_slice %arg11[%dma_wait3A_153, %dma_wait3A_154] : memref<2x64xi32, #tpu.memory_space<vmem>> -> memref<1x64xi32, #tpu.memory_space<vmem>>
    %dma_wait3A_156 = tpu.memref_squeeze %dma_wait3A_155 : memref<1x64xi32, #tpu.memory_space<vmem>> -> memref<64xi32, #tpu.memory_space<vmem>>
    %dma_wait3A_157 = tpu.memref_slice %arg4[%add3A_48] : memref<8192xi32, #tpu.memory_space<hbm>> -> memref<64xi32, #tpu.memory_space<hbm>>
    %dma_wait3A_158 = arith.constant 0 : i32
    %dma_wait3A_159 = tpu.memref_slice %arg11[%dma_wait3A_153, %dma_wait3A_158] : memref<2x64xi32, #tpu.memory_space<vmem>> -> memref<1x64xi32, #tpu.memory_space<vmem>>
    %dma_wait3A_160 = tpu.memref_squeeze %dma_wait3A_159 : memref<1x64xi32, #tpu.memory_space<vmem>> -> memref<64xi32, #tpu.memory_space<vmem>>
    %dma_wait3A_161 = tpu.memref_slice %arg4[%add3A_48] : memref<8192xi32, #tpu.memory_space<hbm>> -> memref<64xi32, #tpu.memory_space<hbm>>
    tpu.wait_dma2 semaphore(%arg19 : memref<!tpu.dma_semaphore, #tpu.memory_space<semaphore_mem>>) src(%dma_wait3A_161 : memref<64xi32, #tpu.memory_space<hbm>>) dst(%dma_wait3A_160 : memref<64xi32, #tpu.memory_space<vmem>>)
    %add3A_162 = arith.constant 128 : i32
    %add3A_163 = arith.addi %mul3A_2, %add3A_162 : i32
    %dma_start3A_164 = arith.constant 0 : i32
    %dma_start3A_165 = tpu.memref_slice %arg2[%add3A_163, %dma_start3A_164] : memref<8192x768xf32, #tpu.memory_space<hbm>> -> memref<64x768xf32, #tpu.memory_space<hbm>>
    %dma_start3A_166 = arith.constant 0 : i32
    %dma_start3A_167 = tpu.memref_slice %arg2[%add3A_163, %dma_start3A_166] : memref<8192x768xf32, #tpu.memory_space<hbm>> -> memref<64x768xf32, #tpu.memory_space<hbm>>
    tpu.enqueue_dma source(%dma_start3A_167 : memref<64x768xf32, #tpu.memory_space<hbm>>) target(%arg8 : memref<64x768xf32, #tpu.memory_space<vmem>>) target_semaphore(%arg14 : memref<!tpu.dma_semaphore, #tpu.memory_space<semaphore_mem>>)
    %dma_start3A_168 = arith.constant 0 : i32
    %dma_start3A_169 = arith.constant 0 : i32
    %dma_start3A_170 = tpu.memref_slice %arg10[%dma_start3A_168, %dma_start3A_169] : memref<2x64xi32, #tpu.memory_space<vmem>> -> memref<1x64xi32, #tpu.memory_space<vmem>>
    %dma_start3A_171 = tpu.memref_squeeze %dma_start3A_170 : memref<1x64xi32, #tpu.memory_space<vmem>> -> memref<64xi32, #tpu.memory_space<vmem>>
    %dma_start3A_172 = tpu.memref_slice %arg3[%add3A_163] : memref<8192xi32, #tpu.memory_space<hbm>> -> memref<64xi32, #tpu.memory_space<hbm>>
    %dma_start3A_173 = arith.constant 0 : i32
    %dma_start3A_174 = tpu.memref_slice %arg10[%dma_start3A_168, %dma_start3A_173] : memref<2x64xi32, #tpu.memory_space<vmem>> -> memref<1x64xi32, #tpu.memory_space<vmem>>
    %dma_start3A_175 = tpu.memref_squeeze %dma_start3A_174 : memref<1x64xi32, #tpu.memory_space<vmem>> -> memref<64xi32, #tpu.memory_space<vmem>>
    %dma_start3A_176 = tpu.memref_slice %arg3[%add3A_163] : memref<8192xi32, #tpu.memory_space<hbm>> -> memref<64xi32, #tpu.memory_space<hbm>>
    tpu.enqueue_dma source(%dma_start3A_176 : memref<64xi32, #tpu.memory_space<hbm>>) target(%dma_start3A_175 : memref<64xi32, #tpu.memory_space<vmem>>) target_semaphore(%arg16 : memref<!tpu.dma_semaphore, #tpu.memory_space<semaphore_mem>>)
    %dma_start3A_177 = arith.constant 1 : i32
    %dma_start3A_178 = arith.constant 0 : i32
    %dma_start3A_179 = tpu.memref_slice %arg10[%dma_start3A_177, %dma_start3A_178] : memref<2x64xi32, #tpu.memory_space<vmem>> -> memref<1x64xi32, #tpu.memory_space<vmem>>
    %dma_start3A_180 = tpu.memref_squeeze %dma_start3A_179 : memref<1x64xi32, #tpu.memory_space<vmem>> -> memref<64xi32, #tpu.memory_space<vmem>>
    %dma_start3A_181 = tpu.memref_slice %arg4[%add3A_163] : memref<8192xi32, #tpu.memory_space<hbm>> -> memref<64xi32, #tpu.memory_space<hbm>>
    %dma_start3A_182 = arith.constant 0 : i32
    %dma_start3A_183 = tpu.memref_slice %arg10[%dma_start3A_177, %dma_start3A_182] : memref<2x64xi32, #tpu.memory_space<vmem>> -> memref<1x64xi32, #tpu.memory_space<vmem>>
    %dma_start3A_184 = tpu.memref_squeeze %dma_start3A_183 : memref<1x64xi32, #tpu.memory_space<vmem>> -> memref<64xi32, #tpu.memory_space<vmem>>
    %dma_start3A_185 = tpu.memref_slice %arg4[%add3A_163] : memref<8192xi32, #tpu.memory_space<hbm>> -> memref<64xi32, #tpu.memory_space<hbm>>
    tpu.enqueue_dma source(%dma_start3A_185 : memref<64xi32, #tpu.memory_space<hbm>>) target(%dma_start3A_184 : memref<64xi32, #tpu.memory_space<vmem>>) target_semaphore(%arg18 : memref<!tpu.dma_semaphore, #tpu.memory_space<semaphore_mem>>)
    %get3A_186 = arith.constant 0 : i32
    %get3A_187 = arith.index_cast %get3A_186 : i32 to index
    %get3A_188 = arith.constant 0 : index
    %get3A_189 = tpu.vector_load %arg11[%get3A_187, %get3A_188] {strides = array<i32>} : memref<2x64xi32, #tpu.memory_space<vmem>>, vector<16xi32>,
    %gather3A_190 = tpu.vector_load_idx %arg13[%get3A_189] : memref<64xi32, #tpu.memory_space<vmem>>[vector<16xi32>], vector<16xi32>,
    %get3A_191 = arith.constant 1 : i32
    %get3A_192 = arith.index_cast %get3A_191 : i32 to index
    %get3A_193 = arith.constant 0 : index
    %get3A_194 = tpu.vector_load %arg11[%get3A_192, %get3A_193] {strides = array<i32>} : memref<2x64xi32, #tpu.memory_space<vmem>>, vector<16xi32>,
    %add3A_195 = arith.addi %gather3A_190, %get3A_194 : vector<16xi32>
    %swap3A_196 = arith.constant 1 : i32
    %swap3A_197 = arith.index_cast %swap3A_196 : i32 to index
    %swap3A_198 = arith.constant 0 : index
    %swap3A_199 = tpu.vector_load %arg12[%swap3A_197, %swap3A_198] {strides = array<i32>} : memref<4x64xi32, #tpu.memory_space<vmem>>, vector<16xi32>,
    tpu.vector_store %arg12[%swap3A_197, %swap3A_198], %add3A_195 {strides = array<i32>} : memref<4x64xi32, #tpu.memory_space<vmem>>, vector<16xi32>,
    %get3A_200 = arith.constant 0 : i32
    %get3A_201 = arith.index_cast %get3A_200 : i32 to index
    %get3A_202 = arith.constant 16 : index
    %get3A_203 = tpu.vector_load %arg11[%get3A_201, %get3A_202] {strides = array<i32>} : memref<2x64xi32, #tpu.memory_space<vmem>>, vector<16xi32>,
    %gather3A_204 = tpu.vector_load_idx %arg13[%get3A_203] : memref<64xi32, #tpu.memory_space<vmem>>[vector<16xi32>], vector<16xi32>,
    %get3A_205 = arith.constant 1 : i32
    %get3A_206 = arith.index_cast %get3A_205 : i32 to index
    %get3A_207 = arith.constant 16 : index
    %get3A_208 = tpu.vector_load %arg11[%get3A_206, %get3A_207] {strides = array<i32>} : memref<2x64xi32, #tpu.memory_space<vmem>>, vector<16xi32>,
    %add3A_209 = arith.addi %gather3A_204, %get3A_208 : vector<16xi32>
    %swap3A_210 = arith.constant 1 : i32
    %swap3A_211 = arith.index_cast %swap3A_210 : i32 to index
    %swap3A_212 = arith.constant 16 : index
    %swap3A_213 = tpu.vector_load %arg12[%swap3A_211, %swap3A_212] {strides = array<i32>} : memref<4x64xi32, #tpu.memory_space<vmem>>, vector<16xi32>,
    tpu.vector_store %arg12[%swap3A_211, %swap3A_212], %add3A_209 {strides = array<i32>} : memref<4x64xi32, #tpu.memory_space<vmem>>, vector<16xi32>,
    %get3A_214 = arith.constant 0 : i32
    %get3A_215 = arith.index_cast %get3A_214 : i32 to index
    %get3A_216 = arith.constant 32 : index
    %get3A_217 = tpu.vector_load %arg11[%get3A_215, %get3A_216] {strides = array<i32>} : memref<2x64xi32, #tpu.memory_space<vmem>>, vector<16xi32>,
    %gather3A_218 = tpu.vector_load_idx %arg13[%get3A_217] : memref<64xi32, #tpu.memory_space<vmem>>[vector<16xi32>], vector<16xi32>,
    %get3A_219 = arith.constant 1 : i32
    %get3A_220 = arith.index_cast %get3A_219 : i32 to index
    %get3A_221 = arith.constant 32 : index
    %get3A_222 = tpu.vector_load %arg11[%get3A_220, %get3A_221] {strides = array<i32>} : memref<2x64xi32, #tpu.memory_space<vmem>>, vector<16xi32>,
    %add3A_223 = arith.addi %gather3A_218, %get3A_222 : vector<16xi32>
    %swap3A_224 = arith.constant 1 : i32
    %swap3A_225 = arith.index_cast %swap3A_224 : i32 to index
    %swap3A_226 = arith.constant 32 : index
    %swap3A_227 = tpu.vector_load %arg12[%swap3A_225, %swap3A_226] {strides = array<i32>} : memref<4x64xi32, #tpu.memory_space<vmem>>, vector<16xi32>,
    tpu.vector_store %arg12[%swap3A_225, %swap3A_226], %add3A_223 {strides = array<i32>} : memref<4x64xi32, #tpu.memory_space<vmem>>, vector<16xi32>,
    %get3A_228 = arith.constant 0 : i32
    %get3A_229 = arith.index_cast %get3A_228 : i32 to index
    %get3A_230 = arith.constant 48 : index
    %get3A_231 = tpu.vector_load %arg11[%get3A_229, %get3A_230] {strides = array<i32>} : memref<2x64xi32, #tpu.memory_space<vmem>>, vector<16xi32>,
    %gather3A_232 = tpu.vector_load_idx %arg13[%get3A_231] : memref<64xi32, #tpu.memory_space<vmem>>[vector<16xi32>], vector<16xi32>,
    %get3A_233 = arith.constant 1 : i32
    %get3A_234 = arith.index_cast %get3A_233 : i32 to index
    %get3A_235 = arith.constant 48 : index
    %get3A_236 = tpu.vector_load %arg11[%get3A_234, %get3A_235] {strides = array<i32>} : memref<2x64xi32, #tpu.memory_space<vmem>>, vector<16xi32>,
    %add3A_237 = arith.addi %gather3A_232, %get3A_236 : vector<16xi32>
    %swap3A_238 = arith.constant 1 : i32
    %swap3A_239 = arith.index_cast %swap3A_238 : i32 to index
    %swap3A_240 = arith.constant 48 : index
    %swap3A_241 = tpu.vector_load %arg12[%swap3A_239, %swap3A_240] {strides = array<i32>} : memref<4x64xi32, #tpu.memory_space<vmem>>, vector<16xi32>,
    tpu.vector_store %arg12[%swap3A_239, %swap3A_240], %add3A_237 {strides = array<i32>} : memref<4x64xi32, #tpu.memory_space<vmem>>, vector<16xi32>,
    %dma_start3A_242 = arith.constant 1 : i32
    %dma_start3A_243 = arith.constant 0 : i32
    %dma_start3A_244 = tpu.memref_slice %arg12[%dma_start3A_242, %dma_start3A_243] : memref<4x64xi32, #tpu.memory_space<vmem>> -> memref<1x64xi32, #tpu.memory_space<vmem>>
    %dma_start3A_245 = tpu.memref_squeeze %dma_start3A_244 : memref<1x64xi32, #tpu.memory_space<vmem>> -> memref<64xi32, #tpu.memory_space<vmem>>
    %dma_start3A_246 = arith.constant 0 : i32
    %dma_start3A_247 = arith.constant 0 : i32
    %dma_start3A_248 = tpu.memref_slice %arg6[%dma_start3A_246, %dma_start3A_247] : memref<24576x768xf32, #tpu.memory_space<hbm>> -> memref<24576x768xf32, #tpu.memory_space<hbm>>
    tpu.enqueue_indirect_dma source(%arg9 : memref<64x768xf32, #tpu.memory_space<vmem>>) target(%dma_start3A_248 : memref<24576x768xf32, #tpu.memory_space<hbm>>) offsets(%dma_start3A_245 : memref<64xi32, #tpu.memory_space<vmem>>) semaphore(%arg20 : memref<!tpu.dma_semaphore, #tpu.memory_space<semaphore_mem>>)
    %dma_wait3A_249 = arith.constant 1 : i32
    %dma_wait3A_250 = arith.constant 0 : i32
    %dma_wait3A_251 = tpu.memref_slice %arg12[%dma_wait3A_249, %dma_wait3A_250] : memref<4x64xi32, #tpu.memory_space<vmem>> -> memref<1x64xi32, #tpu.memory_space<vmem>>
    %dma_wait3A_252 = tpu.memref_squeeze %dma_wait3A_251 : memref<1x64xi32, #tpu.memory_space<vmem>> -> memref<64xi32, #tpu.memory_space<vmem>>
    %dma_wait3A_253 = arith.constant 0 : i32
    %dma_wait3A_254 = arith.constant 0 : i32
    %dma_wait3A_255 = tpu.memref_slice %arg6[%dma_wait3A_253, %dma_wait3A_254] : memref<24576x768xf32, #tpu.memory_space<hbm>> -> memref<24576x768xf32, #tpu.memory_space<hbm>>
    tpu.wait_indirect_dma semaphore(%arg20 : memref<!tpu.dma_semaphore, #tpu.memory_space<semaphore_mem>>) src(%arg9 : memref<64x768xf32, #tpu.memory_space<vmem>>) dst(%dma_wait3A_255 : memref<24576x768xf32, #tpu.memory_space<hbm>>)
    %add3A_256 = arith.constant 64 : i32
    %add3A_257 = arith.addi %mul3A_2, %add3A_256 : i32
    %run_scoped3A_258 = arith.constant 1 : i32
    "tpu.region"() ({
      %run_scoped3A_473 = tpu.sem_alloc : memref<!tpu.dma_semaphore, #tpu.memory_space<semaphore_mem>>
      %dma_start3A_474 = arith.constant 0 : i32
      %dma_start3A_475 = tpu.memref_slice %arg12[%run_scoped3A_258, %dma_start3A_474] : memref<4x64xi32, #tpu.memory_space<vmem>> -> memref<1x64xi32, #tpu.memory_space<vmem>>
      %dma_start3A_476 = tpu.memref_squeeze %dma_start3A_475 : memref<1x64xi32, #tpu.memory_space<vmem>> -> memref<64xi32, #tpu.memory_space<vmem>>
      %dma_start3A_477 = tpu.memref_slice %arg7[%add3A_257] : memref<8192xi32, #tpu.memory_space<hbm>> -> memref<64xi32, #tpu.memory_space<hbm>>
      %dma_start3A_478 = tpu.memref_slice %arg7[%add3A_257] : memref<8192xi32, #tpu.memory_space<hbm>> -> memref<64xi32, #tpu.memory_space<hbm>>
      %dma_start3A_479 = arith.constant 0 : i32
      %dma_start3A_480 = tpu.memref_slice %arg12[%run_scoped3A_258, %dma_start3A_479] : memref<4x64xi32, #tpu.memory_space<vmem>> -> memref<1x64xi32, #tpu.memory_space<vmem>>
      %dma_start3A_481 = tpu.memref_squeeze %dma_start3A_480 : memref<1x64xi32, #tpu.memory_space<vmem>> -> memref<64xi32, #tpu.memory_space<vmem>>
      tpu.enqueue_dma source(%dma_start3A_481 : memref<64xi32, #tpu.memory_space<vmem>>) target(%dma_start3A_478 : memref<64xi32, #tpu.memory_space<hbm>>) target_semaphore(%run_scoped3A_473 : memref<!tpu.dma_semaphore, #tpu.memory_space<semaphore_mem>>)
      %dma_wait3A_482 = arith.constant 0 : i32
      %dma_wait3A_483 = tpu.memref_slice %arg12[%run_scoped3A_258, %dma_wait3A_482] : memref<4x64xi32, #tpu.memory_space<vmem>> -> memref<1x64xi32, #tpu.memory_space<vmem>>
      %dma_wait3A_484 = tpu.memref_squeeze %dma_wait3A_483 : memref<1x64xi32, #tpu.memory_space<vmem>> -> memref<64xi32, #tpu.memory_space<vmem>>
      %dma_wait3A_485 = tpu.memref_slice %arg7[%add3A_257] : memref<8192xi32, #tpu.memory_space<hbm>> -> memref<64xi32, #tpu.memory_space<hbm>>
      %dma_wait3A_486 = tpu.memref_slice %arg7[%add3A_257] : memref<8192xi32, #tpu.memory_space<hbm>> -> memref<64xi32, #tpu.memory_space<hbm>>
      %dma_wait3A_487 = arith.constant 0 : i32
      %dma_wait3A_488 = tpu.memref_slice %arg12[%run_scoped3A_258, %dma_wait3A_487] : memref<4x64xi32, #tpu.memory_space<vmem>> -> memref<1x64xi32, #tpu.memory_space<vmem>>
      %dma_wait3A_489 = tpu.memref_squeeze %dma_wait3A_488 : memref<1x64xi32, #tpu.memory_space<vmem>> -> memref<64xi32, #tpu.memory_space<vmem>>
      tpu.wait_dma2 semaphore(%run_scoped3A_473 : memref<!tpu.dma_semaphore, #tpu.memory_space<semaphore_mem>>) src(%dma_wait3A_489 : memref<64xi32, #tpu.memory_space<vmem>>) dst(%dma_wait3A_486 : memref<64xi32, #tpu.memory_space<hbm>>)
      tpu.yield
    }) : () -> ()
    %dma_wait3A_259 = arith.constant 0 : i32
    %dma_wait3A_260 = tpu.memref_slice %arg2[%add3A_163, %dma_wait3A_259] : memref<8192x768xf32, #tpu.memory_space<hbm>> -> memref<64x768xf32, #tpu.memory_space<hbm>>
    %dma_wait3A_261 = arith.constant 0 : i32
    %dma_wait3A_262 = tpu.memref_slice %arg2[%add3A_163, %dma_wait3A_261] : memref<8192x768xf32, #tpu.memory_space<hbm>> -> memref<64x768xf32, #tpu.memory_space<hbm>>
    tpu.wait_dma2 semaphore(%arg14 : memref<!tpu.dma_semaphore, #tpu.memory_space<semaphore_mem>>) src(%dma_wait3A_262 : memref<64x768xf32, #tpu.memory_space<hbm>>) dst(%arg8 : memref<64x768xf32, #tpu.memory_space<vmem>>)
    %dma_wait3A_263 = arith.constant 0 : i32
    %dma_wait3A_264 = arith.constant 0 : i32
    %dma_wait3A_265 = tpu.memref_slice %arg10[%dma_wait3A_263, %dma_wait3A_264] : memref<2x64xi32, #tpu.memory_space<vmem>> -> memref<1x64xi32, #tpu.memory_space<vmem>>
    %dma_wait3A_266 = tpu.memref_squeeze %dma_wait3A_265 : memref<1x64xi32, #tpu.memory_space<vmem>> -> memref<64xi32, #tpu.memory_space<vmem>>
    %dma_wait3A_267 = tpu.memref_slice %arg3[%add3A_163] : memref<8192xi32, #tpu.memory_space<hbm>> -> memref<64xi32, #tpu.memory_space<hbm>>
    %dma_wait3A_268 = arith.constant 0 : i32
    %dma_wait3A_269 = tpu.memref_slice %arg10[%dma_wait3A_263, %dma_wait3A_268] : memref<2x64xi32, #tpu.memory_space<vmem>> -> memref<1x64xi32, #tpu.memory_space<vmem>>
    %dma_wait3A_270 = tpu.memref_squeeze %dma_wait3A_269 : memref<1x64xi32, #tpu.memory_space<vmem>> -> memref<64xi32, #tpu.memory_space<vmem>>
    %dma_wait3A_271 = tpu.memref_slice %arg3[%add3A_163] : memref<8192xi32, #tpu.memory_space<hbm>> -> memref<64xi32, #tpu.memory_space<hbm>>
    tpu.wait_dma2 semaphore(%arg16 : memref<!tpu.dma_semaphore, #tpu.memory_space<semaphore_mem>>) src(%dma_wait3A_271 : memref<64xi32, #tpu.memory_space<hbm>>) dst(%dma_wait3A_270 : memref<64xi32, #tpu.memory_space<vmem>>)
    %dma_wait3A_272 = arith.constant 1 : i32
    %dma_wait3A_273 = arith.constant 0 : i32
    %dma_wait3A_274 = tpu.memref_slice %arg10[%dma_wait3A_272, %dma_wait3A_273] : memref<2x64xi32, #tpu.memory_space<vmem>> -> memref<1x64xi32, #tpu.memory_space<vmem>>
    %dma_wait3A_275 = tpu.memref_squeeze %dma_wait3A_274 : memref<1x64xi32, #tpu.memory_space<vmem>> -> memref<64xi32, #tpu.memory_space<vmem>>
    %dma_wait3A_276 = tpu.memref_slice %arg4[%add3A_163] : memref<8192xi32, #tpu.memory_space<hbm>> -> memref<64xi32, #tpu.memory_space<hbm>>
    %dma_wait3A_277 = arith.constant 0 : i32
    %dma_wait3A_278 = tpu.memref_slice %arg10[%dma_wait3A_272, %dma_wait3A_277] : memref<2x64xi32, #tpu.memory_space<vmem>> -> memref<1x64xi32, #tpu.memory_space<vmem>>
    %dma_wait3A_279 = tpu.memref_squeeze %dma_wait3A_278 : memref<1x64xi32, #tpu.memory_space<vmem>> -> memref<64xi32, #tpu.memory_space<vmem>>
    %dma_wait3A_280 = tpu.memref_slice %arg4[%add3A_163] : memref<8192xi32, #tpu.memory_space<hbm>> -> memref<64xi32, #tpu.memory_space<hbm>>
    tpu.wait_dma2 semaphore(%arg18 : memref<!tpu.dma_semaphore, #tpu.memory_space<semaphore_mem>>) src(%dma_wait3A_280 : memref<64xi32, #tpu.memory_space<hbm>>) dst(%dma_wait3A_279 : memref<64xi32, #tpu.memory_space<vmem>>)
    %add3A_281 = arith.constant 192 : i32
    %add3A_282 = arith.addi %mul3A_2, %add3A_281 : i32
    %dma_start3A_283 = arith.constant 0 : i32
    %dma_start3A_284 = tpu.memref_slice %arg2[%add3A_282, %dma_start3A_283] : memref<8192x768xf32, #tpu.memory_space<hbm>> -> memref<64x768xf32, #tpu.memory_space<hbm>>
    %dma_start3A_285 = arith.constant 0 : i32
    %dma_start3A_286 = tpu.memref_slice %arg2[%add3A_282, %dma_start3A_285] : memref<8192x768xf32, #tpu.memory_space<hbm>> -> memref<64x768xf32, #tpu.memory_space<hbm>>
    tpu.enqueue_dma source(%dma_start3A_286 : memref<64x768xf32, #tpu.memory_space<hbm>>) target(%arg9 : memref<64x768xf32, #tpu.memory_space<vmem>>) target_semaphore(%arg15 : memref<!tpu.dma_semaphore, #tpu.memory_space<semaphore_mem>>)
    %dma_start3A_287 = arith.constant 0 : i32
    %dma_start3A_288 = arith.constant 0 : i32
    %dma_start3A_289 = tpu.memref_slice %arg11[%dma_start3A_287, %dma_start3A_288] : memref<2x64xi32, #tpu.memory_space<vmem>> -> memref<1x64xi32, #tpu.memory_space<vmem>>
    %dma_start3A_290 = tpu.memref_squeeze %dma_start3A_289 : memref<1x64xi32, #tpu.memory_space<vmem>> -> memref<64xi32, #tpu.memory_space<vmem>>
    %dma_start3A_291 = tpu.memref_slice %arg3[%add3A_282] : memref<8192xi32, #tpu.memory_space<hbm>> -> memref<64xi32, #tpu.memory_space<hbm>>
    %dma_start3A_292 = arith.constant 0 : i32
    %dma_start3A_293 = tpu.memref_slice %arg11[%dma_start3A_287, %dma_start3A_292] : memref<2x64xi32, #tpu.memory_space<vmem>> -> memref<1x64xi32, #tpu.memory_space<vmem>>
    %dma_start3A_294 = tpu.memref_squeeze %dma_start3A_293 : memref<1x64xi32, #tpu.memory_space<vmem>> -> memref<64xi32, #tpu.memory_space<vmem>>
    %dma_start3A_295 = tpu.memref_slice %arg3[%add3A_282] : memref<8192xi32, #tpu.memory_space<hbm>> -> memref<64xi32, #tpu.memory_space<hbm>>
    tpu.enqueue_dma source(%dma_start3A_295 : memref<64xi32, #tpu.memory_space<hbm>>) target(%dma_start3A_294 : memref<64xi32, #tpu.memory_space<vmem>>) target_semaphore(%arg17 : memref<!tpu.dma_semaphore, #tpu.memory_space<semaphore_mem>>)
    %dma_start3A_296 = arith.constant 1 : i32
    %dma_start3A_297 = arith.constant 0 : i32
    %dma_start3A_298 = tpu.memref_slice %arg11[%dma_start3A_296, %dma_start3A_297] : memref<2x64xi32, #tpu.memory_space<vmem>> -> memref<1x64xi32, #tpu.memory_space<vmem>>
    %dma_start3A_299 = tpu.memref_squeeze %dma_start3A_298 : memref<1x64xi32, #tpu.memory_space<vmem>> -> memref<64xi32, #tpu.memory_space<vmem>>
    %dma_start3A_300 = tpu.memref_slice %arg4[%add3A_282] : memref<8192xi32, #tpu.memory_space<hbm>> -> memref<64xi32, #tpu.memory_space<hbm>>
    %dma_start3A_301 = arith.constant 0 : i32
    %dma_start3A_302 = tpu.memref_slice %arg11[%dma_start3A_296, %dma_start3A_301] : memref<2x64xi32, #tpu.memory_space<vmem>> -> memref<1x64xi32, #tpu.memory_space<vmem>>
    %dma_start3A_303 = tpu.memref_squeeze %dma_start3A_302 : memref<1x64xi32, #tpu.memory_space<vmem>> -> memref<64xi32, #tpu.memory_space<vmem>>
    %dma_start3A_304 = tpu.memref_slice %arg4[%add3A_282] : memref<8192xi32, #tpu.memory_space<hbm>> -> memref<64xi32, #tpu.memory_space<hbm>>
    tpu.enqueue_dma source(%dma_start3A_304 : memref<64xi32, #tpu.memory_space<hbm>>) target(%dma_start3A_303 : memref<64xi32, #tpu.memory_space<vmem>>) target_semaphore(%arg19 : memref<!tpu.dma_semaphore, #tpu.memory_space<semaphore_mem>>)
    %get3A_305 = arith.constant 0 : i32
    %get3A_306 = arith.index_cast %get3A_305 : i32 to index
    %get3A_307 = arith.constant 0 : index
    %get3A_308 = tpu.vector_load %arg10[%get3A_306, %get3A_307] {strides = array<i32>} : memref<2x64xi32, #tpu.memory_space<vmem>>, vector<16xi32>,
    %gather3A_309 = tpu.vector_load_idx %arg13[%get3A_308] : memref<64xi32, #tpu.memory_space<vmem>>[vector<16xi32>], vector<16xi32>,
    %get3A_310 = arith.constant 1 : i32
    %get3A_311 = arith.index_cast %get3A_310 : i32 to index
    %get3A_312 = arith.constant 0 : index
    %get3A_313 = tpu.vector_load %arg10[%get3A_311, %get3A_312] {strides = array<i32>} : memref<2x64xi32, #tpu.memory_space<vmem>>, vector<16xi32>,
    %add3A_314 = arith.addi %gather3A_309, %get3A_313 : vector<16xi32>
    %swap3A_315 = arith.constant 2 : i32
    %swap3A_316 = arith.index_cast %swap3A_315 : i32 to index
    %swap3A_317 = arith.constant 0 : index
    %swap3A_318 = tpu.vector_load %arg12[%swap3A_316, %swap3A_317] {strides = array<i32>} : memref<4x64xi32, #tpu.memory_space<vmem>>, vector<16xi32>,
    tpu.vector_store %arg12[%swap3A_316, %swap3A_317], %add3A_314 {strides = array<i32>} : memref<4x64xi32, #tpu.memory_space<vmem>>, vector<16xi32>,
    %get3A_319 = arith.constant 0 : i32
    %get3A_320 = arith.index_cast %get3A_319 : i32 to index
    %get3A_321 = arith.constant 16 : index
    %get3A_322 = tpu.vector_load %arg10[%get3A_320, %get3A_321] {strides = array<i32>} : memref<2x64xi32, #tpu.memory_space<vmem>>, vector<16xi32>,
    %gather3A_323 = tpu.vector_load_idx %arg13[%get3A_322] : memref<64xi32, #tpu.memory_space<vmem>>[vector<16xi32>], vector<16xi32>,
    %get3A_324 = arith.constant 1 : i32
    %get3A_325 = arith.index_cast %get3A_324 : i32 to index
    %get3A_326 = arith.constant 16 : index
    %get3A_327 = tpu.vector_load %arg10[%get3A_325, %get3A_326] {strides = array<i32>} : memref<2x64xi32, #tpu.memory_space<vmem>>, vector<16xi32>,
    %add3A_328 = arith.addi %gather3A_323, %get3A_327 : vector<16xi32>
    %swap3A_329 = arith.constant 2 : i32
    %swap3A_330 = arith.index_cast %swap3A_329 : i32 to index
    %swap3A_331 = arith.constant 16 : index
    %swap3A_332 = tpu.vector_load %arg12[%swap3A_330, %swap3A_331] {strides = array<i32>} : memref<4x64xi32, #tpu.memory_space<vmem>>, vector<16xi32>,
    tpu.vector_store %arg12[%swap3A_330, %swap3A_331], %add3A_328 {strides = array<i32>} : memref<4x64xi32, #tpu.memory_space<vmem>>, vector<16xi32>,
    %get3A_333 = arith.constant 0 : i32
    %get3A_334 = arith.index_cast %get3A_333 : i32 to index
    %get3A_335 = arith.constant 32 : index
    %get3A_336 = tpu.vector_load %arg10[%get3A_334, %get3A_335] {strides = array<i32>} : memref<2x64xi32, #tpu.memory_space<vmem>>, vector<16xi32>,
    %gather3A_337 = tpu.vector_load_idx %arg13[%get3A_336] : memref<64xi32, #tpu.memory_space<vmem>>[vector<16xi32>], vector<16xi32>,
    %get3A_338 = arith.constant 1 : i32
    %get3A_339 = arith.index_cast %get3A_338 : i32 to index
    %get3A_340 = arith.constant 32 : index
    %get3A_341 = tpu.vector_load %arg10[%get3A_339, %get3A_340] {strides = array<i32>} : memref<2x64xi32, #tpu.memory_space<vmem>>, vector<16xi32>,
    %add3A_342 = arith.addi %gather3A_337, %get3A_341 : vector<16xi32>
    %swap3A_343 = arith.constant 2 : i32
    %swap3A_344 = arith.index_cast %swap3A_343 : i32 to index
    %swap3A_345 = arith.constant 32 : index
    %swap3A_346 = tpu.vector_load %arg12[%swap3A_344, %swap3A_345] {strides = array<i32>} : memref<4x64xi32, #tpu.memory_space<vmem>>, vector<16xi32>,
    tpu.vector_store %arg12[%swap3A_344, %swap3A_345], %add3A_342 {strides = array<i32>} : memref<4x64xi32, #tpu.memory_space<vmem>>, vector<16xi32>,
    %get3A_347 = arith.constant 0 : i32
    %get3A_348 = arith.index_cast %get3A_347 : i32 to index
    %get3A_349 = arith.constant 48 : index
    %get3A_350 = tpu.vector_load %arg10[%get3A_348, %get3A_349] {strides = array<i32>} : memref<2x64xi32, #tpu.memory_space<vmem>>, vector<16xi32>,
    %gather3A_351 = tpu.vector_load_idx %arg13[%get3A_350] : memref<64xi32, #tpu.memory_space<vmem>>[vector<16xi32>], vector<16xi32>,
    %get3A_352 = arith.constant 1 : i32
    %get3A_353 = arith.index_cast %get3A_352 : i32 to index
    %get3A_354 = arith.constant 48 : index
    %get3A_355 = tpu.vector_load %arg10[%get3A_353, %get3A_354] {strides = array<i32>} : memref<2x64xi32, #tpu.memory_space<vmem>>, vector<16xi32>,
    %add3A_356 = arith.addi %gather3A_351, %get3A_355 : vector<16xi32>
    %swap3A_357 = arith.constant 2 : i32
    %swap3A_358 = arith.index_cast %swap3A_357 : i32 to index
    %swap3A_359 = arith.constant 48 : index
    %swap3A_360 = tpu.vector_load %arg12[%swap3A_358, %swap3A_359] {strides = array<i32>} : memref<4x64xi32, #tpu.memory_space<vmem>>, vector<16xi32>,
    tpu.vector_store %arg12[%swap3A_358, %swap3A_359], %add3A_356 {strides = array<i32>} : memref<4x64xi32, #tpu.memory_space<vmem>>, vector<16xi32>,
    %dma_start3A_361 = arith.constant 2 : i32
    %dma_start3A_362 = arith.constant 0 : i32
    %dma_start3A_363 = tpu.memref_slice %arg12[%dma_start3A_361, %dma_start3A_362] : memref<4x64xi32, #tpu.memory_space<vmem>> -> memref<1x64xi32, #tpu.memory_space<vmem>>
    %dma_start3A_364 = tpu.memref_squeeze %dma_start3A_363 : memref<1x64xi32, #tpu.memory_space<vmem>> -> memref<64xi32, #tpu.memory_space<vmem>>
    %dma_start3A_365 = arith.constant 0 : i32
    %dma_start3A_366 = arith.constant 0 : i32
    %dma_start3A_367 = tpu.memref_slice %arg6[%dma_start3A_365, %dma_start3A_366] : memref<24576x768xf32, #tpu.memory_space<hbm>> -> memref<24576x768xf32, #tpu.memory_space<hbm>>
    tpu.enqueue_indirect_dma source(%arg8 : memref<64x768xf32, #tpu.memory_space<vmem>>) target(%dma_start3A_367 : memref<24576x768xf32, #tpu.memory_space<hbm>>) offsets(%dma_start3A_364 : memref<64xi32, #tpu.memory_space<vmem>>) semaphore(%arg20 : memref<!tpu.dma_semaphore, #tpu.memory_space<semaphore_mem>>)
    %dma_wait3A_368 = arith.constant 2 : i32
    %dma_wait3A_369 = arith.constant 0 : i32
    %dma_wait3A_370 = tpu.memref_slice %arg12[%dma_wait3A_368, %dma_wait3A_369] : memref<4x64xi32, #tpu.memory_space<vmem>> -> memref<1x64xi32, #tpu.memory_space<vmem>>
    %dma_wait3A_371 = tpu.memref_squeeze %dma_wait3A_370 : memref<1x64xi32, #tpu.memory_space<vmem>> -> memref<64xi32, #tpu.memory_space<vmem>>
    %dma_wait3A_372 = arith.constant 0 : i32
    %dma_wait3A_373 = arith.constant 0 : i32
    %dma_wait3A_374 = tpu.memref_slice %arg6[%dma_wait3A_372, %dma_wait3A_373] : memref<24576x768xf32, #tpu.memory_space<hbm>> -> memref<24576x768xf32, #tpu.memory_space<hbm>>
    tpu.wait_indirect_dma semaphore(%arg20 : memref<!tpu.dma_semaphore, #tpu.memory_space<semaphore_mem>>) src(%arg8 : memref<64x768xf32, #tpu.memory_space<vmem>>) dst(%dma_wait3A_374 : memref<24576x768xf32, #tpu.memory_space<hbm>>)
    %add3A_375 = arith.constant 128 : i32
    %add3A_376 = arith.addi %mul3A_2, %add3A_375 : i32
    %run_scoped3A_377 = arith.constant 2 : i32
    "tpu.region"() ({
      %run_scoped3A_473 = tpu.sem_alloc : memref<!tpu.dma_semaphore, #tpu.memory_space<semaphore_mem>>
      %dma_start3A_474 = arith.constant 0 : i32
      %dma_start3A_475 = tpu.memref_slice %arg12[%run_scoped3A_377, %dma_start3A_474] : memref<4x64xi32, #tpu.memory_space<vmem>> -> memref<1x64xi32, #tpu.memory_space<vmem>>
      %dma_start3A_476 = tpu.memref_squeeze %dma_start3A_475 : memref<1x64xi32, #tpu.memory_space<vmem>> -> memref<64xi32, #tpu.memory_space<vmem>>
      %dma_start3A_477 = tpu.memref_slice %arg7[%add3A_376] : memref<8192xi32, #tpu.memory_space<hbm>> -> memref<64xi32, #tpu.memory_space<hbm>>
      %dma_start3A_478 = tpu.memref_slice %arg7[%add3A_376] : memref<8192xi32, #tpu.memory_space<hbm>> -> memref<64xi32, #tpu.memory_space<hbm>>
      %dma_start3A_479 = arith.constant 0 : i32
      %dma_start3A_480 = tpu.memref_slice %arg12[%run_scoped3A_377, %dma_start3A_479] : memref<4x64xi32, #tpu.memory_space<vmem>> -> memref<1x64xi32, #tpu.memory_space<vmem>>
      %dma_start3A_481 = tpu.memref_squeeze %dma_start3A_480 : memref<1x64xi32, #tpu.memory_space<vmem>> -> memref<64xi32, #tpu.memory_space<vmem>>
      tpu.enqueue_dma source(%dma_start3A_481 : memref<64xi32, #tpu.memory_space<vmem>>) target(%dma_start3A_478 : memref<64xi32, #tpu.memory_space<hbm>>) target_semaphore(%run_scoped3A_473 : memref<!tpu.dma_semaphore, #tpu.memory_space<semaphore_mem>>)
      %dma_wait3A_482 = arith.constant 0 : i32
      %dma_wait3A_483 = tpu.memref_slice %arg12[%run_scoped3A_377, %dma_wait3A_482] : memref<4x64xi32, #tpu.memory_space<vmem>> -> memref<1x64xi32, #tpu.memory_space<vmem>>
      %dma_wait3A_484 = tpu.memref_squeeze %dma_wait3A_483 : memref<1x64xi32, #tpu.memory_space<vmem>> -> memref<64xi32, #tpu.memory_space<vmem>>
      %dma_wait3A_485 = tpu.memref_slice %arg7[%add3A_376] : memref<8192xi32, #tpu.memory_space<hbm>> -> memref<64xi32, #tpu.memory_space<hbm>>
      %dma_wait3A_486 = tpu.memref_slice %arg7[%add3A_376] : memref<8192xi32, #tpu.memory_space<hbm>> -> memref<64xi32, #tpu.memory_space<hbm>>
      %dma_wait3A_487 = arith.constant 0 : i32
      %dma_wait3A_488 = tpu.memref_slice %arg12[%run_scoped3A_377, %dma_wait3A_487] : memref<4x64xi32, #tpu.memory_space<vmem>> -> memref<1x64xi32, #tpu.memory_space<vmem>>
      %dma_wait3A_489 = tpu.memref_squeeze %dma_wait3A_488 : memref<1x64xi32, #tpu.memory_space<vmem>> -> memref<64xi32, #tpu.memory_space<vmem>>
      tpu.wait_dma2 semaphore(%run_scoped3A_473 : memref<!tpu.dma_semaphore, #tpu.memory_space<semaphore_mem>>) src(%dma_wait3A_489 : memref<64xi32, #tpu.memory_space<vmem>>) dst(%dma_wait3A_486 : memref<64xi32, #tpu.memory_space<hbm>>)
      tpu.yield
    }) : () -> ()
    %dma_wait3A_378 = arith.constant 0 : i32
    %dma_wait3A_379 = tpu.memref_slice %arg2[%add3A_282, %dma_wait3A_378] : memref<8192x768xf32, #tpu.memory_space<hbm>> -> memref<64x768xf32, #tpu.memory_space<hbm>>
    %dma_wait3A_380 = arith.constant 0 : i32
    %dma_wait3A_381 = tpu.memref_slice %arg2[%add3A_282, %dma_wait3A_380] : memref<8192x768xf32, #tpu.memory_space<hbm>> -> memref<64x768xf32, #tpu.memory_space<hbm>>
    tpu.wait_dma2 semaphore(%arg15 : memref<!tpu.dma_semaphore, #tpu.memory_space<semaphore_mem>>) src(%dma_wait3A_381 : memref<64x768xf32, #tpu.memory_space<hbm>>) dst(%arg9 : memref<64x768xf32, #tpu.memory_space<vmem>>)
    %dma_wait3A_382 = arith.constant 0 : i32
    %dma_wait3A_383 = arith.constant 0 : i32
    %dma_wait3A_384 = tpu.memref_slice %arg11[%dma_wait3A_382, %dma_wait3A_383] : memref<2x64xi32, #tpu.memory_space<vmem>> -> memref<1x64xi32, #tpu.memory_space<vmem>>
    %dma_wait3A_385 = tpu.memref_squeeze %dma_wait3A_384 : memref<1x64xi32, #tpu.memory_space<vmem>> -> memref<64xi32, #tpu.memory_space<vmem>>
    %dma_wait3A_386 = tpu.memref_slice %arg3[%add3A_282] : memref<8192xi32, #tpu.memory_space<hbm>> -> memref<64xi32, #tpu.memory_space<hbm>>
    %dma_wait3A_387 = arith.constant 0 : i32
    %dma_wait3A_388 = tpu.memref_slice %arg11[%dma_wait3A_382, %dma_wait3A_387] : memref<2x64xi32, #tpu.memory_space<vmem>> -> memref<1x64xi32, #tpu.memory_space<vmem>>
    %dma_wait3A_389 = tpu.memref_squeeze %dma_wait3A_388 : memref<1x64xi32, #tpu.memory_space<vmem>> -> memref<64xi32, #tpu.memory_space<vmem>>
    %dma_wait3A_390 = tpu.memref_slice %arg3[%add3A_282] : memref<8192xi32, #tpu.memory_space<hbm>> -> memref<64xi32, #tpu.memory_space<hbm>>
    tpu.wait_dma2 semaphore(%arg17 : memref<!tpu.dma_semaphore, #tpu.memory_space<semaphore_mem>>) src(%dma_wait3A_390 : memref<64xi32, #tpu.memory_space<hbm>>) dst(%dma_wait3A_389 : memref<64xi32, #tpu.memory_space<vmem>>)
    %dma_wait3A_391 = arith.constant 1 : i32
    %dma_wait3A_392 = arith.constant 0 : i32
    %dma_wait3A_393 = tpu.memref_slice %arg11[%dma_wait3A_391, %dma_wait3A_392] : memref<2x64xi32, #tpu.memory_space<vmem>> -> memref<1x64xi32, #tpu.memory_space<vmem>>
    %dma_wait3A_394 = tpu.memref_squeeze %dma_wait3A_393 : memref<1x64xi32, #tpu.memory_space<vmem>> -> memref<64xi32, #tpu.memory_space<vmem>>
    %dma_wait3A_395 = tpu.memref_slice %arg4[%add3A_282] : memref<8192xi32, #tpu.memory_space<hbm>> -> memref<64xi32, #tpu.memory_space<hbm>>
    %dma_wait3A_396 = arith.constant 0 : i32
    %dma_wait3A_397 = tpu.memref_slice %arg11[%dma_wait3A_391, %dma_wait3A_396] : memref<2x64xi32, #tpu.memory_space<vmem>> -> memref<1x64xi32, #tpu.memory_space<vmem>>
    %dma_wait3A_398 = tpu.memref_squeeze %dma_wait3A_397 : memref<1x64xi32, #tpu.memory_space<vmem>> -> memref<64xi32, #tpu.memory_space<vmem>>
    %dma_wait3A_399 = tpu.memref_slice %arg4[%add3A_282] : memref<8192xi32, #tpu.memory_space<hbm>> -> memref<64xi32, #tpu.memory_space<hbm>>
    tpu.wait_dma2 semaphore(%arg19 : memref<!tpu.dma_semaphore, #tpu.memory_space<semaphore_mem>>) src(%dma_wait3A_399 : memref<64xi32, #tpu.memory_space<hbm>>) dst(%dma_wait3A_398 : memref<64xi32, #tpu.memory_space<vmem>>)
    %get3A_400 = arith.constant 0 : i32
    %get3A_401 = arith.index_cast %get3A_400 : i32 to index
    %get3A_402 = arith.constant 0 : index
    %get3A_403 = tpu.vector_load %arg11[%get3A_401, %get3A_402] {strides = array<i32>} : memref<2x64xi32, #tpu.memory_space<vmem>>, vector<16xi32>,
    %gather3A_404 = tpu.vector_load_idx %arg13[%get3A_403] : memref<64xi32, #tpu.memory_space<vmem>>[vector<16xi32>], vector<16xi32>,
    %get3A_405 = arith.constant 1 : i32
    %get3A_406 = arith.index_cast %get3A_405 : i32 to index
    %get3A_407 = arith.constant 0 : index
    %get3A_408 = tpu.vector_load %arg11[%get3A_406, %get3A_407] {strides = array<i32>} : memref<2x64xi32, #tpu.memory_space<vmem>>, vector<16xi32>,
    %add3A_409 = arith.addi %gather3A_404, %get3A_408 : vector<16xi32>
    %swap3A_410 = arith.constant 3 : i32
    %swap3A_411 = arith.index_cast %swap3A_410 : i32 to index
    %swap3A_412 = arith.constant 0 : index
    %swap3A_413 = tpu.vector_load %arg12[%swap3A_411, %swap3A_412] {strides = array<i32>} : memref<4x64xi32, #tpu.memory_space<vmem>>, vector<16xi32>,
    tpu.vector_store %arg12[%swap3A_411, %swap3A_412], %add3A_409 {strides = array<i32>} : memref<4x64xi32, #tpu.memory_space<vmem>>, vector<16xi32>,
    %get3A_414 = arith.constant 0 : i32
    %get3A_415 = arith.index_cast %get3A_414 : i32 to index
    %get3A_416 = arith.constant 16 : index
    %get3A_417 = tpu.vector_load %arg11[%get3A_415, %get3A_416] {strides = array<i32>} : memref<2x64xi32, #tpu.memory_space<vmem>>, vector<16xi32>,
    %gather3A_418 = tpu.vector_load_idx %arg13[%get3A_417] : memref<64xi32, #tpu.memory_space<vmem>>[vector<16xi32>], vector<16xi32>,
    %get3A_419 = arith.constant 1 : i32
    %get3A_420 = arith.index_cast %get3A_419 : i32 to index
    %get3A_421 = arith.constant 16 : index
    %get3A_422 = tpu.vector_load %arg11[%get3A_420, %get3A_421] {strides = array<i32>} : memref<2x64xi32, #tpu.memory_space<vmem>>, vector<16xi32>,
    %add3A_423 = arith.addi %gather3A_418, %get3A_422 : vector<16xi32>
    %swap3A_424 = arith.constant 3 : i32
    %swap3A_425 = arith.index_cast %swap3A_424 : i32 to index
    %swap3A_426 = arith.constant 16 : index
    %swap3A_427 = tpu.vector_load %arg12[%swap3A_425, %swap3A_426] {strides = array<i32>} : memref<4x64xi32, #tpu.memory_space<vmem>>, vector<16xi32>,
    tpu.vector_store %arg12[%swap3A_425, %swap3A_426], %add3A_423 {strides = array<i32>} : memref<4x64xi32, #tpu.memory_space<vmem>>, vector<16xi32>,
    %get3A_428 = arith.constant 0 : i32
    %get3A_429 = arith.index_cast %get3A_428 : i32 to index
    %get3A_430 = arith.constant 32 : index
    %get3A_431 = tpu.vector_load %arg11[%get3A_429, %get3A_430] {strides = array<i32>} : memref<2x64xi32, #tpu.memory_space<vmem>>, vector<16xi32>,
    %gather3A_432 = tpu.vector_load_idx %arg13[%get3A_431] : memref<64xi32, #tpu.memory_space<vmem>>[vector<16xi32>], vector<16xi32>,
    %get3A_433 = arith.constant 1 : i32
    %get3A_434 = arith.index_cast %get3A_433 : i32 to index
    %get3A_435 = arith.constant 32 : index
    %get3A_436 = tpu.vector_load %arg11[%get3A_434, %get3A_435] {strides = array<i32>} : memref<2x64xi32, #tpu.memory_space<vmem>>, vector<16xi32>,
    %add3A_437 = arith.addi %gather3A_432, %get3A_436 : vector<16xi32>
    %swap3A_438 = arith.constant 3 : i32
    %swap3A_439 = arith.index_cast %swap3A_438 : i32 to index
    %swap3A_440 = arith.constant 32 : index
    %swap3A_441 = tpu.vector_load %arg12[%swap3A_439, %swap3A_440] {strides = array<i32>} : memref<4x64xi32, #tpu.memory_space<vmem>>, vector<16xi32>,
    tpu.vector_store %arg12[%swap3A_439, %swap3A_440], %add3A_437 {strides = array<i32>} : memref<4x64xi32, #tpu.memory_space<vmem>>, vector<16xi32>,
    %get3A_442 = arith.constant 0 : i32
    %get3A_443 = arith.index_cast %get3A_442 : i32 to index
    %get3A_444 = arith.constant 48 : index
    %get3A_445 = tpu.vector_load %arg11[%get3A_443, %get3A_444] {strides = array<i32>} : memref<2x64xi32, #tpu.memory_space<vmem>>, vector<16xi32>,
    %gather3A_446 = tpu.vector_load_idx %arg13[%get3A_445] : memref<64xi32, #tpu.memory_space<vmem>>[vector<16xi32>], vector<16xi32>,
    %get3A_447 = arith.constant 1 : i32
    %get3A_448 = arith.index_cast %get3A_447 : i32 to index
    %get3A_449 = arith.constant 48 : index
    %get3A_450 = tpu.vector_load %arg11[%get3A_448, %get3A_449] {strides = array<i32>} : memref<2x64xi32, #tpu.memory_space<vmem>>, vector<16xi32>,
    %add3A_451 = arith.addi %gather3A_446, %get3A_450 : vector<16xi32>
    %swap3A_452 = arith.constant 3 : i32
    %swap3A_453 = arith.index_cast %swap3A_452 : i32 to index
    %swap3A_454 = arith.constant 48 : index
    %swap3A_455 = tpu.vector_load %arg12[%swap3A_453, %swap3A_454] {strides = array<i32>} : memref<4x64xi32, #tpu.memory_space<vmem>>, vector<16xi32>,
    tpu.vector_store %arg12[%swap3A_453, %swap3A_454], %add3A_451 {strides = array<i32>} : memref<4x64xi32, #tpu.memory_space<vmem>>, vector<16xi32>,
    %dma_start3A_456 = arith.constant 3 : i32
    %dma_start3A_457 = arith.constant 0 : i32
    %dma_start3A_458 = tpu.memref_slice %arg12[%dma_start3A_456, %dma_start3A_457] : memref<4x64xi32, #tpu.memory_space<vmem>> -> memref<1x64xi32, #tpu.memory_space<vmem>>
    %dma_start3A_459 = tpu.memref_squeeze %dma_start3A_458 : memref<1x64xi32, #tpu.memory_space<vmem>> -> memref<64xi32, #tpu.memory_space<vmem>>
    %dma_start3A_460 = arith.constant 0 : i32
    %dma_start3A_461 = arith.constant 0 : i32
    %dma_start3A_462 = tpu.memref_slice %arg6[%dma_start3A_460, %dma_start3A_461] : memref<24576x768xf32, #tpu.memory_space<hbm>> -> memref<24576x768xf32, #tpu.memory_space<hbm>>
    tpu.enqueue_indirect_dma source(%arg9 : memref<64x768xf32, #tpu.memory_space<vmem>>) target(%dma_start3A_462 : memref<24576x768xf32, #tpu.memory_space<hbm>>) offsets(%dma_start3A_459 : memref<64xi32, #tpu.memory_space<vmem>>) semaphore(%arg20 : memref<!tpu.dma_semaphore, #tpu.memory_space<semaphore_mem>>)
    %dma_wait3A_463 = arith.constant 3 : i32
    %dma_wait3A_464 = arith.constant 0 : i32
    %dma_wait3A_465 = tpu.memref_slice %arg12[%dma_wait3A_463, %dma_wait3A_464] : memref<4x64xi32, #tpu.memory_space<vmem>> -> memref<1x64xi32, #tpu.memory_space<vmem>>
    %dma_wait3A_466 = tpu.memref_squeeze %dma_wait3A_465 : memref<1x64xi32, #tpu.memory_space<vmem>> -> memref<64xi32, #tpu.memory_space<vmem>>
    %dma_wait3A_467 = arith.constant 0 : i32
    %dma_wait3A_468 = arith.constant 0 : i32
    %dma_wait3A_469 = tpu.memref_slice %arg6[%dma_wait3A_467, %dma_wait3A_468] : memref<24576x768xf32, #tpu.memory_space<hbm>> -> memref<24576x768xf32, #tpu.memory_space<hbm>>
    tpu.wait_indirect_dma semaphore(%arg20 : memref<!tpu.dma_semaphore, #tpu.memory_space<semaphore_mem>>) src(%arg9 : memref<64x768xf32, #tpu.memory_space<vmem>>) dst(%dma_wait3A_469 : memref<24576x768xf32, #tpu.memory_space<hbm>>)
    %add3A_470 = arith.constant 192 : i32
    %add3A_471 = arith.addi %mul3A_2, %add3A_470 : i32
    %run_scoped3A_472 = arith.constant 3 : i32
    "tpu.region"() ({
      %run_scoped3A_473 = tpu.sem_alloc : memref<!tpu.dma_semaphore, #tpu.memory_space<semaphore_mem>>
      %dma_start3A_474 = arith.constant 0 : i32
      %dma_start3A_475 = tpu.memref_slice %arg12[%run_scoped3A_472, %dma_start3A_474] : memref<4x64xi32, #tpu.memory_space<vmem>> -> memref<1x64xi32, #tpu.memory_space<vmem>>
      %dma_start3A_476 = tpu.memref_squeeze %dma_start3A_475 : memref<1x64xi32, #tpu.memory_space<vmem>> -> memref<64xi32, #tpu.memory_space<vmem>>
      %dma_start3A_477 = tpu.memref_slice %arg7[%add3A_471] : memref<8192xi32, #tpu.memory_space<hbm>> -> memref<64xi32, #tpu.memory_space<hbm>>
      %dma_start3A_478 = tpu.memref_slice %arg7[%add3A_471] : memref<8192xi32, #tpu.memory_space<hbm>> -> memref<64xi32, #tpu.memory_space<hbm>>
      %dma_start3A_479 = arith.constant 0 : i32
      %dma_start3A_480 = tpu.memref_slice %arg12[%run_scoped3A_472, %dma_start3A_479] : memref<4x64xi32, #tpu.memory_space<vmem>> -> memref<1x64xi32, #tpu.memory_space<vmem>>
      %dma_start3A_481 = tpu.memref_squeeze %dma_start3A_480 : memref<1x64xi32, #tpu.memory_space<vmem>> -> memref<64xi32, #tpu.memory_space<vmem>>
      tpu.enqueue_dma source(%dma_start3A_481 : memref<64xi32, #tpu.memory_space<vmem>>) target(%dma_start3A_478 : memref<64xi32, #tpu.memory_space<hbm>>) target_semaphore(%run_scoped3A_473 : memref<!tpu.dma_semaphore, #tpu.memory_space<semaphore_mem>>)
      %dma_wait3A_482 = arith.constant 0 : i32
      %dma_wait3A_483 = tpu.memref_slice %arg12[%run_scoped3A_472, %dma_wait3A_482] : memref<4x64xi32, #tpu.memory_space<vmem>> -> memref<1x64xi32, #tpu.memory_space<vmem>>
      %dma_wait3A_484 = tpu.memref_squeeze %dma_wait3A_483 : memref<1x64xi32, #tpu.memory_space<vmem>> -> memref<64xi32, #tpu.memory_space<vmem>>
      %dma_wait3A_485 = tpu.memref_slice %arg7[%add3A_471] : memref<8192xi32, #tpu.memory_space<hbm>> -> memref<64xi32, #tpu.memory_space<hbm>>
      %dma_wait3A_486 = tpu.memref_slice %arg7[%add3A_471] : memref<8192xi32, #tpu.memory_space<hbm>> -> memref<64xi32, #tpu.memory_space<hbm>>
      %dma_wait3A_487 = arith.constant 0 : i32
      %dma_wait3A_488 = tpu.memref_slice %arg12[%run_scoped3A_472, %dma_wait3A_487] : memref<4x64xi32, #tpu.memory_space<vmem>> -> memref<1x64xi32, #tpu.memory_space<vmem>>
      %dma_wait3A_489 = tpu.memref_squeeze %dma_wait3A_488 : memref<1x64xi32, #tpu.memory_space<vmem>> -> memref<64xi32, #tpu.memory_space<vmem>>
      tpu.wait_dma2 semaphore(%run_scoped3A_473 : memref<!tpu.dma_semaphore, #tpu.memory_space<semaphore_mem>>) src(%dma_wait3A_489 : memref<64xi32, #tpu.memory_space<vmem>>) dst(%dma_wait3A_486 : memref<64xi32, #tpu.memory_space<hbm>>)
      tpu.yield
    }) : () -> ()
    return
  }
}

#map = affine_map<(d0, d1) -> (0, 0)>
#map1 = affine_map<(d0, d1) -> (0)>
module attributes {stable_mosaic.version = 14 : i64} {
  func.func @_sc_gather_body(%arg0: i32, %arg1: i32, %arg2: memref<24576x768xf32, #tpu.memory_space<hbm>>, %arg3: memref<8192xi32, #tpu.memory_space<hbm>>, %arg4: memref<8192xf32, #tpu.memory_space<hbm>>, %arg5: memref<8192x768xf32, #tpu.memory_space<hbm>>, %arg6: memref<64x768xf32, #tpu.memory_space<vmem>>, %arg7: memref<64xi32, #tpu.memory_space<vmem>>, %arg8: memref<64xi32, #tpu.memory_space<vmem>>, %arg9: memref<64xf32, #tpu.memory_space<vmem>>, %arg10: memref<64xf32, #tpu.memory_space<vmem>>, %arg11: memref<!tpu.dma_semaphore, #tpu.memory_space<semaphore_mem>>, %arg12: memref<!tpu.dma_semaphore, #tpu.memory_space<semaphore_mem>>, %arg13: memref<!tpu.dma_semaphore, #tpu.memory_space<semaphore_mem>>, %arg14: memref<!tpu.dma_semaphore, #tpu.memory_space<semaphore_mem>>, %arg15: memref<!tpu.dma_semaphore, #tpu.memory_space<semaphore_mem>>) attributes {dimension_semantics = [#tpu.dimension_semantics<core_parallel>, #tpu.dimension_semantics<subcore_parallel>], iteration_bounds = array<i64: 2, 16>, scalar_prefetch = 0 : i64, scratch_operands = 10 : i64, tpu.core_type = #tpu.core_type<sc_vector_subcore>, window_params = [{transform_indices = #map}, {transform_indices = #map1}, {transform_indices = #map1}, {transform_indices = #map}]} {
    %mul3A = arith.constant 2 : i32
    %mul3A_0 = arith.muli %arg1, %mul3A : i32
    %add3A = arith.addi %mul3A_0, %arg0 : i32
    %mul3A_1 = arith.constant 256 : i32
    %mul3A_2 = arith.muli %add3A, %mul3A_1 : i32
    %add3A_3 = arith.constant 0 : i32
    %add3A_4 = arith.addi %mul3A_2, %add3A_3 : i32
    %dma_start3A = tpu.memref_slice %arg3[%add3A_4] : memref<8192xi32, #tpu.memory_space<hbm>> -> memref<64xi32, #tpu.memory_space<hbm>>
    %dma_start3A_5 = tpu.memref_slice %arg3[%add3A_4] : memref<8192xi32, #tpu.memory_space<hbm>> -> memref<64xi32, #tpu.memory_space<hbm>>
    tpu.enqueue_dma source(%dma_start3A_5 : memref<64xi32, #tpu.memory_space<hbm>>) target(%arg7 : memref<64xi32, #tpu.memory_space<vmem>>) target_semaphore(%arg11 : memref<!tpu.dma_semaphore, #tpu.memory_space<semaphore_mem>>)
    %dma_start3A_6 = tpu.memref_slice %arg4[%add3A_4] : memref<8192xf32, #tpu.memory_space<hbm>> -> memref<64xf32, #tpu.memory_space<hbm>>
    %dma_start3A_7 = tpu.memref_slice %arg4[%add3A_4] : memref<8192xf32, #tpu.memory_space<hbm>> -> memref<64xf32, #tpu.memory_space<hbm>>
    tpu.enqueue_dma source(%dma_start3A_7 : memref<64xf32, #tpu.memory_space<hbm>>) target(%arg9 : memref<64xf32, #tpu.memory_space<vmem>>) target_semaphore(%arg13 : memref<!tpu.dma_semaphore, #tpu.memory_space<semaphore_mem>>)
    %dma_wait3A = tpu.memref_slice %arg3[%add3A_4] : memref<8192xi32, #tpu.memory_space<hbm>> -> memref<64xi32, #tpu.memory_space<hbm>>
    %dma_wait3A_8 = tpu.memref_slice %arg3[%add3A_4] : memref<8192xi32, #tpu.memory_space<hbm>> -> memref<64xi32, #tpu.memory_space<hbm>>
    tpu.wait_dma2 semaphore(%arg11 : memref<!tpu.dma_semaphore, #tpu.memory_space<semaphore_mem>>) src(%dma_wait3A_8 : memref<64xi32, #tpu.memory_space<hbm>>) dst(%arg7 : memref<64xi32, #tpu.memory_space<vmem>>)
    %dma_wait3A_9 = tpu.memref_slice %arg4[%add3A_4] : memref<8192xf32, #tpu.memory_space<hbm>> -> memref<64xf32, #tpu.memory_space<hbm>>
    %dma_wait3A_10 = tpu.memref_slice %arg4[%add3A_4] : memref<8192xf32, #tpu.memory_space<hbm>> -> memref<64xf32, #tpu.memory_space<hbm>>
    tpu.wait_dma2 semaphore(%arg13 : memref<!tpu.dma_semaphore, #tpu.memory_space<semaphore_mem>>) src(%dma_wait3A_10 : memref<64xf32, #tpu.memory_space<hbm>>) dst(%arg9 : memref<64xf32, #tpu.memory_space<vmem>>)
    %add3A_11 = arith.constant 64 : i32
    %add3A_12 = arith.addi %mul3A_2, %add3A_11 : i32
    %dma_start3A_13 = tpu.memref_slice %arg3[%add3A_12] : memref<8192xi32, #tpu.memory_space<hbm>> -> memref<64xi32, #tpu.memory_space<hbm>>
    %dma_start3A_14 = tpu.memref_slice %arg3[%add3A_12] : memref<8192xi32, #tpu.memory_space<hbm>> -> memref<64xi32, #tpu.memory_space<hbm>>
    tpu.enqueue_dma source(%dma_start3A_14 : memref<64xi32, #tpu.memory_space<hbm>>) target(%arg8 : memref<64xi32, #tpu.memory_space<vmem>>) target_semaphore(%arg12 : memref<!tpu.dma_semaphore, #tpu.memory_space<semaphore_mem>>)
    %dma_start3A_15 = tpu.memref_slice %arg4[%add3A_12] : memref<8192xf32, #tpu.memory_space<hbm>> -> memref<64xf32, #tpu.memory_space<hbm>>
    %dma_start3A_16 = tpu.memref_slice %arg4[%add3A_12] : memref<8192xf32, #tpu.memory_space<hbm>> -> memref<64xf32, #tpu.memory_space<hbm>>
    tpu.enqueue_dma source(%dma_start3A_16 : memref<64xf32, #tpu.memory_space<hbm>>) target(%arg10 : memref<64xf32, #tpu.memory_space<vmem>>) target_semaphore(%arg14 : memref<!tpu.dma_semaphore, #tpu.memory_space<semaphore_mem>>)
    %dma_start3A_17 = arith.constant 0 : i32
    %dma_start3A_18 = arith.constant 0 : i32
    %dma_start3A_19 = tpu.memref_slice %arg2[%dma_start3A_17, %dma_start3A_18] : memref<24576x768xf32, #tpu.memory_space<hbm>> -> memref<24576x768xf32, #tpu.memory_space<hbm>>
    tpu.enqueue_indirect_dma source(%dma_start3A_19 : memref<24576x768xf32, #tpu.memory_space<hbm>>) target(%arg6 : memref<64x768xf32, #tpu.memory_space<vmem>>) offsets(%arg7 : memref<64xi32, #tpu.memory_space<vmem>>) semaphore(%arg15 : memref<!tpu.dma_semaphore, #tpu.memory_space<semaphore_mem>>)
    %dma_wait3A_20 = arith.constant 0 : i32
    %dma_wait3A_21 = arith.constant 0 : i32
    %dma_wait3A_22 = tpu.memref_slice %arg2[%dma_wait3A_20, %dma_wait3A_21] : memref<24576x768xf32, #tpu.memory_space<hbm>> -> memref<24576x768xf32, #tpu.memory_space<hbm>>
    tpu.wait_indirect_dma semaphore(%arg15 : memref<!tpu.dma_semaphore, #tpu.memory_space<semaphore_mem>>) src(%dma_wait3A_22 : memref<24576x768xf32, #tpu.memory_space<hbm>>) dst(%arg6 : memref<64x768xf32, #tpu.memory_space<vmem>>)
    %scan3A = arith.constant 0 : i32
    %scan3A_23 = arith.constant 0 : i32
    %scan3A_24 = arith.constant 64 : i32
    %scan3A_25 = arith.addi %scan3A_23, %scan3A_24 : i32
    %scan3A_26 = arith.constant 1 : i32
    scf.for %scan3A_96 = %scan3A_23 to %scan3A_25 step %scan3A_26  : i32 {
      %broadcast_in_dim3A = arith.constant 0 : i32
      %broadcast_in_dim3A_97 = vector.broadcast %broadcast_in_dim3A : i32 to vector<16xi32>
      %add3A_98 = vector.broadcast %scan3A_96 : i32 to vector<16xi32>
      %add3A_99 = arith.addi %broadcast_in_dim3A_97, %add3A_98 : vector<16xi32>
      %gather3A = tpu.vector_load_idx %arg9[%add3A_99] : memref<64xf32, #tpu.memory_space<vmem>>[vector<16xi32>], vector<16xf32>,
      %get3A = arith.index_cast %scan3A_96 : i32 to index
      %get3A_100 = arith.constant 0 : index
      %get3A_101 = tpu.vector_load %arg6[%get3A, %get3A_100] {strides = array<i32>} : memref<64x768xf32, #tpu.memory_space<vmem>>, vector<16xf32>,
      %mul3A_102 = arith.mulf %get3A_101, %gather3A : vector<16xf32>
      %swap3A = arith.index_cast %scan3A_96 : i32 to index
      %swap3A_103 = arith.constant 0 : index
      %swap3A_104 = tpu.vector_load %arg6[%swap3A, %swap3A_103] {strides = array<i32>} : memref<64x768xf32, #tpu.memory_space<vmem>>, vector<16xf32>,
      tpu.vector_store %arg6[%swap3A, %swap3A_103], %mul3A_102 {strides = array<i32>} : memref<64x768xf32, #tpu.memory_space<vmem>>, vector<16xf32>,
      %get3A_105 = arith.index_cast %scan3A_96 : i32 to index
      %get3A_106 = arith.constant 16 : index
      %get3A_107 = tpu.vector_load %arg6[%get3A_105, %get3A_106] {strides = array<i32>} : memref<64x768xf32, #tpu.memory_space<vmem>>, vector<16xf32>,
      %mul3A_108 = arith.mulf %get3A_107, %gather3A : vector<16xf32>
      %swap3A_109 = arith.index_cast %scan3A_96 : i32 to index
      %swap3A_110 = arith.constant 16 : index
      %swap3A_111 = tpu.vector_load %arg6[%swap3A_109, %swap3A_110] {strides = array<i32>} : memref<64x768xf32, #tpu.memory_space<vmem>>, vector<16xf32>,
      tpu.vector_store %arg6[%swap3A_109, %swap3A_110], %mul3A_108 {strides = array<i32>} : memref<64x768xf32, #tpu.memory_space<vmem>>, vector<16xf32>,
      %get3A_112 = arith.index_cast %scan3A_96 : i32 to index
      %get3A_113 = arith.constant 32 : index
      %get3A_114 = tpu.vector_load %arg6[%get3A_112, %get3A_113] {strides = array<i32>} : memref<64x768xf32, #tpu.memory_space<vmem>>, vector<16xf32>,
      %mul3A_115 = arith.mulf %get3A_114, %gather3A : vector<16xf32>
      %swap3A_116 = arith.index_cast %scan3A_96 : i32 to index
      %swap3A_117 = arith.constant 32 : index
      %swap3A_118 = tpu.vector_load %arg6[%swap3A_116, %swap3A_117] {strides = array<i32>} : memref<64x768xf32, #tpu.memory_space<vmem>>, vector<16xf32>,
      tpu.vector_store %arg6[%swap3A_116, %swap3A_117], %mul3A_115 {strides = array<i32>} : memref<64x768xf32, #tpu.memory_space<vmem>>, vector<16xf32>,
      %get3A_119 = arith.index_cast %scan3A_96 : i32 to index
      %get3A_120 = arith.constant 48 : index
      %get3A_121 = tpu.vector_load %arg6[%get3A_119, %get3A_120] {strides = array<i32>} : memref<64x768xf32, #tpu.memory_space<vmem>>, vector<16xf32>,
      %mul3A_122 = arith.mulf %get3A_121, %gather3A : vector<16xf32>
      %swap3A_123 = arith.index_cast %scan3A_96 : i32 to index
      %swap3A_124 = arith.constant 48 : index
      %swap3A_125 = tpu.vector_load %arg6[%swap3A_123, %swap3A_124] {strides = array<i32>} : memref<64x768xf32, #tpu.memory_space<vmem>>, vector<16xf32>,
      tpu.vector_store %arg6[%swap3A_123, %swap3A_124], %mul3A_122 {strides = array<i32>} : memref<64x768xf32, #tpu.memory_space<vmem>>, vector<16xf32>,
      %get3A_126 = arith.index_cast %scan3A_96 : i32 to index
      %get3A_127 = arith.constant 64 : index
      %get3A_128 = tpu.vector_load %arg6[%get3A_126, %get3A_127] {strides = array<i32>} : memref<64x768xf32, #tpu.memory_space<vmem>>, vector<16xf32>,
      %mul3A_129 = arith.mulf %get3A_128, %gather3A : vector<16xf32>
      %swap3A_130 = arith.index_cast %scan3A_96 : i32 to index
      %swap3A_131 = arith.constant 64 : index
      %swap3A_132 = tpu.vector_load %arg6[%swap3A_130, %swap3A_131] {strides = array<i32>} : memref<64x768xf32, #tpu.memory_space<vmem>>, vector<16xf32>,
      tpu.vector_store %arg6[%swap3A_130, %swap3A_131], %mul3A_129 {strides = array<i32>} : memref<64x768xf32, #tpu.memory_space<vmem>>, vector<16xf32>,
      %get3A_133 = arith.index_cast %scan3A_96 : i32 to index
      %get3A_134 = arith.constant 80 : index
      %get3A_135 = tpu.vector_load %arg6[%get3A_133, %get3A_134] {strides = array<i32>} : memref<64x768xf32, #tpu.memory_space<vmem>>, vector<16xf32>,
      %mul3A_136 = arith.mulf %get3A_135, %gather3A : vector<16xf32>
      %swap3A_137 = arith.index_cast %scan3A_96 : i32 to index
      %swap3A_138 = arith.constant 80 : index
      %swap3A_139 = tpu.vector_load %arg6[%swap3A_137, %swap3A_138] {strides = array<i32>} : memref<64x768xf32, #tpu.memory_space<vmem>>, vector<16xf32>,
      tpu.vector_store %arg6[%swap3A_137, %swap3A_138], %mul3A_136 {strides = array<i32>} : memref<64x768xf32, #tpu.memory_space<vmem>>, vector<16xf32>,
      %get3A_140 = arith.index_cast %scan3A_96 : i32 to index
      %get3A_141 = arith.constant 96 : index
      %get3A_142 = tpu.vector_load %arg6[%get3A_140, %get3A_141] {strides = array<i32>} : memref<64x768xf32, #tpu.memory_space<vmem>>, vector<16xf32>,
      %mul3A_143 = arith.mulf %get3A_142, %gather3A : vector<16xf32>
      %swap3A_144 = arith.index_cast %scan3A_96 : i32 to index
      %swap3A_145 = arith.constant 96 : index
      %swap3A_146 = tpu.vector_load %arg6[%swap3A_144, %swap3A_145] {strides = array<i32>} : memref<64x768xf32, #tpu.memory_space<vmem>>, vector<16xf32>,
      tpu.vector_store %arg6[%swap3A_144, %swap3A_145], %mul3A_143 {strides = array<i32>} : memref<64x768xf32, #tpu.memory_space<vmem>>, vector<16xf32>,
      %get3A_147 = arith.index_cast %scan3A_96 : i32 to index
      %get3A_148 = arith.constant 112 : index
      %get3A_149 = tpu.vector_load %arg6[%get3A_147, %get3A_148] {strides = array<i32>} : memref<64x768xf32, #tpu.memory_space<vmem>>, vector<16xf32>,
      %mul3A_150 = arith.mulf %get3A_149, %gather3A : vector<16xf32>
      %swap3A_151 = arith.index_cast %scan3A_96 : i32 to index
      %swap3A_152 = arith.constant 112 : index
      %swap3A_153 = tpu.vector_load %arg6[%swap3A_151, %swap3A_152] {strides = array<i32>} : memref<64x768xf32, #tpu.memory_space<vmem>>, vector<16xf32>,
      tpu.vector_store %arg6[%swap3A_151, %swap3A_152], %mul3A_150 {strides = array<i32>} : memref<64x768xf32, #tpu.memory_space<vmem>>, vector<16xf32>,
      %get3A_154 = arith.index_cast %scan3A_96 : i32 to index
      %get3A_155 = arith.constant 128 : index
      %get3A_156 = tpu.vector_load %arg6[%get3A_154, %get3A_155] {strides = array<i32>} : memref<64x768xf32, #tpu.memory_space<vmem>>, vector<16xf32>,
      %mul3A_157 = arith.mulf %get3A_156, %gather3A : vector<16xf32>
      %swap3A_158 = arith.index_cast %scan3A_96 : i32 to index
      %swap3A_159 = arith.constant 128 : index
      %swap3A_160 = tpu.vector_load %arg6[%swap3A_158, %swap3A_159] {strides = array<i32>} : memref<64x768xf32, #tpu.memory_space<vmem>>, vector<16xf32>,
      tpu.vector_store %arg6[%swap3A_158, %swap3A_159], %mul3A_157 {strides = array<i32>} : memref<64x768xf32, #tpu.memory_space<vmem>>, vector<16xf32>,
      %get3A_161 = arith.index_cast %scan3A_96 : i32 to index
      %get3A_162 = arith.constant 144 : index
      %get3A_163 = tpu.vector_load %arg6[%get3A_161, %get3A_162] {strides = array<i32>} : memref<64x768xf32, #tpu.memory_space<vmem>>, vector<16xf32>,
      %mul3A_164 = arith.mulf %get3A_163, %gather3A : vector<16xf32>
      %swap3A_165 = arith.index_cast %scan3A_96 : i32 to index
      %swap3A_166 = arith.constant 144 : index
      %swap3A_167 = tpu.vector_load %arg6[%swap3A_165, %swap3A_166] {strides = array<i32>} : memref<64x768xf32, #tpu.memory_space<vmem>>, vector<16xf32>,
      tpu.vector_store %arg6[%swap3A_165, %swap3A_166], %mul3A_164 {strides = array<i32>} : memref<64x768xf32, #tpu.memory_space<vmem>>, vector<16xf32>,
      %get3A_168 = arith.index_cast %scan3A_96 : i32 to index
      %get3A_169 = arith.constant 160 : index
      %get3A_170 = tpu.vector_load %arg6[%get3A_168, %get3A_169] {strides = array<i32>} : memref<64x768xf32, #tpu.memory_space<vmem>>, vector<16xf32>,
      %mul3A_171 = arith.mulf %get3A_170, %gather3A : vector<16xf32>
      %swap3A_172 = arith.index_cast %scan3A_96 : i32 to index
      %swap3A_173 = arith.constant 160 : index
      %swap3A_174 = tpu.vector_load %arg6[%swap3A_172, %swap3A_173] {strides = array<i32>} : memref<64x768xf32, #tpu.memory_space<vmem>>, vector<16xf32>,
      tpu.vector_store %arg6[%swap3A_172, %swap3A_173], %mul3A_171 {strides = array<i32>} : memref<64x768xf32, #tpu.memory_space<vmem>>, vector<16xf32>,
      %get3A_175 = arith.index_cast %scan3A_96 : i32 to index
      %get3A_176 = arith.constant 176 : index
      %get3A_177 = tpu.vector_load %arg6[%get3A_175, %get3A_176] {strides = array<i32>} : memref<64x768xf32, #tpu.memory_space<vmem>>, vector<16xf32>,
      %mul3A_178 = arith.mulf %get3A_177, %gather3A : vector<16xf32>
      %swap3A_179 = arith.index_cast %scan3A_96 : i32 to index
      %swap3A_180 = arith.constant 176 : index
      %swap3A_181 = tpu.vector_load %arg6[%swap3A_179, %swap3A_180] {strides = array<i32>} : memref<64x768xf32, #tpu.memory_space<vmem>>, vector<16xf32>,
      tpu.vector_store %arg6[%swap3A_179, %swap3A_180], %mul3A_178 {strides = array<i32>} : memref<64x768xf32, #tpu.memory_space<vmem>>, vector<16xf32>,
      %get3A_182 = arith.index_cast %scan3A_96 : i32 to index
      %get3A_183 = arith.constant 192 : index
      %get3A_184 = tpu.vector_load %arg6[%get3A_182, %get3A_183] {strides = array<i32>} : memref<64x768xf32, #tpu.memory_space<vmem>>, vector<16xf32>,
      %mul3A_185 = arith.mulf %get3A_184, %gather3A : vector<16xf32>
      %swap3A_186 = arith.index_cast %scan3A_96 : i32 to index
      %swap3A_187 = arith.constant 192 : index
      %swap3A_188 = tpu.vector_load %arg6[%swap3A_186, %swap3A_187] {strides = array<i32>} : memref<64x768xf32, #tpu.memory_space<vmem>>, vector<16xf32>,
      tpu.vector_store %arg6[%swap3A_186, %swap3A_187], %mul3A_185 {strides = array<i32>} : memref<64x768xf32, #tpu.memory_space<vmem>>, vector<16xf32>,
      %get3A_189 = arith.index_cast %scan3A_96 : i32 to index
      %get3A_190 = arith.constant 208 : index
      %get3A_191 = tpu.vector_load %arg6[%get3A_189, %get3A_190] {strides = array<i32>} : memref<64x768xf32, #tpu.memory_space<vmem>>, vector<16xf32>,
      %mul3A_192 = arith.mulf %get3A_191, %gather3A : vector<16xf32>
      %swap3A_193 = arith.index_cast %scan3A_96 : i32 to index
      %swap3A_194 = arith.constant 208 : index
      %swap3A_195 = tpu.vector_load %arg6[%swap3A_193, %swap3A_194] {strides = array<i32>} : memref<64x768xf32, #tpu.memory_space<vmem>>, vector<16xf32>,
      tpu.vector_store %arg6[%swap3A_193, %swap3A_194], %mul3A_192 {strides = array<i32>} : memref<64x768xf32, #tpu.memory_space<vmem>>, vector<16xf32>,
      %get3A_196 = arith.index_cast %scan3A_96 : i32 to index
      %get3A_197 = arith.constant 224 : index
      %get3A_198 = tpu.vector_load %arg6[%get3A_196, %get3A_197] {strides = array<i32>} : memref<64x768xf32, #tpu.memory_space<vmem>>, vector<16xf32>,
      %mul3A_199 = arith.mulf %get3A_198, %gather3A : vector<16xf32>
      %swap3A_200 = arith.index_cast %scan3A_96 : i32 to index
      %swap3A_201 = arith.constant 224 : index
      %swap3A_202 = tpu.vector_load %arg6[%swap3A_200, %swap3A_201] {strides = array<i32>} : memref<64x768xf32, #tpu.memory_space<vmem>>, vector<16xf32>,
      tpu.vector_store %arg6[%swap3A_200, %swap3A_201], %mul3A_199 {strides = array<i32>} : memref<64x768xf32, #tpu.memory_space<vmem>>, vector<16xf32>,
      %get3A_203 = arith.index_cast %scan3A_96 : i32 to index
      %get3A_204 = arith.constant 240 : index
      %get3A_205 = tpu.vector_load %arg6[%get3A_203, %get3A_204] {strides = array<i32>} : memref<64x768xf32, #tpu.memory_space<vmem>>, vector<16xf32>,
      %mul3A_206 = arith.mulf %get3A_205, %gather3A : vector<16xf32>
      %swap3A_207 = arith.index_cast %scan3A_96 : i32 to index
      %swap3A_208 = arith.constant 240 : index
      %swap3A_209 = tpu.vector_load %arg6[%swap3A_207, %swap3A_208] {strides = array<i32>} : memref<64x768xf32, #tpu.memory_space<vmem>>, vector<16xf32>,
      tpu.vector_store %arg6[%swap3A_207, %swap3A_208], %mul3A_206 {strides = array<i32>} : memref<64x768xf32, #tpu.memory_space<vmem>>, vector<16xf32>,
      %get3A_210 = arith.index_cast %scan3A_96 : i32 to index
      %get3A_211 = arith.constant 256 : index
      %get3A_212 = tpu.vector_load %arg6[%get3A_210, %get3A_211] {strides = array<i32>} : memref<64x768xf32, #tpu.memory_space<vmem>>, vector<16xf32>,
      %mul3A_213 = arith.mulf %get3A_212, %gather3A : vector<16xf32>
      %swap3A_214 = arith.index_cast %scan3A_96 : i32 to index
      %swap3A_215 = arith.constant 256 : index
      %swap3A_216 = tpu.vector_load %arg6[%swap3A_214, %swap3A_215] {strides = array<i32>} : memref<64x768xf32, #tpu.memory_space<vmem>>, vector<16xf32>,
      tpu.vector_store %arg6[%swap3A_214, %swap3A_215], %mul3A_213 {strides = array<i32>} : memref<64x768xf32, #tpu.memory_space<vmem>>, vector<16xf32>,
      %get3A_217 = arith.index_cast %scan3A_96 : i32 to index
      %get3A_218 = arith.constant 272 : index
      %get3A_219 = tpu.vector_load %arg6[%get3A_217, %get3A_218] {strides = array<i32>} : memref<64x768xf32, #tpu.memory_space<vmem>>, vector<16xf32>,
      %mul3A_220 = arith.mulf %get3A_219, %gather3A : vector<16xf32>
      %swap3A_221 = arith.index_cast %scan3A_96 : i32 to index
      %swap3A_222 = arith.constant 272 : index
      %swap3A_223 = tpu.vector_load %arg6[%swap3A_221, %swap3A_222] {strides = array<i32>} : memref<64x768xf32, #tpu.memory_space<vmem>>, vector<16xf32>,
      tpu.vector_store %arg6[%swap3A_221, %swap3A_222], %mul3A_220 {strides = array<i32>} : memref<64x768xf32, #tpu.memory_space<vmem>>, vector<16xf32>,
      %get3A_224 = arith.index_cast %scan3A_96 : i32 to index
      %get3A_225 = arith.constant 288 : index
      %get3A_226 = tpu.vector_load %arg6[%get3A_224, %get3A_225] {strides = array<i32>} : memref<64x768xf32, #tpu.memory_space<vmem>>, vector<16xf32>,
      %mul3A_227 = arith.mulf %get3A_226, %gather3A : vector<16xf32>
      %swap3A_228 = arith.index_cast %scan3A_96 : i32 to index
      %swap3A_229 = arith.constant 288 : index
      %swap3A_230 = tpu.vector_load %arg6[%swap3A_228, %swap3A_229] {strides = array<i32>} : memref<64x768xf32, #tpu.memory_space<vmem>>, vector<16xf32>,
      tpu.vector_store %arg6[%swap3A_228, %swap3A_229], %mul3A_227 {strides = array<i32>} : memref<64x768xf32, #tpu.memory_space<vmem>>, vector<16xf32>,
      %get3A_231 = arith.index_cast %scan3A_96 : i32 to index
      %get3A_232 = arith.constant 304 : index
      %get3A_233 = tpu.vector_load %arg6[%get3A_231, %get3A_232] {strides = array<i32>} : memref<64x768xf32, #tpu.memory_space<vmem>>, vector<16xf32>,
      %mul3A_234 = arith.mulf %get3A_233, %gather3A : vector<16xf32>
      %swap3A_235 = arith.index_cast %scan3A_96 : i32 to index
      %swap3A_236 = arith.constant 304 : index
      %swap3A_237 = tpu.vector_load %arg6[%swap3A_235, %swap3A_236] {strides = array<i32>} : memref<64x768xf32, #tpu.memory_space<vmem>>, vector<16xf32>,
      tpu.vector_store %arg6[%swap3A_235, %swap3A_236], %mul3A_234 {strides = array<i32>} : memref<64x768xf32, #tpu.memory_space<vmem>>, vector<16xf32>,
      %get3A_238 = arith.index_cast %scan3A_96 : i32 to index
      %get3A_239 = arith.constant 320 : index
      %get3A_240 = tpu.vector_load %arg6[%get3A_238, %get3A_239] {strides = array<i32>} : memref<64x768xf32, #tpu.memory_space<vmem>>, vector<16xf32>,
      %mul3A_241 = arith.mulf %get3A_240, %gather3A : vector<16xf32>
      %swap3A_242 = arith.index_cast %scan3A_96 : i32 to index
      %swap3A_243 = arith.constant 320 : index
      %swap3A_244 = tpu.vector_load %arg6[%swap3A_242, %swap3A_243] {strides = array<i32>} : memref<64x768xf32, #tpu.memory_space<vmem>>, vector<16xf32>,
      tpu.vector_store %arg6[%swap3A_242, %swap3A_243], %mul3A_241 {strides = array<i32>} : memref<64x768xf32, #tpu.memory_space<vmem>>, vector<16xf32>,
      %get3A_245 = arith.index_cast %scan3A_96 : i32 to index
      %get3A_246 = arith.constant 336 : index
      %get3A_247 = tpu.vector_load %arg6[%get3A_245, %get3A_246] {strides = array<i32>} : memref<64x768xf32, #tpu.memory_space<vmem>>, vector<16xf32>,
      %mul3A_248 = arith.mulf %get3A_247, %gather3A : vector<16xf32>
      %swap3A_249 = arith.index_cast %scan3A_96 : i32 to index
      %swap3A_250 = arith.constant 336 : index
      %swap3A_251 = tpu.vector_load %arg6[%swap3A_249, %swap3A_250] {strides = array<i32>} : memref<64x768xf32, #tpu.memory_space<vmem>>, vector<16xf32>,
      tpu.vector_store %arg6[%swap3A_249, %swap3A_250], %mul3A_248 {strides = array<i32>} : memref<64x768xf32, #tpu.memory_space<vmem>>, vector<16xf32>,
      %get3A_252 = arith.index_cast %scan3A_96 : i32 to index
      %get3A_253 = arith.constant 352 : index
      %get3A_254 = tpu.vector_load %arg6[%get3A_252, %get3A_253] {strides = array<i32>} : memref<64x768xf32, #tpu.memory_space<vmem>>, vector<16xf32>,
      %mul3A_255 = arith.mulf %get3A_254, %gather3A : vector<16xf32>
      %swap3A_256 = arith.index_cast %scan3A_96 : i32 to index
      %swap3A_257 = arith.constant 352 : index
      %swap3A_258 = tpu.vector_load %arg6[%swap3A_256, %swap3A_257] {strides = array<i32>} : memref<64x768xf32, #tpu.memory_space<vmem>>, vector<16xf32>,
      tpu.vector_store %arg6[%swap3A_256, %swap3A_257], %mul3A_255 {strides = array<i32>} : memref<64x768xf32, #tpu.memory_space<vmem>>, vector<16xf32>,
      %get3A_259 = arith.index_cast %scan3A_96 : i32 to index
      %get3A_260 = arith.constant 368 : index
      %get3A_261 = tpu.vector_load %arg6[%get3A_259, %get3A_260] {strides = array<i32>} : memref<64x768xf32, #tpu.memory_space<vmem>>, vector<16xf32>,
      %mul3A_262 = arith.mulf %get3A_261, %gather3A : vector<16xf32>
      %swap3A_263 = arith.index_cast %scan3A_96 : i32 to index
      %swap3A_264 = arith.constant 368 : index
      %swap3A_265 = tpu.vector_load %arg6[%swap3A_263, %swap3A_264] {strides = array<i32>} : memref<64x768xf32, #tpu.memory_space<vmem>>, vector<16xf32>,
      tpu.vector_store %arg6[%swap3A_263, %swap3A_264], %mul3A_262 {strides = array<i32>} : memref<64x768xf32, #tpu.memory_space<vmem>>, vector<16xf32>,
      %get3A_266 = arith.index_cast %scan3A_96 : i32 to index
      %get3A_267 = arith.constant 384 : index
      %get3A_268 = tpu.vector_load %arg6[%get3A_266, %get3A_267] {strides = array<i32>} : memref<64x768xf32, #tpu.memory_space<vmem>>, vector<16xf32>,
      %mul3A_269 = arith.mulf %get3A_268, %gather3A : vector<16xf32>
      %swap3A_270 = arith.index_cast %scan3A_96 : i32 to index
      %swap3A_271 = arith.constant 384 : index
      %swap3A_272 = tpu.vector_load %arg6[%swap3A_270, %swap3A_271] {strides = array<i32>} : memref<64x768xf32, #tpu.memory_space<vmem>>, vector<16xf32>,
      tpu.vector_store %arg6[%swap3A_270, %swap3A_271], %mul3A_269 {strides = array<i32>} : memref<64x768xf32, #tpu.memory_space<vmem>>, vector<16xf32>,
      %get3A_273 = arith.index_cast %scan3A_96 : i32 to index
      %get3A_274 = arith.constant 400 : index
      %get3A_275 = tpu.vector_load %arg6[%get3A_273, %get3A_274] {strides = array<i32>} : memref<64x768xf32, #tpu.memory_space<vmem>>, vector<16xf32>,
      %mul3A_276 = arith.mulf %get3A_275, %gather3A : vector<16xf32>
      %swap3A_277 = arith.index_cast %scan3A_96 : i32 to index
      %swap3A_278 = arith.constant 400 : index
      %swap3A_279 = tpu.vector_load %arg6[%swap3A_277, %swap3A_278] {strides = array<i32>} : memref<64x768xf32, #tpu.memory_space<vmem>>, vector<16xf32>,
      tpu.vector_store %arg6[%swap3A_277, %swap3A_278], %mul3A_276 {strides = array<i32>} : memref<64x768xf32, #tpu.memory_space<vmem>>, vector<16xf32>,
      %get3A_280 = arith.index_cast %scan3A_96 : i32 to index
      %get3A_281 = arith.constant 416 : index
      %get3A_282 = tpu.vector_load %arg6[%get3A_280, %get3A_281] {strides = array<i32>} : memref<64x768xf32, #tpu.memory_space<vmem>>, vector<16xf32>,
      %mul3A_283 = arith.mulf %get3A_282, %gather3A : vector<16xf32>
      %swap3A_284 = arith.index_cast %scan3A_96 : i32 to index
      %swap3A_285 = arith.constant 416 : index
      %swap3A_286 = tpu.vector_load %arg6[%swap3A_284, %swap3A_285] {strides = array<i32>} : memref<64x768xf32, #tpu.memory_space<vmem>>, vector<16xf32>,
      tpu.vector_store %arg6[%swap3A_284, %swap3A_285], %mul3A_283 {strides = array<i32>} : memref<64x768xf32, #tpu.memory_space<vmem>>, vector<16xf32>,
      %get3A_287 = arith.index_cast %scan3A_96 : i32 to index
      %get3A_288 = arith.constant 432 : index
      %get3A_289 = tpu.vector_load %arg6[%get3A_287, %get3A_288] {strides = array<i32>} : memref<64x768xf32, #tpu.memory_space<vmem>>, vector<16xf32>,
      %mul3A_290 = arith.mulf %get3A_289, %gather3A : vector<16xf32>
      %swap3A_291 = arith.index_cast %scan3A_96 : i32 to index
      %swap3A_292 = arith.constant 432 : index
      %swap3A_293 = tpu.vector_load %arg6[%swap3A_291, %swap3A_292] {strides = array<i32>} : memref<64x768xf32, #tpu.memory_space<vmem>>, vector<16xf32>,
      tpu.vector_store %arg6[%swap3A_291, %swap3A_292], %mul3A_290 {strides = array<i32>} : memref<64x768xf32, #tpu.memory_space<vmem>>, vector<16xf32>,
      %get3A_294 = arith.index_cast %scan3A_96 : i32 to index
      %get3A_295 = arith.constant 448 : index
      %get3A_296 = tpu.vector_load %arg6[%get3A_294, %get3A_295] {strides = array<i32>} : memref<64x768xf32, #tpu.memory_space<vmem>>, vector<16xf32>,
      %mul3A_297 = arith.mulf %get3A_296, %gather3A : vector<16xf32>
      %swap3A_298 = arith.index_cast %scan3A_96 : i32 to index
      %swap3A_299 = arith.constant 448 : index
      %swap3A_300 = tpu.vector_load %arg6[%swap3A_298, %swap3A_299] {strides = array<i32>} : memref<64x768xf32, #tpu.memory_space<vmem>>, vector<16xf32>,
      tpu.vector_store %arg6[%swap3A_298, %swap3A_299], %mul3A_297 {strides = array<i32>} : memref<64x768xf32, #tpu.memory_space<vmem>>, vector<16xf32>,
      %get3A_301 = arith.index_cast %scan3A_96 : i32 to index
      %get3A_302 = arith.constant 464 : index
      %get3A_303 = tpu.vector_load %arg6[%get3A_301, %get3A_302] {strides = array<i32>} : memref<64x768xf32, #tpu.memory_space<vmem>>, vector<16xf32>,
      %mul3A_304 = arith.mulf %get3A_303, %gather3A : vector<16xf32>
      %swap3A_305 = arith.index_cast %scan3A_96 : i32 to index
      %swap3A_306 = arith.constant 464 : index
      %swap3A_307 = tpu.vector_load %arg6[%swap3A_305, %swap3A_306] {strides = array<i32>} : memref<64x768xf32, #tpu.memory_space<vmem>>, vector<16xf32>,
      tpu.vector_store %arg6[%swap3A_305, %swap3A_306], %mul3A_304 {strides = array<i32>} : memref<64x768xf32, #tpu.memory_space<vmem>>, vector<16xf32>,
      %get3A_308 = arith.index_cast %scan3A_96 : i32 to index
      %get3A_309 = arith.constant 480 : index
      %get3A_310 = tpu.vector_load %arg6[%get3A_308, %get3A_309] {strides = array<i32>} : memref<64x768xf32, #tpu.memory_space<vmem>>, vector<16xf32>,
      %mul3A_311 = arith.mulf %get3A_310, %gather3A : vector<16xf32>
      %swap3A_312 = arith.index_cast %scan3A_96 : i32 to index
      %swap3A_313 = arith.constant 480 : index
      %swap3A_314 = tpu.vector_load %arg6[%swap3A_312, %swap3A_313] {strides = array<i32>} : memref<64x768xf32, #tpu.memory_space<vmem>>, vector<16xf32>,
      tpu.vector_store %arg6[%swap3A_312, %swap3A_313], %mul3A_311 {strides = array<i32>} : memref<64x768xf32, #tpu.memory_space<vmem>>, vector<16xf32>,
      %get3A_315 = arith.index_cast %scan3A_96 : i32 to index
      %get3A_316 = arith.constant 496 : index
      %get3A_317 = tpu.vector_load %arg6[%get3A_315, %get3A_316] {strides = array<i32>} : memref<64x768xf32, #tpu.memory_space<vmem>>, vector<16xf32>,
      %mul3A_318 = arith.mulf %get3A_317, %gather3A : vector<16xf32>
      %swap3A_319 = arith.index_cast %scan3A_96 : i32 to index
      %swap3A_320 = arith.constant 496 : index
      %swap3A_321 = tpu.vector_load %arg6[%swap3A_319, %swap3A_320] {strides = array<i32>} : memref<64x768xf32, #tpu.memory_space<vmem>>, vector<16xf32>,
      tpu.vector_store %arg6[%swap3A_319, %swap3A_320], %mul3A_318 {strides = array<i32>} : memref<64x768xf32, #tpu.memory_space<vmem>>, vector<16xf32>,
      %get3A_322 = arith.index_cast %scan3A_96 : i32 to index
      %get3A_323 = arith.constant 512 : index
      %get3A_324 = tpu.vector_load %arg6[%get3A_322, %get3A_323] {strides = array<i32>} : memref<64x768xf32, #tpu.memory_space<vmem>>, vector<16xf32>,
      %mul3A_325 = arith.mulf %get3A_324, %gather3A : vector<16xf32>
      %swap3A_326 = arith.index_cast %scan3A_96 : i32 to index
      %swap3A_327 = arith.constant 512 : index
      %swap3A_328 = tpu.vector_load %arg6[%swap3A_326, %swap3A_327] {strides = array<i32>} : memref<64x768xf32, #tpu.memory_space<vmem>>, vector<16xf32>,
      tpu.vector_store %arg6[%swap3A_326, %swap3A_327], %mul3A_325 {strides = array<i32>} : memref<64x768xf32, #tpu.memory_space<vmem>>, vector<16xf32>,
      %get3A_329 = arith.index_cast %scan3A_96 : i32 to index
      %get3A_330 = arith.constant 528 : index
      %get3A_331 = tpu.vector_load %arg6[%get3A_329, %get3A_330] {strides = array<i32>} : memref<64x768xf32, #tpu.memory_space<vmem>>, vector<16xf32>,
      %mul3A_332 = arith.mulf %get3A_331, %gather3A : vector<16xf32>
      %swap3A_333 = arith.index_cast %scan3A_96 : i32 to index
      %swap3A_334 = arith.constant 528 : index
      %swap3A_335 = tpu.vector_load %arg6[%swap3A_333, %swap3A_334] {strides = array<i32>} : memref<64x768xf32, #tpu.memory_space<vmem>>, vector<16xf32>,
      tpu.vector_store %arg6[%swap3A_333, %swap3A_334], %mul3A_332 {strides = array<i32>} : memref<64x768xf32, #tpu.memory_space<vmem>>, vector<16xf32>,
      %get3A_336 = arith.index_cast %scan3A_96 : i32 to index
      %get3A_337 = arith.constant 544 : index
      %get3A_338 = tpu.vector_load %arg6[%get3A_336, %get3A_337] {strides = array<i32>} : memref<64x768xf32, #tpu.memory_space<vmem>>, vector<16xf32>,
      %mul3A_339 = arith.mulf %get3A_338, %gather3A : vector<16xf32>
      %swap3A_340 = arith.index_cast %scan3A_96 : i32 to index
      %swap3A_341 = arith.constant 544 : index
      %swap3A_342 = tpu.vector_load %arg6[%swap3A_340, %swap3A_341] {strides = array<i32>} : memref<64x768xf32, #tpu.memory_space<vmem>>, vector<16xf32>,
      tpu.vector_store %arg6[%swap3A_340, %swap3A_341], %mul3A_339 {strides = array<i32>} : memref<64x768xf32, #tpu.memory_space<vmem>>, vector<16xf32>,
      %get3A_343 = arith.index_cast %scan3A_96 : i32 to index
      %get3A_344 = arith.constant 560 : index
      %get3A_345 = tpu.vector_load %arg6[%get3A_343, %get3A_344] {strides = array<i32>} : memref<64x768xf32, #tpu.memory_space<vmem>>, vector<16xf32>,
      %mul3A_346 = arith.mulf %get3A_345, %gather3A : vector<16xf32>
      %swap3A_347 = arith.index_cast %scan3A_96 : i32 to index
      %swap3A_348 = arith.constant 560 : index
      %swap3A_349 = tpu.vector_load %arg6[%swap3A_347, %swap3A_348] {strides = array<i32>} : memref<64x768xf32, #tpu.memory_space<vmem>>, vector<16xf32>,
      tpu.vector_store %arg6[%swap3A_347, %swap3A_348], %mul3A_346 {strides = array<i32>} : memref<64x768xf32, #tpu.memory_space<vmem>>, vector<16xf32>,
      %get3A_350 = arith.index_cast %scan3A_96 : i32 to index
      %get3A_351 = arith.constant 576 : index
      %get3A_352 = tpu.vector_load %arg6[%get3A_350, %get3A_351] {strides = array<i32>} : memref<64x768xf32, #tpu.memory_space<vmem>>, vector<16xf32>,
      %mul3A_353 = arith.mulf %get3A_352, %gather3A : vector<16xf32>
      %swap3A_354 = arith.index_cast %scan3A_96 : i32 to index
      %swap3A_355 = arith.constant 576 : index
      %swap3A_356 = tpu.vector_load %arg6[%swap3A_354, %swap3A_355] {strides = array<i32>} : memref<64x768xf32, #tpu.memory_space<vmem>>, vector<16xf32>,
      tpu.vector_store %arg6[%swap3A_354, %swap3A_355], %mul3A_353 {strides = array<i32>} : memref<64x768xf32, #tpu.memory_space<vmem>>, vector<16xf32>,
      %get3A_357 = arith.index_cast %scan3A_96 : i32 to index
      %get3A_358 = arith.constant 592 : index
      %get3A_359 = tpu.vector_load %arg6[%get3A_357, %get3A_358] {strides = array<i32>} : memref<64x768xf32, #tpu.memory_space<vmem>>, vector<16xf32>,
      %mul3A_360 = arith.mulf %get3A_359, %gather3A : vector<16xf32>
      %swap3A_361 = arith.index_cast %scan3A_96 : i32 to index
      %swap3A_362 = arith.constant 592 : index
      %swap3A_363 = tpu.vector_load %arg6[%swap3A_361, %swap3A_362] {strides = array<i32>} : memref<64x768xf32, #tpu.memory_space<vmem>>, vector<16xf32>,
      tpu.vector_store %arg6[%swap3A_361, %swap3A_362], %mul3A_360 {strides = array<i32>} : memref<64x768xf32, #tpu.memory_space<vmem>>, vector<16xf32>,
      %get3A_364 = arith.index_cast %scan3A_96 : i32 to index
      %get3A_365 = arith.constant 608 : index
      %get3A_366 = tpu.vector_load %arg6[%get3A_364, %get3A_365] {strides = array<i32>} : memref<64x768xf32, #tpu.memory_space<vmem>>, vector<16xf32>,
      %mul3A_367 = arith.mulf %get3A_366, %gather3A : vector<16xf32>
      %swap3A_368 = arith.index_cast %scan3A_96 : i32 to index
      %swap3A_369 = arith.constant 608 : index
      %swap3A_370 = tpu.vector_load %arg6[%swap3A_368, %swap3A_369] {strides = array<i32>} : memref<64x768xf32, #tpu.memory_space<vmem>>, vector<16xf32>,
      tpu.vector_store %arg6[%swap3A_368, %swap3A_369], %mul3A_367 {strides = array<i32>} : memref<64x768xf32, #tpu.memory_space<vmem>>, vector<16xf32>,
      %get3A_371 = arith.index_cast %scan3A_96 : i32 to index
      %get3A_372 = arith.constant 624 : index
      %get3A_373 = tpu.vector_load %arg6[%get3A_371, %get3A_372] {strides = array<i32>} : memref<64x768xf32, #tpu.memory_space<vmem>>, vector<16xf32>,
      %mul3A_374 = arith.mulf %get3A_373, %gather3A : vector<16xf32>
      %swap3A_375 = arith.index_cast %scan3A_96 : i32 to index
      %swap3A_376 = arith.constant 624 : index
      %swap3A_377 = tpu.vector_load %arg6[%swap3A_375, %swap3A_376] {strides = array<i32>} : memref<64x768xf32, #tpu.memory_space<vmem>>, vector<16xf32>,
      tpu.vector_store %arg6[%swap3A_375, %swap3A_376], %mul3A_374 {strides = array<i32>} : memref<64x768xf32, #tpu.memory_space<vmem>>, vector<16xf32>,
      %get3A_378 = arith.index_cast %scan3A_96 : i32 to index
      %get3A_379 = arith.constant 640 : index
      %get3A_380 = tpu.vector_load %arg6[%get3A_378, %get3A_379] {strides = array<i32>} : memref<64x768xf32, #tpu.memory_space<vmem>>, vector<16xf32>,
      %mul3A_381 = arith.mulf %get3A_380, %gather3A : vector<16xf32>
      %swap3A_382 = arith.index_cast %scan3A_96 : i32 to index
      %swap3A_383 = arith.constant 640 : index
      %swap3A_384 = tpu.vector_load %arg6[%swap3A_382, %swap3A_383] {strides = array<i32>} : memref<64x768xf32, #tpu.memory_space<vmem>>, vector<16xf32>,
      tpu.vector_store %arg6[%swap3A_382, %swap3A_383], %mul3A_381 {strides = array<i32>} : memref<64x768xf32, #tpu.memory_space<vmem>>, vector<16xf32>,
      %get3A_385 = arith.index_cast %scan3A_96 : i32 to index
      %get3A_386 = arith.constant 656 : index
      %get3A_387 = tpu.vector_load %arg6[%get3A_385, %get3A_386] {strides = array<i32>} : memref<64x768xf32, #tpu.memory_space<vmem>>, vector<16xf32>,
      %mul3A_388 = arith.mulf %get3A_387, %gather3A : vector<16xf32>
      %swap3A_389 = arith.index_cast %scan3A_96 : i32 to index
      %swap3A_390 = arith.constant 656 : index
      %swap3A_391 = tpu.vector_load %arg6[%swap3A_389, %swap3A_390] {strides = array<i32>} : memref<64x768xf32, #tpu.memory_space<vmem>>, vector<16xf32>,
      tpu.vector_store %arg6[%swap3A_389, %swap3A_390], %mul3A_388 {strides = array<i32>} : memref<64x768xf32, #tpu.memory_space<vmem>>, vector<16xf32>,
      %get3A_392 = arith.index_cast %scan3A_96 : i32 to index
      %get3A_393 = arith.constant 672 : index
      %get3A_394 = tpu.vector_load %arg6[%get3A_392, %get3A_393] {strides = array<i32>} : memref<64x768xf32, #tpu.memory_space<vmem>>, vector<16xf32>,
      %mul3A_395 = arith.mulf %get3A_394, %gather3A : vector<16xf32>
      %swap3A_396 = arith.index_cast %scan3A_96 : i32 to index
      %swap3A_397 = arith.constant 672 : index
      %swap3A_398 = tpu.vector_load %arg6[%swap3A_396, %swap3A_397] {strides = array<i32>} : memref<64x768xf32, #tpu.memory_space<vmem>>, vector<16xf32>,
      tpu.vector_store %arg6[%swap3A_396, %swap3A_397], %mul3A_395 {strides = array<i32>} : memref<64x768xf32, #tpu.memory_space<vmem>>, vector<16xf32>,
      %get3A_399 = arith.index_cast %scan3A_96 : i32 to index
      %get3A_400 = arith.constant 688 : index
      %get3A_401 = tpu.vector_load %arg6[%get3A_399, %get3A_400] {strides = array<i32>} : memref<64x768xf32, #tpu.memory_space<vmem>>, vector<16xf32>,
      %mul3A_402 = arith.mulf %get3A_401, %gather3A : vector<16xf32>
      %swap3A_403 = arith.index_cast %scan3A_96 : i32 to index
      %swap3A_404 = arith.constant 688 : index
      %swap3A_405 = tpu.vector_load %arg6[%swap3A_403, %swap3A_404] {strides = array<i32>} : memref<64x768xf32, #tpu.memory_space<vmem>>, vector<16xf32>,
      tpu.vector_store %arg6[%swap3A_403, %swap3A_404], %mul3A_402 {strides = array<i32>} : memref<64x768xf32, #tpu.memory_space<vmem>>, vector<16xf32>,
      %get3A_406 = arith.index_cast %scan3A_96 : i32 to index
      %get3A_407 = arith.constant 704 : index
      %get3A_408 = tpu.vector_load %arg6[%get3A_406, %get3A_407] {strides = array<i32>} : memref<64x768xf32, #tpu.memory_space<vmem>>, vector<16xf32>,
      %mul3A_409 = arith.mulf %get3A_408, %gather3A : vector<16xf32>
      %swap3A_410 = arith.index_cast %scan3A_96 : i32 to index
      %swap3A_411 = arith.constant 704 : index
      %swap3A_412 = tpu.vector_load %arg6[%swap3A_410, %swap3A_411] {strides = array<i32>} : memref<64x768xf32, #tpu.memory_space<vmem>>, vector<16xf32>,
      tpu.vector_store %arg6[%swap3A_410, %swap3A_411], %mul3A_409 {strides = array<i32>} : memref<64x768xf32, #tpu.memory_space<vmem>>, vector<16xf32>,
      %get3A_413 = arith.index_cast %scan3A_96 : i32 to index
      %get3A_414 = arith.constant 720 : index
      %get3A_415 = tpu.vector_load %arg6[%get3A_413, %get3A_414] {strides = array<i32>} : memref<64x768xf32, #tpu.memory_space<vmem>>, vector<16xf32>,
      %mul3A_416 = arith.mulf %get3A_415, %gather3A : vector<16xf32>
      %swap3A_417 = arith.index_cast %scan3A_96 : i32 to index
      %swap3A_418 = arith.constant 720 : index
      %swap3A_419 = tpu.vector_load %arg6[%swap3A_417, %swap3A_418] {strides = array<i32>} : memref<64x768xf32, #tpu.memory_space<vmem>>, vector<16xf32>,
      tpu.vector_store %arg6[%swap3A_417, %swap3A_418], %mul3A_416 {strides = array<i32>} : memref<64x768xf32, #tpu.memory_space<vmem>>, vector<16xf32>,
      %get3A_420 = arith.index_cast %scan3A_96 : i32 to index
      %get3A_421 = arith.constant 736 : index
      %get3A_422 = tpu.vector_load %arg6[%get3A_420, %get3A_421] {strides = array<i32>} : memref<64x768xf32, #tpu.memory_space<vmem>>, vector<16xf32>,
      %mul3A_423 = arith.mulf %get3A_422, %gather3A : vector<16xf32>
      %swap3A_424 = arith.index_cast %scan3A_96 : i32 to index
      %swap3A_425 = arith.constant 736 : index
      %swap3A_426 = tpu.vector_load %arg6[%swap3A_424, %swap3A_425] {strides = array<i32>} : memref<64x768xf32, #tpu.memory_space<vmem>>, vector<16xf32>,
      tpu.vector_store %arg6[%swap3A_424, %swap3A_425], %mul3A_423 {strides = array<i32>} : memref<64x768xf32, #tpu.memory_space<vmem>>, vector<16xf32>,
      %get3A_427 = arith.index_cast %scan3A_96 : i32 to index
      %get3A_428 = arith.constant 752 : index
      %get3A_429 = tpu.vector_load %arg6[%get3A_427, %get3A_428] {strides = array<i32>} : memref<64x768xf32, #tpu.memory_space<vmem>>, vector<16xf32>,
      %mul3A_430 = arith.mulf %get3A_429, %gather3A : vector<16xf32>
      %swap3A_431 = arith.index_cast %scan3A_96 : i32 to index
      %swap3A_432 = arith.constant 752 : index
      %swap3A_433 = tpu.vector_load %arg6[%swap3A_431, %swap3A_432] {strides = array<i32>} : memref<64x768xf32, #tpu.memory_space<vmem>>, vector<16xf32>,
      tpu.vector_store %arg6[%swap3A_431, %swap3A_432], %mul3A_430 {strides = array<i32>} : memref<64x768xf32, #tpu.memory_space<vmem>>, vector<16xf32>,
    }
    %scan3A_27 = arith.constant 64 : i32
    %add3A_28 = arith.constant 0 : i32
    %add3A_29 = arith.addi %mul3A_2, %add3A_28 : i32
    "tpu.region"() ({
      %run_scoped3A = tpu.sem_alloc : memref<!tpu.dma_semaphore, #tpu.memory_space<semaphore_mem>>
      %dma_start3A_96 = arith.constant 0 : i32
      %dma_start3A_97 = tpu.memref_slice %arg5[%add3A_29, %dma_start3A_96] : memref<8192x768xf32, #tpu.memory_space<hbm>> -> memref<64x768xf32, #tpu.memory_space<hbm>>
      %dma_start3A_98 = arith.constant 0 : i32
      %dma_start3A_99 = tpu.memref_slice %arg5[%add3A_29, %dma_start3A_98] : memref<8192x768xf32, #tpu.memory_space<hbm>> -> memref<64x768xf32, #tpu.memory_space<hbm>>
      tpu.enqueue_dma source(%arg6 : memref<64x768xf32, #tpu.memory_space<vmem>>) target(%dma_start3A_99 : memref<64x768xf32, #tpu.memory_space<hbm>>) target_semaphore(%run_scoped3A : memref<!tpu.dma_semaphore, #tpu.memory_space<semaphore_mem>>)
      %dma_wait3A_100 = arith.constant 0 : i32
      %dma_wait3A_101 = tpu.memref_slice %arg5[%add3A_29, %dma_wait3A_100] : memref<8192x768xf32, #tpu.memory_space<hbm>> -> memref<64x768xf32, #tpu.memory_space<hbm>>
      %dma_wait3A_102 = arith.constant 0 : i32
      %dma_wait3A_103 = tpu.memref_slice %arg5[%add3A_29, %dma_wait3A_102] : memref<8192x768xf32, #tpu.memory_space<hbm>> -> memref<64x768xf32, #tpu.memory_space<hbm>>
      tpu.wait_dma2 semaphore(%run_scoped3A : memref<!tpu.dma_semaphore, #tpu.memory_space<semaphore_mem>>) src(%arg6 : memref<64x768xf32, #tpu.memory_space<vmem>>) dst(%dma_wait3A_103 : memref<64x768xf32, #tpu.memory_space<hbm>>)
      tpu.yield
    }) : () -> ()
    %dma_wait3A_30 = tpu.memref_slice %arg3[%add3A_12] : memref<8192xi32, #tpu.memory_space<hbm>> -> memref<64xi32, #tpu.memory_space<hbm>>
    %dma_wait3A_31 = tpu.memref_slice %arg3[%add3A_12] : memref<8192xi32, #tpu.memory_space<hbm>> -> memref<64xi32, #tpu.memory_space<hbm>>
    tpu.wait_dma2 semaphore(%arg12 : memref<!tpu.dma_semaphore, #tpu.memory_space<semaphore_mem>>) src(%dma_wait3A_31 : memref<64xi32, #tpu.memory_space<hbm>>) dst(%arg8 : memref<64xi32, #tpu.memory_space<vmem>>)
    %dma_wait3A_32 = tpu.memref_slice %arg4[%add3A_12] : memref<8192xf32, #tpu.memory_space<hbm>> -> memref<64xf32, #tpu.memory_space<hbm>>
    %dma_wait3A_33 = tpu.memref_slice %arg4[%add3A_12] : memref<8192xf32, #tpu.memory_space<hbm>> -> memref<64xf32, #tpu.memory_space<hbm>>
    tpu.wait_dma2 semaphore(%arg14 : memref<!tpu.dma_semaphore, #tpu.memory_space<semaphore_mem>>) src(%dma_wait3A_33 : memref<64xf32, #tpu.memory_space<hbm>>) dst(%arg10 : memref<64xf32, #tpu.memory_space<vmem>>)
    %add3A_34 = arith.constant 128 : i32
    %add3A_35 = arith.addi %mul3A_2, %add3A_34 : i32
    %dma_start3A_36 = tpu.memref_slice %arg3[%add3A_35] : memref<8192xi32, #tpu.memory_space<hbm>> -> memref<64xi32, #tpu.memory_space<hbm>>
    %dma_start3A_37 = tpu.memref_slice %arg3[%add3A_35] : memref<8192xi32, #tpu.memory_space<hbm>> -> memref<64xi32, #tpu.memory_space<hbm>>
    tpu.enqueue_dma source(%dma_start3A_37 : memref<64xi32, #tpu.memory_space<hbm>>) target(%arg7 : memref<64xi32, #tpu.memory_space<vmem>>) target_semaphore(%arg11 : memref<!tpu.dma_semaphore, #tpu.memory_space<semaphore_mem>>)
    %dma_start3A_38 = tpu.memref_slice %arg4[%add3A_35] : memref<8192xf32, #tpu.memory_space<hbm>> -> memref<64xf32, #tpu.memory_space<hbm>>
    %dma_start3A_39 = tpu.memref_slice %arg4[%add3A_35] : memref<8192xf32, #tpu.memory_space<hbm>> -> memref<64xf32, #tpu.memory_space<hbm>>
    tpu.enqueue_dma source(%dma_start3A_39 : memref<64xf32, #tpu.memory_space<hbm>>) target(%arg9 : memref<64xf32, #tpu.memory_space<vmem>>) target_semaphore(%arg13 : memref<!tpu.dma_semaphore, #tpu.memory_space<semaphore_mem>>)
    %dma_start3A_40 = arith.constant 0 : i32
    %dma_start3A_41 = arith.constant 0 : i32
    %dma_start3A_42 = tpu.memref_slice %arg2[%dma_start3A_40, %dma_start3A_41] : memref<24576x768xf32, #tpu.memory_space<hbm>> -> memref<24576x768xf32, #tpu.memory_space<hbm>>
    tpu.enqueue_indirect_dma source(%dma_start3A_42 : memref<24576x768xf32, #tpu.memory_space<hbm>>) target(%arg6 : memref<64x768xf32, #tpu.memory_space<vmem>>) offsets(%arg8 : memref<64xi32, #tpu.memory_space<vmem>>) semaphore(%arg15 : memref<!tpu.dma_semaphore, #tpu.memory_space<semaphore_mem>>)
    %dma_wait3A_43 = arith.constant 0 : i32
    %dma_wait3A_44 = arith.constant 0 : i32
    %dma_wait3A_45 = tpu.memref_slice %arg2[%dma_wait3A_43, %dma_wait3A_44] : memref<24576x768xf32, #tpu.memory_space<hbm>> -> memref<24576x768xf32, #tpu.memory_space<hbm>>
    tpu.wait_indirect_dma semaphore(%arg15 : memref<!tpu.dma_semaphore, #tpu.memory_space<semaphore_mem>>) src(%dma_wait3A_45 : memref<24576x768xf32, #tpu.memory_space<hbm>>) dst(%arg6 : memref<64x768xf32, #tpu.memory_space<vmem>>)
    %scan3A_46 = arith.constant 0 : i32
    %scan3A_47 = arith.constant 0 : i32
    %scan3A_48 = arith.constant 64 : i32
    %scan3A_49 = arith.addi %scan3A_47, %scan3A_48 : i32
    %scan3A_50 = arith.constant 1 : i32
    scf.for %scan3A_96 = %scan3A_47 to %scan3A_49 step %scan3A_50  : i32 {
      %broadcast_in_dim3A = arith.constant 0 : i32
      %broadcast_in_dim3A_97 = vector.broadcast %broadcast_in_dim3A : i32 to vector<16xi32>
      %add3A_98 = vector.broadcast %scan3A_96 : i32 to vector<16xi32>
      %add3A_99 = arith.addi %broadcast_in_dim3A_97, %add3A_98 : vector<16xi32>
      %gather3A = tpu.vector_load_idx %arg10[%add3A_99] : memref<64xf32, #tpu.memory_space<vmem>>[vector<16xi32>], vector<16xf32>,
      %get3A = arith.index_cast %scan3A_96 : i32 to index
      %get3A_100 = arith.constant 0 : index
      %get3A_101 = tpu.vector_load %arg6[%get3A, %get3A_100] {strides = array<i32>} : memref<64x768xf32, #tpu.memory_space<vmem>>, vector<16xf32>,
      %mul3A_102 = arith.mulf %get3A_101, %gather3A : vector<16xf32>
      %swap3A = arith.index_cast %scan3A_96 : i32 to index
      %swap3A_103 = arith.constant 0 : index
      %swap3A_104 = tpu.vector_load %arg6[%swap3A, %swap3A_103] {strides = array<i32>} : memref<64x768xf32, #tpu.memory_space<vmem>>, vector<16xf32>,
      tpu.vector_store %arg6[%swap3A, %swap3A_103], %mul3A_102 {strides = array<i32>} : memref<64x768xf32, #tpu.memory_space<vmem>>, vector<16xf32>,
      %get3A_105 = arith.index_cast %scan3A_96 : i32 to index
      %get3A_106 = arith.constant 16 : index
      %get3A_107 = tpu.vector_load %arg6[%get3A_105, %get3A_106] {strides = array<i32>} : memref<64x768xf32, #tpu.memory_space<vmem>>, vector<16xf32>,
      %mul3A_108 = arith.mulf %get3A_107, %gather3A : vector<16xf32>
      %swap3A_109 = arith.index_cast %scan3A_96 : i32 to index
      %swap3A_110 = arith.constant 16 : index
      %swap3A_111 = tpu.vector_load %arg6[%swap3A_109, %swap3A_110] {strides = array<i32>} : memref<64x768xf32, #tpu.memory_space<vmem>>, vector<16xf32>,
      tpu.vector_store %arg6[%swap3A_109, %swap3A_110], %mul3A_108 {strides = array<i32>} : memref<64x768xf32, #tpu.memory_space<vmem>>, vector<16xf32>,
      %get3A_112 = arith.index_cast %scan3A_96 : i32 to index
      %get3A_113 = arith.constant 32 : index
      %get3A_114 = tpu.vector_load %arg6[%get3A_112, %get3A_113] {strides = array<i32>} : memref<64x768xf32, #tpu.memory_space<vmem>>, vector<16xf32>,
      %mul3A_115 = arith.mulf %get3A_114, %gather3A : vector<16xf32>
      %swap3A_116 = arith.index_cast %scan3A_96 : i32 to index
      %swap3A_117 = arith.constant 32 : index
      %swap3A_118 = tpu.vector_load %arg6[%swap3A_116, %swap3A_117] {strides = array<i32>} : memref<64x768xf32, #tpu.memory_space<vmem>>, vector<16xf32>,
      tpu.vector_store %arg6[%swap3A_116, %swap3A_117], %mul3A_115 {strides = array<i32>} : memref<64x768xf32, #tpu.memory_space<vmem>>, vector<16xf32>,
      %get3A_119 = arith.index_cast %scan3A_96 : i32 to index
      %get3A_120 = arith.constant 48 : index
      %get3A_121 = tpu.vector_load %arg6[%get3A_119, %get3A_120] {strides = array<i32>} : memref<64x768xf32, #tpu.memory_space<vmem>>, vector<16xf32>,
      %mul3A_122 = arith.mulf %get3A_121, %gather3A : vector<16xf32>
      %swap3A_123 = arith.index_cast %scan3A_96 : i32 to index
      %swap3A_124 = arith.constant 48 : index
      %swap3A_125 = tpu.vector_load %arg6[%swap3A_123, %swap3A_124] {strides = array<i32>} : memref<64x768xf32, #tpu.memory_space<vmem>>, vector<16xf32>,
      tpu.vector_store %arg6[%swap3A_123, %swap3A_124], %mul3A_122 {strides = array<i32>} : memref<64x768xf32, #tpu.memory_space<vmem>>, vector<16xf32>,
      %get3A_126 = arith.index_cast %scan3A_96 : i32 to index
      %get3A_127 = arith.constant 64 : index
      %get3A_128 = tpu.vector_load %arg6[%get3A_126, %get3A_127] {strides = array<i32>} : memref<64x768xf32, #tpu.memory_space<vmem>>, vector<16xf32>,
      %mul3A_129 = arith.mulf %get3A_128, %gather3A : vector<16xf32>
      %swap3A_130 = arith.index_cast %scan3A_96 : i32 to index
      %swap3A_131 = arith.constant 64 : index
      %swap3A_132 = tpu.vector_load %arg6[%swap3A_130, %swap3A_131] {strides = array<i32>} : memref<64x768xf32, #tpu.memory_space<vmem>>, vector<16xf32>,
      tpu.vector_store %arg6[%swap3A_130, %swap3A_131], %mul3A_129 {strides = array<i32>} : memref<64x768xf32, #tpu.memory_space<vmem>>, vector<16xf32>,
      %get3A_133 = arith.index_cast %scan3A_96 : i32 to index
      %get3A_134 = arith.constant 80 : index
      %get3A_135 = tpu.vector_load %arg6[%get3A_133, %get3A_134] {strides = array<i32>} : memref<64x768xf32, #tpu.memory_space<vmem>>, vector<16xf32>,
      %mul3A_136 = arith.mulf %get3A_135, %gather3A : vector<16xf32>
      %swap3A_137 = arith.index_cast %scan3A_96 : i32 to index
      %swap3A_138 = arith.constant 80 : index
      %swap3A_139 = tpu.vector_load %arg6[%swap3A_137, %swap3A_138] {strides = array<i32>} : memref<64x768xf32, #tpu.memory_space<vmem>>, vector<16xf32>,
      tpu.vector_store %arg6[%swap3A_137, %swap3A_138], %mul3A_136 {strides = array<i32>} : memref<64x768xf32, #tpu.memory_space<vmem>>, vector<16xf32>,
      %get3A_140 = arith.index_cast %scan3A_96 : i32 to index
      %get3A_141 = arith.constant 96 : index
      %get3A_142 = tpu.vector_load %arg6[%get3A_140, %get3A_141] {strides = array<i32>} : memref<64x768xf32, #tpu.memory_space<vmem>>, vector<16xf32>,
      %mul3A_143 = arith.mulf %get3A_142, %gather3A : vector<16xf32>
      %swap3A_144 = arith.index_cast %scan3A_96 : i32 to index
      %swap3A_145 = arith.constant 96 : index
      %swap3A_146 = tpu.vector_load %arg6[%swap3A_144, %swap3A_145] {strides = array<i32>} : memref<64x768xf32, #tpu.memory_space<vmem>>, vector<16xf32>,
      tpu.vector_store %arg6[%swap3A_144, %swap3A_145], %mul3A_143 {strides = array<i32>} : memref<64x768xf32, #tpu.memory_space<vmem>>, vector<16xf32>,
      %get3A_147 = arith.index_cast %scan3A_96 : i32 to index
      %get3A_148 = arith.constant 112 : index
      %get3A_149 = tpu.vector_load %arg6[%get3A_147, %get3A_148] {strides = array<i32>} : memref<64x768xf32, #tpu.memory_space<vmem>>, vector<16xf32>,
      %mul3A_150 = arith.mulf %get3A_149, %gather3A : vector<16xf32>
      %swap3A_151 = arith.index_cast %scan3A_96 : i32 to index
      %swap3A_152 = arith.constant 112 : index
      %swap3A_153 = tpu.vector_load %arg6[%swap3A_151, %swap3A_152] {strides = array<i32>} : memref<64x768xf32, #tpu.memory_space<vmem>>, vector<16xf32>,
      tpu.vector_store %arg6[%swap3A_151, %swap3A_152], %mul3A_150 {strides = array<i32>} : memref<64x768xf32, #tpu.memory_space<vmem>>, vector<16xf32>,
      %get3A_154 = arith.index_cast %scan3A_96 : i32 to index
      %get3A_155 = arith.constant 128 : index
      %get3A_156 = tpu.vector_load %arg6[%get3A_154, %get3A_155] {strides = array<i32>} : memref<64x768xf32, #tpu.memory_space<vmem>>, vector<16xf32>,
      %mul3A_157 = arith.mulf %get3A_156, %gather3A : vector<16xf32>
      %swap3A_158 = arith.index_cast %scan3A_96 : i32 to index
      %swap3A_159 = arith.constant 128 : index
      %swap3A_160 = tpu.vector_load %arg6[%swap3A_158, %swap3A_159] {strides = array<i32>} : memref<64x768xf32, #tpu.memory_space<vmem>>, vector<16xf32>,
      tpu.vector_store %arg6[%swap3A_158, %swap3A_159], %mul3A_157 {strides = array<i32>} : memref<64x768xf32, #tpu.memory_space<vmem>>, vector<16xf32>,
      %get3A_161 = arith.index_cast %scan3A_96 : i32 to index
      %get3A_162 = arith.constant 144 : index
      %get3A_163 = tpu.vector_load %arg6[%get3A_161, %get3A_162] {strides = array<i32>} : memref<64x768xf32, #tpu.memory_space<vmem>>, vector<16xf32>,
      %mul3A_164 = arith.mulf %get3A_163, %gather3A : vector<16xf32>
      %swap3A_165 = arith.index_cast %scan3A_96 : i32 to index
      %swap3A_166 = arith.constant 144 : index
      %swap3A_167 = tpu.vector_load %arg6[%swap3A_165, %swap3A_166] {strides = array<i32>} : memref<64x768xf32, #tpu.memory_space<vmem>>, vector<16xf32>,
      tpu.vector_store %arg6[%swap3A_165, %swap3A_166], %mul3A_164 {strides = array<i32>} : memref<64x768xf32, #tpu.memory_space<vmem>>, vector<16xf32>,
      %get3A_168 = arith.index_cast %scan3A_96 : i32 to index
      %get3A_169 = arith.constant 160 : index
      %get3A_170 = tpu.vector_load %arg6[%get3A_168, %get3A_169] {strides = array<i32>} : memref<64x768xf32, #tpu.memory_space<vmem>>, vector<16xf32>,
      %mul3A_171 = arith.mulf %get3A_170, %gather3A : vector<16xf32>
      %swap3A_172 = arith.index_cast %scan3A_96 : i32 to index
      %swap3A_173 = arith.constant 160 : index
      %swap3A_174 = tpu.vector_load %arg6[%swap3A_172, %swap3A_173] {strides = array<i32>} : memref<64x768xf32, #tpu.memory_space<vmem>>, vector<16xf32>,
      tpu.vector_store %arg6[%swap3A_172, %swap3A_173], %mul3A_171 {strides = array<i32>} : memref<64x768xf32, #tpu.memory_space<vmem>>, vector<16xf32>,
      %get3A_175 = arith.index_cast %scan3A_96 : i32 to index
      %get3A_176 = arith.constant 176 : index
      %get3A_177 = tpu.vector_load %arg6[%get3A_175, %get3A_176] {strides = array<i32>} : memref<64x768xf32, #tpu.memory_space<vmem>>, vector<16xf32>,
      %mul3A_178 = arith.mulf %get3A_177, %gather3A : vector<16xf32>
      %swap3A_179 = arith.index_cast %scan3A_96 : i32 to index
      %swap3A_180 = arith.constant 176 : index
      %swap3A_181 = tpu.vector_load %arg6[%swap3A_179, %swap3A_180] {strides = array<i32>} : memref<64x768xf32, #tpu.memory_space<vmem>>, vector<16xf32>,
      tpu.vector_store %arg6[%swap3A_179, %swap3A_180], %mul3A_178 {strides = array<i32>} : memref<64x768xf32, #tpu.memory_space<vmem>>, vector<16xf32>,
      %get3A_182 = arith.index_cast %scan3A_96 : i32 to index
      %get3A_183 = arith.constant 192 : index
      %get3A_184 = tpu.vector_load %arg6[%get3A_182, %get3A_183] {strides = array<i32>} : memref<64x768xf32, #tpu.memory_space<vmem>>, vector<16xf32>,
      %mul3A_185 = arith.mulf %get3A_184, %gather3A : vector<16xf32>
      %swap3A_186 = arith.index_cast %scan3A_96 : i32 to index
      %swap3A_187 = arith.constant 192 : index
      %swap3A_188 = tpu.vector_load %arg6[%swap3A_186, %swap3A_187] {strides = array<i32>} : memref<64x768xf32, #tpu.memory_space<vmem>>, vector<16xf32>,
      tpu.vector_store %arg6[%swap3A_186, %swap3A_187], %mul3A_185 {strides = array<i32>} : memref<64x768xf32, #tpu.memory_space<vmem>>, vector<16xf32>,
      %get3A_189 = arith.index_cast %scan3A_96 : i32 to index
      %get3A_190 = arith.constant 208 : index
      %get3A_191 = tpu.vector_load %arg6[%get3A_189, %get3A_190] {strides = array<i32>} : memref<64x768xf32, #tpu.memory_space<vmem>>, vector<16xf32>,
      %mul3A_192 = arith.mulf %get3A_191, %gather3A : vector<16xf32>
      %swap3A_193 = arith.index_cast %scan3A_96 : i32 to index
      %swap3A_194 = arith.constant 208 : index
      %swap3A_195 = tpu.vector_load %arg6[%swap3A_193, %swap3A_194] {strides = array<i32>} : memref<64x768xf32, #tpu.memory_space<vmem>>, vector<16xf32>,
      tpu.vector_store %arg6[%swap3A_193, %swap3A_194], %mul3A_192 {strides = array<i32>} : memref<64x768xf32, #tpu.memory_space<vmem>>, vector<16xf32>,
      %get3A_196 = arith.index_cast %scan3A_96 : i32 to index
      %get3A_197 = arith.constant 224 : index
      %get3A_198 = tpu.vector_load %arg6[%get3A_196, %get3A_197] {strides = array<i32>} : memref<64x768xf32, #tpu.memory_space<vmem>>, vector<16xf32>,
      %mul3A_199 = arith.mulf %get3A_198, %gather3A : vector<16xf32>
      %swap3A_200 = arith.index_cast %scan3A_96 : i32 to index
      %swap3A_201 = arith.constant 224 : index
      %swap3A_202 = tpu.vector_load %arg6[%swap3A_200, %swap3A_201] {strides = array<i32>} : memref<64x768xf32, #tpu.memory_space<vmem>>, vector<16xf32>,
      tpu.vector_store %arg6[%swap3A_200, %swap3A_201], %mul3A_199 {strides = array<i32>} : memref<64x768xf32, #tpu.memory_space<vmem>>, vector<16xf32>,
      %get3A_203 = arith.index_cast %scan3A_96 : i32 to index
      %get3A_204 = arith.constant 240 : index
      %get3A_205 = tpu.vector_load %arg6[%get3A_203, %get3A_204] {strides = array<i32>} : memref<64x768xf32, #tpu.memory_space<vmem>>, vector<16xf32>,
      %mul3A_206 = arith.mulf %get3A_205, %gather3A : vector<16xf32>
      %swap3A_207 = arith.index_cast %scan3A_96 : i32 to index
      %swap3A_208 = arith.constant 240 : index
      %swap3A_209 = tpu.vector_load %arg6[%swap3A_207, %swap3A_208] {strides = array<i32>} : memref<64x768xf32, #tpu.memory_space<vmem>>, vector<16xf32>,
      tpu.vector_store %arg6[%swap3A_207, %swap3A_208], %mul3A_206 {strides = array<i32>} : memref<64x768xf32, #tpu.memory_space<vmem>>, vector<16xf32>,
      %get3A_210 = arith.index_cast %scan3A_96 : i32 to index
      %get3A_211 = arith.constant 256 : index
      %get3A_212 = tpu.vector_load %arg6[%get3A_210, %get3A_211] {strides = array<i32>} : memref<64x768xf32, #tpu.memory_space<vmem>>, vector<16xf32>,
      %mul3A_213 = arith.mulf %get3A_212, %gather3A : vector<16xf32>
      %swap3A_214 = arith.index_cast %scan3A_96 : i32 to index
      %swap3A_215 = arith.constant 256 : index
      %swap3A_216 = tpu.vector_load %arg6[%swap3A_214, %swap3A_215] {strides = array<i32>} : memref<64x768xf32, #tpu.memory_space<vmem>>, vector<16xf32>,
      tpu.vector_store %arg6[%swap3A_214, %swap3A_215], %mul3A_213 {strides = array<i32>} : memref<64x768xf32, #tpu.memory_space<vmem>>, vector<16xf32>,
      %get3A_217 = arith.index_cast %scan3A_96 : i32 to index
      %get3A_218 = arith.constant 272 : index
      %get3A_219 = tpu.vector_load %arg6[%get3A_217, %get3A_218] {strides = array<i32>} : memref<64x768xf32, #tpu.memory_space<vmem>>, vector<16xf32>,
      %mul3A_220 = arith.mulf %get3A_219, %gather3A : vector<16xf32>
      %swap3A_221 = arith.index_cast %scan3A_96 : i32 to index
      %swap3A_222 = arith.constant 272 : index
      %swap3A_223 = tpu.vector_load %arg6[%swap3A_221, %swap3A_222] {strides = array<i32>} : memref<64x768xf32, #tpu.memory_space<vmem>>, vector<16xf32>,
      tpu.vector_store %arg6[%swap3A_221, %swap3A_222], %mul3A_220 {strides = array<i32>} : memref<64x768xf32, #tpu.memory_space<vmem>>, vector<16xf32>,
      %get3A_224 = arith.index_cast %scan3A_96 : i32 to index
      %get3A_225 = arith.constant 288 : index
      %get3A_226 = tpu.vector_load %arg6[%get3A_224, %get3A_225] {strides = array<i32>} : memref<64x768xf32, #tpu.memory_space<vmem>>, vector<16xf32>,
      %mul3A_227 = arith.mulf %get3A_226, %gather3A : vector<16xf32>
      %swap3A_228 = arith.index_cast %scan3A_96 : i32 to index
      %swap3A_229 = arith.constant 288 : index
      %swap3A_230 = tpu.vector_load %arg6[%swap3A_228, %swap3A_229] {strides = array<i32>} : memref<64x768xf32, #tpu.memory_space<vmem>>, vector<16xf32>,
      tpu.vector_store %arg6[%swap3A_228, %swap3A_229], %mul3A_227 {strides = array<i32>} : memref<64x768xf32, #tpu.memory_space<vmem>>, vector<16xf32>,
      %get3A_231 = arith.index_cast %scan3A_96 : i32 to index
      %get3A_232 = arith.constant 304 : index
      %get3A_233 = tpu.vector_load %arg6[%get3A_231, %get3A_232] {strides = array<i32>} : memref<64x768xf32, #tpu.memory_space<vmem>>, vector<16xf32>,
      %mul3A_234 = arith.mulf %get3A_233, %gather3A : vector<16xf32>
      %swap3A_235 = arith.index_cast %scan3A_96 : i32 to index
      %swap3A_236 = arith.constant 304 : index
      %swap3A_237 = tpu.vector_load %arg6[%swap3A_235, %swap3A_236] {strides = array<i32>} : memref<64x768xf32, #tpu.memory_space<vmem>>, vector<16xf32>,
      tpu.vector_store %arg6[%swap3A_235, %swap3A_236], %mul3A_234 {strides = array<i32>} : memref<64x768xf32, #tpu.memory_space<vmem>>, vector<16xf32>,
      %get3A_238 = arith.index_cast %scan3A_96 : i32 to index
      %get3A_239 = arith.constant 320 : index
      %get3A_240 = tpu.vector_load %arg6[%get3A_238, %get3A_239] {strides = array<i32>} : memref<64x768xf32, #tpu.memory_space<vmem>>, vector<16xf32>,
      %mul3A_241 = arith.mulf %get3A_240, %gather3A : vector<16xf32>
      %swap3A_242 = arith.index_cast %scan3A_96 : i32 to index
      %swap3A_243 = arith.constant 320 : index
      %swap3A_244 = tpu.vector_load %arg6[%swap3A_242, %swap3A_243] {strides = array<i32>} : memref<64x768xf32, #tpu.memory_space<vmem>>, vector<16xf32>,
      tpu.vector_store %arg6[%swap3A_242, %swap3A_243], %mul3A_241 {strides = array<i32>} : memref<64x768xf32, #tpu.memory_space<vmem>>, vector<16xf32>,
      %get3A_245 = arith.index_cast %scan3A_96 : i32 to index
      %get3A_246 = arith.constant 336 : index
      %get3A_247 = tpu.vector_load %arg6[%get3A_245, %get3A_246] {strides = array<i32>} : memref<64x768xf32, #tpu.memory_space<vmem>>, vector<16xf32>,
      %mul3A_248 = arith.mulf %get3A_247, %gather3A : vector<16xf32>
      %swap3A_249 = arith.index_cast %scan3A_96 : i32 to index
      %swap3A_250 = arith.constant 336 : index
      %swap3A_251 = tpu.vector_load %arg6[%swap3A_249, %swap3A_250] {strides = array<i32>} : memref<64x768xf32, #tpu.memory_space<vmem>>, vector<16xf32>,
      tpu.vector_store %arg6[%swap3A_249, %swap3A_250], %mul3A_248 {strides = array<i32>} : memref<64x768xf32, #tpu.memory_space<vmem>>, vector<16xf32>,
      %get3A_252 = arith.index_cast %scan3A_96 : i32 to index
      %get3A_253 = arith.constant 352 : index
      %get3A_254 = tpu.vector_load %arg6[%get3A_252, %get3A_253] {strides = array<i32>} : memref<64x768xf32, #tpu.memory_space<vmem>>, vector<16xf32>,
      %mul3A_255 = arith.mulf %get3A_254, %gather3A : vector<16xf32>
      %swap3A_256 = arith.index_cast %scan3A_96 : i32 to index
      %swap3A_257 = arith.constant 352 : index
      %swap3A_258 = tpu.vector_load %arg6[%swap3A_256, %swap3A_257] {strides = array<i32>} : memref<64x768xf32, #tpu.memory_space<vmem>>, vector<16xf32>,
      tpu.vector_store %arg6[%swap3A_256, %swap3A_257], %mul3A_255 {strides = array<i32>} : memref<64x768xf32, #tpu.memory_space<vmem>>, vector<16xf32>,
      %get3A_259 = arith.index_cast %scan3A_96 : i32 to index
      %get3A_260 = arith.constant 368 : index
      %get3A_261 = tpu.vector_load %arg6[%get3A_259, %get3A_260] {strides = array<i32>} : memref<64x768xf32, #tpu.memory_space<vmem>>, vector<16xf32>,
      %mul3A_262 = arith.mulf %get3A_261, %gather3A : vector<16xf32>
      %swap3A_263 = arith.index_cast %scan3A_96 : i32 to index
      %swap3A_264 = arith.constant 368 : index
      %swap3A_265 = tpu.vector_load %arg6[%swap3A_263, %swap3A_264] {strides = array<i32>} : memref<64x768xf32, #tpu.memory_space<vmem>>, vector<16xf32>,
      tpu.vector_store %arg6[%swap3A_263, %swap3A_264], %mul3A_262 {strides = array<i32>} : memref<64x768xf32, #tpu.memory_space<vmem>>, vector<16xf32>,
      %get3A_266 = arith.index_cast %scan3A_96 : i32 to index
      %get3A_267 = arith.constant 384 : index
      %get3A_268 = tpu.vector_load %arg6[%get3A_266, %get3A_267] {strides = array<i32>} : memref<64x768xf32, #tpu.memory_space<vmem>>, vector<16xf32>,
      %mul3A_269 = arith.mulf %get3A_268, %gather3A : vector<16xf32>
      %swap3A_270 = arith.index_cast %scan3A_96 : i32 to index
      %swap3A_271 = arith.constant 384 : index
      %swap3A_272 = tpu.vector_load %arg6[%swap3A_270, %swap3A_271] {strides = array<i32>} : memref<64x768xf32, #tpu.memory_space<vmem>>, vector<16xf32>,
      tpu.vector_store %arg6[%swap3A_270, %swap3A_271], %mul3A_269 {strides = array<i32>} : memref<64x768xf32, #tpu.memory_space<vmem>>, vector<16xf32>,
      %get3A_273 = arith.index_cast %scan3A_96 : i32 to index
      %get3A_274 = arith.constant 400 : index
      %get3A_275 = tpu.vector_load %arg6[%get3A_273, %get3A_274] {strides = array<i32>} : memref<64x768xf32, #tpu.memory_space<vmem>>, vector<16xf32>,
      %mul3A_276 = arith.mulf %get3A_275, %gather3A : vector<16xf32>
      %swap3A_277 = arith.index_cast %scan3A_96 : i32 to index
      %swap3A_278 = arith.constant 400 : index
      %swap3A_279 = tpu.vector_load %arg6[%swap3A_277, %swap3A_278] {strides = array<i32>} : memref<64x768xf32, #tpu.memory_space<vmem>>, vector<16xf32>,
      tpu.vector_store %arg6[%swap3A_277, %swap3A_278], %mul3A_276 {strides = array<i32>} : memref<64x768xf32, #tpu.memory_space<vmem>>, vector<16xf32>,
      %get3A_280 = arith.index_cast %scan3A_96 : i32 to index
      %get3A_281 = arith.constant 416 : index
      %get3A_282 = tpu.vector_load %arg6[%get3A_280, %get3A_281] {strides = array<i32>} : memref<64x768xf32, #tpu.memory_space<vmem>>, vector<16xf32>,
      %mul3A_283 = arith.mulf %get3A_282, %gather3A : vector<16xf32>
      %swap3A_284 = arith.index_cast %scan3A_96 : i32 to index
      %swap3A_285 = arith.constant 416 : index
      %swap3A_286 = tpu.vector_load %arg6[%swap3A_284, %swap3A_285] {strides = array<i32>} : memref<64x768xf32, #tpu.memory_space<vmem>>, vector<16xf32>,
      tpu.vector_store %arg6[%swap3A_284, %swap3A_285], %mul3A_283 {strides = array<i32>} : memref<64x768xf32, #tpu.memory_space<vmem>>, vector<16xf32>,
      %get3A_287 = arith.index_cast %scan3A_96 : i32 to index
      %get3A_288 = arith.constant 432 : index
      %get3A_289 = tpu.vector_load %arg6[%get3A_287, %get3A_288] {strides = array<i32>} : memref<64x768xf32, #tpu.memory_space<vmem>>, vector<16xf32>,
      %mul3A_290 = arith.mulf %get3A_289, %gather3A : vector<16xf32>
      %swap3A_291 = arith.index_cast %scan3A_96 : i32 to index
      %swap3A_292 = arith.constant 432 : index
      %swap3A_293 = tpu.vector_load %arg6[%swap3A_291, %swap3A_292] {strides = array<i32>} : memref<64x768xf32, #tpu.memory_space<vmem>>, vector<16xf32>,
      tpu.vector_store %arg6[%swap3A_291, %swap3A_292], %mul3A_290 {strides = array<i32>} : memref<64x768xf32, #tpu.memory_space<vmem>>, vector<16xf32>,
      %get3A_294 = arith.index_cast %scan3A_96 : i32 to index
      %get3A_295 = arith.constant 448 : index
      %get3A_296 = tpu.vector_load %arg6[%get3A_294, %get3A_295] {strides = array<i32>} : memref<64x768xf32, #tpu.memory_space<vmem>>, vector<16xf32>,
      %mul3A_297 = arith.mulf %get3A_296, %gather3A : vector<16xf32>
      %swap3A_298 = arith.index_cast %scan3A_96 : i32 to index
      %swap3A_299 = arith.constant 448 : index
      %swap3A_300 = tpu.vector_load %arg6[%swap3A_298, %swap3A_299] {strides = array<i32>} : memref<64x768xf32, #tpu.memory_space<vmem>>, vector<16xf32>,
      tpu.vector_store %arg6[%swap3A_298, %swap3A_299], %mul3A_297 {strides = array<i32>} : memref<64x768xf32, #tpu.memory_space<vmem>>, vector<16xf32>,
      %get3A_301 = arith.index_cast %scan3A_96 : i32 to index
      %get3A_302 = arith.constant 464 : index
      %get3A_303 = tpu.vector_load %arg6[%get3A_301, %get3A_302] {strides = array<i32>} : memref<64x768xf32, #tpu.memory_space<vmem>>, vector<16xf32>,
      %mul3A_304 = arith.mulf %get3A_303, %gather3A : vector<16xf32>
      %swap3A_305 = arith.index_cast %scan3A_96 : i32 to index
      %swap3A_306 = arith.constant 464 : index
      %swap3A_307 = tpu.vector_load %arg6[%swap3A_305, %swap3A_306] {strides = array<i32>} : memref<64x768xf32, #tpu.memory_space<vmem>>, vector<16xf32>,
      tpu.vector_store %arg6[%swap3A_305, %swap3A_306], %mul3A_304 {strides = array<i32>} : memref<64x768xf32, #tpu.memory_space<vmem>>, vector<16xf32>,
      %get3A_308 = arith.index_cast %scan3A_96 : i32 to index
      %get3A_309 = arith.constant 480 : index
      %get3A_310 = tpu.vector_load %arg6[%get3A_308, %get3A_309] {strides = array<i32>} : memref<64x768xf32, #tpu.memory_space<vmem>>, vector<16xf32>,
      %mul3A_311 = arith.mulf %get3A_310, %gather3A : vector<16xf32>
      %swap3A_312 = arith.index_cast %scan3A_96 : i32 to index
      %swap3A_313 = arith.constant 480 : index
      %swap3A_314 = tpu.vector_load %arg6[%swap3A_312, %swap3A_313] {strides = array<i32>} : memref<64x768xf32, #tpu.memory_space<vmem>>, vector<16xf32>,
      tpu.vector_store %arg6[%swap3A_312, %swap3A_313], %mul3A_311 {strides = array<i32>} : memref<64x768xf32, #tpu.memory_space<vmem>>, vector<16xf32>,
      %get3A_315 = arith.index_cast %scan3A_96 : i32 to index
      %get3A_316 = arith.constant 496 : index
      %get3A_317 = tpu.vector_load %arg6[%get3A_315, %get3A_316] {strides = array<i32>} : memref<64x768xf32, #tpu.memory_space<vmem>>, vector<16xf32>,
      %mul3A_318 = arith.mulf %get3A_317, %gather3A : vector<16xf32>
      %swap3A_319 = arith.index_cast %scan3A_96 : i32 to index
      %swap3A_320 = arith.constant 496 : index
      %swap3A_321 = tpu.vector_load %arg6[%swap3A_319, %swap3A_320] {strides = array<i32>} : memref<64x768xf32, #tpu.memory_space<vmem>>, vector<16xf32>,
      tpu.vector_store %arg6[%swap3A_319, %swap3A_320], %mul3A_318 {strides = array<i32>} : memref<64x768xf32, #tpu.memory_space<vmem>>, vector<16xf32>,
      %get3A_322 = arith.index_cast %scan3A_96 : i32 to index
      %get3A_323 = arith.constant 512 : index
      %get3A_324 = tpu.vector_load %arg6[%get3A_322, %get3A_323] {strides = array<i32>} : memref<64x768xf32, #tpu.memory_space<vmem>>, vector<16xf32>,
      %mul3A_325 = arith.mulf %get3A_324, %gather3A : vector<16xf32>
      %swap3A_326 = arith.index_cast %scan3A_96 : i32 to index
      %swap3A_327 = arith.constant 512 : index
      %swap3A_328 = tpu.vector_load %arg6[%swap3A_326, %swap3A_327] {strides = array<i32>} : memref<64x768xf32, #tpu.memory_space<vmem>>, vector<16xf32>,
      tpu.vector_store %arg6[%swap3A_326, %swap3A_327], %mul3A_325 {strides = array<i32>} : memref<64x768xf32, #tpu.memory_space<vmem>>, vector<16xf32>,
      %get3A_329 = arith.index_cast %scan3A_96 : i32 to index
      %get3A_330 = arith.constant 528 : index
      %get3A_331 = tpu.vector_load %arg6[%get3A_329, %get3A_330] {strides = array<i32>} : memref<64x768xf32, #tpu.memory_space<vmem>>, vector<16xf32>,
      %mul3A_332 = arith.mulf %get3A_331, %gather3A : vector<16xf32>
      %swap3A_333 = arith.index_cast %scan3A_96 : i32 to index
      %swap3A_334 = arith.constant 528 : index
      %swap3A_335 = tpu.vector_load %arg6[%swap3A_333, %swap3A_334] {strides = array<i32>} : memref<64x768xf32, #tpu.memory_space<vmem>>, vector<16xf32>,
      tpu.vector_store %arg6[%swap3A_333, %swap3A_334], %mul3A_332 {strides = array<i32>} : memref<64x768xf32, #tpu.memory_space<vmem>>, vector<16xf32>,
      %get3A_336 = arith.index_cast %scan3A_96 : i32 to index
      %get3A_337 = arith.constant 544 : index
      %get3A_338 = tpu.vector_load %arg6[%get3A_336, %get3A_337] {strides = array<i32>} : memref<64x768xf32, #tpu.memory_space<vmem>>, vector<16xf32>,
      %mul3A_339 = arith.mulf %get3A_338, %gather3A : vector<16xf32>
      %swap3A_340 = arith.index_cast %scan3A_96 : i32 to index
      %swap3A_341 = arith.constant 544 : index
      %swap3A_342 = tpu.vector_load %arg6[%swap3A_340, %swap3A_341] {strides = array<i32>} : memref<64x768xf32, #tpu.memory_space<vmem>>, vector<16xf32>,
      tpu.vector_store %arg6[%swap3A_340, %swap3A_341], %mul3A_339 {strides = array<i32>} : memref<64x768xf32, #tpu.memory_space<vmem>>, vector<16xf32>,
      %get3A_343 = arith.index_cast %scan3A_96 : i32 to index
      %get3A_344 = arith.constant 560 : index
      %get3A_345 = tpu.vector_load %arg6[%get3A_343, %get3A_344] {strides = array<i32>} : memref<64x768xf32, #tpu.memory_space<vmem>>, vector<16xf32>,
      %mul3A_346 = arith.mulf %get3A_345, %gather3A : vector<16xf32>
      %swap3A_347 = arith.index_cast %scan3A_96 : i32 to index
      %swap3A_348 = arith.constant 560 : index
      %swap3A_349 = tpu.vector_load %arg6[%swap3A_347, %swap3A_348] {strides = array<i32>} : memref<64x768xf32, #tpu.memory_space<vmem>>, vector<16xf32>,
      tpu.vector_store %arg6[%swap3A_347, %swap3A_348], %mul3A_346 {strides = array<i32>} : memref<64x768xf32, #tpu.memory_space<vmem>>, vector<16xf32>,
      %get3A_350 = arith.index_cast %scan3A_96 : i32 to index
      %get3A_351 = arith.constant 576 : index
      %get3A_352 = tpu.vector_load %arg6[%get3A_350, %get3A_351] {strides = array<i32>} : memref<64x768xf32, #tpu.memory_space<vmem>>, vector<16xf32>,
      %mul3A_353 = arith.mulf %get3A_352, %gather3A : vector<16xf32>
      %swap3A_354 = arith.index_cast %scan3A_96 : i32 to index
      %swap3A_355 = arith.constant 576 : index
      %swap3A_356 = tpu.vector_load %arg6[%swap3A_354, %swap3A_355] {strides = array<i32>} : memref<64x768xf32, #tpu.memory_space<vmem>>, vector<16xf32>,
      tpu.vector_store %arg6[%swap3A_354, %swap3A_355], %mul3A_353 {strides = array<i32>} : memref<64x768xf32, #tpu.memory_space<vmem>>, vector<16xf32>,
      %get3A_357 = arith.index_cast %scan3A_96 : i32 to index
      %get3A_358 = arith.constant 592 : index
      %get3A_359 = tpu.vector_load %arg6[%get3A_357, %get3A_358] {strides = array<i32>} : memref<64x768xf32, #tpu.memory_space<vmem>>, vector<16xf32>,
      %mul3A_360 = arith.mulf %get3A_359, %gather3A : vector<16xf32>
      %swap3A_361 = arith.index_cast %scan3A_96 : i32 to index
      %swap3A_362 = arith.constant 592 : index
      %swap3A_363 = tpu.vector_load %arg6[%swap3A_361, %swap3A_362] {strides = array<i32>} : memref<64x768xf32, #tpu.memory_space<vmem>>, vector<16xf32>,
      tpu.vector_store %arg6[%swap3A_361, %swap3A_362], %mul3A_360 {strides = array<i32>} : memref<64x768xf32, #tpu.memory_space<vmem>>, vector<16xf32>,
      %get3A_364 = arith.index_cast %scan3A_96 : i32 to index
      %get3A_365 = arith.constant 608 : index
      %get3A_366 = tpu.vector_load %arg6[%get3A_364, %get3A_365] {strides = array<i32>} : memref<64x768xf32, #tpu.memory_space<vmem>>, vector<16xf32>,
      %mul3A_367 = arith.mulf %get3A_366, %gather3A : vector<16xf32>
      %swap3A_368 = arith.index_cast %scan3A_96 : i32 to index
      %swap3A_369 = arith.constant 608 : index
      %swap3A_370 = tpu.vector_load %arg6[%swap3A_368, %swap3A_369] {strides = array<i32>} : memref<64x768xf32, #tpu.memory_space<vmem>>, vector<16xf32>,
      tpu.vector_store %arg6[%swap3A_368, %swap3A_369], %mul3A_367 {strides = array<i32>} : memref<64x768xf32, #tpu.memory_space<vmem>>, vector<16xf32>,
      %get3A_371 = arith.index_cast %scan3A_96 : i32 to index
      %get3A_372 = arith.constant 624 : index
      %get3A_373 = tpu.vector_load %arg6[%get3A_371, %get3A_372] {strides = array<i32>} : memref<64x768xf32, #tpu.memory_space<vmem>>, vector<16xf32>,
      %mul3A_374 = arith.mulf %get3A_373, %gather3A : vector<16xf32>
      %swap3A_375 = arith.index_cast %scan3A_96 : i32 to index
      %swap3A_376 = arith.constant 624 : index
      %swap3A_377 = tpu.vector_load %arg6[%swap3A_375, %swap3A_376] {strides = array<i32>} : memref<64x768xf32, #tpu.memory_space<vmem>>, vector<16xf32>,
      tpu.vector_store %arg6[%swap3A_375, %swap3A_376], %mul3A_374 {strides = array<i32>} : memref<64x768xf32, #tpu.memory_space<vmem>>, vector<16xf32>,
      %get3A_378 = arith.index_cast %scan3A_96 : i32 to index
      %get3A_379 = arith.constant 640 : index
      %get3A_380 = tpu.vector_load %arg6[%get3A_378, %get3A_379] {strides = array<i32>} : memref<64x768xf32, #tpu.memory_space<vmem>>, vector<16xf32>,
      %mul3A_381 = arith.mulf %get3A_380, %gather3A : vector<16xf32>
      %swap3A_382 = arith.index_cast %scan3A_96 : i32 to index
      %swap3A_383 = arith.constant 640 : index
      %swap3A_384 = tpu.vector_load %arg6[%swap3A_382, %swap3A_383] {strides = array<i32>} : memref<64x768xf32, #tpu.memory_space<vmem>>, vector<16xf32>,
      tpu.vector_store %arg6[%swap3A_382, %swap3A_383], %mul3A_381 {strides = array<i32>} : memref<64x768xf32, #tpu.memory_space<vmem>>, vector<16xf32>,
      %get3A_385 = arith.index_cast %scan3A_96 : i32 to index
      %get3A_386 = arith.constant 656 : index
      %get3A_387 = tpu.vector_load %arg6[%get3A_385, %get3A_386] {strides = array<i32>} : memref<64x768xf32, #tpu.memory_space<vmem>>, vector<16xf32>,
      %mul3A_388 = arith.mulf %get3A_387, %gather3A : vector<16xf32>
      %swap3A_389 = arith.index_cast %scan3A_96 : i32 to index
      %swap3A_390 = arith.constant 656 : index
      %swap3A_391 = tpu.vector_load %arg6[%swap3A_389, %swap3A_390] {strides = array<i32>} : memref<64x768xf32, #tpu.memory_space<vmem>>, vector<16xf32>,
      tpu.vector_store %arg6[%swap3A_389, %swap3A_390], %mul3A_388 {strides = array<i32>} : memref<64x768xf32, #tpu.memory_space<vmem>>, vector<16xf32>,
      %get3A_392 = arith.index_cast %scan3A_96 : i32 to index
      %get3A_393 = arith.constant 672 : index
      %get3A_394 = tpu.vector_load %arg6[%get3A_392, %get3A_393] {strides = array<i32>} : memref<64x768xf32, #tpu.memory_space<vmem>>, vector<16xf32>,
      %mul3A_395 = arith.mulf %get3A_394, %gather3A : vector<16xf32>
      %swap3A_396 = arith.index_cast %scan3A_96 : i32 to index
      %swap3A_397 = arith.constant 672 : index
      %swap3A_398 = tpu.vector_load %arg6[%swap3A_396, %swap3A_397] {strides = array<i32>} : memref<64x768xf32, #tpu.memory_space<vmem>>, vector<16xf32>,
      tpu.vector_store %arg6[%swap3A_396, %swap3A_397], %mul3A_395 {strides = array<i32>} : memref<64x768xf32, #tpu.memory_space<vmem>>, vector<16xf32>,
      %get3A_399 = arith.index_cast %scan3A_96 : i32 to index
      %get3A_400 = arith.constant 688 : index
      %get3A_401 = tpu.vector_load %arg6[%get3A_399, %get3A_400] {strides = array<i32>} : memref<64x768xf32, #tpu.memory_space<vmem>>, vector<16xf32>,
      %mul3A_402 = arith.mulf %get3A_401, %gather3A : vector<16xf32>
      %swap3A_403 = arith.index_cast %scan3A_96 : i32 to index
      %swap3A_404 = arith.constant 688 : index
      %swap3A_405 = tpu.vector_load %arg6[%swap3A_403, %swap3A_404] {strides = array<i32>} : memref<64x768xf32, #tpu.memory_space<vmem>>, vector<16xf32>,
      tpu.vector_store %arg6[%swap3A_403, %swap3A_404], %mul3A_402 {strides = array<i32>} : memref<64x768xf32, #tpu.memory_space<vmem>>, vector<16xf32>,
      %get3A_406 = arith.index_cast %scan3A_96 : i32 to index
      %get3A_407 = arith.constant 704 : index
      %get3A_408 = tpu.vector_load %arg6[%get3A_406, %get3A_407] {strides = array<i32>} : memref<64x768xf32, #tpu.memory_space<vmem>>, vector<16xf32>,
      %mul3A_409 = arith.mulf %get3A_408, %gather3A : vector<16xf32>
      %swap3A_410 = arith.index_cast %scan3A_96 : i32 to index
      %swap3A_411 = arith.constant 704 : index
      %swap3A_412 = tpu.vector_load %arg6[%swap3A_410, %swap3A_411] {strides = array<i32>} : memref<64x768xf32, #tpu.memory_space<vmem>>, vector<16xf32>,
      tpu.vector_store %arg6[%swap3A_410, %swap3A_411], %mul3A_409 {strides = array<i32>} : memref<64x768xf32, #tpu.memory_space<vmem>>, vector<16xf32>,
      %get3A_413 = arith.index_cast %scan3A_96 : i32 to index
      %get3A_414 = arith.constant 720 : index
      %get3A_415 = tpu.vector_load %arg6[%get3A_413, %get3A_414] {strides = array<i32>} : memref<64x768xf32, #tpu.memory_space<vmem>>, vector<16xf32>,
      %mul3A_416 = arith.mulf %get3A_415, %gather3A : vector<16xf32>
      %swap3A_417 = arith.index_cast %scan3A_96 : i32 to index
      %swap3A_418 = arith.constant 720 : index
      %swap3A_419 = tpu.vector_load %arg6[%swap3A_417, %swap3A_418] {strides = array<i32>} : memref<64x768xf32, #tpu.memory_space<vmem>>, vector<16xf32>,
      tpu.vector_store %arg6[%swap3A_417, %swap3A_418], %mul3A_416 {strides = array<i32>} : memref<64x768xf32, #tpu.memory_space<vmem>>, vector<16xf32>,
      %get3A_420 = arith.index_cast %scan3A_96 : i32 to index
      %get3A_421 = arith.constant 736 : index
      %get3A_422 = tpu.vector_load %arg6[%get3A_420, %get3A_421] {strides = array<i32>} : memref<64x768xf32, #tpu.memory_space<vmem>>, vector<16xf32>,
      %mul3A_423 = arith.mulf %get3A_422, %gather3A : vector<16xf32>
      %swap3A_424 = arith.index_cast %scan3A_96 : i32 to index
      %swap3A_425 = arith.constant 736 : index
      %swap3A_426 = tpu.vector_load %arg6[%swap3A_424, %swap3A_425] {strides = array<i32>} : memref<64x768xf32, #tpu.memory_space<vmem>>, vector<16xf32>,
      tpu.vector_store %arg6[%swap3A_424, %swap3A_425], %mul3A_423 {strides = array<i32>} : memref<64x768xf32, #tpu.memory_space<vmem>>, vector<16xf32>,
      %get3A_427 = arith.index_cast %scan3A_96 : i32 to index
      %get3A_428 = arith.constant 752 : index
      %get3A_429 = tpu.vector_load %arg6[%get3A_427, %get3A_428] {strides = array<i32>} : memref<64x768xf32, #tpu.memory_space<vmem>>, vector<16xf32>,
      %mul3A_430 = arith.mulf %get3A_429, %gather3A : vector<16xf32>
      %swap3A_431 = arith.index_cast %scan3A_96 : i32 to index
      %swap3A_432 = arith.constant 752 : index
      %swap3A_433 = tpu.vector_load %arg6[%swap3A_431, %swap3A_432] {strides = array<i32>} : memref<64x768xf32, #tpu.memory_space<vmem>>, vector<16xf32>,
      tpu.vector_store %arg6[%swap3A_431, %swap3A_432], %mul3A_430 {strides = array<i32>} : memref<64x768xf32, #tpu.memory_space<vmem>>, vector<16xf32>,
    }
    %scan3A_51 = arith.constant 64 : i32
    %add3A_52 = arith.constant 64 : i32
    %add3A_53 = arith.addi %mul3A_2, %add3A_52 : i32
    "tpu.region"() ({
      %run_scoped3A = tpu.sem_alloc : memref<!tpu.dma_semaphore, #tpu.memory_space<semaphore_mem>>
      %dma_start3A_96 = arith.constant 0 : i32
      %dma_start3A_97 = tpu.memref_slice %arg5[%add3A_53, %dma_start3A_96] : memref<8192x768xf32, #tpu.memory_space<hbm>> -> memref<64x768xf32, #tpu.memory_space<hbm>>
      %dma_start3A_98 = arith.constant 0 : i32
      %dma_start3A_99 = tpu.memref_slice %arg5[%add3A_53, %dma_start3A_98] : memref<8192x768xf32, #tpu.memory_space<hbm>> -> memref<64x768xf32, #tpu.memory_space<hbm>>
      tpu.enqueue_dma source(%arg6 : memref<64x768xf32, #tpu.memory_space<vmem>>) target(%dma_start3A_99 : memref<64x768xf32, #tpu.memory_space<hbm>>) target_semaphore(%run_scoped3A : memref<!tpu.dma_semaphore, #tpu.memory_space<semaphore_mem>>)
      %dma_wait3A_100 = arith.constant 0 : i32
      %dma_wait3A_101 = tpu.memref_slice %arg5[%add3A_53, %dma_wait3A_100] : memref<8192x768xf32, #tpu.memory_space<hbm>> -> memref<64x768xf32, #tpu.memory_space<hbm>>
      %dma_wait3A_102 = arith.constant 0 : i32
      %dma_wait3A_103 = tpu.memref_slice %arg5[%add3A_53, %dma_wait3A_102] : memref<8192x768xf32, #tpu.memory_space<hbm>> -> memref<64x768xf32, #tpu.memory_space<hbm>>
      tpu.wait_dma2 semaphore(%run_scoped3A : memref<!tpu.dma_semaphore, #tpu.memory_space<semaphore_mem>>) src(%arg6 : memref<64x768xf32, #tpu.memory_space<vmem>>) dst(%dma_wait3A_103 : memref<64x768xf32, #tpu.memory_space<hbm>>)
      tpu.yield
    }) : () -> ()
    %dma_wait3A_54 = tpu.memref_slice %arg3[%add3A_35] : memref<8192xi32, #tpu.memory_space<hbm>> -> memref<64xi32, #tpu.memory_space<hbm>>
    %dma_wait3A_55 = tpu.memref_slice %arg3[%add3A_35] : memref<8192xi32, #tpu.memory_space<hbm>> -> memref<64xi32, #tpu.memory_space<hbm>>
    tpu.wait_dma2 semaphore(%arg11 : memref<!tpu.dma_semaphore, #tpu.memory_space<semaphore_mem>>) src(%dma_wait3A_55 : memref<64xi32, #tpu.memory_space<hbm>>) dst(%arg7 : memref<64xi32, #tpu.memory_space<vmem>>)
    %dma_wait3A_56 = tpu.memref_slice %arg4[%add3A_35] : memref<8192xf32, #tpu.memory_space<hbm>> -> memref<64xf32, #tpu.memory_space<hbm>>
    %dma_wait3A_57 = tpu.memref_slice %arg4[%add3A_35] : memref<8192xf32, #tpu.memory_space<hbm>> -> memref<64xf32, #tpu.memory_space<hbm>>
    tpu.wait_dma2 semaphore(%arg13 : memref<!tpu.dma_semaphore, #tpu.memory_space<semaphore_mem>>) src(%dma_wait3A_57 : memref<64xf32, #tpu.memory_space<hbm>>) dst(%arg9 : memref<64xf32, #tpu.memory_space<vmem>>)
    %add3A_58 = arith.constant 192 : i32
    %add3A_59 = arith.addi %mul3A_2, %add3A_58 : i32
    %dma_start3A_60 = tpu.memref_slice %arg3[%add3A_59] : memref<8192xi32, #tpu.memory_space<hbm>> -> memref<64xi32, #tpu.memory_space<hbm>>
    %dma_start3A_61 = tpu.memref_slice %arg3[%add3A_59] : memref<8192xi32, #tpu.memory_space<hbm>> -> memref<64xi32, #tpu.memory_space<hbm>>
    tpu.enqueue_dma source(%dma_start3A_61 : memref<64xi32, #tpu.memory_space<hbm>>) target(%arg8 : memref<64xi32, #tpu.memory_space<vmem>>) target_semaphore(%arg12 : memref<!tpu.dma_semaphore, #tpu.memory_space<semaphore_mem>>)
    %dma_start3A_62 = tpu.memref_slice %arg4[%add3A_59] : memref<8192xf32, #tpu.memory_space<hbm>> -> memref<64xf32, #tpu.memory_space<hbm>>
    %dma_start3A_63 = tpu.memref_slice %arg4[%add3A_59] : memref<8192xf32, #tpu.memory_space<hbm>> -> memref<64xf32, #tpu.memory_space<hbm>>
    tpu.enqueue_dma source(%dma_start3A_63 : memref<64xf32, #tpu.memory_space<hbm>>) target(%arg10 : memref<64xf32, #tpu.memory_space<vmem>>) target_semaphore(%arg14 : memref<!tpu.dma_semaphore, #tpu.memory_space<semaphore_mem>>)
    %dma_start3A_64 = arith.constant 0 : i32
    %dma_start3A_65 = arith.constant 0 : i32
    %dma_start3A_66 = tpu.memref_slice %arg2[%dma_start3A_64, %dma_start3A_65] : memref<24576x768xf32, #tpu.memory_space<hbm>> -> memref<24576x768xf32, #tpu.memory_space<hbm>>
    tpu.enqueue_indirect_dma source(%dma_start3A_66 : memref<24576x768xf32, #tpu.memory_space<hbm>>) target(%arg6 : memref<64x768xf32, #tpu.memory_space<vmem>>) offsets(%arg7 : memref<64xi32, #tpu.memory_space<vmem>>) semaphore(%arg15 : memref<!tpu.dma_semaphore, #tpu.memory_space<semaphore_mem>>)
    %dma_wait3A_67 = arith.constant 0 : i32
    %dma_wait3A_68 = arith.constant 0 : i32
    %dma_wait3A_69 = tpu.memref_slice %arg2[%dma_wait3A_67, %dma_wait3A_68] : memref<24576x768xf32, #tpu.memory_space<hbm>> -> memref<24576x768xf32, #tpu.memory_space<hbm>>
    tpu.wait_indirect_dma semaphore(%arg15 : memref<!tpu.dma_semaphore, #tpu.memory_space<semaphore_mem>>) src(%dma_wait3A_69 : memref<24576x768xf32, #tpu.memory_space<hbm>>) dst(%arg6 : memref<64x768xf32, #tpu.memory_space<vmem>>)
    %scan3A_70 = arith.constant 0 : i32
    %scan3A_71 = arith.constant 0 : i32
    %scan3A_72 = arith.constant 64 : i32
    %scan3A_73 = arith.addi %scan3A_71, %scan3A_72 : i32
    %scan3A_74 = arith.constant 1 : i32
    scf.for %scan3A_96 = %scan3A_71 to %scan3A_73 step %scan3A_74  : i32 {
      %broadcast_in_dim3A = arith.constant 0 : i32
      %broadcast_in_dim3A_97 = vector.broadcast %broadcast_in_dim3A : i32 to vector<16xi32>
      %add3A_98 = vector.broadcast %scan3A_96 : i32 to vector<16xi32>
      %add3A_99 = arith.addi %broadcast_in_dim3A_97, %add3A_98 : vector<16xi32>
      %gather3A = tpu.vector_load_idx %arg9[%add3A_99] : memref<64xf32, #tpu.memory_space<vmem>>[vector<16xi32>], vector<16xf32>,
      %get3A = arith.index_cast %scan3A_96 : i32 to index
      %get3A_100 = arith.constant 0 : index
      %get3A_101 = tpu.vector_load %arg6[%get3A, %get3A_100] {strides = array<i32>} : memref<64x768xf32, #tpu.memory_space<vmem>>, vector<16xf32>,
      %mul3A_102 = arith.mulf %get3A_101, %gather3A : vector<16xf32>
      %swap3A = arith.index_cast %scan3A_96 : i32 to index
      %swap3A_103 = arith.constant 0 : index
      %swap3A_104 = tpu.vector_load %arg6[%swap3A, %swap3A_103] {strides = array<i32>} : memref<64x768xf32, #tpu.memory_space<vmem>>, vector<16xf32>,
      tpu.vector_store %arg6[%swap3A, %swap3A_103], %mul3A_102 {strides = array<i32>} : memref<64x768xf32, #tpu.memory_space<vmem>>, vector<16xf32>,
      %get3A_105 = arith.index_cast %scan3A_96 : i32 to index
      %get3A_106 = arith.constant 16 : index
      %get3A_107 = tpu.vector_load %arg6[%get3A_105, %get3A_106] {strides = array<i32>} : memref<64x768xf32, #tpu.memory_space<vmem>>, vector<16xf32>,
      %mul3A_108 = arith.mulf %get3A_107, %gather3A : vector<16xf32>
      %swap3A_109 = arith.index_cast %scan3A_96 : i32 to index
      %swap3A_110 = arith.constant 16 : index
      %swap3A_111 = tpu.vector_load %arg6[%swap3A_109, %swap3A_110] {strides = array<i32>} : memref<64x768xf32, #tpu.memory_space<vmem>>, vector<16xf32>,
      tpu.vector_store %arg6[%swap3A_109, %swap3A_110], %mul3A_108 {strides = array<i32>} : memref<64x768xf32, #tpu.memory_space<vmem>>, vector<16xf32>,
      %get3A_112 = arith.index_cast %scan3A_96 : i32 to index
      %get3A_113 = arith.constant 32 : index
      %get3A_114 = tpu.vector_load %arg6[%get3A_112, %get3A_113] {strides = array<i32>} : memref<64x768xf32, #tpu.memory_space<vmem>>, vector<16xf32>,
      %mul3A_115 = arith.mulf %get3A_114, %gather3A : vector<16xf32>
      %swap3A_116 = arith.index_cast %scan3A_96 : i32 to index
      %swap3A_117 = arith.constant 32 : index
      %swap3A_118 = tpu.vector_load %arg6[%swap3A_116, %swap3A_117] {strides = array<i32>} : memref<64x768xf32, #tpu.memory_space<vmem>>, vector<16xf32>,
      tpu.vector_store %arg6[%swap3A_116, %swap3A_117], %mul3A_115 {strides = array<i32>} : memref<64x768xf32, #tpu.memory_space<vmem>>, vector<16xf32>,
      %get3A_119 = arith.index_cast %scan3A_96 : i32 to index
      %get3A_120 = arith.constant 48 : index
      %get3A_121 = tpu.vector_load %arg6[%get3A_119, %get3A_120] {strides = array<i32>} : memref<64x768xf32, #tpu.memory_space<vmem>>, vector<16xf32>,
      %mul3A_122 = arith.mulf %get3A_121, %gather3A : vector<16xf32>
      %swap3A_123 = arith.index_cast %scan3A_96 : i32 to index
      %swap3A_124 = arith.constant 48 : index
      %swap3A_125 = tpu.vector_load %arg6[%swap3A_123, %swap3A_124] {strides = array<i32>} : memref<64x768xf32, #tpu.memory_space<vmem>>, vector<16xf32>,
      tpu.vector_store %arg6[%swap3A_123, %swap3A_124], %mul3A_122 {strides = array<i32>} : memref<64x768xf32, #tpu.memory_space<vmem>>, vector<16xf32>,
      %get3A_126 = arith.index_cast %scan3A_96 : i32 to index
      %get3A_127 = arith.constant 64 : index
      %get3A_128 = tpu.vector_load %arg6[%get3A_126, %get3A_127] {strides = array<i32>} : memref<64x768xf32, #tpu.memory_space<vmem>>, vector<16xf32>,
      %mul3A_129 = arith.mulf %get3A_128, %gather3A : vector<16xf32>
      %swap3A_130 = arith.index_cast %scan3A_96 : i32 to index
      %swap3A_131 = arith.constant 64 : index
      %swap3A_132 = tpu.vector_load %arg6[%swap3A_130, %swap3A_131] {strides = array<i32>} : memref<64x768xf32, #tpu.memory_space<vmem>>, vector<16xf32>,
      tpu.vector_store %arg6[%swap3A_130, %swap3A_131], %mul3A_129 {strides = array<i32>} : memref<64x768xf32, #tpu.memory_space<vmem>>, vector<16xf32>,
      %get3A_133 = arith.index_cast %scan3A_96 : i32 to index
      %get3A_134 = arith.constant 80 : index
      %get3A_135 = tpu.vector_load %arg6[%get3A_133, %get3A_134] {strides = array<i32>} : memref<64x768xf32, #tpu.memory_space<vmem>>, vector<16xf32>,
      %mul3A_136 = arith.mulf %get3A_135, %gather3A : vector<16xf32>
      %swap3A_137 = arith.index_cast %scan3A_96 : i32 to index
      %swap3A_138 = arith.constant 80 : index
      %swap3A_139 = tpu.vector_load %arg6[%swap3A_137, %swap3A_138] {strides = array<i32>} : memref<64x768xf32, #tpu.memory_space<vmem>>, vector<16xf32>,
      tpu.vector_store %arg6[%swap3A_137, %swap3A_138], %mul3A_136 {strides = array<i32>} : memref<64x768xf32, #tpu.memory_space<vmem>>, vector<16xf32>,
      %get3A_140 = arith.index_cast %scan3A_96 : i32 to index
      %get3A_141 = arith.constant 96 : index
      %get3A_142 = tpu.vector_load %arg6[%get3A_140, %get3A_141] {strides = array<i32>} : memref<64x768xf32, #tpu.memory_space<vmem>>, vector<16xf32>,
      %mul3A_143 = arith.mulf %get3A_142, %gather3A : vector<16xf32>
      %swap3A_144 = arith.index_cast %scan3A_96 : i32 to index
      %swap3A_145 = arith.constant 96 : index
      %swap3A_146 = tpu.vector_load %arg6[%swap3A_144, %swap3A_145] {strides = array<i32>} : memref<64x768xf32, #tpu.memory_space<vmem>>, vector<16xf32>,
      tpu.vector_store %arg6[%swap3A_144, %swap3A_145], %mul3A_143 {strides = array<i32>} : memref<64x768xf32, #tpu.memory_space<vmem>>, vector<16xf32>,
      %get3A_147 = arith.index_cast %scan3A_96 : i32 to index
      %get3A_148 = arith.constant 112 : index
      %get3A_149 = tpu.vector_load %arg6[%get3A_147, %get3A_148] {strides = array<i32>} : memref<64x768xf32, #tpu.memory_space<vmem>>, vector<16xf32>,
      %mul3A_150 = arith.mulf %get3A_149, %gather3A : vector<16xf32>
      %swap3A_151 = arith.index_cast %scan3A_96 : i32 to index
      %swap3A_152 = arith.constant 112 : index
      %swap3A_153 = tpu.vector_load %arg6[%swap3A_151, %swap3A_152] {strides = array<i32>} : memref<64x768xf32, #tpu.memory_space<vmem>>, vector<16xf32>,
      tpu.vector_store %arg6[%swap3A_151, %swap3A_152], %mul3A_150 {strides = array<i32>} : memref<64x768xf32, #tpu.memory_space<vmem>>, vector<16xf32>,
      %get3A_154 = arith.index_cast %scan3A_96 : i32 to index
      %get3A_155 = arith.constant 128 : index
      %get3A_156 = tpu.vector_load %arg6[%get3A_154, %get3A_155] {strides = array<i32>} : memref<64x768xf32, #tpu.memory_space<vmem>>, vector<16xf32>,
      %mul3A_157 = arith.mulf %get3A_156, %gather3A : vector<16xf32>
      %swap3A_158 = arith.index_cast %scan3A_96 : i32 to index
      %swap3A_159 = arith.constant 128 : index
      %swap3A_160 = tpu.vector_load %arg6[%swap3A_158, %swap3A_159] {strides = array<i32>} : memref<64x768xf32, #tpu.memory_space<vmem>>, vector<16xf32>,
      tpu.vector_store %arg6[%swap3A_158, %swap3A_159], %mul3A_157 {strides = array<i32>} : memref<64x768xf32, #tpu.memory_space<vmem>>, vector<16xf32>,
      %get3A_161 = arith.index_cast %scan3A_96 : i32 to index
      %get3A_162 = arith.constant 144 : index
      %get3A_163 = tpu.vector_load %arg6[%get3A_161, %get3A_162] {strides = array<i32>} : memref<64x768xf32, #tpu.memory_space<vmem>>, vector<16xf32>,
      %mul3A_164 = arith.mulf %get3A_163, %gather3A : vector<16xf32>
      %swap3A_165 = arith.index_cast %scan3A_96 : i32 to index
      %swap3A_166 = arith.constant 144 : index
      %swap3A_167 = tpu.vector_load %arg6[%swap3A_165, %swap3A_166] {strides = array<i32>} : memref<64x768xf32, #tpu.memory_space<vmem>>, vector<16xf32>,
      tpu.vector_store %arg6[%swap3A_165, %swap3A_166], %mul3A_164 {strides = array<i32>} : memref<64x768xf32, #tpu.memory_space<vmem>>, vector<16xf32>,
      %get3A_168 = arith.index_cast %scan3A_96 : i32 to index
      %get3A_169 = arith.constant 160 : index
      %get3A_170 = tpu.vector_load %arg6[%get3A_168, %get3A_169] {strides = array<i32>} : memref<64x768xf32, #tpu.memory_space<vmem>>, vector<16xf32>,
      %mul3A_171 = arith.mulf %get3A_170, %gather3A : vector<16xf32>
      %swap3A_172 = arith.index_cast %scan3A_96 : i32 to index
      %swap3A_173 = arith.constant 160 : index
      %swap3A_174 = tpu.vector_load %arg6[%swap3A_172, %swap3A_173] {strides = array<i32>} : memref<64x768xf32, #tpu.memory_space<vmem>>, vector<16xf32>,
      tpu.vector_store %arg6[%swap3A_172, %swap3A_173], %mul3A_171 {strides = array<i32>} : memref<64x768xf32, #tpu.memory_space<vmem>>, vector<16xf32>,
      %get3A_175 = arith.index_cast %scan3A_96 : i32 to index
      %get3A_176 = arith.constant 176 : index
      %get3A_177 = tpu.vector_load %arg6[%get3A_175, %get3A_176] {strides = array<i32>} : memref<64x768xf32, #tpu.memory_space<vmem>>, vector<16xf32>,
      %mul3A_178 = arith.mulf %get3A_177, %gather3A : vector<16xf32>
      %swap3A_179 = arith.index_cast %scan3A_96 : i32 to index
      %swap3A_180 = arith.constant 176 : index
      %swap3A_181 = tpu.vector_load %arg6[%swap3A_179, %swap3A_180] {strides = array<i32>} : memref<64x768xf32, #tpu.memory_space<vmem>>, vector<16xf32>,
      tpu.vector_store %arg6[%swap3A_179, %swap3A_180], %mul3A_178 {strides = array<i32>} : memref<64x768xf32, #tpu.memory_space<vmem>>, vector<16xf32>,
      %get3A_182 = arith.index_cast %scan3A_96 : i32 to index
      %get3A_183 = arith.constant 192 : index
      %get3A_184 = tpu.vector_load %arg6[%get3A_182, %get3A_183] {strides = array<i32>} : memref<64x768xf32, #tpu.memory_space<vmem>>, vector<16xf32>,
      %mul3A_185 = arith.mulf %get3A_184, %gather3A : vector<16xf32>
      %swap3A_186 = arith.index_cast %scan3A_96 : i32 to index
      %swap3A_187 = arith.constant 192 : index
      %swap3A_188 = tpu.vector_load %arg6[%swap3A_186, %swap3A_187] {strides = array<i32>} : memref<64x768xf32, #tpu.memory_space<vmem>>, vector<16xf32>,
      tpu.vector_store %arg6[%swap3A_186, %swap3A_187], %mul3A_185 {strides = array<i32>} : memref<64x768xf32, #tpu.memory_space<vmem>>, vector<16xf32>,
      %get3A_189 = arith.index_cast %scan3A_96 : i32 to index
      %get3A_190 = arith.constant 208 : index
      %get3A_191 = tpu.vector_load %arg6[%get3A_189, %get3A_190] {strides = array<i32>} : memref<64x768xf32, #tpu.memory_space<vmem>>, vector<16xf32>,
      %mul3A_192 = arith.mulf %get3A_191, %gather3A : vector<16xf32>
      %swap3A_193 = arith.index_cast %scan3A_96 : i32 to index
      %swap3A_194 = arith.constant 208 : index
      %swap3A_195 = tpu.vector_load %arg6[%swap3A_193, %swap3A_194] {strides = array<i32>} : memref<64x768xf32, #tpu.memory_space<vmem>>, vector<16xf32>,
      tpu.vector_store %arg6[%swap3A_193, %swap3A_194], %mul3A_192 {strides = array<i32>} : memref<64x768xf32, #tpu.memory_space<vmem>>, vector<16xf32>,
      %get3A_196 = arith.index_cast %scan3A_96 : i32 to index
      %get3A_197 = arith.constant 224 : index
      %get3A_198 = tpu.vector_load %arg6[%get3A_196, %get3A_197] {strides = array<i32>} : memref<64x768xf32, #tpu.memory_space<vmem>>, vector<16xf32>,
      %mul3A_199 = arith.mulf %get3A_198, %gather3A : vector<16xf32>
      %swap3A_200 = arith.index_cast %scan3A_96 : i32 to index
      %swap3A_201 = arith.constant 224 : index
      %swap3A_202 = tpu.vector_load %arg6[%swap3A_200, %swap3A_201] {strides = array<i32>} : memref<64x768xf32, #tpu.memory_space<vmem>>, vector<16xf32>,
      tpu.vector_store %arg6[%swap3A_200, %swap3A_201], %mul3A_199 {strides = array<i32>} : memref<64x768xf32, #tpu.memory_space<vmem>>, vector<16xf32>,
      %get3A_203 = arith.index_cast %scan3A_96 : i32 to index
      %get3A_204 = arith.constant 240 : index
      %get3A_205 = tpu.vector_load %arg6[%get3A_203, %get3A_204] {strides = array<i32>} : memref<64x768xf32, #tpu.memory_space<vmem>>, vector<16xf32>,
      %mul3A_206 = arith.mulf %get3A_205, %gather3A : vector<16xf32>
      %swap3A_207 = arith.index_cast %scan3A_96 : i32 to index
      %swap3A_208 = arith.constant 240 : index
      %swap3A_209 = tpu.vector_load %arg6[%swap3A_207, %swap3A_208] {strides = array<i32>} : memref<64x768xf32, #tpu.memory_space<vmem>>, vector<16xf32>,
      tpu.vector_store %arg6[%swap3A_207, %swap3A_208], %mul3A_206 {strides = array<i32>} : memref<64x768xf32, #tpu.memory_space<vmem>>, vector<16xf32>,
      %get3A_210 = arith.index_cast %scan3A_96 : i32 to index
      %get3A_211 = arith.constant 256 : index
      %get3A_212 = tpu.vector_load %arg6[%get3A_210, %get3A_211] {strides = array<i32>} : memref<64x768xf32, #tpu.memory_space<vmem>>, vector<16xf32>,
      %mul3A_213 = arith.mulf %get3A_212, %gather3A : vector<16xf32>
      %swap3A_214 = arith.index_cast %scan3A_96 : i32 to index
      %swap3A_215 = arith.constant 256 : index
      %swap3A_216 = tpu.vector_load %arg6[%swap3A_214, %swap3A_215] {strides = array<i32>} : memref<64x768xf32, #tpu.memory_space<vmem>>, vector<16xf32>,
      tpu.vector_store %arg6[%swap3A_214, %swap3A_215], %mul3A_213 {strides = array<i32>} : memref<64x768xf32, #tpu.memory_space<vmem>>, vector<16xf32>,
      %get3A_217 = arith.index_cast %scan3A_96 : i32 to index
      %get3A_218 = arith.constant 272 : index
      %get3A_219 = tpu.vector_load %arg6[%get3A_217, %get3A_218] {strides = array<i32>} : memref<64x768xf32, #tpu.memory_space<vmem>>, vector<16xf32>,
      %mul3A_220 = arith.mulf %get3A_219, %gather3A : vector<16xf32>
      %swap3A_221 = arith.index_cast %scan3A_96 : i32 to index
      %swap3A_222 = arith.constant 272 : index
      %swap3A_223 = tpu.vector_load %arg6[%swap3A_221, %swap3A_222] {strides = array<i32>} : memref<64x768xf32, #tpu.memory_space<vmem>>, vector<16xf32>,
      tpu.vector_store %arg6[%swap3A_221, %swap3A_222], %mul3A_220 {strides = array<i32>} : memref<64x768xf32, #tpu.memory_space<vmem>>, vector<16xf32>,
      %get3A_224 = arith.index_cast %scan3A_96 : i32 to index
      %get3A_225 = arith.constant 288 : index
      %get3A_226 = tpu.vector_load %arg6[%get3A_224, %get3A_225] {strides = array<i32>} : memref<64x768xf32, #tpu.memory_space<vmem>>, vector<16xf32>,
      %mul3A_227 = arith.mulf %get3A_226, %gather3A : vector<16xf32>
      %swap3A_228 = arith.index_cast %scan3A_96 : i32 to index
      %swap3A_229 = arith.constant 288 : index
      %swap3A_230 = tpu.vector_load %arg6[%swap3A_228, %swap3A_229] {strides = array<i32>} : memref<64x768xf32, #tpu.memory_space<vmem>>, vector<16xf32>,
      tpu.vector_store %arg6[%swap3A_228, %swap3A_229], %mul3A_227 {strides = array<i32>} : memref<64x768xf32, #tpu.memory_space<vmem>>, vector<16xf32>,
      %get3A_231 = arith.index_cast %scan3A_96 : i32 to index
      %get3A_232 = arith.constant 304 : index
      %get3A_233 = tpu.vector_load %arg6[%get3A_231, %get3A_232] {strides = array<i32>} : memref<64x768xf32, #tpu.memory_space<vmem>>, vector<16xf32>,
      %mul3A_234 = arith.mulf %get3A_233, %gather3A : vector<16xf32>
      %swap3A_235 = arith.index_cast %scan3A_96 : i32 to index
      %swap3A_236 = arith.constant 304 : index
      %swap3A_237 = tpu.vector_load %arg6[%swap3A_235, %swap3A_236] {strides = array<i32>} : memref<64x768xf32, #tpu.memory_space<vmem>>, vector<16xf32>,
      tpu.vector_store %arg6[%swap3A_235, %swap3A_236], %mul3A_234 {strides = array<i32>} : memref<64x768xf32, #tpu.memory_space<vmem>>, vector<16xf32>,
      %get3A_238 = arith.index_cast %scan3A_96 : i32 to index
      %get3A_239 = arith.constant 320 : index
      %get3A_240 = tpu.vector_load %arg6[%get3A_238, %get3A_239] {strides = array<i32>} : memref<64x768xf32, #tpu.memory_space<vmem>>, vector<16xf32>,
      %mul3A_241 = arith.mulf %get3A_240, %gather3A : vector<16xf32>
      %swap3A_242 = arith.index_cast %scan3A_96 : i32 to index
      %swap3A_243 = arith.constant 320 : index
      %swap3A_244 = tpu.vector_load %arg6[%swap3A_242, %swap3A_243] {strides = array<i32>} : memref<64x768xf32, #tpu.memory_space<vmem>>, vector<16xf32>,
      tpu.vector_store %arg6[%swap3A_242, %swap3A_243], %mul3A_241 {strides = array<i32>} : memref<64x768xf32, #tpu.memory_space<vmem>>, vector<16xf32>,
      %get3A_245 = arith.index_cast %scan3A_96 : i32 to index
      %get3A_246 = arith.constant 336 : index
      %get3A_247 = tpu.vector_load %arg6[%get3A_245, %get3A_246] {strides = array<i32>} : memref<64x768xf32, #tpu.memory_space<vmem>>, vector<16xf32>,
      %mul3A_248 = arith.mulf %get3A_247, %gather3A : vector<16xf32>
      %swap3A_249 = arith.index_cast %scan3A_96 : i32 to index
      %swap3A_250 = arith.constant 336 : index
      %swap3A_251 = tpu.vector_load %arg6[%swap3A_249, %swap3A_250] {strides = array<i32>} : memref<64x768xf32, #tpu.memory_space<vmem>>, vector<16xf32>,
      tpu.vector_store %arg6[%swap3A_249, %swap3A_250], %mul3A_248 {strides = array<i32>} : memref<64x768xf32, #tpu.memory_space<vmem>>, vector<16xf32>,
      %get3A_252 = arith.index_cast %scan3A_96 : i32 to index
      %get3A_253 = arith.constant 352 : index
      %get3A_254 = tpu.vector_load %arg6[%get3A_252, %get3A_253] {strides = array<i32>} : memref<64x768xf32, #tpu.memory_space<vmem>>, vector<16xf32>,
      %mul3A_255 = arith.mulf %get3A_254, %gather3A : vector<16xf32>
      %swap3A_256 = arith.index_cast %scan3A_96 : i32 to index
      %swap3A_257 = arith.constant 352 : index
      %swap3A_258 = tpu.vector_load %arg6[%swap3A_256, %swap3A_257] {strides = array<i32>} : memref<64x768xf32, #tpu.memory_space<vmem>>, vector<16xf32>,
      tpu.vector_store %arg6[%swap3A_256, %swap3A_257], %mul3A_255 {strides = array<i32>} : memref<64x768xf32, #tpu.memory_space<vmem>>, vector<16xf32>,
      %get3A_259 = arith.index_cast %scan3A_96 : i32 to index
      %get3A_260 = arith.constant 368 : index
      %get3A_261 = tpu.vector_load %arg6[%get3A_259, %get3A_260] {strides = array<i32>} : memref<64x768xf32, #tpu.memory_space<vmem>>, vector<16xf32>,
      %mul3A_262 = arith.mulf %get3A_261, %gather3A : vector<16xf32>
      %swap3A_263 = arith.index_cast %scan3A_96 : i32 to index
      %swap3A_264 = arith.constant 368 : index
      %swap3A_265 = tpu.vector_load %arg6[%swap3A_263, %swap3A_264] {strides = array<i32>} : memref<64x768xf32, #tpu.memory_space<vmem>>, vector<16xf32>,
      tpu.vector_store %arg6[%swap3A_263, %swap3A_264], %mul3A_262 {strides = array<i32>} : memref<64x768xf32, #tpu.memory_space<vmem>>, vector<16xf32>,
      %get3A_266 = arith.index_cast %scan3A_96 : i32 to index
      %get3A_267 = arith.constant 384 : index
      %get3A_268 = tpu.vector_load %arg6[%get3A_266, %get3A_267] {strides = array<i32>} : memref<64x768xf32, #tpu.memory_space<vmem>>, vector<16xf32>,
      %mul3A_269 = arith.mulf %get3A_268, %gather3A : vector<16xf32>
      %swap3A_270 = arith.index_cast %scan3A_96 : i32 to index
      %swap3A_271 = arith.constant 384 : index
      %swap3A_272 = tpu.vector_load %arg6[%swap3A_270, %swap3A_271] {strides = array<i32>} : memref<64x768xf32, #tpu.memory_space<vmem>>, vector<16xf32>,
      tpu.vector_store %arg6[%swap3A_270, %swap3A_271], %mul3A_269 {strides = array<i32>} : memref<64x768xf32, #tpu.memory_space<vmem>>, vector<16xf32>,
      %get3A_273 = arith.index_cast %scan3A_96 : i32 to index
      %get3A_274 = arith.constant 400 : index
      %get3A_275 = tpu.vector_load %arg6[%get3A_273, %get3A_274] {strides = array<i32>} : memref<64x768xf32, #tpu.memory_space<vmem>>, vector<16xf32>,
      %mul3A_276 = arith.mulf %get3A_275, %gather3A : vector<16xf32>
      %swap3A_277 = arith.index_cast %scan3A_96 : i32 to index
      %swap3A_278 = arith.constant 400 : index
      %swap3A_279 = tpu.vector_load %arg6[%swap3A_277, %swap3A_278] {strides = array<i32>} : memref<64x768xf32, #tpu.memory_space<vmem>>, vector<16xf32>,
      tpu.vector_store %arg6[%swap3A_277, %swap3A_278], %mul3A_276 {strides = array<i32>} : memref<64x768xf32, #tpu.memory_space<vmem>>, vector<16xf32>,
      %get3A_280 = arith.index_cast %scan3A_96 : i32 to index
      %get3A_281 = arith.constant 416 : index
      %get3A_282 = tpu.vector_load %arg6[%get3A_280, %get3A_281] {strides = array<i32>} : memref<64x768xf32, #tpu.memory_space<vmem>>, vector<16xf32>,
      %mul3A_283 = arith.mulf %get3A_282, %gather3A : vector<16xf32>
      %swap3A_284 = arith.index_cast %scan3A_96 : i32 to index
      %swap3A_285 = arith.constant 416 : index
      %swap3A_286 = tpu.vector_load %arg6[%swap3A_284, %swap3A_285] {strides = array<i32>} : memref<64x768xf32, #tpu.memory_space<vmem>>, vector<16xf32>,
      tpu.vector_store %arg6[%swap3A_284, %swap3A_285], %mul3A_283 {strides = array<i32>} : memref<64x768xf32, #tpu.memory_space<vmem>>, vector<16xf32>,
      %get3A_287 = arith.index_cast %scan3A_96 : i32 to index
      %get3A_288 = arith.constant 432 : index
      %get3A_289 = tpu.vector_load %arg6[%get3A_287, %get3A_288] {strides = array<i32>} : memref<64x768xf32, #tpu.memory_space<vmem>>, vector<16xf32>,
      %mul3A_290 = arith.mulf %get3A_289, %gather3A : vector<16xf32>
      %swap3A_291 = arith.index_cast %scan3A_96 : i32 to index
      %swap3A_292 = arith.constant 432 : index
      %swap3A_293 = tpu.vector_load %arg6[%swap3A_291, %swap3A_292] {strides = array<i32>} : memref<64x768xf32, #tpu.memory_space<vmem>>, vector<16xf32>,
      tpu.vector_store %arg6[%swap3A_291, %swap3A_292], %mul3A_290 {strides = array<i32>} : memref<64x768xf32, #tpu.memory_space<vmem>>, vector<16xf32>,
      %get3A_294 = arith.index_cast %scan3A_96 : i32 to index
      %get3A_295 = arith.constant 448 : index
      %get3A_296 = tpu.vector_load %arg6[%get3A_294, %get3A_295] {strides = array<i32>} : memref<64x768xf32, #tpu.memory_space<vmem>>, vector<16xf32>,
      %mul3A_297 = arith.mulf %get3A_296, %gather3A : vector<16xf32>
      %swap3A_298 = arith.index_cast %scan3A_96 : i32 to index
      %swap3A_299 = arith.constant 448 : index
      %swap3A_300 = tpu.vector_load %arg6[%swap3A_298, %swap3A_299] {strides = array<i32>} : memref<64x768xf32, #tpu.memory_space<vmem>>, vector<16xf32>,
      tpu.vector_store %arg6[%swap3A_298, %swap3A_299], %mul3A_297 {strides = array<i32>} : memref<64x768xf32, #tpu.memory_space<vmem>>, vector<16xf32>,
      %get3A_301 = arith.index_cast %scan3A_96 : i32 to index
      %get3A_302 = arith.constant 464 : index
      %get3A_303 = tpu.vector_load %arg6[%get3A_301, %get3A_302] {strides = array<i32>} : memref<64x768xf32, #tpu.memory_space<vmem>>, vector<16xf32>,
      %mul3A_304 = arith.mulf %get3A_303, %gather3A : vector<16xf32>
      %swap3A_305 = arith.index_cast %scan3A_96 : i32 to index
      %swap3A_306 = arith.constant 464 : index
      %swap3A_307 = tpu.vector_load %arg6[%swap3A_305, %swap3A_306] {strides = array<i32>} : memref<64x768xf32, #tpu.memory_space<vmem>>, vector<16xf32>,
      tpu.vector_store %arg6[%swap3A_305, %swap3A_306], %mul3A_304 {strides = array<i32>} : memref<64x768xf32, #tpu.memory_space<vmem>>, vector<16xf32>,
      %get3A_308 = arith.index_cast %scan3A_96 : i32 to index
      %get3A_309 = arith.constant 480 : index
      %get3A_310 = tpu.vector_load %arg6[%get3A_308, %get3A_309] {strides = array<i32>} : memref<64x768xf32, #tpu.memory_space<vmem>>, vector<16xf32>,
      %mul3A_311 = arith.mulf %get3A_310, %gather3A : vector<16xf32>
      %swap3A_312 = arith.index_cast %scan3A_96 : i32 to index
      %swap3A_313 = arith.constant 480 : index
      %swap3A_314 = tpu.vector_load %arg6[%swap3A_312, %swap3A_313] {strides = array<i32>} : memref<64x768xf32, #tpu.memory_space<vmem>>, vector<16xf32>,
      tpu.vector_store %arg6[%swap3A_312, %swap3A_313], %mul3A_311 {strides = array<i32>} : memref<64x768xf32, #tpu.memory_space<vmem>>, vector<16xf32>,
      %get3A_315 = arith.index_cast %scan3A_96 : i32 to index
      %get3A_316 = arith.constant 496 : index
      %get3A_317 = tpu.vector_load %arg6[%get3A_315, %get3A_316] {strides = array<i32>} : memref<64x768xf32, #tpu.memory_space<vmem>>, vector<16xf32>,
      %mul3A_318 = arith.mulf %get3A_317, %gather3A : vector<16xf32>
      %swap3A_319 = arith.index_cast %scan3A_96 : i32 to index
      %swap3A_320 = arith.constant 496 : index
      %swap3A_321 = tpu.vector_load %arg6[%swap3A_319, %swap3A_320] {strides = array<i32>} : memref<64x768xf32, #tpu.memory_space<vmem>>, vector<16xf32>,
      tpu.vector_store %arg6[%swap3A_319, %swap3A_320], %mul3A_318 {strides = array<i32>} : memref<64x768xf32, #tpu.memory_space<vmem>>, vector<16xf32>,
      %get3A_322 = arith.index_cast %scan3A_96 : i32 to index
      %get3A_323 = arith.constant 512 : index
      %get3A_324 = tpu.vector_load %arg6[%get3A_322, %get3A_323] {strides = array<i32>} : memref<64x768xf32, #tpu.memory_space<vmem>>, vector<16xf32>,
      %mul3A_325 = arith.mulf %get3A_324, %gather3A : vector<16xf32>
      %swap3A_326 = arith.index_cast %scan3A_96 : i32 to index
      %swap3A_327 = arith.constant 512 : index
      %swap3A_328 = tpu.vector_load %arg6[%swap3A_326, %swap3A_327] {strides = array<i32>} : memref<64x768xf32, #tpu.memory_space<vmem>>, vector<16xf32>,
      tpu.vector_store %arg6[%swap3A_326, %swap3A_327], %mul3A_325 {strides = array<i32>} : memref<64x768xf32, #tpu.memory_space<vmem>>, vector<16xf32>,
      %get3A_329 = arith.index_cast %scan3A_96 : i32 to index
      %get3A_330 = arith.constant 528 : index
      %get3A_331 = tpu.vector_load %arg6[%get3A_329, %get3A_330] {strides = array<i32>} : memref<64x768xf32, #tpu.memory_space<vmem>>, vector<16xf32>,
      %mul3A_332 = arith.mulf %get3A_331, %gather3A : vector<16xf32>
      %swap3A_333 = arith.index_cast %scan3A_96 : i32 to index
      %swap3A_334 = arith.constant 528 : index
      %swap3A_335 = tpu.vector_load %arg6[%swap3A_333, %swap3A_334] {strides = array<i32>} : memref<64x768xf32, #tpu.memory_space<vmem>>, vector<16xf32>,
      tpu.vector_store %arg6[%swap3A_333, %swap3A_334], %mul3A_332 {strides = array<i32>} : memref<64x768xf32, #tpu.memory_space<vmem>>, vector<16xf32>,
      %get3A_336 = arith.index_cast %scan3A_96 : i32 to index
      %get3A_337 = arith.constant 544 : index
      %get3A_338 = tpu.vector_load %arg6[%get3A_336, %get3A_337] {strides = array<i32>} : memref<64x768xf32, #tpu.memory_space<vmem>>, vector<16xf32>,
      %mul3A_339 = arith.mulf %get3A_338, %gather3A : vector<16xf32>
      %swap3A_340 = arith.index_cast %scan3A_96 : i32 to index
      %swap3A_341 = arith.constant 544 : index
      %swap3A_342 = tpu.vector_load %arg6[%swap3A_340, %swap3A_341] {strides = array<i32>} : memref<64x768xf32, #tpu.memory_space<vmem>>, vector<16xf32>,
      tpu.vector_store %arg6[%swap3A_340, %swap3A_341], %mul3A_339 {strides = array<i32>} : memref<64x768xf32, #tpu.memory_space<vmem>>, vector<16xf32>,
      %get3A_343 = arith.index_cast %scan3A_96 : i32 to index
      %get3A_344 = arith.constant 560 : index
      %get3A_345 = tpu.vector_load %arg6[%get3A_343, %get3A_344] {strides = array<i32>} : memref<64x768xf32, #tpu.memory_space<vmem>>, vector<16xf32>,
      %mul3A_346 = arith.mulf %get3A_345, %gather3A : vector<16xf32>
      %swap3A_347 = arith.index_cast %scan3A_96 : i32 to index
      %swap3A_348 = arith.constant 560 : index
      %swap3A_349 = tpu.vector_load %arg6[%swap3A_347, %swap3A_348] {strides = array<i32>} : memref<64x768xf32, #tpu.memory_space<vmem>>, vector<16xf32>,
      tpu.vector_store %arg6[%swap3A_347, %swap3A_348], %mul3A_346 {strides = array<i32>} : memref<64x768xf32, #tpu.memory_space<vmem>>, vector<16xf32>,
      %get3A_350 = arith.index_cast %scan3A_96 : i32 to index
      %get3A_351 = arith.constant 576 : index
      %get3A_352 = tpu.vector_load %arg6[%get3A_350, %get3A_351] {strides = array<i32>} : memref<64x768xf32, #tpu.memory_space<vmem>>, vector<16xf32>,
      %mul3A_353 = arith.mulf %get3A_352, %gather3A : vector<16xf32>
      %swap3A_354 = arith.index_cast %scan3A_96 : i32 to index
      %swap3A_355 = arith.constant 576 : index
      %swap3A_356 = tpu.vector_load %arg6[%swap3A_354, %swap3A_355] {strides = array<i32>} : memref<64x768xf32, #tpu.memory_space<vmem>>, vector<16xf32>,
      tpu.vector_store %arg6[%swap3A_354, %swap3A_355], %mul3A_353 {strides = array<i32>} : memref<64x768xf32, #tpu.memory_space<vmem>>, vector<16xf32>,
      %get3A_357 = arith.index_cast %scan3A_96 : i32 to index
      %get3A_358 = arith.constant 592 : index
      %get3A_359 = tpu.vector_load %arg6[%get3A_357, %get3A_358] {strides = array<i32>} : memref<64x768xf32, #tpu.memory_space<vmem>>, vector<16xf32>,
      %mul3A_360 = arith.mulf %get3A_359, %gather3A : vector<16xf32>
      %swap3A_361 = arith.index_cast %scan3A_96 : i32 to index
      %swap3A_362 = arith.constant 592 : index
      %swap3A_363 = tpu.vector_load %arg6[%swap3A_361, %swap3A_362] {strides = array<i32>} : memref<64x768xf32, #tpu.memory_space<vmem>>, vector<16xf32>,
      tpu.vector_store %arg6[%swap3A_361, %swap3A_362], %mul3A_360 {strides = array<i32>} : memref<64x768xf32, #tpu.memory_space<vmem>>, vector<16xf32>,
      %get3A_364 = arith.index_cast %scan3A_96 : i32 to index
      %get3A_365 = arith.constant 608 : index
      %get3A_366 = tpu.vector_load %arg6[%get3A_364, %get3A_365] {strides = array<i32>} : memref<64x768xf32, #tpu.memory_space<vmem>>, vector<16xf32>,
      %mul3A_367 = arith.mulf %get3A_366, %gather3A : vector<16xf32>
      %swap3A_368 = arith.index_cast %scan3A_96 : i32 to index
      %swap3A_369 = arith.constant 608 : index
      %swap3A_370 = tpu.vector_load %arg6[%swap3A_368, %swap3A_369] {strides = array<i32>} : memref<64x768xf32, #tpu.memory_space<vmem>>, vector<16xf32>,
      tpu.vector_store %arg6[%swap3A_368, %swap3A_369], %mul3A_367 {strides = array<i32>} : memref<64x768xf32, #tpu.memory_space<vmem>>, vector<16xf32>,
      %get3A_371 = arith.index_cast %scan3A_96 : i32 to index
      %get3A_372 = arith.constant 624 : index
      %get3A_373 = tpu.vector_load %arg6[%get3A_371, %get3A_372] {strides = array<i32>} : memref<64x768xf32, #tpu.memory_space<vmem>>, vector<16xf32>,
      %mul3A_374 = arith.mulf %get3A_373, %gather3A : vector<16xf32>
      %swap3A_375 = arith.index_cast %scan3A_96 : i32 to index
      %swap3A_376 = arith.constant 624 : index
      %swap3A_377 = tpu.vector_load %arg6[%swap3A_375, %swap3A_376] {strides = array<i32>} : memref<64x768xf32, #tpu.memory_space<vmem>>, vector<16xf32>,
      tpu.vector_store %arg6[%swap3A_375, %swap3A_376], %mul3A_374 {strides = array<i32>} : memref<64x768xf32, #tpu.memory_space<vmem>>, vector<16xf32>,
      %get3A_378 = arith.index_cast %scan3A_96 : i32 to index
      %get3A_379 = arith.constant 640 : index
      %get3A_380 = tpu.vector_load %arg6[%get3A_378, %get3A_379] {strides = array<i32>} : memref<64x768xf32, #tpu.memory_space<vmem>>, vector<16xf32>,
      %mul3A_381 = arith.mulf %get3A_380, %gather3A : vector<16xf32>
      %swap3A_382 = arith.index_cast %scan3A_96 : i32 to index
      %swap3A_383 = arith.constant 640 : index
      %swap3A_384 = tpu.vector_load %arg6[%swap3A_382, %swap3A_383] {strides = array<i32>} : memref<64x768xf32, #tpu.memory_space<vmem>>, vector<16xf32>,
      tpu.vector_store %arg6[%swap3A_382, %swap3A_383], %mul3A_381 {strides = array<i32>} : memref<64x768xf32, #tpu.memory_space<vmem>>, vector<16xf32>,
      %get3A_385 = arith.index_cast %scan3A_96 : i32 to index
      %get3A_386 = arith.constant 656 : index
      %get3A_387 = tpu.vector_load %arg6[%get3A_385, %get3A_386] {strides = array<i32>} : memref<64x768xf32, #tpu.memory_space<vmem>>, vector<16xf32>,
      %mul3A_388 = arith.mulf %get3A_387, %gather3A : vector<16xf32>
      %swap3A_389 = arith.index_cast %scan3A_96 : i32 to index
      %swap3A_390 = arith.constant 656 : index
      %swap3A_391 = tpu.vector_load %arg6[%swap3A_389, %swap3A_390] {strides = array<i32>} : memref<64x768xf32, #tpu.memory_space<vmem>>, vector<16xf32>,
      tpu.vector_store %arg6[%swap3A_389, %swap3A_390], %mul3A_388 {strides = array<i32>} : memref<64x768xf32, #tpu.memory_space<vmem>>, vector<16xf32>,
      %get3A_392 = arith.index_cast %scan3A_96 : i32 to index
      %get3A_393 = arith.constant 672 : index
      %get3A_394 = tpu.vector_load %arg6[%get3A_392, %get3A_393] {strides = array<i32>} : memref<64x768xf32, #tpu.memory_space<vmem>>, vector<16xf32>,
      %mul3A_395 = arith.mulf %get3A_394, %gather3A : vector<16xf32>
      %swap3A_396 = arith.index_cast %scan3A_96 : i32 to index
      %swap3A_397 = arith.constant 672 : index
      %swap3A_398 = tpu.vector_load %arg6[%swap3A_396, %swap3A_397] {strides = array<i32>} : memref<64x768xf32, #tpu.memory_space<vmem>>, vector<16xf32>,
      tpu.vector_store %arg6[%swap3A_396, %swap3A_397], %mul3A_395 {strides = array<i32>} : memref<64x768xf32, #tpu.memory_space<vmem>>, vector<16xf32>,
      %get3A_399 = arith.index_cast %scan3A_96 : i32 to index
      %get3A_400 = arith.constant 688 : index
      %get3A_401 = tpu.vector_load %arg6[%get3A_399, %get3A_400] {strides = array<i32>} : memref<64x768xf32, #tpu.memory_space<vmem>>, vector<16xf32>,
      %mul3A_402 = arith.mulf %get3A_401, %gather3A : vector<16xf32>
      %swap3A_403 = arith.index_cast %scan3A_96 : i32 to index
      %swap3A_404 = arith.constant 688 : index
      %swap3A_405 = tpu.vector_load %arg6[%swap3A_403, %swap3A_404] {strides = array<i32>} : memref<64x768xf32, #tpu.memory_space<vmem>>, vector<16xf32>,
      tpu.vector_store %arg6[%swap3A_403, %swap3A_404], %mul3A_402 {strides = array<i32>} : memref<64x768xf32, #tpu.memory_space<vmem>>, vector<16xf32>,
      %get3A_406 = arith.index_cast %scan3A_96 : i32 to index
      %get3A_407 = arith.constant 704 : index
      %get3A_408 = tpu.vector_load %arg6[%get3A_406, %get3A_407] {strides = array<i32>} : memref<64x768xf32, #tpu.memory_space<vmem>>, vector<16xf32>,
      %mul3A_409 = arith.mulf %get3A_408, %gather3A : vector<16xf32>
      %swap3A_410 = arith.index_cast %scan3A_96 : i32 to index
      %swap3A_411 = arith.constant 704 : index
      %swap3A_412 = tpu.vector_load %arg6[%swap3A_410, %swap3A_411] {strides = array<i32>} : memref<64x768xf32, #tpu.memory_space<vmem>>, vector<16xf32>,
      tpu.vector_store %arg6[%swap3A_410, %swap3A_411], %mul3A_409 {strides = array<i32>} : memref<64x768xf32, #tpu.memory_space<vmem>>, vector<16xf32>,
      %get3A_413 = arith.index_cast %scan3A_96 : i32 to index
      %get3A_414 = arith.constant 720 : index
      %get3A_415 = tpu.vector_load %arg6[%get3A_413, %get3A_414] {strides = array<i32>} : memref<64x768xf32, #tpu.memory_space<vmem>>, vector<16xf32>,
      %mul3A_416 = arith.mulf %get3A_415, %gather3A : vector<16xf32>
      %swap3A_417 = arith.index_cast %scan3A_96 : i32 to index
      %swap3A_418 = arith.constant 720 : index
      %swap3A_419 = tpu.vector_load %arg6[%swap3A_417, %swap3A_418] {strides = array<i32>} : memref<64x768xf32, #tpu.memory_space<vmem>>, vector<16xf32>,
      tpu.vector_store %arg6[%swap3A_417, %swap3A_418], %mul3A_416 {strides = array<i32>} : memref<64x768xf32, #tpu.memory_space<vmem>>, vector<16xf32>,
      %get3A_420 = arith.index_cast %scan3A_96 : i32 to index
      %get3A_421 = arith.constant 736 : index
      %get3A_422 = tpu.vector_load %arg6[%get3A_420, %get3A_421] {strides = array<i32>} : memref<64x768xf32, #tpu.memory_space<vmem>>, vector<16xf32>,
      %mul3A_423 = arith.mulf %get3A_422, %gather3A : vector<16xf32>
      %swap3A_424 = arith.index_cast %scan3A_96 : i32 to index
      %swap3A_425 = arith.constant 736 : index
      %swap3A_426 = tpu.vector_load %arg6[%swap3A_424, %swap3A_425] {strides = array<i32>} : memref<64x768xf32, #tpu.memory_space<vmem>>, vector<16xf32>,
      tpu.vector_store %arg6[%swap3A_424, %swap3A_425], %mul3A_423 {strides = array<i32>} : memref<64x768xf32, #tpu.memory_space<vmem>>, vector<16xf32>,
      %get3A_427 = arith.index_cast %scan3A_96 : i32 to index
      %get3A_428 = arith.constant 752 : index
      %get3A_429 = tpu.vector_load %arg6[%get3A_427, %get3A_428] {strides = array<i32>} : memref<64x768xf32, #tpu.memory_space<vmem>>, vector<16xf32>,
      %mul3A_430 = arith.mulf %get3A_429, %gather3A : vector<16xf32>
      %swap3A_431 = arith.index_cast %scan3A_96 : i32 to index
      %swap3A_432 = arith.constant 752 : index
      %swap3A_433 = tpu.vector_load %arg6[%swap3A_431, %swap3A_432] {strides = array<i32>} : memref<64x768xf32, #tpu.memory_space<vmem>>, vector<16xf32>,
      tpu.vector_store %arg6[%swap3A_431, %swap3A_432], %mul3A_430 {strides = array<i32>} : memref<64x768xf32, #tpu.memory_space<vmem>>, vector<16xf32>,
    }
    %scan3A_75 = arith.constant 64 : i32
    %add3A_76 = arith.constant 128 : i32
    %add3A_77 = arith.addi %mul3A_2, %add3A_76 : i32
    "tpu.region"() ({
      %run_scoped3A = tpu.sem_alloc : memref<!tpu.dma_semaphore, #tpu.memory_space<semaphore_mem>>
      %dma_start3A_96 = arith.constant 0 : i32
      %dma_start3A_97 = tpu.memref_slice %arg5[%add3A_77, %dma_start3A_96] : memref<8192x768xf32, #tpu.memory_space<hbm>> -> memref<64x768xf32, #tpu.memory_space<hbm>>
      %dma_start3A_98 = arith.constant 0 : i32
      %dma_start3A_99 = tpu.memref_slice %arg5[%add3A_77, %dma_start3A_98] : memref<8192x768xf32, #tpu.memory_space<hbm>> -> memref<64x768xf32, #tpu.memory_space<hbm>>
      tpu.enqueue_dma source(%arg6 : memref<64x768xf32, #tpu.memory_space<vmem>>) target(%dma_start3A_99 : memref<64x768xf32, #tpu.memory_space<hbm>>) target_semaphore(%run_scoped3A : memref<!tpu.dma_semaphore, #tpu.memory_space<semaphore_mem>>)
      %dma_wait3A_100 = arith.constant 0 : i32
      %dma_wait3A_101 = tpu.memref_slice %arg5[%add3A_77, %dma_wait3A_100] : memref<8192x768xf32, #tpu.memory_space<hbm>> -> memref<64x768xf32, #tpu.memory_space<hbm>>
      %dma_wait3A_102 = arith.constant 0 : i32
      %dma_wait3A_103 = tpu.memref_slice %arg5[%add3A_77, %dma_wait3A_102] : memref<8192x768xf32, #tpu.memory_space<hbm>> -> memref<64x768xf32, #tpu.memory_space<hbm>>
      tpu.wait_dma2 semaphore(%run_scoped3A : memref<!tpu.dma_semaphore, #tpu.memory_space<semaphore_mem>>) src(%arg6 : memref<64x768xf32, #tpu.memory_space<vmem>>) dst(%dma_wait3A_103 : memref<64x768xf32, #tpu.memory_space<hbm>>)
      tpu.yield
    }) : () -> ()
    %dma_wait3A_78 = tpu.memref_slice %arg3[%add3A_59] : memref<8192xi32, #tpu.memory_space<hbm>> -> memref<64xi32, #tpu.memory_space<hbm>>
    %dma_wait3A_79 = tpu.memref_slice %arg3[%add3A_59] : memref<8192xi32, #tpu.memory_space<hbm>> -> memref<64xi32, #tpu.memory_space<hbm>>
    tpu.wait_dma2 semaphore(%arg12 : memref<!tpu.dma_semaphore, #tpu.memory_space<semaphore_mem>>) src(%dma_wait3A_79 : memref<64xi32, #tpu.memory_space<hbm>>) dst(%arg8 : memref<64xi32, #tpu.memory_space<vmem>>)
    %dma_wait3A_80 = tpu.memref_slice %arg4[%add3A_59] : memref<8192xf32, #tpu.memory_space<hbm>> -> memref<64xf32, #tpu.memory_space<hbm>>
    %dma_wait3A_81 = tpu.memref_slice %arg4[%add3A_59] : memref<8192xf32, #tpu.memory_space<hbm>> -> memref<64xf32, #tpu.memory_space<hbm>>
    tpu.wait_dma2 semaphore(%arg14 : memref<!tpu.dma_semaphore, #tpu.memory_space<semaphore_mem>>) src(%dma_wait3A_81 : memref<64xf32, #tpu.memory_space<hbm>>) dst(%arg10 : memref<64xf32, #tpu.memory_space<vmem>>)
    %dma_start3A_82 = arith.constant 0 : i32
    %dma_start3A_83 = arith.constant 0 : i32
    %dma_start3A_84 = tpu.memref_slice %arg2[%dma_start3A_82, %dma_start3A_83] : memref<24576x768xf32, #tpu.memory_space<hbm>> -> memref<24576x768xf32, #tpu.memory_space<hbm>>
    tpu.enqueue_indirect_dma source(%dma_start3A_84 : memref<24576x768xf32, #tpu.memory_space<hbm>>) target(%arg6 : memref<64x768xf32, #tpu.memory_space<vmem>>) offsets(%arg8 : memref<64xi32, #tpu.memory_space<vmem>>) semaphore(%arg15 : memref<!tpu.dma_semaphore, #tpu.memory_space<semaphore_mem>>)
    %dma_wait3A_85 = arith.constant 0 : i32
    %dma_wait3A_86 = arith.constant 0 : i32
    %dma_wait3A_87 = tpu.memref_slice %arg2[%dma_wait3A_85, %dma_wait3A_86] : memref<24576x768xf32, #tpu.memory_space<hbm>> -> memref<24576x768xf32, #tpu.memory_space<hbm>>
    tpu.wait_indirect_dma semaphore(%arg15 : memref<!tpu.dma_semaphore, #tpu.memory_space<semaphore_mem>>) src(%dma_wait3A_87 : memref<24576x768xf32, #tpu.memory_space<hbm>>) dst(%arg6 : memref<64x768xf32, #tpu.memory_space<vmem>>)
    %scan3A_88 = arith.constant 0 : i32
    %scan3A_89 = arith.constant 0 : i32
    %scan3A_90 = arith.constant 64 : i32
    %scan3A_91 = arith.addi %scan3A_89, %scan3A_90 : i32
    %scan3A_92 = arith.constant 1 : i32
    scf.for %scan3A_96 = %scan3A_89 to %scan3A_91 step %scan3A_92  : i32 {
      %broadcast_in_dim3A = arith.constant 0 : i32
      %broadcast_in_dim3A_97 = vector.broadcast %broadcast_in_dim3A : i32 to vector<16xi32>
      %add3A_98 = vector.broadcast %scan3A_96 : i32 to vector<16xi32>
      %add3A_99 = arith.addi %broadcast_in_dim3A_97, %add3A_98 : vector<16xi32>
      %gather3A = tpu.vector_load_idx %arg10[%add3A_99] : memref<64xf32, #tpu.memory_space<vmem>>[vector<16xi32>], vector<16xf32>,
      %get3A = arith.index_cast %scan3A_96 : i32 to index
      %get3A_100 = arith.constant 0 : index
      %get3A_101 = tpu.vector_load %arg6[%get3A, %get3A_100] {strides = array<i32>} : memref<64x768xf32, #tpu.memory_space<vmem>>, vector<16xf32>,
      %mul3A_102 = arith.mulf %get3A_101, %gather3A : vector<16xf32>
      %swap3A = arith.index_cast %scan3A_96 : i32 to index
      %swap3A_103 = arith.constant 0 : index
      %swap3A_104 = tpu.vector_load %arg6[%swap3A, %swap3A_103] {strides = array<i32>} : memref<64x768xf32, #tpu.memory_space<vmem>>, vector<16xf32>,
      tpu.vector_store %arg6[%swap3A, %swap3A_103], %mul3A_102 {strides = array<i32>} : memref<64x768xf32, #tpu.memory_space<vmem>>, vector<16xf32>,
      %get3A_105 = arith.index_cast %scan3A_96 : i32 to index
      %get3A_106 = arith.constant 16 : index
      %get3A_107 = tpu.vector_load %arg6[%get3A_105, %get3A_106] {strides = array<i32>} : memref<64x768xf32, #tpu.memory_space<vmem>>, vector<16xf32>,
      %mul3A_108 = arith.mulf %get3A_107, %gather3A : vector<16xf32>
      %swap3A_109 = arith.index_cast %scan3A_96 : i32 to index
      %swap3A_110 = arith.constant 16 : index
      %swap3A_111 = tpu.vector_load %arg6[%swap3A_109, %swap3A_110] {strides = array<i32>} : memref<64x768xf32, #tpu.memory_space<vmem>>, vector<16xf32>,
      tpu.vector_store %arg6[%swap3A_109, %swap3A_110], %mul3A_108 {strides = array<i32>} : memref<64x768xf32, #tpu.memory_space<vmem>>, vector<16xf32>,
      %get3A_112 = arith.index_cast %scan3A_96 : i32 to index
      %get3A_113 = arith.constant 32 : index
      %get3A_114 = tpu.vector_load %arg6[%get3A_112, %get3A_113] {strides = array<i32>} : memref<64x768xf32, #tpu.memory_space<vmem>>, vector<16xf32>,
      %mul3A_115 = arith.mulf %get3A_114, %gather3A : vector<16xf32>
      %swap3A_116 = arith.index_cast %scan3A_96 : i32 to index
      %swap3A_117 = arith.constant 32 : index
      %swap3A_118 = tpu.vector_load %arg6[%swap3A_116, %swap3A_117] {strides = array<i32>} : memref<64x768xf32, #tpu.memory_space<vmem>>, vector<16xf32>,
      tpu.vector_store %arg6[%swap3A_116, %swap3A_117], %mul3A_115 {strides = array<i32>} : memref<64x768xf32, #tpu.memory_space<vmem>>, vector<16xf32>,
      %get3A_119 = arith.index_cast %scan3A_96 : i32 to index
      %get3A_120 = arith.constant 48 : index
      %get3A_121 = tpu.vector_load %arg6[%get3A_119, %get3A_120] {strides = array<i32>} : memref<64x768xf32, #tpu.memory_space<vmem>>, vector<16xf32>,
      %mul3A_122 = arith.mulf %get3A_121, %gather3A : vector<16xf32>
      %swap3A_123 = arith.index_cast %scan3A_96 : i32 to index
      %swap3A_124 = arith.constant 48 : index
      %swap3A_125 = tpu.vector_load %arg6[%swap3A_123, %swap3A_124] {strides = array<i32>} : memref<64x768xf32, #tpu.memory_space<vmem>>, vector<16xf32>,
      tpu.vector_store %arg6[%swap3A_123, %swap3A_124], %mul3A_122 {strides = array<i32>} : memref<64x768xf32, #tpu.memory_space<vmem>>, vector<16xf32>,
      %get3A_126 = arith.index_cast %scan3A_96 : i32 to index
      %get3A_127 = arith.constant 64 : index
      %get3A_128 = tpu.vector_load %arg6[%get3A_126, %get3A_127] {strides = array<i32>} : memref<64x768xf32, #tpu.memory_space<vmem>>, vector<16xf32>,
      %mul3A_129 = arith.mulf %get3A_128, %gather3A : vector<16xf32>
      %swap3A_130 = arith.index_cast %scan3A_96 : i32 to index
      %swap3A_131 = arith.constant 64 : index
      %swap3A_132 = tpu.vector_load %arg6[%swap3A_130, %swap3A_131] {strides = array<i32>} : memref<64x768xf32, #tpu.memory_space<vmem>>, vector<16xf32>,
      tpu.vector_store %arg6[%swap3A_130, %swap3A_131], %mul3A_129 {strides = array<i32>} : memref<64x768xf32, #tpu.memory_space<vmem>>, vector<16xf32>,
      %get3A_133 = arith.index_cast %scan3A_96 : i32 to index
      %get3A_134 = arith.constant 80 : index
      %get3A_135 = tpu.vector_load %arg6[%get3A_133, %get3A_134] {strides = array<i32>} : memref<64x768xf32, #tpu.memory_space<vmem>>, vector<16xf32>,
      %mul3A_136 = arith.mulf %get3A_135, %gather3A : vector<16xf32>
      %swap3A_137 = arith.index_cast %scan3A_96 : i32 to index
      %swap3A_138 = arith.constant 80 : index
      %swap3A_139 = tpu.vector_load %arg6[%swap3A_137, %swap3A_138] {strides = array<i32>} : memref<64x768xf32, #tpu.memory_space<vmem>>, vector<16xf32>,
      tpu.vector_store %arg6[%swap3A_137, %swap3A_138], %mul3A_136 {strides = array<i32>} : memref<64x768xf32, #tpu.memory_space<vmem>>, vector<16xf32>,
      %get3A_140 = arith.index_cast %scan3A_96 : i32 to index
      %get3A_141 = arith.constant 96 : index
      %get3A_142 = tpu.vector_load %arg6[%get3A_140, %get3A_141] {strides = array<i32>} : memref<64x768xf32, #tpu.memory_space<vmem>>, vector<16xf32>,
      %mul3A_143 = arith.mulf %get3A_142, %gather3A : vector<16xf32>
      %swap3A_144 = arith.index_cast %scan3A_96 : i32 to index
      %swap3A_145 = arith.constant 96 : index
      %swap3A_146 = tpu.vector_load %arg6[%swap3A_144, %swap3A_145] {strides = array<i32>} : memref<64x768xf32, #tpu.memory_space<vmem>>, vector<16xf32>,
      tpu.vector_store %arg6[%swap3A_144, %swap3A_145], %mul3A_143 {strides = array<i32>} : memref<64x768xf32, #tpu.memory_space<vmem>>, vector<16xf32>,
      %get3A_147 = arith.index_cast %scan3A_96 : i32 to index
      %get3A_148 = arith.constant 112 : index
      %get3A_149 = tpu.vector_load %arg6[%get3A_147, %get3A_148] {strides = array<i32>} : memref<64x768xf32, #tpu.memory_space<vmem>>, vector<16xf32>,
      %mul3A_150 = arith.mulf %get3A_149, %gather3A : vector<16xf32>
      %swap3A_151 = arith.index_cast %scan3A_96 : i32 to index
      %swap3A_152 = arith.constant 112 : index
      %swap3A_153 = tpu.vector_load %arg6[%swap3A_151, %swap3A_152] {strides = array<i32>} : memref<64x768xf32, #tpu.memory_space<vmem>>, vector<16xf32>,
      tpu.vector_store %arg6[%swap3A_151, %swap3A_152], %mul3A_150 {strides = array<i32>} : memref<64x768xf32, #tpu.memory_space<vmem>>, vector<16xf32>,
      %get3A_154 = arith.index_cast %scan3A_96 : i32 to index
      %get3A_155 = arith.constant 128 : index
      %get3A_156 = tpu.vector_load %arg6[%get3A_154, %get3A_155] {strides = array<i32>} : memref<64x768xf32, #tpu.memory_space<vmem>>, vector<16xf32>,
      %mul3A_157 = arith.mulf %get3A_156, %gather3A : vector<16xf32>
      %swap3A_158 = arith.index_cast %scan3A_96 : i32 to index
      %swap3A_159 = arith.constant 128 : index
      %swap3A_160 = tpu.vector_load %arg6[%swap3A_158, %swap3A_159] {strides = array<i32>} : memref<64x768xf32, #tpu.memory_space<vmem>>, vector<16xf32>,
      tpu.vector_store %arg6[%swap3A_158, %swap3A_159], %mul3A_157 {strides = array<i32>} : memref<64x768xf32, #tpu.memory_space<vmem>>, vector<16xf32>,
      %get3A_161 = arith.index_cast %scan3A_96 : i32 to index
      %get3A_162 = arith.constant 144 : index
      %get3A_163 = tpu.vector_load %arg6[%get3A_161, %get3A_162] {strides = array<i32>} : memref<64x768xf32, #tpu.memory_space<vmem>>, vector<16xf32>,
      %mul3A_164 = arith.mulf %get3A_163, %gather3A : vector<16xf32>
      %swap3A_165 = arith.index_cast %scan3A_96 : i32 to index
      %swap3A_166 = arith.constant 144 : index
      %swap3A_167 = tpu.vector_load %arg6[%swap3A_165, %swap3A_166] {strides = array<i32>} : memref<64x768xf32, #tpu.memory_space<vmem>>, vector<16xf32>,
      tpu.vector_store %arg6[%swap3A_165, %swap3A_166], %mul3A_164 {strides = array<i32>} : memref<64x768xf32, #tpu.memory_space<vmem>>, vector<16xf32>,
      %get3A_168 = arith.index_cast %scan3A_96 : i32 to index
      %get3A_169 = arith.constant 160 : index
      %get3A_170 = tpu.vector_load %arg6[%get3A_168, %get3A_169] {strides = array<i32>} : memref<64x768xf32, #tpu.memory_space<vmem>>, vector<16xf32>,
      %mul3A_171 = arith.mulf %get3A_170, %gather3A : vector<16xf32>
      %swap3A_172 = arith.index_cast %scan3A_96 : i32 to index
      %swap3A_173 = arith.constant 160 : index
      %swap3A_174 = tpu.vector_load %arg6[%swap3A_172, %swap3A_173] {strides = array<i32>} : memref<64x768xf32, #tpu.memory_space<vmem>>, vector<16xf32>,
      tpu.vector_store %arg6[%swap3A_172, %swap3A_173], %mul3A_171 {strides = array<i32>} : memref<64x768xf32, #tpu.memory_space<vmem>>, vector<16xf32>,
      %get3A_175 = arith.index_cast %scan3A_96 : i32 to index
      %get3A_176 = arith.constant 176 : index
      %get3A_177 = tpu.vector_load %arg6[%get3A_175, %get3A_176] {strides = array<i32>} : memref<64x768xf32, #tpu.memory_space<vmem>>, vector<16xf32>,
      %mul3A_178 = arith.mulf %get3A_177, %gather3A : vector<16xf32>
      %swap3A_179 = arith.index_cast %scan3A_96 : i32 to index
      %swap3A_180 = arith.constant 176 : index
      %swap3A_181 = tpu.vector_load %arg6[%swap3A_179, %swap3A_180] {strides = array<i32>} : memref<64x768xf32, #tpu.memory_space<vmem>>, vector<16xf32>,
      tpu.vector_store %arg6[%swap3A_179, %swap3A_180], %mul3A_178 {strides = array<i32>} : memref<64x768xf32, #tpu.memory_space<vmem>>, vector<16xf32>,
      %get3A_182 = arith.index_cast %scan3A_96 : i32 to index
      %get3A_183 = arith.constant 192 : index
      %get3A_184 = tpu.vector_load %arg6[%get3A_182, %get3A_183] {strides = array<i32>} : memref<64x768xf32, #tpu.memory_space<vmem>>, vector<16xf32>,
      %mul3A_185 = arith.mulf %get3A_184, %gather3A : vector<16xf32>
      %swap3A_186 = arith.index_cast %scan3A_96 : i32 to index
      %swap3A_187 = arith.constant 192 : index
      %swap3A_188 = tpu.vector_load %arg6[%swap3A_186, %swap3A_187] {strides = array<i32>} : memref<64x768xf32, #tpu.memory_space<vmem>>, vector<16xf32>,
      tpu.vector_store %arg6[%swap3A_186, %swap3A_187], %mul3A_185 {strides = array<i32>} : memref<64x768xf32, #tpu.memory_space<vmem>>, vector<16xf32>,
      %get3A_189 = arith.index_cast %scan3A_96 : i32 to index
      %get3A_190 = arith.constant 208 : index
      %get3A_191 = tpu.vector_load %arg6[%get3A_189, %get3A_190] {strides = array<i32>} : memref<64x768xf32, #tpu.memory_space<vmem>>, vector<16xf32>,
      %mul3A_192 = arith.mulf %get3A_191, %gather3A : vector<16xf32>
      %swap3A_193 = arith.index_cast %scan3A_96 : i32 to index
      %swap3A_194 = arith.constant 208 : index
      %swap3A_195 = tpu.vector_load %arg6[%swap3A_193, %swap3A_194] {strides = array<i32>} : memref<64x768xf32, #tpu.memory_space<vmem>>, vector<16xf32>,
      tpu.vector_store %arg6[%swap3A_193, %swap3A_194], %mul3A_192 {strides = array<i32>} : memref<64x768xf32, #tpu.memory_space<vmem>>, vector<16xf32>,
      %get3A_196 = arith.index_cast %scan3A_96 : i32 to index
      %get3A_197 = arith.constant 224 : index
      %get3A_198 = tpu.vector_load %arg6[%get3A_196, %get3A_197] {strides = array<i32>} : memref<64x768xf32, #tpu.memory_space<vmem>>, vector<16xf32>,
      %mul3A_199 = arith.mulf %get3A_198, %gather3A : vector<16xf32>
      %swap3A_200 = arith.index_cast %scan3A_96 : i32 to index
      %swap3A_201 = arith.constant 224 : index
      %swap3A_202 = tpu.vector_load %arg6[%swap3A_200, %swap3A_201] {strides = array<i32>} : memref<64x768xf32, #tpu.memory_space<vmem>>, vector<16xf32>,
      tpu.vector_store %arg6[%swap3A_200, %swap3A_201], %mul3A_199 {strides = array<i32>} : memref<64x768xf32, #tpu.memory_space<vmem>>, vector<16xf32>,
      %get3A_203 = arith.index_cast %scan3A_96 : i32 to index
      %get3A_204 = arith.constant 240 : index
      %get3A_205 = tpu.vector_load %arg6[%get3A_203, %get3A_204] {strides = array<i32>} : memref<64x768xf32, #tpu.memory_space<vmem>>, vector<16xf32>,
      %mul3A_206 = arith.mulf %get3A_205, %gather3A : vector<16xf32>
      %swap3A_207 = arith.index_cast %scan3A_96 : i32 to index
      %swap3A_208 = arith.constant 240 : index
      %swap3A_209 = tpu.vector_load %arg6[%swap3A_207, %swap3A_208] {strides = array<i32>} : memref<64x768xf32, #tpu.memory_space<vmem>>, vector<16xf32>,
      tpu.vector_store %arg6[%swap3A_207, %swap3A_208], %mul3A_206 {strides = array<i32>} : memref<64x768xf32, #tpu.memory_space<vmem>>, vector<16xf32>,
      %get3A_210 = arith.index_cast %scan3A_96 : i32 to index
      %get3A_211 = arith.constant 256 : index
      %get3A_212 = tpu.vector_load %arg6[%get3A_210, %get3A_211] {strides = array<i32>} : memref<64x768xf32, #tpu.memory_space<vmem>>, vector<16xf32>,
      %mul3A_213 = arith.mulf %get3A_212, %gather3A : vector<16xf32>
      %swap3A_214 = arith.index_cast %scan3A_96 : i32 to index
      %swap3A_215 = arith.constant 256 : index
      %swap3A_216 = tpu.vector_load %arg6[%swap3A_214, %swap3A_215] {strides = array<i32>} : memref<64x768xf32, #tpu.memory_space<vmem>>, vector<16xf32>,
      tpu.vector_store %arg6[%swap3A_214, %swap3A_215], %mul3A_213 {strides = array<i32>} : memref<64x768xf32, #tpu.memory_space<vmem>>, vector<16xf32>,
      %get3A_217 = arith.index_cast %scan3A_96 : i32 to index
      %get3A_218 = arith.constant 272 : index
      %get3A_219 = tpu.vector_load %arg6[%get3A_217, %get3A_218] {strides = array<i32>} : memref<64x768xf32, #tpu.memory_space<vmem>>, vector<16xf32>,
      %mul3A_220 = arith.mulf %get3A_219, %gather3A : vector<16xf32>
      %swap3A_221 = arith.index_cast %scan3A_96 : i32 to index
      %swap3A_222 = arith.constant 272 : index
      %swap3A_223 = tpu.vector_load %arg6[%swap3A_221, %swap3A_222] {strides = array<i32>} : memref<64x768xf32, #tpu.memory_space<vmem>>, vector<16xf32>,
      tpu.vector_store %arg6[%swap3A_221, %swap3A_222], %mul3A_220 {strides = array<i32>} : memref<64x768xf32, #tpu.memory_space<vmem>>, vector<16xf32>,
      %get3A_224 = arith.index_cast %scan3A_96 : i32 to index
      %get3A_225 = arith.constant 288 : index
      %get3A_226 = tpu.vector_load %arg6[%get3A_224, %get3A_225] {strides = array<i32>} : memref<64x768xf32, #tpu.memory_space<vmem>>, vector<16xf32>,
      %mul3A_227 = arith.mulf %get3A_226, %gather3A : vector<16xf32>
      %swap3A_228 = arith.index_cast %scan3A_96 : i32 to index
      %swap3A_229 = arith.constant 288 : index
      %swap3A_230 = tpu.vector_load %arg6[%swap3A_228, %swap3A_229] {strides = array<i32>} : memref<64x768xf32, #tpu.memory_space<vmem>>, vector<16xf32>,
      tpu.vector_store %arg6[%swap3A_228, %swap3A_229], %mul3A_227 {strides = array<i32>} : memref<64x768xf32, #tpu.memory_space<vmem>>, vector<16xf32>,
      %get3A_231 = arith.index_cast %scan3A_96 : i32 to index
      %get3A_232 = arith.constant 304 : index
      %get3A_233 = tpu.vector_load %arg6[%get3A_231, %get3A_232] {strides = array<i32>} : memref<64x768xf32, #tpu.memory_space<vmem>>, vector<16xf32>,
      %mul3A_234 = arith.mulf %get3A_233, %gather3A : vector<16xf32>
      %swap3A_235 = arith.index_cast %scan3A_96 : i32 to index
      %swap3A_236 = arith.constant 304 : index
      %swap3A_237 = tpu.vector_load %arg6[%swap3A_235, %swap3A_236] {strides = array<i32>} : memref<64x768xf32, #tpu.memory_space<vmem>>, vector<16xf32>,
      tpu.vector_store %arg6[%swap3A_235, %swap3A_236], %mul3A_234 {strides = array<i32>} : memref<64x768xf32, #tpu.memory_space<vmem>>, vector<16xf32>,
      %get3A_238 = arith.index_cast %scan3A_96 : i32 to index
      %get3A_239 = arith.constant 320 : index
      %get3A_240 = tpu.vector_load %arg6[%get3A_238, %get3A_239] {strides = array<i32>} : memref<64x768xf32, #tpu.memory_space<vmem>>, vector<16xf32>,
      %mul3A_241 = arith.mulf %get3A_240, %gather3A : vector<16xf32>
      %swap3A_242 = arith.index_cast %scan3A_96 : i32 to index
      %swap3A_243 = arith.constant 320 : index
      %swap3A_244 = tpu.vector_load %arg6[%swap3A_242, %swap3A_243] {strides = array<i32>} : memref<64x768xf32, #tpu.memory_space<vmem>>, vector<16xf32>,
      tpu.vector_store %arg6[%swap3A_242, %swap3A_243], %mul3A_241 {strides = array<i32>} : memref<64x768xf32, #tpu.memory_space<vmem>>, vector<16xf32>,
      %get3A_245 = arith.index_cast %scan3A_96 : i32 to index
      %get3A_246 = arith.constant 336 : index
      %get3A_247 = tpu.vector_load %arg6[%get3A_245, %get3A_246] {strides = array<i32>} : memref<64x768xf32, #tpu.memory_space<vmem>>, vector<16xf32>,
      %mul3A_248 = arith.mulf %get3A_247, %gather3A : vector<16xf32>
      %swap3A_249 = arith.index_cast %scan3A_96 : i32 to index
      %swap3A_250 = arith.constant 336 : index
      %swap3A_251 = tpu.vector_load %arg6[%swap3A_249, %swap3A_250] {strides = array<i32>} : memref<64x768xf32, #tpu.memory_space<vmem>>, vector<16xf32>,
      tpu.vector_store %arg6[%swap3A_249, %swap3A_250], %mul3A_248 {strides = array<i32>} : memref<64x768xf32, #tpu.memory_space<vmem>>, vector<16xf32>,
      %get3A_252 = arith.index_cast %scan3A_96 : i32 to index
      %get3A_253 = arith.constant 352 : index
      %get3A_254 = tpu.vector_load %arg6[%get3A_252, %get3A_253] {strides = array<i32>} : memref<64x768xf32, #tpu.memory_space<vmem>>, vector<16xf32>,
      %mul3A_255 = arith.mulf %get3A_254, %gather3A : vector<16xf32>
      %swap3A_256 = arith.index_cast %scan3A_96 : i32 to index
      %swap3A_257 = arith.constant 352 : index
      %swap3A_258 = tpu.vector_load %arg6[%swap3A_256, %swap3A_257] {strides = array<i32>} : memref<64x768xf32, #tpu.memory_space<vmem>>, vector<16xf32>,
      tpu.vector_store %arg6[%swap3A_256, %swap3A_257], %mul3A_255 {strides = array<i32>} : memref<64x768xf32, #tpu.memory_space<vmem>>, vector<16xf32>,
      %get3A_259 = arith.index_cast %scan3A_96 : i32 to index
      %get3A_260 = arith.constant 368 : index
      %get3A_261 = tpu.vector_load %arg6[%get3A_259, %get3A_260] {strides = array<i32>} : memref<64x768xf32, #tpu.memory_space<vmem>>, vector<16xf32>,
      %mul3A_262 = arith.mulf %get3A_261, %gather3A : vector<16xf32>
      %swap3A_263 = arith.index_cast %scan3A_96 : i32 to index
      %swap3A_264 = arith.constant 368 : index
      %swap3A_265 = tpu.vector_load %arg6[%swap3A_263, %swap3A_264] {strides = array<i32>} : memref<64x768xf32, #tpu.memory_space<vmem>>, vector<16xf32>,
      tpu.vector_store %arg6[%swap3A_263, %swap3A_264], %mul3A_262 {strides = array<i32>} : memref<64x768xf32, #tpu.memory_space<vmem>>, vector<16xf32>,
      %get3A_266 = arith.index_cast %scan3A_96 : i32 to index
      %get3A_267 = arith.constant 384 : index
      %get3A_268 = tpu.vector_load %arg6[%get3A_266, %get3A_267] {strides = array<i32>} : memref<64x768xf32, #tpu.memory_space<vmem>>, vector<16xf32>,
      %mul3A_269 = arith.mulf %get3A_268, %gather3A : vector<16xf32>
      %swap3A_270 = arith.index_cast %scan3A_96 : i32 to index
      %swap3A_271 = arith.constant 384 : index
      %swap3A_272 = tpu.vector_load %arg6[%swap3A_270, %swap3A_271] {strides = array<i32>} : memref<64x768xf32, #tpu.memory_space<vmem>>, vector<16xf32>,
      tpu.vector_store %arg6[%swap3A_270, %swap3A_271], %mul3A_269 {strides = array<i32>} : memref<64x768xf32, #tpu.memory_space<vmem>>, vector<16xf32>,
      %get3A_273 = arith.index_cast %scan3A_96 : i32 to index
      %get3A_274 = arith.constant 400 : index
      %get3A_275 = tpu.vector_load %arg6[%get3A_273, %get3A_274] {strides = array<i32>} : memref<64x768xf32, #tpu.memory_space<vmem>>, vector<16xf32>,
      %mul3A_276 = arith.mulf %get3A_275, %gather3A : vector<16xf32>
      %swap3A_277 = arith.index_cast %scan3A_96 : i32 to index
      %swap3A_278 = arith.constant 400 : index
      %swap3A_279 = tpu.vector_load %arg6[%swap3A_277, %swap3A_278] {strides = array<i32>} : memref<64x768xf32, #tpu.memory_space<vmem>>, vector<16xf32>,
      tpu.vector_store %arg6[%swap3A_277, %swap3A_278], %mul3A_276 {strides = array<i32>} : memref<64x768xf32, #tpu.memory_space<vmem>>, vector<16xf32>,
      %get3A_280 = arith.index_cast %scan3A_96 : i32 to index
      %get3A_281 = arith.constant 416 : index
      %get3A_282 = tpu.vector_load %arg6[%get3A_280, %get3A_281] {strides = array<i32>} : memref<64x768xf32, #tpu.memory_space<vmem>>, vector<16xf32>,
      %mul3A_283 = arith.mulf %get3A_282, %gather3A : vector<16xf32>
      %swap3A_284 = arith.index_cast %scan3A_96 : i32 to index
      %swap3A_285 = arith.constant 416 : index
      %swap3A_286 = tpu.vector_load %arg6[%swap3A_284, %swap3A_285] {strides = array<i32>} : memref<64x768xf32, #tpu.memory_space<vmem>>, vector<16xf32>,
      tpu.vector_store %arg6[%swap3A_284, %swap3A_285], %mul3A_283 {strides = array<i32>} : memref<64x768xf32, #tpu.memory_space<vmem>>, vector<16xf32>,
      %get3A_287 = arith.index_cast %scan3A_96 : i32 to index
      %get3A_288 = arith.constant 432 : index
      %get3A_289 = tpu.vector_load %arg6[%get3A_287, %get3A_288] {strides = array<i32>} : memref<64x768xf32, #tpu.memory_space<vmem>>, vector<16xf32>,
      %mul3A_290 = arith.mulf %get3A_289, %gather3A : vector<16xf32>
      %swap3A_291 = arith.index_cast %scan3A_96 : i32 to index
      %swap3A_292 = arith.constant 432 : index
      %swap3A_293 = tpu.vector_load %arg6[%swap3A_291, %swap3A_292] {strides = array<i32>} : memref<64x768xf32, #tpu.memory_space<vmem>>, vector<16xf32>,
      tpu.vector_store %arg6[%swap3A_291, %swap3A_292], %mul3A_290 {strides = array<i32>} : memref<64x768xf32, #tpu.memory_space<vmem>>, vector<16xf32>,
      %get3A_294 = arith.index_cast %scan3A_96 : i32 to index
      %get3A_295 = arith.constant 448 : index
      %get3A_296 = tpu.vector_load %arg6[%get3A_294, %get3A_295] {strides = array<i32>} : memref<64x768xf32, #tpu.memory_space<vmem>>, vector<16xf32>,
      %mul3A_297 = arith.mulf %get3A_296, %gather3A : vector<16xf32>
      %swap3A_298 = arith.index_cast %scan3A_96 : i32 to index
      %swap3A_299 = arith.constant 448 : index
      %swap3A_300 = tpu.vector_load %arg6[%swap3A_298, %swap3A_299] {strides = array<i32>} : memref<64x768xf32, #tpu.memory_space<vmem>>, vector<16xf32>,
      tpu.vector_store %arg6[%swap3A_298, %swap3A_299], %mul3A_297 {strides = array<i32>} : memref<64x768xf32, #tpu.memory_space<vmem>>, vector<16xf32>,
      %get3A_301 = arith.index_cast %scan3A_96 : i32 to index
      %get3A_302 = arith.constant 464 : index
      %get3A_303 = tpu.vector_load %arg6[%get3A_301, %get3A_302] {strides = array<i32>} : memref<64x768xf32, #tpu.memory_space<vmem>>, vector<16xf32>,
      %mul3A_304 = arith.mulf %get3A_303, %gather3A : vector<16xf32>
      %swap3A_305 = arith.index_cast %scan3A_96 : i32 to index
      %swap3A_306 = arith.constant 464 : index
      %swap3A_307 = tpu.vector_load %arg6[%swap3A_305, %swap3A_306] {strides = array<i32>} : memref<64x768xf32, #tpu.memory_space<vmem>>, vector<16xf32>,
      tpu.vector_store %arg6[%swap3A_305, %swap3A_306], %mul3A_304 {strides = array<i32>} : memref<64x768xf32, #tpu.memory_space<vmem>>, vector<16xf32>,
      %get3A_308 = arith.index_cast %scan3A_96 : i32 to index
      %get3A_309 = arith.constant 480 : index
      %get3A_310 = tpu.vector_load %arg6[%get3A_308, %get3A_309] {strides = array<i32>} : memref<64x768xf32, #tpu.memory_space<vmem>>, vector<16xf32>,
      %mul3A_311 = arith.mulf %get3A_310, %gather3A : vector<16xf32>
      %swap3A_312 = arith.index_cast %scan3A_96 : i32 to index
      %swap3A_313 = arith.constant 480 : index
      %swap3A_314 = tpu.vector_load %arg6[%swap3A_312, %swap3A_313] {strides = array<i32>} : memref<64x768xf32, #tpu.memory_space<vmem>>, vector<16xf32>,
      tpu.vector_store %arg6[%swap3A_312, %swap3A_313], %mul3A_311 {strides = array<i32>} : memref<64x768xf32, #tpu.memory_space<vmem>>, vector<16xf32>,
      %get3A_315 = arith.index_cast %scan3A_96 : i32 to index
      %get3A_316 = arith.constant 496 : index
      %get3A_317 = tpu.vector_load %arg6[%get3A_315, %get3A_316] {strides = array<i32>} : memref<64x768xf32, #tpu.memory_space<vmem>>, vector<16xf32>,
      %mul3A_318 = arith.mulf %get3A_317, %gather3A : vector<16xf32>
      %swap3A_319 = arith.index_cast %scan3A_96 : i32 to index
      %swap3A_320 = arith.constant 496 : index
      %swap3A_321 = tpu.vector_load %arg6[%swap3A_319, %swap3A_320] {strides = array<i32>} : memref<64x768xf32, #tpu.memory_space<vmem>>, vector<16xf32>,
      tpu.vector_store %arg6[%swap3A_319, %swap3A_320], %mul3A_318 {strides = array<i32>} : memref<64x768xf32, #tpu.memory_space<vmem>>, vector<16xf32>,
      %get3A_322 = arith.index_cast %scan3A_96 : i32 to index
      %get3A_323 = arith.constant 512 : index
      %get3A_324 = tpu.vector_load %arg6[%get3A_322, %get3A_323] {strides = array<i32>} : memref<64x768xf32, #tpu.memory_space<vmem>>, vector<16xf32>,
      %mul3A_325 = arith.mulf %get3A_324, %gather3A : vector<16xf32>
      %swap3A_326 = arith.index_cast %scan3A_96 : i32 to index
      %swap3A_327 = arith.constant 512 : index
      %swap3A_328 = tpu.vector_load %arg6[%swap3A_326, %swap3A_327] {strides = array<i32>} : memref<64x768xf32, #tpu.memory_space<vmem>>, vector<16xf32>,
      tpu.vector_store %arg6[%swap3A_326, %swap3A_327], %mul3A_325 {strides = array<i32>} : memref<64x768xf32, #tpu.memory_space<vmem>>, vector<16xf32>,
      %get3A_329 = arith.index_cast %scan3A_96 : i32 to index
      %get3A_330 = arith.constant 528 : index
      %get3A_331 = tpu.vector_load %arg6[%get3A_329, %get3A_330] {strides = array<i32>} : memref<64x768xf32, #tpu.memory_space<vmem>>, vector<16xf32>,
      %mul3A_332 = arith.mulf %get3A_331, %gather3A : vector<16xf32>
      %swap3A_333 = arith.index_cast %scan3A_96 : i32 to index
      %swap3A_334 = arith.constant 528 : index
      %swap3A_335 = tpu.vector_load %arg6[%swap3A_333, %swap3A_334] {strides = array<i32>} : memref<64x768xf32, #tpu.memory_space<vmem>>, vector<16xf32>,
      tpu.vector_store %arg6[%swap3A_333, %swap3A_334], %mul3A_332 {strides = array<i32>} : memref<64x768xf32, #tpu.memory_space<vmem>>, vector<16xf32>,
      %get3A_336 = arith.index_cast %scan3A_96 : i32 to index
      %get3A_337 = arith.constant 544 : index
      %get3A_338 = tpu.vector_load %arg6[%get3A_336, %get3A_337] {strides = array<i32>} : memref<64x768xf32, #tpu.memory_space<vmem>>, vector<16xf32>,
      %mul3A_339 = arith.mulf %get3A_338, %gather3A : vector<16xf32>
      %swap3A_340 = arith.index_cast %scan3A_96 : i32 to index
      %swap3A_341 = arith.constant 544 : index
      %swap3A_342 = tpu.vector_load %arg6[%swap3A_340, %swap3A_341] {strides = array<i32>} : memref<64x768xf32, #tpu.memory_space<vmem>>, vector<16xf32>,
      tpu.vector_store %arg6[%swap3A_340, %swap3A_341], %mul3A_339 {strides = array<i32>} : memref<64x768xf32, #tpu.memory_space<vmem>>, vector<16xf32>,
      %get3A_343 = arith.index_cast %scan3A_96 : i32 to index
      %get3A_344 = arith.constant 560 : index
      %get3A_345 = tpu.vector_load %arg6[%get3A_343, %get3A_344] {strides = array<i32>} : memref<64x768xf32, #tpu.memory_space<vmem>>, vector<16xf32>,
      %mul3A_346 = arith.mulf %get3A_345, %gather3A : vector<16xf32>
      %swap3A_347 = arith.index_cast %scan3A_96 : i32 to index
      %swap3A_348 = arith.constant 560 : index
      %swap3A_349 = tpu.vector_load %arg6[%swap3A_347, %swap3A_348] {strides = array<i32>} : memref<64x768xf32, #tpu.memory_space<vmem>>, vector<16xf32>,
      tpu.vector_store %arg6[%swap3A_347, %swap3A_348], %mul3A_346 {strides = array<i32>} : memref<64x768xf32, #tpu.memory_space<vmem>>, vector<16xf32>,
      %get3A_350 = arith.index_cast %scan3A_96 : i32 to index
      %get3A_351 = arith.constant 576 : index
      %get3A_352 = tpu.vector_load %arg6[%get3A_350, %get3A_351] {strides = array<i32>} : memref<64x768xf32, #tpu.memory_space<vmem>>, vector<16xf32>,
      %mul3A_353 = arith.mulf %get3A_352, %gather3A : vector<16xf32>
      %swap3A_354 = arith.index_cast %scan3A_96 : i32 to index
      %swap3A_355 = arith.constant 576 : index
      %swap3A_356 = tpu.vector_load %arg6[%swap3A_354, %swap3A_355] {strides = array<i32>} : memref<64x768xf32, #tpu.memory_space<vmem>>, vector<16xf32>,
      tpu.vector_store %arg6[%swap3A_354, %swap3A_355], %mul3A_353 {strides = array<i32>} : memref<64x768xf32, #tpu.memory_space<vmem>>, vector<16xf32>,
      %get3A_357 = arith.index_cast %scan3A_96 : i32 to index
      %get3A_358 = arith.constant 592 : index
      %get3A_359 = tpu.vector_load %arg6[%get3A_357, %get3A_358] {strides = array<i32>} : memref<64x768xf32, #tpu.memory_space<vmem>>, vector<16xf32>,
      %mul3A_360 = arith.mulf %get3A_359, %gather3A : vector<16xf32>
      %swap3A_361 = arith.index_cast %scan3A_96 : i32 to index
      %swap3A_362 = arith.constant 592 : index
      %swap3A_363 = tpu.vector_load %arg6[%swap3A_361, %swap3A_362] {strides = array<i32>} : memref<64x768xf32, #tpu.memory_space<vmem>>, vector<16xf32>,
      tpu.vector_store %arg6[%swap3A_361, %swap3A_362], %mul3A_360 {strides = array<i32>} : memref<64x768xf32, #tpu.memory_space<vmem>>, vector<16xf32>,
      %get3A_364 = arith.index_cast %scan3A_96 : i32 to index
      %get3A_365 = arith.constant 608 : index
      %get3A_366 = tpu.vector_load %arg6[%get3A_364, %get3A_365] {strides = array<i32>} : memref<64x768xf32, #tpu.memory_space<vmem>>, vector<16xf32>,
      %mul3A_367 = arith.mulf %get3A_366, %gather3A : vector<16xf32>
      %swap3A_368 = arith.index_cast %scan3A_96 : i32 to index
      %swap3A_369 = arith.constant 608 : index
      %swap3A_370 = tpu.vector_load %arg6[%swap3A_368, %swap3A_369] {strides = array<i32>} : memref<64x768xf32, #tpu.memory_space<vmem>>, vector<16xf32>,
      tpu.vector_store %arg6[%swap3A_368, %swap3A_369], %mul3A_367 {strides = array<i32>} : memref<64x768xf32, #tpu.memory_space<vmem>>, vector<16xf32>,
      %get3A_371 = arith.index_cast %scan3A_96 : i32 to index
      %get3A_372 = arith.constant 624 : index
      %get3A_373 = tpu.vector_load %arg6[%get3A_371, %get3A_372] {strides = array<i32>} : memref<64x768xf32, #tpu.memory_space<vmem>>, vector<16xf32>,
      %mul3A_374 = arith.mulf %get3A_373, %gather3A : vector<16xf32>
      %swap3A_375 = arith.index_cast %scan3A_96 : i32 to index
      %swap3A_376 = arith.constant 624 : index
      %swap3A_377 = tpu.vector_load %arg6[%swap3A_375, %swap3A_376] {strides = array<i32>} : memref<64x768xf32, #tpu.memory_space<vmem>>, vector<16xf32>,
      tpu.vector_store %arg6[%swap3A_375, %swap3A_376], %mul3A_374 {strides = array<i32>} : memref<64x768xf32, #tpu.memory_space<vmem>>, vector<16xf32>,
      %get3A_378 = arith.index_cast %scan3A_96 : i32 to index
      %get3A_379 = arith.constant 640 : index
      %get3A_380 = tpu.vector_load %arg6[%get3A_378, %get3A_379] {strides = array<i32>} : memref<64x768xf32, #tpu.memory_space<vmem>>, vector<16xf32>,
      %mul3A_381 = arith.mulf %get3A_380, %gather3A : vector<16xf32>
      %swap3A_382 = arith.index_cast %scan3A_96 : i32 to index
      %swap3A_383 = arith.constant 640 : index
      %swap3A_384 = tpu.vector_load %arg6[%swap3A_382, %swap3A_383] {strides = array<i32>} : memref<64x768xf32, #tpu.memory_space<vmem>>, vector<16xf32>,
      tpu.vector_store %arg6[%swap3A_382, %swap3A_383], %mul3A_381 {strides = array<i32>} : memref<64x768xf32, #tpu.memory_space<vmem>>, vector<16xf32>,
      %get3A_385 = arith.index_cast %scan3A_96 : i32 to index
      %get3A_386 = arith.constant 656 : index
      %get3A_387 = tpu.vector_load %arg6[%get3A_385, %get3A_386] {strides = array<i32>} : memref<64x768xf32, #tpu.memory_space<vmem>>, vector<16xf32>,
      %mul3A_388 = arith.mulf %get3A_387, %gather3A : vector<16xf32>
      %swap3A_389 = arith.index_cast %scan3A_96 : i32 to index
      %swap3A_390 = arith.constant 656 : index
      %swap3A_391 = tpu.vector_load %arg6[%swap3A_389, %swap3A_390] {strides = array<i32>} : memref<64x768xf32, #tpu.memory_space<vmem>>, vector<16xf32>,
      tpu.vector_store %arg6[%swap3A_389, %swap3A_390], %mul3A_388 {strides = array<i32>} : memref<64x768xf32, #tpu.memory_space<vmem>>, vector<16xf32>,
      %get3A_392 = arith.index_cast %scan3A_96 : i32 to index
      %get3A_393 = arith.constant 672 : index
      %get3A_394 = tpu.vector_load %arg6[%get3A_392, %get3A_393] {strides = array<i32>} : memref<64x768xf32, #tpu.memory_space<vmem>>, vector<16xf32>,
      %mul3A_395 = arith.mulf %get3A_394, %gather3A : vector<16xf32>
      %swap3A_396 = arith.index_cast %scan3A_96 : i32 to index
      %swap3A_397 = arith.constant 672 : index
      %swap3A_398 = tpu.vector_load %arg6[%swap3A_396, %swap3A_397] {strides = array<i32>} : memref<64x768xf32, #tpu.memory_space<vmem>>, vector<16xf32>,
      tpu.vector_store %arg6[%swap3A_396, %swap3A_397], %mul3A_395 {strides = array<i32>} : memref<64x768xf32, #tpu.memory_space<vmem>>, vector<16xf32>,
      %get3A_399 = arith.index_cast %scan3A_96 : i32 to index
      %get3A_400 = arith.constant 688 : index
      %get3A_401 = tpu.vector_load %arg6[%get3A_399, %get3A_400] {strides = array<i32>} : memref<64x768xf32, #tpu.memory_space<vmem>>, vector<16xf32>,
      %mul3A_402 = arith.mulf %get3A_401, %gather3A : vector<16xf32>
      %swap3A_403 = arith.index_cast %scan3A_96 : i32 to index
      %swap3A_404 = arith.constant 688 : index
      %swap3A_405 = tpu.vector_load %arg6[%swap3A_403, %swap3A_404] {strides = array<i32>} : memref<64x768xf32, #tpu.memory_space<vmem>>, vector<16xf32>,
      tpu.vector_store %arg6[%swap3A_403, %swap3A_404], %mul3A_402 {strides = array<i32>} : memref<64x768xf32, #tpu.memory_space<vmem>>, vector<16xf32>,
      %get3A_406 = arith.index_cast %scan3A_96 : i32 to index
      %get3A_407 = arith.constant 704 : index
      %get3A_408 = tpu.vector_load %arg6[%get3A_406, %get3A_407] {strides = array<i32>} : memref<64x768xf32, #tpu.memory_space<vmem>>, vector<16xf32>,
      %mul3A_409 = arith.mulf %get3A_408, %gather3A : vector<16xf32>
      %swap3A_410 = arith.index_cast %scan3A_96 : i32 to index
      %swap3A_411 = arith.constant 704 : index
      %swap3A_412 = tpu.vector_load %arg6[%swap3A_410, %swap3A_411] {strides = array<i32>} : memref<64x768xf32, #tpu.memory_space<vmem>>, vector<16xf32>,
      tpu.vector_store %arg6[%swap3A_410, %swap3A_411], %mul3A_409 {strides = array<i32>} : memref<64x768xf32, #tpu.memory_space<vmem>>, vector<16xf32>,
      %get3A_413 = arith.index_cast %scan3A_96 : i32 to index
      %get3A_414 = arith.constant 720 : index
      %get3A_415 = tpu.vector_load %arg6[%get3A_413, %get3A_414] {strides = array<i32>} : memref<64x768xf32, #tpu.memory_space<vmem>>, vector<16xf32>,
      %mul3A_416 = arith.mulf %get3A_415, %gather3A : vector<16xf32>
      %swap3A_417 = arith.index_cast %scan3A_96 : i32 to index
      %swap3A_418 = arith.constant 720 : index
      %swap3A_419 = tpu.vector_load %arg6[%swap3A_417, %swap3A_418] {strides = array<i32>} : memref<64x768xf32, #tpu.memory_space<vmem>>, vector<16xf32>,
      tpu.vector_store %arg6[%swap3A_417, %swap3A_418], %mul3A_416 {strides = array<i32>} : memref<64x768xf32, #tpu.memory_space<vmem>>, vector<16xf32>,
      %get3A_420 = arith.index_cast %scan3A_96 : i32 to index
      %get3A_421 = arith.constant 736 : index
      %get3A_422 = tpu.vector_load %arg6[%get3A_420, %get3A_421] {strides = array<i32>} : memref<64x768xf32, #tpu.memory_space<vmem>>, vector<16xf32>,
      %mul3A_423 = arith.mulf %get3A_422, %gather3A : vector<16xf32>
      %swap3A_424 = arith.index_cast %scan3A_96 : i32 to index
      %swap3A_425 = arith.constant 736 : index
      %swap3A_426 = tpu.vector_load %arg6[%swap3A_424, %swap3A_425] {strides = array<i32>} : memref<64x768xf32, #tpu.memory_space<vmem>>, vector<16xf32>,
      tpu.vector_store %arg6[%swap3A_424, %swap3A_425], %mul3A_423 {strides = array<i32>} : memref<64x768xf32, #tpu.memory_space<vmem>>, vector<16xf32>,
      %get3A_427 = arith.index_cast %scan3A_96 : i32 to index
      %get3A_428 = arith.constant 752 : index
      %get3A_429 = tpu.vector_load %arg6[%get3A_427, %get3A_428] {strides = array<i32>} : memref<64x768xf32, #tpu.memory_space<vmem>>, vector<16xf32>,
      %mul3A_430 = arith.mulf %get3A_429, %gather3A : vector<16xf32>
      %swap3A_431 = arith.index_cast %scan3A_96 : i32 to index
      %swap3A_432 = arith.constant 752 : index
      %swap3A_433 = tpu.vector_load %arg6[%swap3A_431, %swap3A_432] {strides = array<i32>} : memref<64x768xf32, #tpu.memory_space<vmem>>, vector<16xf32>,
      tpu.vector_store %arg6[%swap3A_431, %swap3A_432], %mul3A_430 {strides = array<i32>} : memref<64x768xf32, #tpu.memory_space<vmem>>, vector<16xf32>,
    }
    %scan3A_93 = arith.constant 64 : i32
    %add3A_94 = arith.constant 192 : i32
    %add3A_95 = arith.addi %mul3A_2, %add3A_94 : i32
    "tpu.region"() ({
      %run_scoped3A = tpu.sem_alloc : memref<!tpu.dma_semaphore, #tpu.memory_space<semaphore_mem>>
      %dma_start3A_96 = arith.constant 0 : i32
      %dma_start3A_97 = tpu.memref_slice %arg5[%add3A_95, %dma_start3A_96] : memref<8192x768xf32, #tpu.memory_space<hbm>> -> memref<64x768xf32, #tpu.memory_space<hbm>>
      %dma_start3A_98 = arith.constant 0 : i32
      %dma_start3A_99 = tpu.memref_slice %arg5[%add3A_95, %dma_start3A_98] : memref<8192x768xf32, #tpu.memory_space<hbm>> -> memref<64x768xf32, #tpu.memory_space<hbm>>
      tpu.enqueue_dma source(%arg6 : memref<64x768xf32, #tpu.memory_space<vmem>>) target(%dma_start3A_99 : memref<64x768xf32, #tpu.memory_space<hbm>>) target_semaphore(%run_scoped3A : memref<!tpu.dma_semaphore, #tpu.memory_space<semaphore_mem>>)
      %dma_wait3A_100 = arith.constant 0 : i32
      %dma_wait3A_101 = tpu.memref_slice %arg5[%add3A_95, %dma_wait3A_100] : memref<8192x768xf32, #tpu.memory_space<hbm>> -> memref<64x768xf32, #tpu.memory_space<hbm>>
      %dma_wait3A_102 = arith.constant 0 : i32
      %dma_wait3A_103 = tpu.memref_slice %arg5[%add3A_95, %dma_wait3A_102] : memref<8192x768xf32, #tpu.memory_space<hbm>> -> memref<64x768xf32, #tpu.memory_space<hbm>>
      tpu.wait_dma2 semaphore(%run_scoped3A : memref<!tpu.dma_semaphore, #tpu.memory_space<semaphore_mem>>) src(%arg6 : memref<64x768xf32, #tpu.memory_space<vmem>>) dst(%dma_wait3A_103 : memref<64x768xf32, #tpu.memory_space<hbm>>)
      tpu.yield
    }) : () -> ()
    return
  }
}

module attributes {stable_mosaic.version = 14 : i64} {
  func.func @_router_body(%arg0: i32, %arg1: memref<512x768xf32, #tpu.memory_space<vmem>>, %arg2: memref<768x64xf32, #tpu.memory_space<vmem>>, %arg3: memref<1x64xf32, #tpu.memory_space<vmem>>, %arg4: memref<1x1x512xi32, #tpu.memory_space<vmem>>, %arg5: memref<1x1x512xi32, #tpu.memory_space<vmem>>, %arg6: memref<1x1x512xf32, #tpu.memory_space<vmem>>, %arg7: memref<1x1xf32, #tpu.memory_space<vmem>>, %arg8: memref<1x64xi32, #tpu.memory_space<vmem>>, %arg9: memref<1x96xi32, #tpu.memory_space<vmem>>, %arg10: memref<1x1xi32, #tpu.memory_space<vmem>>, %arg11: memref<512x512xbf16, #tpu.memory_space<vmem>>, %arg12: memref<1x64xf32, #tpu.memory_space<vmem>>, %arg13: memref<1x64xf32, #tpu.memory_space<vmem>>) attributes {dimension_semantics = [#tpu.dimension_semantics<arbitrary>], iteration_bounds = array<i64: 16>, scalar_prefetch = 0 : i64, scratch_operands = 3 : i64, tpu.core_type = #tpu.core_type<tc>, window_params = [{transform_indices = @transform_0, window_bounds = array<i64: 512, 768>}, {pipeline_mode = #tpu.pipeline_mode<synchronous>, transform_indices = @transform_1, window_bounds = array<i64: 768, 64>}, {pipeline_mode = #tpu.pipeline_mode<synchronous>, transform_indices = @transform_2, window_bounds = array<i64: 1, 64>}, {transform_indices = @transform_3, window_bounds = array<i64: 1, 1, 512>}, {transform_indices = @transform_4, window_bounds = array<i64: 1, 1, 512>}, {transform_indices = @transform_5, window_bounds = array<i64: 1, 1, 512>}, {pipeline_mode = #tpu.pipeline_mode<synchronous>, transform_indices = @transform_6, window_bounds = array<i64: 1, 1>}, {pipeline_mode = #tpu.pipeline_mode<synchronous>, transform_indices = @transform_7, window_bounds = array<i64: 1, 64>}, {pipeline_mode = #tpu.pipeline_mode<synchronous>, transform_indices = @transform_8, window_bounds = array<i64: 1, 96>}, {pipeline_mode = #tpu.pipeline_mode<synchronous>, transform_indices = @transform_9, window_bounds = array<i64: 1, 1>}]} {
    %eq3A = arith.constant 0 : i32
    %eq3A_0 = arith.cmpi eq, %arg0, %eq3A : i32
    %convert_element_type3A = arith.extui %eq3A_0 : i1 to i32
    %cond3A = arith.constant 0 : i32
    %cond3A_1 = arith.cmpi ne, %convert_element_type3A, %cond3A : i32
    scf.if %cond3A_1 {
      %broadcast_in_dim3A_84 = arith.constant 0.000000e+00 : f32
      %broadcast_in_dim3A_85 = vector.broadcast %broadcast_in_dim3A_84 : f32 to vector<1x64xf32>
      %swap3A_86 = arith.constant 0 : index
      %swap3A_87 = arith.constant 0 : index
      %swap3A_88 = vector.load %arg12[%swap3A_86, %swap3A_87] : memref<1x64xf32, #tpu.memory_space<vmem>>, vector<1x64xf32>
      tpu.vector_store %arg12[%swap3A_86, %swap3A_87], %broadcast_in_dim3A_85 {strides = array<i32>} : memref<1x64xf32, #tpu.memory_space<vmem>>, vector<1x64xf32>,
      %broadcast_in_dim3A_89 = arith.constant 0.000000e+00 : f32
      %broadcast_in_dim3A_90 = vector.broadcast %broadcast_in_dim3A_89 : f32 to vector<1x64xf32>
      %swap3A_91 = arith.constant 0 : index
      %swap3A_92 = arith.constant 0 : index
      %swap3A_93 = vector.load %arg13[%swap3A_91, %swap3A_92] : memref<1x64xf32, #tpu.memory_space<vmem>>, vector<1x64xf32>
      tpu.vector_store %arg13[%swap3A_91, %swap3A_92], %broadcast_in_dim3A_90 {strides = array<i32>} : memref<1x64xf32, #tpu.memory_space<vmem>>, vector<1x64xf32>,
      %iota3A_94 = tpu.iota {dimensions = array<i32: 0>} : vector<512x512xi32>
      %iota3A_95 = tpu.iota {dimensions = array<i32: 1>} : vector<512x512xi32>
      %le3A = arith.cmpi sle, %iota3A_95, %iota3A_94 : vector<512x512xi32>
      %convert_element_type3A_96 = arith.extui %le3A : vector<512x512xi1> to vector<512x512xi32>
      %convert_element_type3A_97 = arith.sitofp %convert_element_type3A_96 : vector<512x512xi32> to vector<512x512xf32>
      %convert_element_type3A_98 = arith.truncf %convert_element_type3A_97 : vector<512x512xf32> to vector<512x512xbf16>
      %swap3A_99 = arith.constant 0 : index
      %swap3A_100 = arith.constant 0 : index
      %swap3A_101 = vector.load %arg11[%swap3A_99, %swap3A_100] : memref<512x512xbf16, #tpu.memory_space<vmem>>, vector<512x512xbf16>
      tpu.vector_store %arg11[%swap3A_99, %swap3A_100], %convert_element_type3A_98 {strides = array<i32>} : memref<512x512xbf16, #tpu.memory_space<vmem>>, vector<512x512xbf16>,
    } else {
    }
    %get3A = arith.constant 0 : index
    %get3A_2 = arith.constant 0 : index
    %get3A_3 = vector.load %arg1[%get3A, %get3A_2] : memref<512x768xf32, #tpu.memory_space<vmem>>, vector<512x768xf32>
    %get3A_4 = arith.constant 0 : index
    %get3A_5 = arith.constant 0 : index
    %get3A_6 = vector.load %arg2[%get3A_4, %get3A_5] : memref<768x64xf32, #tpu.memory_space<vmem>>, vector<768x64xf32>
    %dot_general3A = arith.constant dense<0.000000e+00> : vector<512x64xf32>
    %dot_general3A_7 = tpu.matmul %get3A_3, %get3A_6, %dot_general3A {dimension_numbers = #tpu.dot_dimension_numbers<[1], [0], [0], [1], [0, 0, 1, 1], [], []>, transpose_lhs_hint = false} : vector<512x768xf32>, vector<768x64xf32>, vector<512x64xf32> -> vector<512x64xf32>
    %get3A_8 = arith.constant 0 : index
    %get3A_9 = arith.constant 0 : index
    %get3A_10 = vector.load %arg3[%get3A_8, %get3A_9] : memref<1x64xf32, #tpu.memory_space<vmem>>, vector<1x64xf32>
    %add3A = vector.broadcast %get3A_10 : vector<1x64xf32> to vector<512x64xf32>
    %add3A_11 = arith.addf %dot_general3A_7, %add3A : vector<512x64xf32>
    %reduce_max3A = arith.constant dense<0xFF800000> : vector<512xf32>
    %reduce_max3A_12 = vector.multi_reduction <maximumf>, %add3A_11, %reduce_max3A [1] : vector<512x64xf32> to vector<512xf32>
    %broadcast_in_dim3A = vector.shape_cast %reduce_max3A_12 : vector<512xf32> to vector<512x1xf32>
    %sub3A = vector.broadcast %broadcast_in_dim3A : vector<512x1xf32> to vector<512x64xf32>
    %sub3A_13 = arith.subf %add3A_11, %sub3A : vector<512x64xf32>
    %exp3A = math.exp %sub3A_13 : vector<512x64xf32>
    %reduce_sum3A = arith.constant dense<0.000000e+00> : vector<512xf32>
    %reduce_sum3A_14 = vector.multi_reduction <add>, %exp3A, %reduce_sum3A [1] : vector<512x64xf32> to vector<512xf32>
    %broadcast_in_dim3A_15 = vector.shape_cast %reduce_sum3A_14 : vector<512xf32> to vector<512x1xf32>
    %div3A = vector.broadcast %broadcast_in_dim3A_15 : vector<512x1xf32> to vector<512x64xf32>
    %div3A_16 = arith.divf %exp3A, %div3A : vector<512x64xf32>
    %squeeze3A = vector.shape_cast %broadcast_in_dim3A_15 : vector<512x1xf32> to vector<512xf32>
    %div3A_17 = arith.constant 1.000000e+00 : f32
    %div3A_18 = vector.broadcast %div3A_17 : f32 to vector<512xf32>
    %div3A_19 = arith.divf %div3A_18, %squeeze3A : vector<512xf32>
    %iota3A = tpu.iota {dimensions = array<i32: 1>} : vector<512x64xi32>
    %eq3A_20 = vector.broadcast %broadcast_in_dim3A : vector<512x1xf32> to vector<512x64xf32>
    %eq3A_21 = arith.cmpf oeq, %add3A_11, %eq3A_20 : vector<512x64xf32>
    %jit3A = arith.constant 64 : i32
    %broadcast_in_dim3A_22 = vector.broadcast %jit3A : i32 to vector<512x64xi32>
    %select_n3A = arith.select %eq3A_21, %iota3A, %broadcast_in_dim3A_22 : vector<512x64xi1>, vector<512x64xi32>
    %reduce_min3A = arith.constant dense<2147483647> : vector<512xi32>
    %reduce_min3A_23 = vector.multi_reduction <minsi>, %select_n3A, %reduce_min3A [1] : vector<512x64xi32> to vector<512xi32>
    %broadcast_in_dim3A_24 = vector.shape_cast %reduce_min3A_23 : vector<512xi32> to vector<512x1xi32>
    %eq3A_25 = vector.broadcast %broadcast_in_dim3A_24 : vector<512x1xi32> to vector<512x64xi32>
    %eq3A_26 = arith.cmpi eq, %iota3A, %eq3A_25 : vector<512x64xi32>
    %convert_element_type3A_27 = arith.extui %eq3A_26 : vector<512x64xi1> to vector<512x64xi32>
    %convert_element_type3A_28 = arith.sitofp %convert_element_type3A_27 : vector<512x64xi32> to vector<512x64xf32>
    %get3A_29 = arith.constant 0 : index
    %get3A_30 = arith.constant 0 : index
    %get3A_31 = vector.load %arg11[%get3A_29, %get3A_30] : memref<512x512xbf16, #tpu.memory_space<vmem>>, vector<512x512xbf16>
    %convert_element_type3A_32 = arith.truncf %convert_element_type3A_28 : vector<512x64xf32> to vector<512x64xbf16>
    %dot_general3A_33 = arith.constant dense<0.000000e+00> : vector<512x64xf32>
    %dot_general3A_34 = tpu.matmul %get3A_31, %convert_element_type3A_32, %dot_general3A_33 {dimension_numbers = #tpu.dot_dimension_numbers<[1], [0], [0], [1], [0, 0, 1, 1], [], []>, transpose_lhs_hint = false} : vector<512x512xbf16>, vector<512x64xbf16>, vector<512x64xf32> -> vector<512x64xf32>
    %mul3A = arith.mulf %dot_general3A_34, %convert_element_type3A_28 : vector<512x64xf32>
    %reduce_sum3A_35 = arith.constant dense<0.000000e+00> : vector<512xf32>
    %reduce_sum3A_36 = vector.multi_reduction <add>, %mul3A, %reduce_sum3A_35 [1] : vector<512x64xf32> to vector<512xf32>
    %sub3A_37 = arith.constant 1.000000e+00 : f32
    %sub3A_38 = vector.broadcast %sub3A_37 : f32 to vector<512xf32>
    %sub3A_39 = arith.subf %reduce_sum3A_36, %sub3A_38 : vector<512xf32>
    %get3A_40 = arith.constant 0 : index
    %get3A_41 = arith.constant 0 : index
    %get3A_42 = vector.load %arg12[%get3A_40, %get3A_41] : memref<1x64xf32, #tpu.memory_space<vmem>>, vector<1x64xf32>
    %mul3A_43 = vector.broadcast %get3A_42 : vector<1x64xf32> to vector<512x64xf32>
    %mul3A_44 = arith.mulf %convert_element_type3A_28, %mul3A_43 : vector<512x64xf32>
    %reduce_sum3A_45 = arith.constant dense<0.000000e+00> : vector<512xf32>
    %reduce_sum3A_46 = vector.multi_reduction <add>, %mul3A_44, %reduce_sum3A_45 [1] : vector<512x64xf32> to vector<512xf32>
    %add3A_47 = arith.addf %sub3A_39, %reduce_sum3A_46 : vector<512xf32>
    %reduce_sum3A_48 = arith.constant dense<0.000000e+00> : vector<64xf32>
    %reduce_sum3A_49 = vector.multi_reduction <add>, %convert_element_type3A_28, %reduce_sum3A_48 [0] : vector<512x64xf32> to vector<64xf32>
    %broadcast_in_dim3A_50 = vector.shape_cast %reduce_sum3A_49 : vector<64xf32> to vector<1x64xf32>
    %add3A_51 = arith.addf %get3A_42, %broadcast_in_dim3A_50 : vector<1x64xf32>
    %swap3A = arith.constant 0 : index
    %swap3A_52 = arith.constant 0 : index
    %swap3A_53 = vector.load %arg12[%swap3A, %swap3A_52] : memref<1x64xf32, #tpu.memory_space<vmem>>, vector<1x64xf32>
    tpu.vector_store %arg12[%swap3A, %swap3A_52], %add3A_51 {strides = array<i32>} : memref<1x64xf32, #tpu.memory_space<vmem>>, vector<1x64xf32>,
    %get3A_54 = arith.constant 0 : index
    %get3A_55 = arith.constant 0 : index
    %get3A_56 = vector.load %arg13[%get3A_54, %get3A_55] : memref<1x64xf32, #tpu.memory_space<vmem>>, vector<1x64xf32>
    %reduce_sum3A_57 = arith.constant dense<0.000000e+00> : vector<64xf32>
    %reduce_sum3A_58 = vector.multi_reduction <add>, %div3A_16, %reduce_sum3A_57 [0] : vector<512x64xf32> to vector<64xf32>
    %broadcast_in_dim3A_59 = vector.shape_cast %reduce_sum3A_58 : vector<64xf32> to vector<1x64xf32>
    %add3A_60 = arith.addf %get3A_56, %broadcast_in_dim3A_59 : vector<1x64xf32>
    %swap3A_61 = arith.constant 0 : index
    %swap3A_62 = arith.constant 0 : index
    %swap3A_63 = vector.load %arg13[%swap3A_61, %swap3A_62] : memref<1x64xf32, #tpu.memory_space<vmem>>, vector<1x64xf32>
    tpu.vector_store %arg13[%swap3A_61, %swap3A_62], %add3A_60 {strides = array<i32>} : memref<1x64xf32, #tpu.memory_space<vmem>>, vector<1x64xf32>,
    %reshape3A = vector.shape_cast %reduce_min3A_23 : vector<512xi32> to vector<1x1x512xi32>
    %swap3A_64 = arith.constant 0 : index
    %swap3A_65 = arith.constant 0 : index
    %swap3A_66 = arith.constant 0 : index
    %swap3A_67 = vector.load %arg4[%swap3A_64, %swap3A_65, %swap3A_66] : memref<1x1x512xi32, #tpu.memory_space<vmem>>, vector<1x1x512xi32>
    tpu.vector_store %arg4[%swap3A_64, %swap3A_65, %swap3A_66], %reshape3A {strides = array<i32>} : memref<1x1x512xi32, #tpu.memory_space<vmem>>, vector<1x1x512xi32>,
    %convert_element_type3A_68 = arith.fptosi %add3A_47 : vector<512xf32> to vector<512xi32>
    %reshape3A_69 = vector.shape_cast %convert_element_type3A_68 : vector<512xi32> to vector<1x1x512xi32>
    %swap3A_70 = arith.constant 0 : index
    %swap3A_71 = arith.constant 0 : index
    %swap3A_72 = arith.constant 0 : index
    %swap3A_73 = vector.load %arg5[%swap3A_70, %swap3A_71, %swap3A_72] : memref<1x1x512xi32, #tpu.memory_space<vmem>>, vector<1x1x512xi32>
    tpu.vector_store %arg5[%swap3A_70, %swap3A_71, %swap3A_72], %reshape3A_69 {strides = array<i32>} : memref<1x1x512xi32, #tpu.memory_space<vmem>>, vector<1x1x512xi32>,
    %reshape3A_74 = vector.shape_cast %div3A_19 : vector<512xf32> to vector<1x1x512xf32>
    %swap3A_75 = arith.constant 0 : index
    %swap3A_76 = arith.constant 0 : index
    %swap3A_77 = arith.constant 0 : index
    %swap3A_78 = vector.load %arg6[%swap3A_75, %swap3A_76, %swap3A_77] : memref<1x1x512xf32, #tpu.memory_space<vmem>>, vector<1x1x512xf32>
    tpu.vector_store %arg6[%swap3A_75, %swap3A_76, %swap3A_77], %reshape3A_74 {strides = array<i32>} : memref<1x1x512xf32, #tpu.memory_space<vmem>>, vector<1x1x512xf32>,
    %eq3A_79 = arith.constant 15 : i32
    %eq3A_80 = arith.cmpi eq, %arg0, %eq3A_79 : i32
    %convert_element_type3A_81 = arith.extui %eq3A_80 : i1 to i32
    %cond3A_82 = arith.constant 0 : i32
    %cond3A_83 = arith.cmpi ne, %convert_element_type3A_81, %cond3A_82 : i32
    scf.if %cond3A_83 {
      %get3A_84 = arith.constant 0 : index
      %get3A_85 = arith.constant 0 : index
      %get3A_86 = vector.load %arg12[%get3A_84, %get3A_85] : memref<1x64xf32, #tpu.memory_space<vmem>>, vector<1x64xf32>
      %get3A_87 = arith.constant 0 : index
      %get3A_88 = arith.constant 0 : index
      %get3A_89 = vector.load %arg13[%get3A_87, %get3A_88] : memref<1x64xf32, #tpu.memory_space<vmem>>, vector<1x64xf32>
      %mul3A_90 = arith.mulf %get3A_86, %get3A_89 : vector<1x64xf32>
      %reduce_sum3A_91 = vector.shape_cast %mul3A_90 : vector<1x64xf32> to vector<1x1x64xf32>
      %reduce_sum3A_92 = arith.constant dense<0.000000e+00> : vector<1xf32>
      %reduce_sum3A_93 = vector.multi_reduction <add>, %reduce_sum3A_91, %reduce_sum3A_92 [1, 2] : vector<1x1x64xf32> to vector<1xf32>
      %reduce_sum3A_94 = vector.shape_cast %reduce_sum3A_93 : vector<1xf32> to vector<1x1x1xf32>
      %reduce_sum3A_95 = vector.extract %reduce_sum3A_94[0, 0, 0] : f32 from vector<1x1x1xf32>
      %mul3A_96 = arith.constant 7.812500e-03 : f32
      %mul3A_97 = arith.mulf %mul3A_96, %reduce_sum3A_95 : f32
      %reshape3A_98 = vector.broadcast %mul3A_97 : f32 to vector<1x1xf32>
      %swap3A_99 = arith.constant 0 : index
      %swap3A_100 = arith.constant 0 : index
      %swap3A_101 = vector.load %arg7[%swap3A_99, %swap3A_100] : memref<1x1xf32, #tpu.memory_space<vmem>>, vector<1x1xf32>
      tpu.vector_store %arg7[%swap3A_99, %swap3A_100], %reshape3A_98 {strides = array<i32>} : memref<1x1xf32, #tpu.memory_space<vmem>>, vector<1x1xf32>,
      %div3A_102 = arith.constant 2.560000e+02 : f32
      %div3A_103 = vector.broadcast %div3A_102 : f32 to vector<1x64xf32>
      %div3A_104 = arith.divf %get3A_86, %div3A_103 : vector<1x64xf32>
      %ceil3A = math.ceil %div3A_104 : vector<1x64xf32>
      %mul3A_105 = arith.constant 2.560000e+02 : f32
      %mul3A_106 = vector.broadcast %mul3A_105 : f32 to vector<1x64xf32>
      %mul3A_107 = arith.mulf %ceil3A, %mul3A_106 : vector<1x64xf32>
      %iota3A_108 = tpu.iota {dimensions = array<i32: 0>} : vector<64x64xi32>
      %iota3A_109 = tpu.iota {dimensions = array<i32: 1>} : vector<64x64xi32>
      %le3A = arith.cmpi sle, %iota3A_108, %iota3A_109 : vector<64x64xi32>
      %convert_element_type3A_110 = arith.extui %le3A : vector<64x64xi1> to vector<64x64xi32>
      %convert_element_type3A_111 = arith.sitofp %convert_element_type3A_110 : vector<64x64xi32> to vector<64x64xf32>
      %convert_element_type3A_112 = arith.truncf %convert_element_type3A_111 : vector<64x64xf32> to vector<64x64xbf16>
      %convert_element_type3A_113 = arith.truncf %mul3A_107 : vector<1x64xf32> to vector<1x64xbf16>
      %dot_general3A_114 = arith.constant dense<0.000000e+00> : vector<1x64xf32>
      %dot_general3A_115 = tpu.matmul %convert_element_type3A_113, %convert_element_type3A_112, %dot_general3A_114 {dimension_numbers = #tpu.dot_dimension_numbers<[1], [0], [0], [1], [0, 0, 1, 1], [], []>, transpose_lhs_hint = false} : vector<1x64xbf16>, vector<64x64xbf16>, vector<1x64xf32> -> vector<1x64xf32>
      %sub3A_116 = arith.subf %dot_general3A_115, %mul3A_107 : vector<1x64xf32>
      %convert_element_type3A_117 = arith.fptosi %sub3A_116 : vector<1x64xf32> to vector<1x64xi32>
      %swap3A_118 = arith.constant 0 : index
      %swap3A_119 = arith.constant 0 : index
      %swap3A_120 = vector.load %arg8[%swap3A_118, %swap3A_119] : memref<1x64xi32, #tpu.memory_space<vmem>>, vector<1x64xi32>
      tpu.vector_store %arg8[%swap3A_118, %swap3A_119], %convert_element_type3A_117 {strides = array<i32>} : memref<1x64xi32, #tpu.memory_space<vmem>>, vector<1x64xi32>,
      %reduce_max3A_121 = arith.constant dense<0xFF800000> : vector<1xf32>
      %reduce_max3A_122 = vector.multi_reduction <maximumf>, %dot_general3A_115, %reduce_max3A_121 [1] : vector<1x64xf32> to vector<1xf32>
      %broadcast_in_dim3A_123 = vector.shape_cast %reduce_max3A_122 : vector<1xf32> to vector<1x1xf32>
      %div3A_124 = arith.constant 2.560000e+02 : f32
      %div3A_125 = vector.broadcast %div3A_124 : f32 to vector<1x1xf32>
      %div3A_126 = arith.divf %broadcast_in_dim3A_123, %div3A_125 : vector<1x1xf32>
      %convert_element_type3A_127 = arith.fptosi %div3A_126 : vector<1x1xf32> to vector<1x1xi32>
      %swap3A_128 = arith.constant 0 : index
      %swap3A_129 = arith.constant 0 : index
      %swap3A_130 = vector.load %arg10[%swap3A_128, %swap3A_129] : memref<1x1xi32, #tpu.memory_space<vmem>>, vector<1x1xi32>
      tpu.vector_store %arg10[%swap3A_128, %swap3A_129], %convert_element_type3A_127 {strides = array<i32>} : memref<1x1xi32, #tpu.memory_space<vmem>>, vector<1x1xi32>,
      %iota3A_131 = tpu.iota {dimensions = array<i32: 0>} : vector<96x64xi32>
      %convert_element_type3A_132 = arith.sitofp %iota3A_131 : vector<96x64xi32> to vector<96x64xf32>
      %mul3A_133 = arith.constant 2.560000e+02 : f32
      %mul3A_134 = vector.broadcast %mul3A_133 : f32 to vector<96x64xf32>
      %mul3A_135 = arith.mulf %convert_element_type3A_132, %mul3A_134 : vector<96x64xf32>
      %broadcast_in_dim3A_136 = vector.shape_cast %dot_general3A_115 : vector<1x64xf32> to vector<1x64xf32>
      %broadcast_in_dim3A_137 = vector.broadcast %broadcast_in_dim3A_136 : vector<1x64xf32> to vector<96x64xf32>
      %le3A_138 = arith.cmpf ole, %broadcast_in_dim3A_137, %mul3A_135 : vector<96x64xf32>
      %convert_element_type3A_139 = arith.extui %le3A_138 : vector<96x64xi1> to vector<96x64xi32>
      %convert_element_type3A_140 = arith.sitofp %convert_element_type3A_139 : vector<96x64xi32> to vector<96x64xf32>
      %reduce_sum3A_141 = arith.constant dense<0.000000e+00> : vector<96xf32>
      %reduce_sum3A_142 = vector.multi_reduction <add>, %convert_element_type3A_140, %reduce_sum3A_141 [1] : vector<96x64xf32> to vector<96xf32>
      %sub3A_143 = arith.constant 2.560000e+02 : f32
      %sub3A_144 = vector.broadcast %sub3A_143 : f32 to vector<1x1xf32>
      %sub3A_145 = arith.subf %broadcast_in_dim3A_123, %sub3A_144 : vector<1x1xf32>
      %le3A_146 = vector.broadcast %sub3A_145 : vector<1x1xf32> to vector<1x64xf32>
      %le3A_147 = arith.cmpf ole, %dot_general3A_115, %le3A_146 : vector<1x64xf32>
      %convert_element_type3A_148 = arith.extui %le3A_147 : vector<1x64xi1> to vector<1x64xi32>
      %convert_element_type3A_149 = arith.sitofp %convert_element_type3A_148 : vector<1x64xi32> to vector<1x64xf32>
      %reduce_sum3A_150 = vector.shape_cast %convert_element_type3A_149 : vector<1x64xf32> to vector<1x1x64xf32>
      %reduce_sum3A_151 = arith.constant dense<0.000000e+00> : vector<1xf32>
      %reduce_sum3A_152 = vector.multi_reduction <add>, %reduce_sum3A_150, %reduce_sum3A_151 [1, 2] : vector<1x1x64xf32> to vector<1xf32>
      %reduce_sum3A_153 = vector.shape_cast %reduce_sum3A_152 : vector<1xf32> to vector<1x1x1xf32>
      %reduce_sum3A_154 = vector.extract %reduce_sum3A_153[0, 0, 0] : f32 from vector<1x1x1xf32>
      %min3A = arith.constant 6.300000e+01 : f32
      %min3A_155 = arith.minimumf %reduce_sum3A_154, %min3A : f32
      %iota3A_156 = tpu.iota {dimensions = array<i32: 1>} : vector<1x96xi32>
      %iota3A_157 = vector.shape_cast %iota3A_156 : vector<1x96xi32> to vector<96xi32>
      %convert_element_type3A_158 = arith.sitofp %iota3A_157 : vector<96xi32> to vector<96xf32>
      %squeeze3A_159 = vector.extract %div3A_126[0, 0] : f32 from vector<1x1xf32>
      %lt3A = vector.broadcast %squeeze3A_159 : f32 to vector<96xf32>
      %lt3A_160 = arith.cmpf olt, %convert_element_type3A_158, %lt3A : vector<96xf32>
      %min3A_161 = arith.constant 6.300000e+01 : f32
      %min3A_162 = vector.broadcast %min3A_161 : f32 to vector<96xf32>
      %min3A_163 = arith.minimumf %reduce_sum3A_142, %min3A_162 : vector<96xf32>
      %broadcast_in_dim3A_164 = vector.broadcast %min3A_155 : f32 to vector<96xf32>
      %select_n3A_165 = arith.select %lt3A_160, %min3A_163, %broadcast_in_dim3A_164 : vector<96xi1>, vector<96xf32>
      %convert_element_type3A_166 = arith.fptosi %select_n3A_165 : vector<96xf32> to vector<96xi32>
      %reshape3A_167 = vector.shape_cast %convert_element_type3A_166 : vector<96xi32> to vector<1x96xi32>
      %swap3A_168 = arith.constant 0 : index
      %swap3A_169 = arith.constant 0 : index
      %swap3A_170 = vector.load %arg9[%swap3A_168, %swap3A_169] : memref<1x96xi32, #tpu.memory_space<vmem>>, vector<1x96xi32>
      tpu.vector_store %arg9[%swap3A_168, %swap3A_169], %reshape3A_167 {strides = array<i32>} : memref<1x96xi32, #tpu.memory_space<vmem>>, vector<1x96xi32>,
    } else {
    }
    return
  }
  func.func @transform_0(%arg0: i32) -> (i32, i32) {
    %c0_i32 = arith.constant 0 : i32
    %c0_i32_0 = arith.constant 0 : i32
    return %arg0, %c0_i32 : i32, i32
  }
  func.func @transform_1(%arg0: i32) -> (i32, i32) {
    %c0_i32 = arith.constant 0 : i32
    %c0_i32_0 = arith.constant 0 : i32
    %c0_i32_1 = arith.constant 0 : i32
    return %c0_i32, %c0_i32_0 : i32, i32
  }
  func.func @transform_2(%arg0: i32) -> (i32, i32) {
    %c0_i32 = arith.constant 0 : i32
    %c0_i32_0 = arith.constant 0 : i32
    %c0_i32_1 = arith.constant 0 : i32
    return %c0_i32, %c0_i32_0 : i32, i32
  }
  func.func @transform_3(%arg0: i32) -> (i32, i32, i32) {
    %c0_i32 = arith.constant 0 : i32
    %c0_i32_0 = arith.constant 0 : i32
    %c0_i32_1 = arith.constant 0 : i32
    return %arg0, %c0_i32, %c0_i32_0 : i32, i32, i32
  }
  func.func @transform_4(%arg0: i32) -> (i32, i32, i32) {
    %c0_i32 = arith.constant 0 : i32
    %c0_i32_0 = arith.constant 0 : i32
    %c0_i32_1 = arith.constant 0 : i32
    return %arg0, %c0_i32, %c0_i32_0 : i32, i32, i32
  }
  func.func @transform_5(%arg0: i32) -> (i32, i32, i32) {
    %c0_i32 = arith.constant 0 : i32
    %c0_i32_0 = arith.constant 0 : i32
    %c0_i32_1 = arith.constant 0 : i32
    return %arg0, %c0_i32, %c0_i32_0 : i32, i32, i32
  }
  func.func @transform_6(%arg0: i32) -> (i32, i32) {
    %c0_i32 = arith.constant 0 : i32
    %c0_i32_0 = arith.constant 0 : i32
    %c0_i32_1 = arith.constant 0 : i32
    return %c0_i32, %c0_i32_0 : i32, i32
  }
  func.func @transform_7(%arg0: i32) -> (i32, i32) {
    %c0_i32 = arith.constant 0 : i32
    %c0_i32_0 = arith.constant 0 : i32
    %c0_i32_1 = arith.constant 0 : i32
    return %c0_i32, %c0_i32_0 : i32, i32
  }
  func.func @transform_8(%arg0: i32) -> (i32, i32) {
    %c0_i32 = arith.constant 0 : i32
    %c0_i32_0 = arith.constant 0 : i32
    %c0_i32_1 = arith.constant 0 : i32
    return %c0_i32, %c0_i32_0 : i32, i32
  }
  func.func @transform_9(%arg0: i32) -> (i32, i32) {
    %c0_i32 = arith.constant 0 : i32
    %c0_i32_0 = arith.constant 0 : i32
    %c0_i32_1 = arith.constant 0 : i32
    return %c0_i32, %c0_i32_0 : i32, i32
  }
}

module attributes {stable_mosaic.version = 14 : i64} {
  func.func @_ffn_body(%arg0: i32, %arg1: memref<96xi32, #tpu.memory_space<smem>>, %arg2: memref<1xi32, #tpu.memory_space<smem>>, %arg3: memref<256x768xf32, #tpu.memory_space<vmem>>, %arg4: memref<1x768x1024xf32, #tpu.memory_space<vmem>>, %arg5: memref<1x1x1024xf32, #tpu.memory_space<vmem>>, %arg6: memref<1x1024x768xf32, #tpu.memory_space<vmem>>, %arg7: memref<1x1x768xf32, #tpu.memory_space<vmem>>, %arg8: memref<256x768xf32, #tpu.memory_space<vmem>>) attributes {dimension_semantics = [#tpu.dimension_semantics<arbitrary>], iteration_bounds = array<i64: 96>, scalar_prefetch = 2 : i64, scratch_operands = 0 : i64, tpu.core_type = #tpu.core_type<tc>, window_params = [{transform_indices = @transform_0, window_bounds = array<i64: 256, 768>}, {transform_indices = @transform_1, window_bounds = array<i64: 1, 768, 1024>}, {transform_indices = @transform_2, window_bounds = array<i64: 1, 1, 1024>}, {transform_indices = @transform_3, window_bounds = array<i64: 1, 1024, 768>}, {transform_indices = @transform_4, window_bounds = array<i64: 1, 1, 768>}, {transform_indices = @transform_5, window_bounds = array<i64: 256, 768>}]} {
    %get3A = arith.constant 0 : index
    %get3A_0 = memref.load %arg2[%get3A] : memref<1xi32, #tpu.memory_space<smem>>
    %lt3A = arith.cmpi slt, %arg0, %get3A_0 : i32
    %convert_element_type3A = arith.extui %lt3A : i1 to i32
    %cond3A = arith.constant 0 : i32
    %cond3A_1 = arith.cmpi ne, %convert_element_type3A, %cond3A : i32
    scf.if %cond3A_1 {
      %get3A_2 = arith.constant 0 : index
      %get3A_3 = arith.constant 0 : index
      %get3A_4 = vector.load %arg3[%get3A_2, %get3A_3] : memref<256x768xf32, #tpu.memory_space<vmem>>, vector<256x768xf32>
      %get3A_5 = arith.constant 0 : index
      %get3A_6 = arith.constant 0 : index
      %get3A_7 = arith.constant 0 : index
      %get3A_8 = vector.load %arg4[%get3A_5, %get3A_6, %get3A_7] : memref<1x768x1024xf32, #tpu.memory_space<vmem>>, vector<1x768x1024xf32>
      %get3A_9 = vector.shape_cast %get3A_8 : vector<1x768x1024xf32> to vector<768x1024xf32>
      %dot_general3A = arith.constant dense<0.000000e+00> : vector<256x1024xf32>
      %dot_general3A_10 = tpu.matmul %get3A_4, %get3A_9, %dot_general3A {dimension_numbers = #tpu.dot_dimension_numbers<[1], [0], [0], [1], [0, 0, 1, 1], [], []>, transpose_lhs_hint = false} : vector<256x768xf32>, vector<768x1024xf32>, vector<256x1024xf32> -> vector<256x1024xf32>
      %get3A_11 = arith.constant 0 : index
      %get3A_12 = arith.constant 0 : index
      %get3A_13 = arith.constant 0 : index
      %get3A_14 = vector.load %arg5[%get3A_11, %get3A_12, %get3A_13] : memref<1x1x1024xf32, #tpu.memory_space<vmem>>, vector<1x1x1024xf32>
      %get3A_15 = vector.shape_cast %get3A_14 : vector<1x1x1024xf32> to vector<1x1024xf32>
      %add3A = vector.broadcast %get3A_15 : vector<1x1024xf32> to vector<256x1024xf32>
      %add3A_16 = arith.addf %dot_general3A_10, %add3A : vector<256x1024xf32>
      %max3A = arith.constant 0.000000e+00 : f32
      %max3A_17 = vector.broadcast %max3A : f32 to vector<256x1024xf32>
      %max3A_18 = arith.maximumf %add3A_16, %max3A_17 : vector<256x1024xf32>
      %get3A_19 = arith.constant 0 : index
      %get3A_20 = arith.constant 0 : index
      %get3A_21 = arith.constant 0 : index
      %get3A_22 = vector.load %arg6[%get3A_19, %get3A_20, %get3A_21] : memref<1x1024x768xf32, #tpu.memory_space<vmem>>, vector<1x1024x768xf32>
      %get3A_23 = vector.shape_cast %get3A_22 : vector<1x1024x768xf32> to vector<1024x768xf32>
      %dot_general3A_24 = arith.constant dense<0.000000e+00> : vector<256x768xf32>
      %dot_general3A_25 = tpu.matmul %max3A_18, %get3A_23, %dot_general3A_24 {dimension_numbers = #tpu.dot_dimension_numbers<[1], [0], [0], [1], [0, 0, 1, 1], [], []>, transpose_lhs_hint = false} : vector<256x1024xf32>, vector<1024x768xf32>, vector<256x768xf32> -> vector<256x768xf32>
      %get3A_26 = arith.constant 0 : index
      %get3A_27 = arith.constant 0 : index
      %get3A_28 = arith.constant 0 : index
      %get3A_29 = vector.load %arg7[%get3A_26, %get3A_27, %get3A_28] : memref<1x1x768xf32, #tpu.memory_space<vmem>>, vector<1x1x768xf32>
      %get3A_30 = vector.shape_cast %get3A_29 : vector<1x1x768xf32> to vector<1x768xf32>
      %add3A_31 = vector.broadcast %get3A_30 : vector<1x768xf32> to vector<256x768xf32>
      %add3A_32 = arith.addf %dot_general3A_25, %add3A_31 : vector<256x768xf32>
      %swap3A = arith.constant 0 : index
      %swap3A_33 = arith.constant 0 : index
      %swap3A_34 = vector.load %arg8[%swap3A, %swap3A_33] : memref<256x768xf32, #tpu.memory_space<vmem>>, vector<256x768xf32>
      tpu.vector_store %arg8[%swap3A, %swap3A_33], %add3A_32 {strides = array<i32>} : memref<256x768xf32, #tpu.memory_space<vmem>>, vector<256x768xf32>,
    } else {
    }
    return
  }
  func.func @transform_0(%arg0: i32, %arg1: memref<96xi32, #tpu.memory_space<smem>>, %arg2: memref<1xi32, #tpu.memory_space<smem>>) -> (i32, i32) {
    %get3A = arith.constant 0 : index
    %get3A_0 = memref.load %arg2[%get3A] : memref<1xi32, #tpu.memory_space<smem>>
    %sub3A = arith.constant 1 : i32
    %sub3A_1 = arith.subi %get3A_0, %sub3A : i32
    %min3A = arith.minsi %arg0, %sub3A_1 : i32
    %c0_i32 = arith.constant 0 : i32
    %c0_i32_2 = arith.constant 0 : i32
    return %min3A, %c0_i32 : i32, i32
  }
  func.func @transform_1(%arg0: i32, %arg1: memref<96xi32, #tpu.memory_space<smem>>, %arg2: memref<1xi32, #tpu.memory_space<smem>>) -> (i32, i32, i32) {
    %get3A = arith.index_cast %arg0 : i32 to index
    %get3A_0 = memref.load %arg1[%get3A] : memref<96xi32, #tpu.memory_space<smem>>
    %c0_i32 = arith.constant 0 : i32
    %c0_i32_1 = arith.constant 0 : i32
    %c0_i32_2 = arith.constant 0 : i32
    return %get3A_0, %c0_i32, %c0_i32_1 : i32, i32, i32
  }
  func.func @transform_2(%arg0: i32, %arg1: memref<96xi32, #tpu.memory_space<smem>>, %arg2: memref<1xi32, #tpu.memory_space<smem>>) -> (i32, i32, i32) {
    %get3A = arith.index_cast %arg0 : i32 to index
    %get3A_0 = memref.load %arg1[%get3A] : memref<96xi32, #tpu.memory_space<smem>>
    %c0_i32 = arith.constant 0 : i32
    %c0_i32_1 = arith.constant 0 : i32
    %c0_i32_2 = arith.constant 0 : i32
    return %get3A_0, %c0_i32, %c0_i32_1 : i32, i32, i32
  }
  func.func @transform_3(%arg0: i32, %arg1: memref<96xi32, #tpu.memory_space<smem>>, %arg2: memref<1xi32, #tpu.memory_space<smem>>) -> (i32, i32, i32) {
    %get3A = arith.index_cast %arg0 : i32 to index
    %get3A_0 = memref.load %arg1[%get3A] : memref<96xi32, #tpu.memory_space<smem>>
    %c0_i32 = arith.constant 0 : i32
    %c0_i32_1 = arith.constant 0 : i32
    %c0_i32_2 = arith.constant 0 : i32
    return %get3A_0, %c0_i32, %c0_i32_1 : i32, i32, i32
  }
  func.func @transform_4(%arg0: i32, %arg1: memref<96xi32, #tpu.memory_space<smem>>, %arg2: memref<1xi32, #tpu.memory_space<smem>>) -> (i32, i32, i32) {
    %get3A = arith.index_cast %arg0 : i32 to index
    %get3A_0 = memref.load %arg1[%get3A] : memref<96xi32, #tpu.memory_space<smem>>
    %c0_i32 = arith.constant 0 : i32
    %c0_i32_1 = arith.constant 0 : i32
    %c0_i32_2 = arith.constant 0 : i32
    return %get3A_0, %c0_i32, %c0_i32_1 : i32, i32, i32
  }
  func.func @transform_5(%arg0: i32, %arg1: memref<96xi32, #tpu.memory_space<smem>>, %arg2: memref<1xi32, #tpu.memory_space<smem>>) -> (i32, i32) {
    %get3A = arith.constant 0 : index
    %get3A_0 = memref.load %arg2[%get3A] : memref<1xi32, #tpu.memory_space<smem>>
    %sub3A = arith.constant 1 : i32
    %sub3A_1 = arith.subi %get3A_0, %sub3A : i32
    %min3A = arith.minsi %arg0, %sub3A_1 : i32
    %c0_i32 = arith.constant 0 : i32
    %c0_i32_2 = arith.constant 0 : i32
    return %min3A, %c0_i32 : i32, i32
  }
}

</mosaic_0001>

<sc_bundles>
// kernel: kernel.6.cloned.1.call-start
scs
__scs_entry_jumppad:
0x0: {  	(pc) =	sbr.rel $0x88, $3  }
0x1: {  	(tag) =	ssettag $0x0;
	lr =	simm.s32 $0x1  }
0x2: {  	[smem:$0x3F9A] =	sst lr;
	_ =	strace $0xD0000000  }
0x3: {  	_ = 	snop  }
0x4: {  	_ = 	snop  }
0x5: {  	_ = 	snop  }
0x6: {  	_ = 	snop  }
0x7: {  	_ = 	snop  }
__scs_overlays_trampoline_lowered:
0x8: {  	[smem:$0x3FA9] =	sst s0  }
0x9: {  	[smem:$0x3FAA] =	sst s1  }
0xa: {  	[smem:$0x3FAB] =	sst s2  }
0xb: {  	[smem:$0x3FAC] =	sst s3  }
0xc: {  	[smem:$0x3FAD] =	sst s4  }
0xd: {  	[smem:$0x3FAE] =	sst s5  }
0xe: {  	[smem:$0x3FAF] =	sst s6  }
0xf: {  	[smem:$0x3FB0] =	sst s7  }
0x10: {  	[smem:$0x3FB1] =	sst s8  }
0x11: {  	[smem:$0x3FB2] =	sst s9;
	s0 =	simm.s32 @!p0 $0x0  }
0x12: {  	s1 =	sld [smem:$0x3F98];
	s0 =	simm.s32 @p0 $0x1  }
0x13: {  	[smem:$0x3FB3] =	sst s0;
	s0 =	simm.s32 @!p1 $0x0  }
0x14: {  	s2 =	sld [smem:$0x3F97];
	s0 =	simm.s32 @p1 $0x1  }
0x15: {  	[smem:$0x3FB4] =	sst s0;
	s0 =	simm.s32 @!p2 $0x0  }
0x16: {  	s3 =	sld [smem:$0x3FDB];
	s0 =	simm.s32 @p2 $0x1  }
0x17: {  	s4 =	simm.s32 $0x1BF5;
	[smem:$0x3FB6] =	sst s0  }
0x18: {  	s0 =	sld [smem:$0x3F99];
	_ =	swait.ge [sflag:s4], $0x0  }
0x19: {  	s7 =	sld [smem:$0x3F9A]  }
0x1a: {  	s8 =	sadd.s32 $0xFFFFE003, lr  }
0x1b: {  	s9 =	sadd.s32 $0xFFFFFEF7, lr;
	s5 =	simm.s32 $0xFFFFFFFF;
	p2 =	slt.u32 s8, $0xFFFFF086  }
0x1c: {  	p1 =	slt.u32 s9, $0xF7A;
	s5 =	simm.s32 @!p2 $0x0  }
0x1d: {  	s5 =	simm.s32 @p1 $0x1;
	p0 =	seq.s32 s7, s2  }
0x1e: {  	s7 =	smul.u32 @!p0 $0xF7A, s2;
	p2 =	seq.s32 @!p0 s5, $0x0  }
0x1f: {  	s9 =	smul.u32 $0xF7A, s1;
	s8 =	simm.s32 @!p0 $0x1BF5;
	p2 =	por !p2, p0  }
0x20: {  	[sflag:s8] =	ssyncset.s32 @!p0 $0xFFFFF086;
	s6 =	sadd.s32 @!p0 s3, s7;
	s7 =	simm.s32 @!p0 $0x108  }
0x21: {  	s3 =	sadd.s32 s3, s9;
	s6 =	sadd.s32 @!p0 $0x88, s6;
	s7 =	simm.s32 @p2 $0x1082  }
0x22: {  	[simem:s7], [sflag:s8] =	dma.local @!p0 [hbm:s6], $0xF7A  }
0x23: {  	s9 =	sor.u32 $0xD0000000, s2;
	s6 =	simm.s32 $0x108;
	_ =	swait.ge @!p0 [sflag:s8], $0x0  }
0x24: {  	s3 =	sadd.s32 $0x88, s3;
	s6 =	simm.s32 @!p1 $0x1082;
	[sflag:s4] =	ssyncset.s32 $0xFFFFF086  }
0x25: {  	[simem:s6], [sflag:s4] =	dma.local [hbm:s3], $0xF7A  }
0x26: {  	[smem:$0x3F9A] =	sst s1;
	(tag) =	ssettag s2;
	_ =	strace s9  }
0x27: {  	s1 =	sld [smem:$0x3FAA]  }
0x28: {  	s2 =	sld [smem:$0x3FAB]  }
0x29: {  	s4 =	sld [smem:$0x3FAD]  }
0x2a: {  	p0 =	seq.s32 s5, $0x0;
	s5 =	sld [smem:$0x3FAE]  }
0x2b: {  	s6 =	sld [smem:$0x3FAF]  }
0x2c: {  	s7 =	sld [smem:$0x3FB0]  }
0x2d: {  	s3 =	simm.s32 $0x108;
	s8 =	sld [smem:$0x3FB1]  }
0x2e: {  	s3 =	simm.s32 @!p0 $0x1082;
	s9 =	sld [smem:$0x3FB2]  }
0x2f: {  	lr =	sadd.s32 s0, s3;
	s0 =	sld [smem:$0x3FA9]  }
0x30: {  	s3 =	sld [smem:$0x3FAC]  }
0x31: {  	[smem:$0x3FB5] =	sst s10  }
0x32: {  	s10 =	sld [smem:$0x3FB3];
	_ =	sdelay $0x3  }
0x33: {  	p0 =	seq.s32 s10, $0x1;
	s10 =	sld [smem:$0x3FB5];
	_ =	sdelay $0x3  }
0x34: {  	[smem:$0x3FB5] =	sst s10  }
0x35: {  	s10 =	sld [smem:$0x3FB4];
	_ =	sdelay $0x3  }
0x36: {  	p1 =	seq.s32 s10, $0x1;
	s10 =	sld [smem:$0x3FB5];
	_ =	sdelay $0x3  }
0x37: {  	[smem:$0x3FB5] =	sst s10  }
0x38: {  	s10 =	sld [smem:$0x3FB6]  }
0x39: {  	_ = 	snop;
	(pc) =	sbr.ind lr, $3  }
0x3a: {  	_ = 	snop  }
0x3b: {  	_ = 	snop  }
0x3c: {  	p2 =	seq.s32 s10, $0x1;
	s10 =	sld [smem:$0x3FB5]  }
0x3d: {  	_ =	shalt  }
0x3e: {  	_ =	shalt  }
0x3f: {  	_ =	shalt  }
0x40: {  	_ =	shalt  }
0x41: {  	_ =	shalt  }
0x42: {  	_ =	shalt  }
0x43: {  	_ =	shalt  }
0x44: {  	_ =	shalt  }
0x45: {  	_ =	shalt  }
0x46: {  	_ =	shalt  }
0x47: {  	_ =	shalt  }
0x48: {  	_ =	shalt  }
0x49: {  	_ =	shalt  }
0x4a: {  	_ =	shalt  }
0x4b: {  	_ =	shalt  }
0x4c: {  	_ =	shalt  }
0x4d: {  	_ =	shalt  }
0x4e: {  	_ =	shalt  }
0x4f: {  	_ =	shalt  }
0x50: {  	_ =	shalt  }
0x51: {  	_ =	shalt  }
0x52: {  	_ =	shalt  }
0x53: {  	_ =	shalt  }
0x54: {  	_ =	shalt  }
0x55: {  	_ =	shalt  }
0x56: {  	_ =	shalt  }
0x57: {  	_ =	shalt  }
0x58: {  	_ =	shalt  }
0x59: {  	_ =	shalt  }
0x5a: {  	_ =	shalt  }
0x5b: {  	_ =	shalt  }
0x5c: {  	_ =	shalt  }
0x5d: {  	_ =	shalt  }
0x5e: {  	_ =	shalt  }
0x5f: {  	_ =	shalt  }
0x60: {  	_ =	shalt  }
0x61: {  	_ =	shalt  }
0x62: {  	_ =	shalt  }
0x63: {  	_ =	shalt  }
0x64: {  	_ =	shalt  }
0x65: {  	_ =	shalt  }
0x66: {  	_ =	shalt  }
0x67: {  	_ =	shalt  }
0x68: {  	_ =	shalt  }
0x69: {  	_ =	shalt  }
0x6a: {  	_ =	shalt  }
0x6b: {  	_ =	shalt  }
0x6c: {  	_ =	shalt  }
0x6d: {  	_ =	shalt  }
0x6e: {  	_ =	shalt  }
0x6f: {  	_ =	shalt  }
0x70: {  	_ =	shalt  }
0x71: {  	_ =	shalt  }
0x72: {  	_ =	shalt  }
0x73: {  	_ =	shalt  }
0x74: {  	_ =	shalt  }
0x75: {  	_ =	shalt  }
0x76: {  	_ =	shalt  }
0x77: {  	_ =	shalt  }
0x78: {  	_ =	shalt  }
0x79: {  	_ =	shalt  }
0x7a: {  	_ =	shalt  }
0x7b: {  	_ =	shalt  }
0x7c: {  	_ =	shalt  }
0x7d: {  	_ =	shalt  }
0x7e: {  	_ =	shalt  }
0x7f: {  	_ =	shalt  }
0x80: {  	_ =	shalt  }
0x81: {  	_ =	shalt  }
0x82: {  	_ =	shalt  }
0x83: {  	_ =	shalt  }
0x84: {  	_ =	shalt  }
0x85: {  	_ =	shalt  }
0x86: {  	_ =	shalt  }
0x87: {  	_ =	shalt  }
.Lfunc_end0:
.L_simem_size_0:
called_computation_lowered:
.L_overlay_start_0:
0x88: {  	s2 =	sld [smem:$0x3FD9]  }
0x89: {  	s3 =	sld [smem:$0x3FFE];
	_ =	sdelay $0x1  }
0x8a: {  	s1 =	srdreg.scid  }
0x8b: {  	s0 =	sand.u32 $0x1, s1  }
0x8c: {  	s14 =	sshll.u32 s0, $0xA;
	s2 =	sadd.s32 s3, s2  }
0x8d: {  	s2 =	sadd.s32 s2, s14  }
0x8e: {  	[smem:$0x3FC1] =	sst s2  }
0x8f: {  	_ = 	snop  }
0x90: {  	s2 =	sld [smem:$0x3FD0];
	_ =	sdelay $0x2  }
0x91: {  	s4 =	simm.s32 $0xA;
	s5 =	simm.s32 $0x10;
	s15 =	sld [smem:$0x3FC9]  }
0x92: {  	[smem:s5], [sflag:s4] =	dma.local [hbm:s2], $0x1  }
0x93: {  	_ =	swait.eq [sflag:s4], $0x1  }
0x94: {  	[sflag:s4] =	ssyncset.done $0x0  }
0x95: {  	[sflag:s4] =	ssyncadd.s32 $0xFFFFFFFF  }
0x96: {  	s16 =	sld [smem:$0x10];
	(tm) =	ssettm $0x1  }
0x97: {  	s17 =	sld [smem:$0x3FFB];
	_ =	sdelay $0x3  }
0x98: {  	_ =	strace s17  }
0x99: {  	s4 =	sld [smem:$0x3FFC];
	_ =	sdelay $0x3  }
0x9a: {  	_ =	strace s4  }
0x9b: {  	s4 =	sld [smem:$0x3FFD];
	_ =	sdelay $0x3  }
0x9c: {  	_ =	strace s4  }
0x9d: {  	_ =	strace $0x8FFFFFFF  }
0x9e: {  	s18 =	sld [smem:$0x3FDB];
	_ =	sdelay $0x1  }
0x9f: {  	s19 =	simm.s32 $_scs_section_size  }
0xa0: {  	s6 =	simm.s32 $_size__tile_overlayer_lowered;
	s7 =	simm.s32 $_tile_overlayer_lowered  }
0xa1: {  	s22 =	simm.s32 $0x1BFF;
	s21 =	sshll.u32 s7, $0x1;
	s4 =	sadd.s32 s19, s18  }
0xa2: {  	s8 =	simm.s32 $0x0;
	s20 =	sshll.u32 s6, $0x1;
	s6 =	sadd.s32 s21, s4  }
0xa3: {  	[timem:s8], [sflag:s22] =	dma.local [hbm:s6], s20  }
0xa4: {  	_ =	swait.ge [sflag:s22], s20  }
0xa5: {  	s5 =	ssub.s32 $0x0, s20;
	[sflag:s22] =	ssyncset.done $0x0  }
0xa6: {  	[sflag:s22] =	ssyncadd.s32 s5;
	_ =	sdelay $0x1  }
0xa7: {  	s23 =	simm.s32 $0x1B8B  }
0xa8: {  	_ =	swait.ge [sflag:s23], $0x1  }
0xa9: {  	[sflag:s23] =	ssyncset.done $0x0  }
0xaa: {  	s25 =	simm.s32 $0x1B8E;
	s24 =	sld [smem:$0x3FFE];
	[sflag:s23] =	ssyncadd.s32 $0xFFFFFFFF  }
0xab: {  	s26 =	simm.s32 $execute0_lowered;
	[smem:$0x3FD2] =	sst s25  }
0xac: {  	s6 =	sshll.u32 s26, $0x1;
	_ =	strace $0x80000046;
	[dreg:$0x1] =	wrdreg $0xFFFFFFFF  }
0xad: {  	s28 =	simm.s32 $_size_execute0_lowered;
	s4 =	sadd.s32 s4, s6;
	[dreg:$0x0] =	wrdreg $0x0  }
0xae: {  	s6 =	sshll.u32 s28, $0x1;
	[dreg:$0x2] =	wrdreg s4  }
0xaf: {  	[dreg:$0x3] =	wrdreg s6  }
0xb0: {  	[dreg:$0x4] =	wrdreg $0xC0  }
0xb1: {  	_ =	task [dreg:s8], $0x5FFFF  }
0xb2: {  	[dreg:$0x1] =	wrdreg $0xFFFFFFFF  }
0xb3: {  	[dreg:$0x0] =	wrdreg $0x60  }
0xb4: {  	[dreg:$0x2] =	wrdreg s15  }
0xb5: {  	[dreg:$0x3] =	wrdreg s16  }
0xb6: {  	[dreg:$0x4] =	wrdreg s24  }
0xb7: {  	[dreg:$0x5] =	wrdreg $0x9  }
0xb8: {  	_ =	task.clear_ibuf [dreg:s8], $0x6FFFF;
	_ =	strace $0x90000046  }
0xb9: {  	s29 =	simm.s32 $0x9;
	_ =	strace $0x80000048  }
0xba: {  	_ =	swait.ge [sflag:s29], $0x1  }
0xbb: {  	[sflag:s29] =	ssyncadd.s32 $0xFFFFFFFF  }
0xbc: {  	_ =	strace $0x90000048  }
0xbd: {  	_ =	sfence  }
0xbe: {  	s30 =	sld [smem:$0x0];
	_ =	sdelay $0x2  }
0xbf: {  	s31 =	sshll.u32 s1, $0xD;
	s1 =	sshrl.u32 s1, $0x2  }
0xc0: {  	s3 =	sand.u32 $0x4000, s31;
	s1 =	sadd.s32 s1, s30  }
0xc1: {  	s0 =	sor.u32 s3, s0;
	s1 =	sshll.u32 s1, $0x11  }
0xc2: {  	s0 =	sor.u32 s1, s0  }
0xc3: {  	s0 =	sadd.s32 $0x8F2B, s0  }
0xc4: {  	[sflag:s0] =	ssyncadd.remote.s32 $0x1  }
0xc5: {  	_ =	sfence.sel $0xFFFF  }
0xc6: {  	[dreg:$0x0] =	wrdreg $0xFFFFFFFF;
	(pc) =	sbr.abs _section_cstart, $3  }
0xc7: {  	[dreg:$0x1] =	wrdreg $0xFFFFFFFF  }
0xc8: {  	_ =	task.clear_ibuf [dreg:s8], $0x2FFFF;
	_ =	strace $0x9FFFFFFF  }
0xc9: {  	(tm) =	ssettm $0x7FFFFFFF  }
tec
execute0_lowered:
.L_overlay_start_1:
0x0: {  	(tag) =	ssettag $0x1  }
0x1: {  	s0 =	rddreg [dreg:$0x0]  }
0x2: {  	s1 =	srdreg.scid;
	s4 =	rddreg [dreg:$0x1]  }
0x3: {  	s2 =	stileid.u32;
	s5 =	rddreg [dreg:$0x2];
	s28 =	simm.s32 $0x11800  }
0x4: {  	s29 =	simm.s32 $0x12000;
	s30 =	simm.s32 $0x12800;
	s31 =	simm.s32 $0x13000  }
0x5: {  	s1 =	sand.u32 $0x1, s1;
	s3 =	sshll.u32 s2, $0x6;
	s2 =	simm.s32 $0x0  }
0x6: {  	s7 =	sadd.s32 $0x1E00, s5;
	s8 =	sadd.s32 $0x2200, s5;
	s10 =	sadd.s32 $0x242800, s5  }
0x7: {  	s6 =	sshll.u32 s1, $0x5;
	[smem:$0x7FF] =	sst s2;
	s1 =	ssub.s32 $0x2, s1  }
0x8: {  	s3 =	sor.u32 s6, s3;
	_ =	strace $0x80000047;
	[dreg:$0x4] =	wrdreg s8  }
0x9: {  	s8 =	simm.s32 $0x8;
	s6 =	smul.u32 $0x300, s3;
	s19 =	sor.u32 $0x8, s3  }
0xa: {  	s20 =	sadd.s32 s4, s3;
	s21 =	sadd.s32 s7, s3;
	s24 =	sor.u32 $0x10, s3  }
0xb: {  	s26 =	sadd.s32 s10, s3;
	s14 =	sor.u32 $0x18, s3;
	[dreg:$0x6] =	wrdreg s20  }
0xc: {  	s3 =	sadd.s32 $0x2800, s5;
	s9 =	smul.u32 $0x300, s19;
	[dreg:$0x7] =	wrdreg s21  }
0xd: {  	s23 =	sadd.s32 s4, s19;
	s25 =	sadd.s32 s7, s19;
	[dreg:$0xb] =	wrdreg s26  }
0xe: {  	s11 =	smul.u32 $0x300, s24;
	s13 =	sadd.s32 s4, s24;
	[dreg:$0x9] =	wrdreg s23  }
0xf: {  	s15 =	sadd.s32 s7, s24;
	s16 =	smul.u32 $0x300, s14;
	[dreg:$0xa] =	wrdreg s25  }
0x10: {  	s17 =	sadd.s32 s10, s19;
	s18 =	sadd.s32 s4, s14;
	[dreg:$0xd] =	wrdreg s13  }
0x11: {  	s19 =	sadd.s32 s7, s14;
	s20 =	sshrl.u32 s1, $0x1;
	[dreg:$0xe] =	wrdreg s15  }
0x12: {  	s21 =	sadd.s32 s10, s24;
	s4 =	sadd.s32 $0x2900, s5;
	[dreg:$0xf] =	wrdreg s17  }
0x13: {  	s5 =	sadd.s32 $0x2A00, s5;
	s7 =	simm.s32 $0x18400;
	[dreg:$0x11] =	wrdreg s18  }
0x14: {  	s24 =	simm.s32 $0x18280;
	s26 =	simm.s32 $0x18380;
	[dreg:$0x12] =	wrdreg s19  }
0x15: {  	s6 =	sadd.s32 s0, s6;
	s1 =	ssub.s32 s1, s20;
	[dreg:$0x13] =	wrdreg s21  }
0x16: {  	s23 =	simm.s32 $0x18200;
	[dreg:$0x16] =	wrdreg s24;
	s25 =	simm.s32 $0x18300  }
0x17: {  	[dreg:$0x18] =	wrdreg s26;
	s13 =	simm.s32 $0x3;
	s21 =	simm.s32 $0x5  }
0x18: {  	s20 =	simm.s32 $0x2;
	s15 =	simm.s32 $0x6;
	s17 =	simm.s32 $0xD800  }
0x19: {  	s18 =	simm.s32 $0xE000;
	s19 =	simm.s32 $0xE800;
	[dreg:$0x5] =	wrdreg s6  }
0x1a: {  	s24 =	simm.s32 $0x10000;
	s26 =	simm.s32 $0x11000;
	[dreg:$0x15] =	wrdreg s23  }
0x1b: {  	s22 =	sadd.s32 s0, s9;
	s12 =	sadd.s32 s0, s11;
	[dreg:$0x17] =	wrdreg s25  }
0x1c: {  	s0 =	sadd.s32 s0, s16;
	s6 =	smax.u32 s1, $0x1;
	[dreg:$0x8] =	wrdreg s22  }
0x1d: {  	v2 =	vlaneseq.u32;
	s16 =	simm.s32 $0x7;
	s11 =	simm.s32 $0xC000;
	[dreg:$0xc] =	wrdreg s12  }
0x1e: {  	vm0 =	vmmov $0xffff;
	v1 =	vshrl.u32 v2, $0x3;
	s23 =	simm.s32 $0xF800;
	[dreg:$0x10] =	wrdreg s0;
	s22 =	sadd.s32 s10, s14  }
0x1f: {  	v0 =	vand.u32 $0x7, v2;
	v2 =	vor.u32 $0x8, v2;
	v1 =	vmul.u32 $0x8, v1;
	s25 =	simm.s32 $0x10800;
	[dreg:$0x14] =	wrdreg s22;
	s22 =	simm.s32 $0xF000  }
.LBB2_1:
0x20: {  	s1 =	rddreg [dreg:$0x4]  }
0x21: {  	[tilespmem:s7], [sflag:$0x8] =	stream.linear.gather [hbm4b:s1+s2], $0x80, $0x38;
	[tilespmem:$0x18480] =	vst v63  }
0x22: {  	_ =	swait.ge [sflag:s8], $0x80  }
0x23: {  	[sflag:s8] =	ssyncset.done $0x0  }
0x24: {  	s10 =	rddreg [dreg:$0x5];
	[sflag:s8] =	ssyncadd.s32 $0xFFFFFF80  }
0x25: {  	[tilespmem:s2], [sflag:$0x1] =	stream.linear.gather [hbm4b:s10+s2], $0xC000, $0x38;
	[tilespmem:$0x18480] =	vst v63  }
0x26: {  	s9 =	simm.s32 $0x18000;
	s0 =	rddreg [dreg:$0x6]  }
0x27: {  	[tilespmem:s9], [sflag:$0x3] =	stream.linear.gather [hbm4b:s0+s2], $0x40, $0x38;
	[tilespmem:$0x18480] =	vst v63  }
0x28: {  	s12 =	rddreg [dreg:$0x7];
	s10 =	simm.s32 $0x18080  }
0x29: {  	[tilespmem:s10], [sflag:$0x5] =	stream.linear.gather [hbm4b:s12+s2], $0x40, $0x38;
	[tilespmem:$0x18480] =	vst v63  }
0x2a: {  	s12 =	simm.s32 $0x1  }
0x2b: {  	_ =	swait.ge [sflag:s12], $0xC000  }
0x2c: {  	[sflag:s12] =	ssyncset.done $0x0  }
0x2d: {  	[sflag:s12] =	ssyncadd.s32 $0xFFFF4000  }
0x2e: {  	_ =	swait.ge [sflag:s13], $0x40  }
0x2f: {  	[sflag:s13] =	ssyncset.done $0x0  }
0x30: {  	[sflag:s13] =	ssyncadd.s32 $0xFFFFFFC0  }
0x31: {  	_ =	swait.ge [sflag:s21], $0x40  }
0x32: {  	[sflag:s21] =	ssyncset.done $0x0  }
0x33: {  	s14 =	rddreg [dreg:$0x8];
	[sflag:s21] =	ssyncadd.s32 $0xFFFFFFC0  }
0x34: {  	[tilespmem:s11], [sflag:$0x2] =	stream.linear.gather [hbm4b:s14+s2], $0xC000, $0x38;
	[tilespmem:$0x18480] =	vst v63  }
0x35: {  	s1 =	rddreg [dreg:$0x9];
	s14 =	simm.s32 $0x18100  }
0x36: {  	[tilespmem:s14], [sflag:$0x4] =	stream.linear.gather [hbm4b:s1+s2], $0x40, $0x38;
	[tilespmem:$0x18480] =	vst v63  }
0x37: {  	s0 =	rddreg [dreg:$0xa];
	s14 =	simm.s32 $0x18180  }
0x38: {  	[tilespmem:s14], [sflag:$0x6] =	stream.linear.gather [hbm4b:s0+s2], $0x40, $0x38;
	[tilespmem:$0x18480] =	vst v63  }
0x39: {  	v3 =	vld [tilespmem:$0x18000];
	_ =	sdelay $0x5  }
0x3a: {  	v4 =	vld [tilespmem:$0x18010]  }
0x3b: {  	v5 =	vld [tilespmem:$0x18080]  }
0x3c: {  	v3 =	vld.idx.msk [tilespmem:v3+s7+$0x0], $0xffff;
	_ =	sdelay $0x4  }
0x3d: {  	v20 =	vld [tilespmem:$0x18020];
	v3 =	vadd.s32 v3, v5  }
0x3e: {  	v6 =	vld [tilespmem:$0x18090];
	[tilespmem:$0x18200] =	vst v3  }
0x3f: {  	v4 =	vld.idx.msk [tilespmem:v4+s7+$0x0], $0xffff;
	_ =	sdelay $0x4  }
0x40: {  	v21 =	vld [tilespmem:$0x18030];
	v4 =	vadd.s32 v4, v6  }
0x41: {  	v22 =	vld [tilespmem:$0x180A0];
	[tilespmem:$0x18210] =	vst v4  }
0x42: {  	v4 =	vld.idx.msk [tilespmem:v20+s7+$0x0], $0xffff;
	_ =	sdelay $0x2  }
0x43: {  	v7 =	vshrl.u32 v3, $0x3  }
0x44: {  	v23 =	vmul.u32 $0x30, v7  }
0x45: {  	v3 =	vand.u32 $0x7, v3;
	v4 =	vadd.s32 v4, v22  }
0x46: {  	v24 =	vld [tilespmem:$0x180B0];
	v3 =	vor.u32 v3, v23;
	[tilespmem:$0x18220] =	vst v4  }
0x47: {  	v6 =	vperm.xlane v3, v0;
	v4 =	vld.idx.msk [tilespmem:v21+s7+$0x0], $0xffff;
	_ =	sdelay $0x1  }
0x48: {  	v6 =	vadd.s32 v1, v6;
	_ =	sdelay $0x2  }
0x49: {  	v4 =	vadd.s32 v4, v24  }
0x4a: {  	v3 =	vperm.xlane v3, v2;
	[tilespmem:$0x18230] =	vst v4  }
0x4b: {  	[hbm4b:s3+s2] =	stream.indirect_vreg.scatter [tilespmem:s2], [sflag:$0x7], $0x80, v6, vm0, $0xb8;
	[tilespmem:$0x18480] =	vst v63  }
0x4c: {  	s14 =	simm.s32 $0x800;
	v3 =	vadd.s32 v1, v3  }
0x4d: {  	[hbm4b:s4+s2] =	stream.indirect_vreg.scatter [tilespmem:s14], [sflag:$0x7], $0x80, v6, vm0, $0xb8;
	[tilespmem:$0x18480] =	vst v63  }
0x4e: {  	s1 =	simm.s32 $0x1000  }
0x4f: {  	[hbm4b:s5+s2] =	stream.indirect_vreg.scatter [tilespmem:s1], [sflag:$0x7], $0x80, v6, vm0, $0xb8;
	[tilespmem:$0x18480] =	vst v63  }
0x50: {  	s14 =	simm.s32 $0x1800  }
0x51: {  	[hbm4b:s3+s2] =	stream.indirect_vreg.scatter [tilespmem:s14], [sflag:$0x7], $0x80, v3, vm0, $0xb8;
	[tilespmem:$0x18480] =	vst v63  }
0x52: {  	s1 =	simm.s32 $0x2000  }
0x53: {  	[hbm4b:s4+s2] =	stream.indirect_vreg.scatter [tilespmem:s1], [sflag:$0x7], $0x80, v3, vm0, $0xb8;
	[tilespmem:$0x18480] =	vst v63  }
0x54: {  	s14 =	simm.s32 $0x2800  }
0x55: {  	[hbm4b:s5+s2] =	stream.indirect_vreg.scatter [tilespmem:s14], [sflag:$0x7], $0x80, v3, vm0, $0xb8;
	[tilespmem:$0x18480] =	vst v63  }
0x56: {  	v3 =	vld [tilespmem:$0x18210];
	_ =	sdelay $0x4  }
0x57: {  	v25 =	vshrl.u32 v3, $0x3  }
0x58: {  	v4 =	vmul.u32 $0x30, v25  }
0x59: {  	v3 =	vand.u32 $0x7, v3  }
0x5a: {  	v3 =	vor.u32 v3, v4  }
0x5b: {  	v4 =	vperm.xlane v3, v0;
	_ =	sdelay $0x1  }
0x5c: {  	v4 =	vadd.s32 v1, v4;
	_ =	sdelay $0x3  }
0x5d: {  	s1 =	simm.s32 $0x3000;
	v3 =	vperm.xlane v3, v2  }
0x5e: {  	[hbm4b:s3+s2] =	stream.indirect_vreg.scatter [tilespmem:s1], [sflag:$0x7], $0x80, v4, vm0, $0xb8;
	[tilespmem:$0x18480] =	vst v63  }
0x5f: {  	s14 =	simm.s32 $0x3800;
	v3 =	vadd.s32 v1, v3  }
0x60: {  	[hbm4b:s4+s2] =	stream.indirect_vreg.scatter [tilespmem:s14], [sflag:$0x7], $0x80, v4, vm0, $0xb8;
	[tilespmem:$0x18480] =	vst v63  }
0x61: {  	s1 =	simm.s32 $0x4000  }
0x62: {  	[hbm4b:s5+s2] =	stream.indirect_vreg.scatter [tilespmem:s1], [sflag:$0x7], $0x80, v4, vm0, $0xb8;
	[tilespmem:$0x18480] =	vst v63  }
0x63: {  	s14 =	simm.s32 $0x4800  }
0x64: {  	[hbm4b:s3+s2] =	stream.indirect_vreg.scatter [tilespmem:s14], [sflag:$0x7], $0x80, v3, vm0, $0xb8;
	[tilespmem:$0x18480] =	vst v63  }
0x65: {  	s1 =	simm.s32 $0x5000  }
0x66: {  	[hbm4b:s4+s2] =	stream.indirect_vreg.scatter [tilespmem:s1], [sflag:$0x7], $0x80, v3, vm0, $0xb8;
	[tilespmem:$0x18480] =	vst v63  }
0x67: {  	s14 =	simm.s32 $0x5800  }
0x68: {  	[hbm4b:s5+s2] =	stream.indirect_vreg.scatter [tilespmem:s14], [sflag:$0x7], $0x80, v3, vm0, $0xb8;
	[tilespmem:$0x18480] =	vst v63  }
0x69: {  	v3 =	vld [tilespmem:$0x18220];
	_ =	sdelay $0x4  }
0x6a: {  	v26 =	vshrl.u32 v3, $0x3  }
0x6b: {  	v4 =	vmul.u32 $0x30, v26  }
0x6c: {  	v3 =	vand.u32 $0x7, v3  }
0x6d: {  	v3 =	vor.u32 v3, v4  }
0x6e: {  	v4 =	vperm.xlane v3, v0;
	_ =	sdelay $0x1  }
0x6f: {  	v4 =	vadd.s32 v1, v4;
	_ =	sdelay $0x3  }
0x70: {  	s1 =	simm.s32 $0x6000;
	v3 =	vperm.xlane v3, v2  }
0x71: {  	[hbm4b:s3+s2] =	stream.indirect_vreg.scatter [tilespmem:s1], [sflag:$0x7], $0x80, v4, vm0, $0xb8;
	[tilespmem:$0x18480] =	vst v63  }
0x72: {  	s14 =	simm.s32 $0x6800;
	v3 =	vadd.s32 v1, v3  }
0x73: {  	[hbm4b:s4+s2] =	stream.indirect_vreg.scatter [tilespmem:s14], [sflag:$0x7], $0x80, v4, vm0, $0xb8;
	[tilespmem:$0x18480] =	vst v63  }
0x74: {  	s1 =	simm.s32 $0x7000  }
0x75: {  	[hbm4b:s5+s2] =	stream.indirect_vreg.scatter [tilespmem:s1], [sflag:$0x7], $0x80, v4, vm0, $0xb8;
	[tilespmem:$0x18480] =	vst v63  }
0x76: {  	s14 =	simm.s32 $0x7800  }
0x77: {  	[hbm4b:s3+s2] =	stream.indirect_vreg.scatter [tilespmem:s14], [sflag:$0x7], $0x80, v3, vm0, $0xb8;
	[tilespmem:$0x18480] =	vst v63  }
0x78: {  	s1 =	simm.s32 $0x8000  }
0x79: {  	[hbm4b:s4+s2] =	stream.indirect_vreg.scatter [tilespmem:s1], [sflag:$0x7], $0x80, v3, vm0, $0xb8;
	[tilespmem:$0x18480] =	vst v63  }
0x7a: {  	s14 =	simm.s32 $0x8800  }
0x7b: {  	[hbm4b:s5+s2] =	stream.indirect_vreg.scatter [tilespmem:s14], [sflag:$0x7], $0x80, v3, vm0, $0xb8;
	[tilespmem:$0x18480] =	vst v63  }
0x7c: {  	v3 =	vld [tilespmem:$0x18230];
	_ =	sdelay $0x4  }
0x7d: {  	v27 =	vshrl.u32 v3, $0x3  }
0x7e: {  	v4 =	vmul.u32 $0x30, v27  }
0x7f: {  	v3 =	vand.u32 $0x7, v3  }
0x80: {  	v3 =	vor.u32 v3, v4  }
0x81: {  	v4 =	vperm.xlane v3, v0;
	_ =	sdelay $0x1  }
0x82: {  	v4 =	vadd.s32 v1, v4;
	_ =	sdelay $0x3  }
0x83: {  	s1 =	simm.s32 $0x9000;
	v3 =	vperm.xlane v3, v2  }
0x84: {  	[hbm4b:s3+s2] =	stream.indirect_vreg.scatter [tilespmem:s1], [sflag:$0x7], $0x80, v4, vm0, $0xb8;
	[tilespmem:$0x18480] =	vst v63  }
0x85: {  	s14 =	simm.s32 $0x9800;
	v3 =	vadd.s32 v1, v3  }
0x86: {  	[hbm4b:s4+s2] =	stream.indirect_vreg.scatter [tilespmem:s14], [sflag:$0x7], $0x80, v4, vm0, $0xb8;
	[tilespmem:$0x18480] =	vst v63  }
0x87: {  	s1 =	simm.s32 $0xA000  }
0x88: {  	[hbm4b:s5+s2] =	stream.indirect_vreg.scatter [tilespmem:s1], [sflag:$0x7], $0x80, v4, vm0, $0xb8;
	[tilespmem:$0x18480] =	vst v63  }
0x89: {  	s14 =	simm.s32 $0xA800  }
0x8a: {  	[hbm4b:s3+s2] =	stream.indirect_vreg.scatter [tilespmem:s14], [sflag:$0x7], $0x80, v3, vm0, $0xb8;
	[tilespmem:$0x18480] =	vst v63  }
0x8b: {  	s1 =	simm.s32 $0xB000  }
0x8c: {  	[hbm4b:s4+s2] =	stream.indirect_vreg.scatter [tilespmem:s1], [sflag:$0x7], $0x80, v3, vm0, $0xb8;
	[tilespmem:$0x18480] =	vst v63  }
0x8d: {  	s14 =	simm.s32 $0xB800  }
0x8e: {  	[hbm4b:s5+s2] =	stream.indirect_vreg.scatter [tilespmem:s14], [sflag:$0x7], $0x80, v3, vm0, $0xb8;
	[tilespmem:$0x18480] =	vst v63  }
0x8f: {  	_ =	swait.ge [sflag:s16], $0xC000  }
0x90: {  	s1 =	rddreg [dreg:$0xb];
	[sflag:s16] =	ssyncset.done $0x0  }
0x91: {  	s14 =	rddreg [dreg:$0x15];
	[sflag:s16] =	ssyncadd.s32 $0xFFFF4000  }
0x92: {  	[hbm4b:s1+s2] =	stream.linear.scatter [tilespmem:s14], [sflag:$0x8], $0x40, $0x38;
	[tilespmem:$0x18480] =	vst v63  }
0x93: {  	_ =	swait.ge [sflag:s8], $0x40  }
0x94: {  	[sflag:s8] =	ssyncset.done $0x0  }
0x95: {  	[sflag:s8] =	ssyncadd.s32 $0xFFFFFFC0  }
0x96: {  	_ =	swait.ge [sflag:s20], $0xC000  }
0x97: {  	[sflag:s20] =	ssyncset.done $0x0  }
0x98: {  	s14 =	simm.s32 $0x4;
	[sflag:s20] =	ssyncadd.s32 $0xFFFF4000  }
0x99: {  	_ =	swait.ge [sflag:s14], $0x40  }
0x9a: {  	[sflag:s14] =	ssyncset.done $0x0  }
0x9b: {  	[sflag:s14] =	ssyncadd.s32 $0xFFFFFFC0  }
0x9c: {  	_ =	swait.ge [sflag:s15], $0x40  }
0x9d: {  	[sflag:s15] =	ssyncset.done $0x0  }
0x9e: {  	s0 =	rddreg [dreg:$0xc];
	[sflag:s15] =	ssyncadd.s32 $0xFFFFFFC0  }
0x9f: {  	[tilespmem:s2], [sflag:$0x1] =	stream.linear.gather [hbm4b:s0+s2], $0xC000, $0x38;
	[tilespmem:$0x18480] =	vst v63  }
0xa0: {  	s1 =	rddreg [dreg:$0xd]  }
0xa1: {  	[tilespmem:s9], [sflag:$0x3] =	stream.linear.gather [hbm4b:s1+s2], $0x40, $0x38;
	[tilespmem:$0x18480] =	vst v63  }
0xa2: {  	s0 =	rddreg [dreg:$0xe]  }
0xa3: {  	[tilespmem:s10], [sflag:$0x5] =	stream.linear.gather [hbm4b:s0+s2], $0x40, $0x38;
	[tilespmem:$0x18480] =	vst v63  }
0xa4: {  	v3 =	vld [tilespmem:$0x18100];
	_ =	sdelay $0x5  }
0xa5: {  	v28 =	vld [tilespmem:$0x18110]  }
0xa6: {  	v29 =	vld [tilespmem:$0x18180]  }
0xa7: {  	v3 =	vld.idx.msk [tilespmem:v3+s7+$0x0], $0xffff;
	_ =	sdelay $0x4  }
0xa8: {  	v30 =	vld [tilespmem:$0x18120];
	v3 =	vadd.s32 v3, v29  }
0xa9: {  	v31 =	vld [tilespmem:$0x18190];
	[tilespmem:$0x18280] =	vst v3  }
0xaa: {  	v4 =	vld.idx.msk [tilespmem:v28+s7+$0x0], $0xffff;
	_ =	sdelay $0x4  }
0xab: {  	v32 =	vld [tilespmem:$0x18130];
	v4 =	vadd.s32 v4, v31  }
0xac: {  	v33 =	vld [tilespmem:$0x181A0];
	[tilespmem:$0x18290] =	vst v4  }
0xad: {  	v4 =	vld.idx.msk [tilespmem:v30+s7+$0x0], $0xffff;
	_ =	sdelay $0x2  }
0xae: {  	v34 =	vshrl.u32 v3, $0x3  }
0xaf: {  	v35 =	vmul.u32 $0x30, v34  }
0xb0: {  	v3 =	vand.u32 $0x7, v3;
	v4 =	vadd.s32 v4, v33  }
0xb1: {  	v36 =	vld [tilespmem:$0x181B0];
	v3 =	vor.u32 v3, v35;
	[tilespmem:$0x182A0] =	vst v4  }
0xb2: {  	v6 =	vperm.xlane v3, v0;
	v4 =	vld.idx.msk [tilespmem:v32+s7+$0x0], $0xffff;
	_ =	sdelay $0x1  }
0xb3: {  	v6 =	vadd.s32 v1, v6;
	_ =	sdelay $0x2  }
0xb4: {  	v4 =	vadd.s32 v4, v36  }
0xb5: {  	v3 =	vperm.xlane v3, v2;
	[tilespmem:$0x182B0] =	vst v4  }
0xb6: {  	[hbm4b:s3+s2] =	stream.indirect_vreg.scatter [tilespmem:s11], [sflag:$0x7], $0x80, v6, vm0, $0xb8;
	[tilespmem:$0x18480] =	vst v63  }
0xb7: {  	s9 =	simm.s32 $0xC800;
	v3 =	vadd.s32 v1, v3  }
0xb8: {  	[hbm4b:s4+s2] =	stream.indirect_vreg.scatter [tilespmem:s9], [sflag:$0x7], $0x80, v6, vm0, $0xb8;
	[tilespmem:$0x18480] =	vst v63  }
0xb9: {  	s10 =	simm.s32 $0xD000  }
0xba: {  	[hbm4b:s5+s2] =	stream.indirect_vreg.scatter [tilespmem:s10], [sflag:$0x7], $0x80, v6, vm0, $0xb8;
	[tilespmem:$0x18480] =	vst v63  }
0xbb: {  	_ = 	snop  }
0xbc: {  	[hbm4b:s3+s2] =	stream.indirect_vreg.scatter [tilespmem:s17], [sflag:$0x7], $0x80, v3, vm0, $0xb8;
	[tilespmem:$0x18480] =	vst v63  }
0xbd: {  	_ = 	snop  }
0xbe: {  	[hbm4b:s4+s2] =	stream.indirect_vreg.scatter [tilespmem:s18], [sflag:$0x7], $0x80, v3, vm0, $0xb8;
	[tilespmem:$0x18480] =	vst v63  }
0xbf: {  	_ = 	snop  }
0xc0: {  	[hbm4b:s5+s2] =	stream.indirect_vreg.scatter [tilespmem:s19], [sflag:$0x7], $0x80, v3, vm0, $0xb8;
	[tilespmem:$0x18480] =	vst v63  }
0xc1: {  	v3 =	vld [tilespmem:$0x18290];
	_ =	sdelay $0x4  }
0xc2: {  	v37 =	vshrl.u32 v3, $0x3  }
0xc3: {  	v4 =	vmul.u32 $0x30, v37  }
0xc4: {  	v3 =	vand.u32 $0x7, v3  }
0xc5: {  	v3 =	vor.u32 v3, v4  }
0xc6: {  	v4 =	vperm.xlane v3, v0;
	_ =	sdelay $0x1  }
0xc7: {  	v4 =	vadd.s32 v1, v4;
	_ =	sdelay $0x3  }
0xc8: {  	v3 =	vperm.xlane v3, v2  }
0xc9: {  	[hbm4b:s3+s2] =	stream.indirect_vreg.scatter [tilespmem:s22], [sflag:$0x7], $0x80, v4, vm0, $0xb8;
	[tilespmem:$0x18480] =	vst v63  }
0xca: {  	v3 =	vadd.s32 v1, v3  }
0xcb: {  	[hbm4b:s4+s2] =	stream.indirect_vreg.scatter [tilespmem:s23], [sflag:$0x7], $0x80, v4, vm0, $0xb8;
	[tilespmem:$0x18480] =	vst v63  }
0xcc: {  	_ = 	snop  }
0xcd: {  	[hbm4b:s5+s2] =	stream.indirect_vreg.scatter [tilespmem:s24], [sflag:$0x7], $0x80, v4, vm0, $0xb8;
	[tilespmem:$0x18480] =	vst v63  }
0xce: {  	_ = 	snop  }
0xcf: {  	[hbm4b:s3+s2] =	stream.indirect_vreg.scatter [tilespmem:s25], [sflag:$0x7], $0x80, v3, vm0, $0xb8;
	[tilespmem:$0x18480] =	vst v63  }
0xd0: {  	_ = 	snop  }
0xd1: {  	[hbm4b:s4+s2] =	stream.indirect_vreg.scatter [tilespmem:s26], [sflag:$0x7], $0x80, v3, vm0, $0xb8;
	[tilespmem:$0x18480] =	vst v63  }
0xd2: {  	_ = 	snop  }
0xd3: {  	[hbm4b:s5+s2] =	stream.indirect_vreg.scatter [tilespmem:s28], [sflag:$0x7], $0x80, v3, vm0, $0xb8;
	[tilespmem:$0x18480] =	vst v63  }
0xd4: {  	v3 =	vld [tilespmem:$0x182A0];
	_ =	sdelay $0x4  }
0xd5: {  	v38 =	vshrl.u32 v3, $0x3  }
0xd6: {  	v4 =	vmul.u32 $0x30, v38  }
0xd7: {  	v3 =	vand.u32 $0x7, v3  }
0xd8: {  	v3 =	vor.u32 v3, v4  }
0xd9: {  	v4 =	vperm.xlane v3, v0;
	_ =	sdelay $0x1  }
0xda: {  	v4 =	vadd.s32 v1, v4;
	_ =	sdelay $0x3  }
0xdb: {  	v3 =	vperm.xlane v3, v2  }
0xdc: {  	[hbm4b:s3+s2] =	stream.indirect_vreg.scatter [tilespmem:s29], [sflag:$0x7], $0x80, v4, vm0, $0xb8;
	[tilespmem:$0x18480] =	vst v63  }
0xdd: {  	v3 =	vadd.s32 v1, v3  }
0xde: {  	[hbm4b:s4+s2] =	stream.indirect_vreg.scatter [tilespmem:s30], [sflag:$0x7], $0x80, v4, vm0, $0xb8;
	[tilespmem:$0x18480] =	vst v63  }
0xdf: {  	_ = 	snop  }
0xe0: {  	[hbm4b:s5+s2] =	stream.indirect_vreg.scatter [tilespmem:s31], [sflag:$0x7], $0x80, v4, vm0, $0xb8;
	[tilespmem:$0x18480] =	vst v63  }
0xe1: {  	s1 =	simm.s32 $0x13800  }
0xe2: {  	[hbm4b:s3+s2] =	stream.indirect_vreg.scatter [tilespmem:s1], [sflag:$0x7], $0x80, v3, vm0, $0xb8;
	[tilespmem:$0x18480] =	vst v63  }
0xe3: {  	s1 =	simm.s32 $0x14000  }
0xe4: {  	[hbm4b:s4+s2] =	stream.indirect_vreg.scatter [tilespmem:s1], [sflag:$0x7], $0x80, v3, vm0, $0xb8;
	[tilespmem:$0x18480] =	vst v63  }
0xe5: {  	s1 =	simm.s32 $0x14800  }
0xe6: {  	[hbm4b:s5+s2] =	stream.indirect_vreg.scatter [tilespmem:s1], [sflag:$0x7], $0x80, v3, vm0, $0xb8;
	[tilespmem:$0x18480] =	vst v63  }
0xe7: {  	v3 =	vld [tilespmem:$0x182B0];
	_ =	sdelay $0x4  }
0xe8: {  	v39 =	vshrl.u32 v3, $0x3  }
0xe9: {  	v4 =	vmul.u32 $0x30, v39  }
0xea: {  	v3 =	vand.u32 $0x7, v3  }
0xeb: {  	v3 =	vor.u32 v3, v4  }
0xec: {  	v4 =	vperm.xlane v3, v0;
	_ =	sdelay $0x1  }
0xed: {  	v4 =	vadd.s32 v1, v4;
	_ =	sdelay $0x3  }
0xee: {  	s1 =	simm.s32 $0x15000;
	v3 =	vperm.xlane v3, v2  }
0xef: {  	[hbm4b:s3+s2] =	stream.indirect_vreg.scatter [tilespmem:s1], [sflag:$0x7], $0x80, v4, vm0, $0xb8;
	[tilespmem:$0x18480] =	vst v63  }
0xf0: {  	v3 =	vadd.s32 v1, v3;
	s1 =	simm.s32 $0x15800  }
0xf1: {  	[hbm4b:s4+s2] =	stream.indirect_vreg.scatter [tilespmem:s1], [sflag:$0x7], $0x80, v4, vm0, $0xb8;
	[tilespmem:$0x18480] =	vst v63  }
0xf2: {  	s1 =	simm.s32 $0x16000  }
0xf3: {  	[hbm4b:s5+s2] =	stream.indirect_vreg.scatter [tilespmem:s1], [sflag:$0x7], $0x80, v4, vm0, $0xb8;
	[tilespmem:$0x18480] =	vst v63  }
0xf4: {  	s1 =	simm.s32 $0x16800  }
0xf5: {  	[hbm4b:s3+s2] =	stream.indirect_vreg.scatter [tilespmem:s1], [sflag:$0x7], $0x80, v3, vm0, $0xb8;
	[tilespmem:$0x18480] =	vst v63  }
0xf6: {  	s1 =	simm.s32 $0x17000  }
0xf7: {  	[hbm4b:s4+s2] =	stream.indirect_vreg.scatter [tilespmem:s1], [sflag:$0x7], $0x80, v3, vm0, $0xb8;
	[tilespmem:$0x18480] =	vst v63  }
0xf8: {  	s1 =	simm.s32 $0x17800  }
0xf9: {  	[hbm4b:s5+s2] =	stream.indirect_vreg.scatter [tilespmem:s1], [sflag:$0x7], $0x80, v3, vm0, $0xb8;
	[tilespmem:$0x18480] =	vst v63  }
0xfa: {  	_ =	swait.ge [sflag:s16], $0xC000  }
0xfb: {  	s0 =	rddreg [dreg:$0xf];
	[sflag:s16] =	ssyncset.done $0x0  }
0xfc: {  	s1 =	rddreg [dreg:$0x16];
	[sflag:s16] =	ssyncadd.s32 $0xFFFF4000  }
0xfd: {  	[hbm4b:s0+s2] =	stream.linear.scatter [tilespmem:s1], [sflag:$0x8], $0x40, $0x38;
	[tilespmem:$0x18480] =	vst v63  }
0xfe: {  	_ =	swait.ge [sflag:s8], $0x40  }
0xff: {  	[sflag:s8] =	ssyncset.done $0x0  }
0x100: {  	[sflag:s8] =	ssyncadd.s32 $0xFFFFFFC0  }
0x101: {  	_ =	swait.ge [sflag:s12], $0xC000  }
0x102: {  	[sflag:s12] =	ssyncset.done $0x0  }
0x103: {  	[sflag:s12] =	ssyncadd.s32 $0xFFFF4000  }
0x104: {  	_ =	swait.ge [sflag:s13], $0x40  }
0x105: {  	[sflag:s13] =	ssyncset.done $0x0  }
0x106: {  	[sflag:s13] =	ssyncadd.s32 $0xFFFFFFC0  }
0x107: {  	_ =	swait.ge [sflag:s21], $0x40  }
0x108: {  	[sflag:s21] =	ssyncset.done $0x0  }
0x109: {  	s12 =	rddreg [dreg:$0x10];
	[sflag:s21] =	ssyncadd.s32 $0xFFFFFFC0  }
0x10a: {  	[tilespmem:s11], [sflag:$0x2] =	stream.linear.gather [hbm4b:s12+s2], $0xC000, $0x38;
	[tilespmem:$0x18480] =	vst v63  }
0x10b: {  	s1 =	rddreg [dreg:$0x11];
	s12 =	simm.s32 $0x18100  }
0x10c: {  	[tilespmem:s12], [sflag:$0x4] =	stream.linear.gather [hbm4b:s1+s2], $0x40, $0x38;
	[tilespmem:$0x18480] =	vst v63  }
0x10d: {  	s0 =	rddreg [dreg:$0x12];
	s12 =	simm.s32 $0x18180  }
0x10e: {  	[tilespmem:s12], [sflag:$0x6] =	stream.linear.gather [hbm4b:s0+s2], $0x40, $0x38;
	[tilespmem:$0x18480] =	vst v63  }
0x10f: {  	v3 =	vld [tilespmem:$0x18000];
	_ =	sdelay $0x5  }
0x110: {  	v40 =	vld [tilespmem:$0x18010]  }
0x111: {  	v41 =	vld [tilespmem:$0x18080]  }
0x112: {  	v3 =	vld.idx.msk [tilespmem:v3+s7+$0x0], $0xffff;
	_ =	sdelay $0x4  }
0x113: {  	v42 =	vld [tilespmem:$0x18020];
	v3 =	vadd.s32 v3, v41  }
0x114: {  	v43 =	vld [tilespmem:$0x18090];
	[tilespmem:$0x18300] =	vst v3  }
0x115: {  	v4 =	vld.idx.msk [tilespmem:v40+s7+$0x0], $0xffff;
	_ =	sdelay $0x4  }
0x116: {  	v44 =	vld [tilespmem:$0x18030];
	v4 =	vadd.s32 v4, v43  }
0x117: {  	v45 =	vld [tilespmem:$0x180A0];
	[tilespmem:$0x18310] =	vst v4  }
0x118: {  	v4 =	vld.idx.msk [tilespmem:v42+s7+$0x0], $0xffff;
	_ =	sdelay $0x2  }
0x119: {  	v46 =	vshrl.u32 v3, $0x3  }
0x11a: {  	v47 =	vmul.u32 $0x30, v46  }
0x11b: {  	v3 =	vand.u32 $0x7, v3;
	v4 =	vadd.s32 v4, v45  }
0x11c: {  	v48 =	vld [tilespmem:$0x180B0];
	v3 =	vor.u32 v3, v47;
	[tilespmem:$0x18320] =	vst v4  }
0x11d: {  	v6 =	vperm.xlane v3, v0;
	v4 =	vld.idx.msk [tilespmem:v44+s7+$0x0], $0xffff;
	_ =	sdelay $0x1  }
0x11e: {  	v6 =	vadd.s32 v1, v6;
	_ =	sdelay $0x2  }
0x11f: {  	v4 =	vadd.s32 v4, v48  }
0x120: {  	v3 =	vperm.xlane v3, v2;
	[tilespmem:$0x18330] =	vst v4  }
0x121: {  	[hbm4b:s3+s2] =	stream.indirect_vreg.scatter [tilespmem:s2], [sflag:$0x7], $0x80, v6, vm0, $0xb8;
	[tilespmem:$0x18480] =	vst v63  }
0x122: {  	s12 =	simm.s32 $0x800;
	v3 =	vadd.s32 v1, v3  }
0x123: {  	[hbm4b:s4+s2] =	stream.indirect_vreg.scatter [tilespmem:s12], [sflag:$0x7], $0x80, v6, vm0, $0xb8;
	[tilespmem:$0x18480] =	vst v63  }
0x124: {  	s1 =	simm.s32 $0x1000  }
0x125: {  	[hbm4b:s5+s2] =	stream.indirect_vreg.scatter [tilespmem:s1], [sflag:$0x7], $0x80, v6, vm0, $0xb8;
	[tilespmem:$0x18480] =	vst v63  }
0x126: {  	s12 =	simm.s32 $0x1800  }
0x127: {  	[hbm4b:s3+s2] =	stream.indirect_vreg.scatter [tilespmem:s12], [sflag:$0x7], $0x80, v3, vm0, $0xb8;
	[tilespmem:$0x18480] =	vst v63  }
0x128: {  	s1 =	simm.s32 $0x2000  }
0x129: {  	[hbm4b:s4+s2] =	stream.indirect_vreg.scatter [tilespmem:s1], [sflag:$0x7], $0x80, v3, vm0, $0xb8;
	[tilespmem:$0x18480] =	vst v63  }
0x12a: {  	s12 =	simm.s32 $0x2800  }
0x12b: {  	[hbm4b:s5+s2] =	stream.indirect_vreg.scatter [tilespmem:s12], [sflag:$0x7], $0x80, v3, vm0, $0xb8;
	[tilespmem:$0x18480] =	vst v63  }
0x12c: {  	v3 =	vld [tilespmem:$0x18310];
	_ =	sdelay $0x4  }
0x12d: {  	v49 =	vshrl.u32 v3, $0x3  }
0x12e: {  	v4 =	vmul.u32 $0x30, v49  }
0x12f: {  	v3 =	vand.u32 $0x7, v3  }
0x130: {  	v3 =	vor.u32 v3, v4  }
0x131: {  	v4 =	vperm.xlane v3, v0;
	_ =	sdelay $0x1  }
0x132: {  	v4 =	vadd.s32 v1, v4;
	_ =	sdelay $0x3  }
0x133: {  	s1 =	simm.s32 $0x3000;
	v3 =	vperm.xlane v3, v2  }
0x134: {  	[hbm4b:s3+s2] =	stream.indirect_vreg.scatter [tilespmem:s1], [sflag:$0x7], $0x80, v4, vm0, $0xb8;
	[tilespmem:$0x18480] =	vst v63  }
0x135: {  	s12 =	simm.s32 $0x3800;
	v3 =	vadd.s32 v1, v3  }
0x136: {  	[hbm4b:s4+s2] =	stream.indirect_vreg.scatter [tilespmem:s12], [sflag:$0x7], $0x80, v4, vm0, $0xb8;
	[tilespmem:$0x18480] =	vst v63  }
0x137: {  	s1 =	simm.s32 $0x4000  }
0x138: {  	[hbm4b:s5+s2] =	stream.indirect_vreg.scatter [tilespmem:s1], [sflag:$0x7], $0x80, v4, vm0, $0xb8;
	[tilespmem:$0x18480] =	vst v63  }
0x139: {  	s12 =	simm.s32 $0x4800  }
0x13a: {  	[hbm4b:s3+s2] =	stream.indirect_vreg.scatter [tilespmem:s12], [sflag:$0x7], $0x80, v3, vm0, $0xb8;
	[tilespmem:$0x18480] =	vst v63  }
0x13b: {  	s1 =	simm.s32 $0x5000  }
0x13c: {  	[hbm4b:s4+s2] =	stream.indirect_vreg.scatter [tilespmem:s1], [sflag:$0x7], $0x80, v3, vm0, $0xb8;
	[tilespmem:$0x18480] =	vst v63  }
0x13d: {  	s12 =	simm.s32 $0x5800  }
0x13e: {  	[hbm4b:s5+s2] =	stream.indirect_vreg.scatter [tilespmem:s12], [sflag:$0x7], $0x80, v3, vm0, $0xb8;
	[tilespmem:$0x18480] =	vst v63  }
0x13f: {  	v3 =	vld [tilespmem:$0x18320];
	_ =	sdelay $0x4  }
0x140: {  	v50 =	vshrl.u32 v3, $0x3  }
0x141: {  	v4 =	vmul.u32 $0x30, v50  }
0x142: {  	v3 =	vand.u32 $0x7, v3  }
0x143: {  	v3 =	vor.u32 v3, v4  }
0x144: {  	v4 =	vperm.xlane v3, v0;
	_ =	sdelay $0x1  }
0x145: {  	v4 =	vadd.s32 v1, v4;
	_ =	sdelay $0x3  }
0x146: {  	s1 =	simm.s32 $0x6000;
	v3 =	vperm.xlane v3, v2  }
0x147: {  	[hbm4b:s3+s2] =	stream.indirect_vreg.scatter [tilespmem:s1], [sflag:$0x7], $0x80, v4, vm0, $0xb8;
	[tilespmem:$0x18480] =	vst v63  }
0x148: {  	s12 =	simm.s32 $0x6800;
	v3 =	vadd.s32 v1, v3  }
0x149: {  	[hbm4b:s4+s2] =	stream.indirect_vreg.scatter [tilespmem:s12], [sflag:$0x7], $0x80, v4, vm0, $0xb8;
	[tilespmem:$0x18480] =	vst v63  }
0x14a: {  	s1 =	simm.s32 $0x7000  }
0x14b: {  	[hbm4b:s5+s2] =	stream.indirect_vreg.scatter [tilespmem:s1], [sflag:$0x7], $0x80, v4, vm0, $0xb8;
	[tilespmem:$0x18480] =	vst v63  }
0x14c: {  	s12 =	simm.s32 $0x7800  }
0x14d: {  	[hbm4b:s3+s2] =	stream.indirect_vreg.scatter [tilespmem:s12], [sflag:$0x7], $0x80, v3, vm0, $0xb8;
	[tilespmem:$0x18480] =	vst v63  }
0x14e: {  	s1 =	simm.s32 $0x8000  }
0x14f: {  	[hbm4b:s4+s2] =	stream.indirect_vreg.scatter [tilespmem:s1], [sflag:$0x7], $0x80, v3, vm0, $0xb8;
	[tilespmem:$0x18480] =	vst v63  }
0x150: {  	s12 =	simm.s32 $0x8800  }
0x151: {  	[hbm4b:s5+s2] =	stream.indirect_vreg.scatter [tilespmem:s12], [sflag:$0x7], $0x80, v3, vm0, $0xb8;
	[tilespmem:$0x18480] =	vst v63  }
0x152: {  	v3 =	vld [tilespmem:$0x18330];
	_ =	sdelay $0x4  }
0x153: {  	v51 =	vshrl.u32 v3, $0x3  }
0x154: {  	v4 =	vmul.u32 $0x30, v51  }
0x155: {  	v3 =	vand.u32 $0x7, v3  }
0x156: {  	v3 =	vor.u32 v3, v4  }
0x157: {  	v4 =	vperm.xlane v3, v0;
	_ =	sdelay $0x1  }
0x158: {  	v4 =	vadd.s32 v1, v4;
	_ =	sdelay $0x3  }
0x159: {  	s1 =	simm.s32 $0x9000;
	v3 =	vperm.xlane v3, v2  }
0x15a: {  	[hbm4b:s3+s2] =	stream.indirect_vreg.scatter [tilespmem:s1], [sflag:$0x7], $0x80, v4, vm0, $0xb8;
	[tilespmem:$0x18480] =	vst v63  }
0x15b: {  	s12 =	simm.s32 $0x9800;
	v3 =	vadd.s32 v1, v3  }
0x15c: {  	[hbm4b:s4+s2] =	stream.indirect_vreg.scatter [tilespmem:s12], [sflag:$0x7], $0x80, v4, vm0, $0xb8;
	[tilespmem:$0x18480] =	vst v63  }
0x15d: {  	s1 =	simm.s32 $0xA000  }
0x15e: {  	[hbm4b:s5+s2] =	stream.indirect_vreg.scatter [tilespmem:s1], [sflag:$0x7], $0x80, v4, vm0, $0xb8;
	[tilespmem:$0x18480] =	vst v63  }
0x15f: {  	s12 =	simm.s32 $0xA800  }
0x160: {  	[hbm4b:s3+s2] =	stream.indirect_vreg.scatter [tilespmem:s12], [sflag:$0x7], $0x80, v3, vm0, $0xb8;
	[tilespmem:$0x18480] =	vst v63  }
0x161: {  	s1 =	simm.s32 $0xB000  }
0x162: {  	[hbm4b:s4+s2] =	stream.indirect_vreg.scatter [tilespmem:s1], [sflag:$0x7], $0x80, v3, vm0, $0xb8;
	[tilespmem:$0x18480] =	vst v63  }
0x163: {  	s12 =	simm.s32 $0xB800  }
0x164: {  	[hbm4b:s5+s2] =	stream.indirect_vreg.scatter [tilespmem:s12], [sflag:$0x7], $0x80, v3, vm0, $0xb8;
	[tilespmem:$0x18480] =	vst v63  }
0x165: {  	_ =	swait.ge [sflag:s16], $0xC000  }
0x166: {  	s1 =	rddreg [dreg:$0x13];
	[sflag:s16] =	ssyncset.done $0x0  }
0x167: {  	s12 =	rddreg [dreg:$0x17];
	[sflag:s16] =	ssyncadd.s32 $0xFFFF4000  }
0x168: {  	[hbm4b:s1+s2] =	stream.linear.scatter [tilespmem:s12], [sflag:$0x8], $0x40, $0x38;
	[tilespmem:$0x18480] =	vst v63  }
0x169: {  	_ =	swait.ge [sflag:s8], $0x40  }
0x16a: {  	[sflag:s8] =	ssyncset.done $0x0  }
0x16b: {  	[sflag:s8] =	ssyncadd.s32 $0xFFFFFFC0  }
0x16c: {  	_ =	swait.ge [sflag:s20], $0xC000  }
0x16d: {  	[sflag:s20] =	ssyncset.done $0x0  }
0x16e: {  	[sflag:s20] =	ssyncadd.s32 $0xFFFF4000  }
0x16f: {  	_ =	swait.ge [sflag:s14], $0x40  }
0x170: {  	[sflag:s14] =	ssyncset.done $0x0  }
0x171: {  	[sflag:s14] =	ssyncadd.s32 $0xFFFFFFC0  }
0x172: {  	_ =	swait.ge [sflag:s15], $0x40  }
0x173: {  	[sflag:s15] =	ssyncset.done $0x0  }
0x174: {  	[sflag:s15] =	ssyncadd.s32 $0xFFFFFFC0  }
0x175: {  	v3 =	vld [tilespmem:$0x18100];
	_ =	sdelay $0x5  }
0x176: {  	v52 =	vld [tilespmem:$0x18110]  }
0x177: {  	v53 =	vld [tilespmem:$0x18180]  }
0x178: {  	v3 =	vld.idx.msk [tilespmem:v3+s7+$0x0], $0xffff;
	_ =	sdelay $0x4  }
0x179: {  	v54 =	vld [tilespmem:$0x18120];
	v3 =	vadd.s32 v3, v53  }
0x17a: {  	v55 =	vld [tilespmem:$0x18190];
	[tilespmem:$0x18380] =	vst v3  }
0x17b: {  	v4 =	vld.idx.msk [tilespmem:v52+s7+$0x0], $0xffff;
	_ =	sdelay $0x4  }
0x17c: {  	v56 =	vld [tilespmem:$0x18130];
	v4 =	vadd.s32 v4, v55  }
0x17d: {  	v57 =	vld [tilespmem:$0x181A0];
	[tilespmem:$0x18390] =	vst v4  }
0x17e: {  	v4 =	vld.idx.msk [tilespmem:v54+s7+$0x0], $0xffff;
	_ =	sdelay $0x2  }
0x17f: {  	v58 =	vshrl.u32 v3, $0x3  }
0x180: {  	v59 =	vmul.u32 $0x30, v58  }
0x181: {  	v3 =	vand.u32 $0x7, v3;
	v4 =	vadd.s32 v4, v57  }
0x182: {  	v60 =	vld [tilespmem:$0x181B0];
	v3 =	vor.u32 v3, v59;
	[tilespmem:$0x183A0] =	vst v4  }
0x183: {  	v6 =	vperm.xlane v3, v0;
	v4 =	vld.idx.msk [tilespmem:v56+s7+$0x0], $0xffff;
	_ =	sdelay $0x1  }
0x184: {  	v6 =	vadd.s32 v1, v6;
	_ =	sdelay $0x2  }
0x185: {  	v4 =	vadd.s32 v4, v60  }
0x186: {  	v3 =	vperm.xlane v3, v2;
	[tilespmem:$0x183B0] =	vst v4  }
0x187: {  	[hbm4b:s3+s2] =	stream.indirect_vreg.scatter [tilespmem:s11], [sflag:$0x7], $0x80, v6, vm0, $0xb8;
	[tilespmem:$0x18480] =	vst v63  }
0x188: {  	v3 =	vadd.s32 v1, v3  }
0x189: {  	[hbm4b:s4+s2] =	stream.indirect_vreg.scatter [tilespmem:s9], [sflag:$0x7], $0x80, v6, vm0, $0xb8;
	[tilespmem:$0x18480] =	vst v63  }
0x18a: {  	_ = 	snop  }
0x18b: {  	[hbm4b:s5+s2] =	stream.indirect_vreg.scatter [tilespmem:s10], [sflag:$0x7], $0x80, v6, vm0, $0xb8;
	[tilespmem:$0x18480] =	vst v63  }
0x18c: {  	_ = 	snop  }
0x18d: {  	[hbm4b:s3+s2] =	stream.indirect_vreg.scatter [tilespmem:s17], [sflag:$0x7], $0x80, v3, vm0, $0xb8;
	[tilespmem:$0x18480] =	vst v63  }
0x18e: {  	_ = 	snop  }
0x18f: {  	[hbm4b:s4+s2] =	stream.indirect_vreg.scatter [tilespmem:s18], [sflag:$0x7], $0x80, v3, vm0, $0xb8;
	[tilespmem:$0x18480] =	vst v63  }
0x190: {  	_ = 	snop  }
0x191: {  	[hbm4b:s5+s2] =	stream.indirect_vreg.scatter [tilespmem:s19], [sflag:$0x7], $0x80, v3, vm0, $0xb8;
	[tilespmem:$0x18480] =	vst v63  }
0x192: {  	v3 =	vld [tilespmem:$0x18390];
	_ =	sdelay $0x4  }
0x193: {  	v61 =	vshrl.u32 v3, $0x3  }
0x194: {  	v4 =	vmul.u32 $0x30, v61  }
0x195: {  	v3 =	vand.u32 $0x7, v3  }
0x196: {  	v3 =	vor.u32 v3, v4  }
0x197: {  	v4 =	vperm.xlane v3, v0;
	_ =	sdelay $0x1  }
0x198: {  	v4 =	vadd.s32 v1, v4;
	_ =	sdelay $0x3  }
0x199: {  	v3 =	vperm.xlane v3, v2  }
0x19a: {  	[hbm4b:s3+s2] =	stream.indirect_vreg.scatter [tilespmem:s22], [sflag:$0x7], $0x80, v4, vm0, $0xb8;
	[tilespmem:$0x18480] =	vst v63  }
0x19b: {  	v3 =	vadd.s32 v1, v3  }
0x19c: {  	[hbm4b:s4+s2] =	stream.indirect_vreg.scatter [tilespmem:s23], [sflag:$0x7], $0x80, v4, vm0, $0xb8;
	[tilespmem:$0x18480] =	vst v63  }
0x19d: {  	_ = 	snop  }
0x19e: {  	[hbm4b:s5+s2] =	stream.indirect_vreg.scatter [tilespmem:s24], [sflag:$0x7], $0x80, v4, vm0, $0xb8;
	[tilespmem:$0x18480] =	vst v63  }
0x19f: {  	_ = 	snop  }
0x1a0: {  	[hbm4b:s3+s2] =	stream.indirect_vreg.scatter [tilespmem:s25], [sflag:$0x7], $0x80, v3, vm0, $0xb8;
	[tilespmem:$0x18480] =	vst v63  }
0x1a1: {  	_ = 	snop  }
0x1a2: {  	[hbm4b:s4+s2] =	stream.indirect_vreg.scatter [tilespmem:s26], [sflag:$0x7], $0x80, v3, vm0, $0xb8;
	[tilespmem:$0x18480] =	vst v63  }
0x1a3: {  	_ = 	snop  }
0x1a4: {  	[hbm4b:s5+s2] =	stream.indirect_vreg.scatter [tilespmem:s28], [sflag:$0x7], $0x80, v3, vm0, $0xb8;
	[tilespmem:$0x18480] =	vst v63  }
0x1a5: {  	v3 =	vld [tilespmem:$0x183A0];
	_ =	sdelay $0x4  }
0x1a6: {  	v62 =	vshrl.u32 v3, $0x3  }
0x1a7: {  	v4 =	vmul.u32 $0x30, v62  }
0x1a8: {  	v3 =	vand.u32 $0x7, v3  }
0x1a9: {  	v3 =	vor.u32 v3, v4  }
0x1aa: {  	v4 =	vperm.xlane v3, v0;
	_ =	sdelay $0x1  }
0x1ab: {  	v4 =	vadd.s32 v1, v4;
	_ =	sdelay $0x3  }
0x1ac: {  	v3 =	vperm.xlane v3, v2  }
0x1ad: {  	[hbm4b:s3+s2] =	stream.indirect_vreg.scatter [tilespmem:s29], [sflag:$0x7], $0x80, v4, vm0, $0xb8;
	[tilespmem:$0x18480] =	vst v63  }
0x1ae: {  	v3 =	vadd.s32 v1, v3  }
0x1af: {  	[hbm4b:s4+s2] =	stream.indirect_vreg.scatter [tilespmem:s30], [sflag:$0x7], $0x80, v4, vm0, $0xb8;
	[tilespmem:$0x18480] =	vst v63  }
0x1b0: {  	_ = 	snop  }
0x1b1: {  	[hbm4b:s5+s2] =	stream.indirect_vreg.scatter [tilespmem:s31], [sflag:$0x7], $0x80, v4, vm0, $0xb8;
	[tilespmem:$0x18480] =	vst v63  }
0x1b2: {  	s14 =	simm.s32 $0x13800  }
0x1b3: {  	[hbm4b:s3+s2] =	stream.indirect_vreg.scatter [tilespmem:s14], [sflag:$0x7], $0x80, v3, vm0, $0xb8;
	[tilespmem:$0x18480] =	vst v63  }
0x1b4: {  	s1 =	simm.s32 $0x14000  }
0x1b5: {  	[hbm4b:s4+s2] =	stream.indirect_vreg.scatter [tilespmem:s1], [sflag:$0x7], $0x80, v3, vm0, $0xb8;
	[tilespmem:$0x18480] =	vst v63  }
0x1b6: {  	s9 =	simm.s32 $0x14800  }
0x1b7: {  	[hbm4b:s5+s2] =	stream.indirect_vreg.scatter [tilespmem:s9], [sflag:$0x7], $0x80, v3, vm0, $0xb8;
	[tilespmem:$0x18480] =	vst v63  }
0x1b8: {  	v3 =	vld [tilespmem:$0x183B0];
	_ =	sdelay $0x4  }
0x1b9: {  	v63 =	vshrl.u32 v3, $0x3  }
0x1ba: {  	v4 =	vmul.u32 $0x30, v63  }
0x1bb: {  	v3 =	vand.u32 $0x7, v3  }
0x1bc: {  	v3 =	vor.u32 v3, v4  }
0x1bd: {  	v4 =	vperm.xlane v3, v0;
	_ =	sdelay $0x1  }
0x1be: {  	v4 =	vadd.s32 v1, v4;
	_ =	sdelay $0x3  }
0x1bf: {  	s10 =	simm.s32 $0x15000;
	v3 =	vperm.xlane v3, v2  }
0x1c0: {  	[hbm4b:s3+s2] =	stream.indirect_vreg.scatter [tilespmem:s10], [sflag:$0x7], $0x80, v4, vm0, $0xb8;
	[tilespmem:$0x18480] =	vst v63  }
0x1c1: {  	s12 =	simm.s32 $0x15800;
	v3 =	vadd.s32 v1, v3  }
0x1c2: {  	[hbm4b:s4+s2] =	stream.indirect_vreg.scatter [tilespmem:s12], [sflag:$0x7], $0x80, v4, vm0, $0xb8;
	[tilespmem:$0x18480] =	vst v63  }
0x1c3: {  	s14 =	simm.s32 $0x16000  }
0x1c4: {  	[hbm4b:s5+s2] =	stream.indirect_vreg.scatter [tilespmem:s14], [sflag:$0x7], $0x80, v4, vm0, $0xb8;
	[tilespmem:$0x18480] =	vst v63  }
0x1c5: {  	s1 =	simm.s32 $0x16800  }
0x1c6: {  	[hbm4b:s3+s2] =	stream.indirect_vreg.scatter [tilespmem:s1], [sflag:$0x7], $0x80, v3, vm0, $0xb8;
	[tilespmem:$0x18480] =	vst v63  }
0x1c7: {  	s9 =	simm.s32 $0x17000  }
0x1c8: {  	[hbm4b:s4+s2] =	stream.indirect_vreg.scatter [tilespmem:s9], [sflag:$0x7], $0x80, v3, vm0, $0xb8;
	[tilespmem:$0x18480] =	vst v63  }
0x1c9: {  	s10 =	simm.s32 $0x17800  }
0x1ca: {  	[hbm4b:s5+s2] =	stream.indirect_vreg.scatter [tilespmem:s10], [sflag:$0x7], $0x80, v3, vm0, $0xb8;
	[tilespmem:$0x18480] =	vst v63  }
0x1cb: {  	_ =	swait.ge [sflag:s16], $0xC000  }
0x1cc: {  	p0 =	sne.s32 s6, $0x1;
	s12 =	rddreg [dreg:$0x14];
	[sflag:s16] =	ssyncset.done $0x0  }
.Ltmp0:
0x1cd: {  	s14 =	rddreg [dreg:$0x18];
	[sflag:s16] =	ssyncadd.s32 $0xFFFF4000;
	(pc) =	sbr.rel @p0 .LBB2_1-.Ltmp0, $4  }
0x1ce: {  	[hbm4b:s12+s2] =	stream.linear.scatter [tilespmem:s14], [sflag:$0x8], $0x40, $0x38;
	[tilespmem:$0x18480] =	vst v63  }
0x1cf: {  	_ =	swait.ge [sflag:s8], $0x40  }
0x1d0: {  	[sflag:s8] =	ssyncset.done $0x0  }
0x1d1: {  	s6 =	sadd.s32 $0xFFFFFFFF, s6;
	[sflag:s8] =	ssyncadd.s32 $0xFFFFFFC0  }
0x1d2: {  	_ =	sfence.sel $0x180000  }
0x1d3: {  	[bflag:$0x0] =	sbarrier.arrive $0xFFFF  }
0x1d4: {  	_ =	strace $0x90000047  }
0x1d5: {  	s0 =	stileid.u32;
	[bflag:$0x2] =	sbarrier.arrive $0xFFFF  }
0x1d6: {  	p0 =	sne.s32 s0, $0x0;
	s0 =	rddreg [dreg:$0x3]  }
0x1d7: {  	s0 =	sadd.s32 @!p0 $0x100000, s0  }
0x1d8: {  	[sflag:s0] =	ssyncadd.tile.s32 @!p0 $0x1;
	_ =	shalt  }
.Lfunc_end2:
_tile_overlayer_lowered:
.L_overlay_start_2:
0x1d9: {  	(tag) =	ssettag $0x2  }
0x1da: {  	s0 =	rddreg [dreg:$0x0];
	s2 =	stileid.u32  }
0x1db: {  	s1 =	rddreg [dreg:$0x1];
	p0 =	sne.s32 s2, $0x0  }
0x1dc: {  	s3 =	rddreg [dreg:$0x2];
	[bflag:$0x3] =	sbarrier.arrive $0xFFFF;
	s2 =	simm.s32 @!p0 $0x1C08  }
0x1dd: {  	[timem:s3], [sflag:s2] =	dma.local @!p0 [hbm:s0], s1  }
0x1de: {  	s0 =	simm.s32 @!p0 $0x8  }
0x1df: {  	_ =	swait.ge @!p0 [sflag:s0], s1  }
0x1e0: {  	s1 =	ssub.s32 @!p0 $0x0, s1;
	[sflag:s0] =	ssyncset.done @!p0 $0x0  }
0x1e1: {  	[sflag:s0] =	ssyncadd.s32 @!p0 s1  }
0x1e2: {  	[bflag:$0x3] =	sbarrier.arrive $0xFFFF  }
0x1e3: {  	_ =	shalt  }

// kernel: kernel.9.cloned.1.call-start
scs
__scs_entry_jumppad:
0x0: {  	(pc) =	sbr.rel $0x88, $3  }
0x1: {  	(tag) =	ssettag $0x0;
	lr =	simm.s32 $0x1  }
0x2: {  	[smem:$0x3F9A] =	sst lr;
	_ =	strace $0xD0000000  }
0x3: {  	_ = 	snop  }
0x4: {  	_ = 	snop  }
0x5: {  	_ = 	snop  }
0x6: {  	_ = 	snop  }
0x7: {  	_ = 	snop  }
__scs_overlays_trampoline_lowered:
0x8: {  	[smem:$0x3FA9] =	sst s0  }
0x9: {  	[smem:$0x3FAA] =	sst s1  }
0xa: {  	[smem:$0x3FAB] =	sst s2  }
0xb: {  	[smem:$0x3FAC] =	sst s3  }
0xc: {  	[smem:$0x3FAD] =	sst s4  }
0xd: {  	[smem:$0x3FAE] =	sst s5  }
0xe: {  	[smem:$0x3FAF] =	sst s6  }
0xf: {  	[smem:$0x3FB0] =	sst s7  }
0x10: {  	[smem:$0x3FB1] =	sst s8  }
0x11: {  	[smem:$0x3FB2] =	sst s9;
	s0 =	simm.s32 @!p0 $0x0  }
0x12: {  	s1 =	sld [smem:$0x3F98];
	s0 =	simm.s32 @p0 $0x1  }
0x13: {  	[smem:$0x3FB3] =	sst s0;
	s0 =	simm.s32 @!p1 $0x0  }
0x14: {  	s2 =	sld [smem:$0x3F97];
	s0 =	simm.s32 @p1 $0x1  }
0x15: {  	[smem:$0x3FB4] =	sst s0;
	s0 =	simm.s32 @!p2 $0x0  }
0x16: {  	s3 =	sld [smem:$0x3FDB];
	s0 =	simm.s32 @p2 $0x1  }
0x17: {  	s4 =	simm.s32 $0x1BF5;
	[smem:$0x3FB6] =	sst s0  }
0x18: {  	s0 =	sld [smem:$0x3F99];
	_ =	swait.ge [sflag:s4], $0x0  }
0x19: {  	s7 =	sld [smem:$0x3F9A]  }
0x1a: {  	s8 =	sadd.s32 $0xFFFFE003, lr  }
0x1b: {  	s9 =	sadd.s32 $0xFFFFFEF7, lr;
	s5 =	simm.s32 $0xFFFFFFFF;
	p2 =	slt.u32 s8, $0xFFFFF086  }
0x1c: {  	p1 =	slt.u32 s9, $0xF7A;
	s5 =	simm.s32 @!p2 $0x0  }
0x1d: {  	s5 =	simm.s32 @p1 $0x1;
	p0 =	seq.s32 s7, s2  }
0x1e: {  	s7 =	smul.u32 @!p0 $0xF7A, s2;
	p2 =	seq.s32 @!p0 s5, $0x0  }
0x1f: {  	s9 =	smul.u32 $0xF7A, s1;
	s8 =	simm.s32 @!p0 $0x1BF5;
	p2 =	por !p2, p0  }
0x20: {  	[sflag:s8] =	ssyncset.s32 @!p0 $0xFFFFF086;
	s6 =	sadd.s32 @!p0 s3, s7;
	s7 =	simm.s32 @!p0 $0x108  }
0x21: {  	s3 =	sadd.s32 s3, s9;
	s6 =	sadd.s32 @!p0 $0x88, s6;
	s7 =	simm.s32 @p2 $0x1082  }
0x22: {  	[simem:s7], [sflag:s8] =	dma.local @!p0 [hbm:s6], $0xF7A  }
0x23: {  	s9 =	sor.u32 $0xD0000000, s2;
	s6 =	simm.s32 $0x108;
	_ =	swait.ge @!p0 [sflag:s8], $0x0  }
0x24: {  	s3 =	sadd.s32 $0x88, s3;
	s6 =	simm.s32 @!p1 $0x1082;
	[sflag:s4] =	ssyncset.s32 $0xFFFFF086  }
0x25: {  	[simem:s6], [sflag:s4] =	dma.local [hbm:s3], $0xF7A  }
0x26: {  	[smem:$0x3F9A] =	sst s1;
	(tag) =	ssettag s2;
	_ =	strace s9  }
0x27: {  	s1 =	sld [smem:$0x3FAA]  }
0x28: {  	s2 =	sld [smem:$0x3FAB]  }
0x29: {  	s4 =	sld [smem:$0x3FAD]  }
0x2a: {  	p0 =	seq.s32 s5, $0x0;
	s5 =	sld [smem:$0x3FAE]  }
0x2b: {  	s6 =	sld [smem:$0x3FAF]  }
0x2c: {  	s7 =	sld [smem:$0x3FB0]  }
0x2d: {  	s3 =	simm.s32 $0x108;
	s8 =	sld [smem:$0x3FB1]  }
0x2e: {  	s3 =	simm.s32 @!p0 $0x1082;
	s9 =	sld [smem:$0x3FB2]  }
0x2f: {  	lr =	sadd.s32 s0, s3;
	s0 =	sld [smem:$0x3FA9]  }
0x30: {  	s3 =	sld [smem:$0x3FAC]  }
0x31: {  	[smem:$0x3FB5] =	sst s10  }
0x32: {  	s10 =	sld [smem:$0x3FB3];
	_ =	sdelay $0x3  }
0x33: {  	p0 =	seq.s32 s10, $0x1;
	s10 =	sld [smem:$0x3FB5];
	_ =	sdelay $0x3  }
0x34: {  	[smem:$0x3FB5] =	sst s10  }
0x35: {  	s10 =	sld [smem:$0x3FB4];
	_ =	sdelay $0x3  }
0x36: {  	p1 =	seq.s32 s10, $0x1;
	s10 =	sld [smem:$0x3FB5];
	_ =	sdelay $0x3  }
0x37: {  	[smem:$0x3FB5] =	sst s10  }
0x38: {  	s10 =	sld [smem:$0x3FB6]  }
0x39: {  	_ = 	snop;
	(pc) =	sbr.ind lr, $3  }
0x3a: {  	_ = 	snop  }
0x3b: {  	_ = 	snop  }
0x3c: {  	p2 =	seq.s32 s10, $0x1;
	s10 =	sld [smem:$0x3FB5]  }
0x3d: {  	_ =	shalt  }
0x3e: {  	_ =	shalt  }
0x3f: {  	_ =	shalt  }
0x40: {  	_ =	shalt  }
0x41: {  	_ =	shalt  }
0x42: {  	_ =	shalt  }
0x43: {  	_ =	shalt  }
0x44: {  	_ =	shalt  }
0x45: {  	_ =	shalt  }
0x46: {  	_ =	shalt  }
0x47: {  	_ =	shalt  }
0x48: {  	_ =	shalt  }
0x49: {  	_ =	shalt  }
0x4a: {  	_ =	shalt  }
0x4b: {  	_ =	shalt  }
0x4c: {  	_ =	shalt  }
0x4d: {  	_ =	shalt  }
0x4e: {  	_ =	shalt  }
0x4f: {  	_ =	shalt  }
0x50: {  	_ =	shalt  }
0x51: {  	_ =	shalt  }
0x52: {  	_ =	shalt  }
0x53: {  	_ =	shalt  }
0x54: {  	_ =	shalt  }
0x55: {  	_ =	shalt  }
0x56: {  	_ =	shalt  }
0x57: {  	_ =	shalt  }
0x58: {  	_ =	shalt  }
0x59: {  	_ =	shalt  }
0x5a: {  	_ =	shalt  }
0x5b: {  	_ =	shalt  }
0x5c: {  	_ =	shalt  }
0x5d: {  	_ =	shalt  }
0x5e: {  	_ =	shalt  }
0x5f: {  	_ =	shalt  }
0x60: {  	_ =	shalt  }
0x61: {  	_ =	shalt  }
0x62: {  	_ =	shalt  }
0x63: {  	_ =	shalt  }
0x64: {  	_ =	shalt  }
0x65: {  	_ =	shalt  }
0x66: {  	_ =	shalt  }
0x67: {  	_ =	shalt  }
0x68: {  	_ =	shalt  }
0x69: {  	_ =	shalt  }
0x6a: {  	_ =	shalt  }
0x6b: {  	_ =	shalt  }
0x6c: {  	_ =	shalt  }
0x6d: {  	_ =	shalt  }
0x6e: {  	_ =	shalt  }
0x6f: {  	_ =	shalt  }
0x70: {  	_ =	shalt  }
0x71: {  	_ =	shalt  }
0x72: {  	_ =	shalt  }
0x73: {  	_ =	shalt  }
0x74: {  	_ =	shalt  }
0x75: {  	_ =	shalt  }
0x76: {  	_ =	shalt  }
0x77: {  	_ =	shalt  }
0x78: {  	_ =	shalt  }
0x79: {  	_ =	shalt  }
0x7a: {  	_ =	shalt  }
0x7b: {  	_ =	shalt  }
0x7c: {  	_ =	shalt  }
0x7d: {  	_ =	shalt  }
0x7e: {  	_ =	shalt  }
0x7f: {  	_ =	shalt  }
0x80: {  	_ =	shalt  }
0x81: {  	_ =	shalt  }
0x82: {  	_ =	shalt  }
0x83: {  	_ =	shalt  }
0x84: {  	_ =	shalt  }
0x85: {  	_ =	shalt  }
0x86: {  	_ =	shalt  }
0x87: {  	_ =	shalt  }
.Lfunc_end0:
.L_simem_size_0:
called_computation.1_lowered:
.L_overlay_start_0:
0x88: {  	s2 =	sld [smem:$0x3FD9]  }
0x89: {  	s3 =	sld [smem:$0x3FFE];
	_ =	sdelay $0x1  }
0x8a: {  	s1 =	srdreg.scid  }
0x8b: {  	s0 =	sand.u32 $0x1, s1  }
0x8c: {  	s14 =	sshll.u32 s0, $0xA;
	s2 =	sadd.s32 s3, s2  }
0x8d: {  	s2 =	sadd.s32 s2, s14  }
0x8e: {  	[smem:$0x3FC1] =	sst s2  }
0x8f: {  	_ = 	snop  }
0x90: {  	s2 =	sld [smem:$0x3FD0];
	_ =	sdelay $0x2  }
0x91: {  	s15 =	simm.s32 $0xA;
	s4 =	simm.s32 $0x10  }
0x92: {  	[smem:s4], [sflag:s15] =	dma.local [hbm:s2], $0x1  }
0x93: {  	_ =	swait.eq [sflag:s15], $0x1  }
0x94: {  	[sflag:s15] =	ssyncset.done $0x0  }
0x95: {  	[sflag:s15] =	ssyncadd.s32 $0xFFFFFFFF  }
0x96: {  	s16 =	sld [smem:$0x10];
	(tm) =	ssettm $0x1  }
0x97: {  	s17 =	sld [smem:$0x3FFB];
	_ =	sdelay $0x3  }
0x98: {  	_ =	strace s17  }
0x99: {  	s3 =	sld [smem:$0x3FFC];
	_ =	sdelay $0x3  }
0x9a: {  	_ =	strace s3  }
0x9b: {  	s3 =	sld [smem:$0x3FFD];
	_ =	sdelay $0x3  }
0x9c: {  	_ =	strace s3  }
0x9d: {  	_ =	strace $0x8FFFFFFF  }
0x9e: {  	s18 =	sld [smem:$0x3FDB];
	_ =	sdelay $0x1  }
0x9f: {  	s19 =	simm.s32 $_scs_section_size  }
0xa0: {  	s5 =	simm.s32 $_size__tile_overlayer_lowered;
	s6 =	simm.s32 $_tile_overlayer_lowered  }
0xa1: {  	s22 =	simm.s32 $0x1BFF;
	s21 =	sshll.u32 s6, $0x1;
	s3 =	sadd.s32 s19, s18  }
0xa2: {  	s7 =	simm.s32 $0x0;
	s20 =	sshll.u32 s5, $0x1;
	s5 =	sadd.s32 s21, s3  }
0xa3: {  	[timem:s7], [sflag:s22] =	dma.local [hbm:s5], s20  }
0xa4: {  	_ =	swait.ge [sflag:s22], s20  }
0xa5: {  	s4 =	ssub.s32 $0x0, s20;
	[sflag:s22] =	ssyncset.done $0x0  }
0xa6: {  	[sflag:s22] =	ssyncadd.s32 s4;
	_ =	sdelay $0x1  }
0xa7: {  	s23 =	simm.s32 $0x1B8B  }
0xa8: {  	_ =	swait.ge [sflag:s23], $0x1  }
0xa9: {  	[sflag:s23] =	ssyncset.done $0x0  }
0xaa: {  	s25 =	simm.s32 $0x1B8E;
	s24 =	sld [smem:$0x3FFE];
	[sflag:s23] =	ssyncadd.s32 $0xFFFFFFFF  }
0xab: {  	s26 =	simm.s32 $execute0_lowered;
	[smem:$0x3FD2] =	sst s25  }
0xac: {  	s5 =	sshll.u32 s26, $0x1;
	_ =	strace $0x80000049;
	[dreg:$0x1] =	wrdreg $0xFFFFFFFF  }
0xad: {  	s28 =	simm.s32 $_size_execute0_lowered;
	s3 =	sadd.s32 s3, s5;
	[dreg:$0x0] =	wrdreg $0x0  }
0xae: {  	s5 =	sshll.u32 s28, $0x1;
	[dreg:$0x2] =	wrdreg s3  }
0xaf: {  	[dreg:$0x3] =	wrdreg s5  }
0xb0: {  	[dreg:$0x4] =	wrdreg $0xC0  }
0xb1: {  	_ =	task [dreg:s7], $0x5FFFF  }
0xb2: {  	[dreg:$0x1] =	wrdreg $0xFFFFFFFF  }
0xb3: {  	[dreg:$0x0] =	wrdreg $0x60  }
0xb4: {  	[dreg:$0x2] =	wrdreg s24  }
0xb5: {  	[dreg:$0x3] =	wrdreg s16  }
0xb6: {  	[dreg:$0x4] =	wrdreg $0x9  }
0xb7: {  	_ =	task.clear_ibuf [dreg:s7], $0x5FFFF;
	_ =	strace $0x90000049  }
0xb8: {  	s29 =	simm.s32 $0x9;
	_ =	strace $0x8000004B  }
0xb9: {  	_ =	swait.ge [sflag:s29], $0x1  }
0xba: {  	[sflag:s29] =	ssyncadd.s32 $0xFFFFFFFF  }
0xbb: {  	_ =	strace $0x9000004B  }
0xbc: {  	_ =	sfence  }
0xbd: {  	s30 =	sld [smem:$0x0];
	_ =	sdelay $0x2  }
0xbe: {  	s31 =	sshll.u32 s1, $0xD;
	s1 =	sshrl.u32 s1, $0x2  }
0xbf: {  	s3 =	sand.u32 $0x4000, s31;
	s1 =	sadd.s32 s1, s30  }
0xc0: {  	s0 =	sor.u32 s3, s0;
	s1 =	sshll.u32 s1, $0x11  }
0xc1: {  	s0 =	sor.u32 s1, s0  }
0xc2: {  	s0 =	sadd.s32 $0x8F2B, s0  }
0xc3: {  	[sflag:s0] =	ssyncadd.remote.s32 $0x1  }
0xc4: {  	_ =	sfence.sel $0xFFFF  }
0xc5: {  	[dreg:$0x0] =	wrdreg $0xFFFFFFFF;
	(pc) =	sbr.abs _section_cstart, $3  }
0xc6: {  	[dreg:$0x1] =	wrdreg $0xFFFFFFFF  }
0xc7: {  	_ =	task.clear_ibuf [dreg:s7], $0x2FFFF;
	_ =	strace $0x9FFFFFFF  }
0xc8: {  	(tm) =	ssettm $0x7FFFFFFF  }
0xc9: {  	_ =	shalt  }
tec
execute0_lowered:
.L_overlay_start_1:
0x0: {  	(tag) =	ssettag $0x1  }
0x1: {  	s0 =	rddreg [dreg:$0x0]  }
0x2: {  	s2 =	rddreg [dreg:$0x1];
	s1 =	simm.s32 $0x0  }
0x3: {  	s4 =	srdreg.scid;
	s7 =	stileid.u32;
	s12 =	simm.s32 $0x8800  }
0x4: {  	s13 =	simm.s32 $0x9000;
	s14 =	simm.s32 $0x9800;
	s15 =	simm.s32 $0xA000  }
0x5: {  	s28 =	simm.s32 $0x2;
	s29 =	simm.s32 $0x4;
	[smem:$0x7FF] =	sst s1  }
0x6: {  	s30 =	simm.s32 $0x0;
	s3 =	sadd.s32 $0x242C00, s0;
	s5 =	sadd.s32 $0x242800, s0  }
0x7: {  	s4 =	sand.u32 $0x1, s4;
	s7 =	sshll.u32 s7, $0x6;
	s10 =	sadd.s32 $0x2400, s0  }
0x8: {  	s9 =	sadd.s32 $0x242E00, s0;
	s6 =	ssub.s32 $0x2, s4;
	s4 =	sshll.u32 s4, $0x5  }
0x9: {  	_ =	strace $0x8000004A;
	s8 =	sshrl.u32 s6, $0x1;
	s4 =	sor.u32 s4, s7  }
0xa: {  	s6 =	ssub.s32 s6, s8;
	s7 =	sadd.s32 s5, s4;
	s16 =	sor.u32 $0x8, s4  }
0xb: {  	s17 =	sadd.s32 s10, s4;
	s11 =	smul.u32 $0x300, s4;
	s8 =	sadd.s32 $0x242D00, s0  }
0xc: {  	s21 =	sor.u32 $0x10, s4;
	s4 =	sor.u32 $0x18, s4;
	[dreg:$0x3] =	wrdreg s7  }
0xd: {  	[dreg:$0x4] =	wrdreg s17;
	s18 =	sadd.s32 s5, s16;
	s19 =	sadd.s32 s10, s16  }
0xe: {  	s7 =	smul.u32 $0x300, s16;
	s22 =	sadd.s32 s5, s21;
	[dreg:$0x5] =	wrdreg s18  }
0xf: {  	s23 =	smul.u32 $0x300, s21;
	s0 =	sadd.s32 s10, s21;
	[dreg:$0x6] =	wrdreg s19  }
0x10: {  	s25 =	smul.u32 $0x300, s4;
	s5 =	sadd.s32 s5, s4;
	[dreg:$0x8] =	wrdreg s22  }
0x11: {  	s4 =	sadd.s32 s10, s4;
	s31 =	smax.u32 s6, $0x1;
	[dreg:$0x9] =	wrdreg s0  }
0x12: {  	s21 =	simm.s32 $0x1;
	s6 =	simm.s32 $0x5800;
	[dreg:$0xb] =	wrdreg s5  }
0x13: {  	s10 =	simm.s32 $0x7000;
	s16 =	simm.s32 $0xA800;
	[dreg:$0xc] =	wrdreg s4  }
0x14: {  	s17 =	simm.s32 $0xB000;
	s20 =	sadd.s32 s2, s11;
	[dreg:$0xf] =	wrdreg s31  }
0x15: {  	s22 =	simm.s32 $0x3;
	s5 =	simm.s32 $0x5000;
	s19 =	simm.s32 $0x6800  }
0x16: {  	s11 =	simm.s32 $0x8000;
	s18 =	simm.s32 $0xB800;
	[dreg:$0x7] =	wrdreg s20  }
0x17: {  	s24 =	sadd.s32 s2, s7;
	s26 =	sadd.s32 s2, s23;
	s0 =	sadd.s32 s2, s25  }
0x18: {  	v2 =	vlaneseq.u32;
	s20 =	simm.s32 $0xC100;
	s7 =	simm.s32 $0x6000;
	[dreg:$0xa] =	wrdreg s24  }
0x19: {  	vm0 =	vmmov $0xffff;
	v1 =	vshrl.u32 v2, $0x3;
	s23 =	simm.s32 $0x7800;
	s25 =	simm.s32 $0x5;
	[dreg:$0xd] =	wrdreg s26  }
0x1a: {  	v0 =	vand.u32 $0x7, v2;
	v2 =	vor.u32 $0x8, v2;
	v1 =	vmul.u32 $0x8, v1;
	[dreg:$0xe] =	wrdreg s0;
	s24 =	simm.s32 $0xC180;
	s26 =	simm.s32 $0x6  }
.LBB2_1:
0x1b: {  	s0 =	rddreg [dreg:$0x3];
	s2 =	simm.s32 $0xC000  }
0x1c: {  	[tilespmem:s2], [sflag:$0x1] =	stream.linear.gather [hbm4b:s0+s1], $0x40, $0x38;
	[tilespmem:$0xC200] =	vst v63  }
0x1d: {  	s4 =	rddreg [dreg:$0x4]  }
0x1e: {  	[tilespmem:s20], [sflag:$0x3] =	stream.linear.gather [hbm4b:s4+s1], $0x40, $0x38;
	[tilespmem:$0xC200] =	vst v63  }
0x1f: {  	_ =	swait.ge [sflag:s21], $0x40  }
0x20: {  	[sflag:s21] =	ssyncset.done $0x0  }
0x21: {  	[sflag:s21] =	ssyncadd.s32 $0xFFFFFFC0  }
0x22: {  	_ =	swait.ge [sflag:s22], $0x40  }
0x23: {  	[sflag:s22] =	ssyncset.done $0x0  }
0x24: {  	s4 =	simm.s32 $0xC080;
	s2 =	rddreg [dreg:$0x5];
	[sflag:s22] =	ssyncadd.s32 $0xFFFFFFC0  }
0x25: {  	[tilespmem:s4], [sflag:$0x2] =	stream.linear.gather [hbm4b:s2+s1], $0x40, $0x38;
	[tilespmem:$0xC200] =	vst v63  }
0x26: {  	s2 =	rddreg [dreg:$0x6]  }
0x27: {  	[tilespmem:s24], [sflag:$0x4] =	stream.linear.gather [hbm4b:s2+s1], $0x40, $0x38;
	[tilespmem:$0xC200] =	vst v63  }
0x28: {  	v3 =	vld [tilespmem:$0xC000];
	_ =	sdelay $0x4  }
0x29: {  	v4 =	vshrl.u32 v3, $0x3  }
0x2a: {  	v4 =	vmul.u32 $0x30, v4  }
0x2b: {  	v3 =	vand.u32 $0x7, v3  }
0x2c: {  	v3 =	vor.u32 v3, v4  }
0x2d: {  	v4 =	vperm.xlane v3, v0;
	_ =	sdelay $0x1  }
0x2e: {  	v4 =	vadd.s32 v1, v4;
	_ =	sdelay $0x3  }
0x2f: {  	v3 =	vperm.xlane v3, v2  }
0x30: {  	[tilespmem:s1], [sflag:$0x5] =	stream.indirect_vreg.gather [hbm4b:s3+s1], $0x80, v4, vm0, $0xb8;
	[tilespmem:$0xC200] =	vst v63  }
0x31: {  	s4 =	simm.s32 $0x800;
	v3 =	vadd.s32 v1, v3  }
0x32: {  	[tilespmem:s4], [sflag:$0x5] =	stream.indirect_vreg.gather [hbm4b:s8+s1], $0x80, v4, vm0, $0xb8;
	[tilespmem:$0xC200] =	vst v63  }
0x33: {  	s2 =	simm.s32 $0x1000  }
0x34: {  	[tilespmem:s2], [sflag:$0x5] =	stream.indirect_vreg.gather [hbm4b:s9+s1], $0x80, v4, vm0, $0xb8;
	[tilespmem:$0xC200] =	vst v63  }
0x35: {  	s4 =	simm.s32 $0x1800  }
0x36: {  	[tilespmem:s4], [sflag:$0x5] =	stream.indirect_vreg.gather [hbm4b:s3+s1], $0x80, v3, vm0, $0xb8;
	[tilespmem:$0xC200] =	vst v63  }
0x37: {  	s2 =	simm.s32 $0x2000  }
0x38: {  	[tilespmem:s2], [sflag:$0x5] =	stream.indirect_vreg.gather [hbm4b:s8+s1], $0x80, v3, vm0, $0xb8;
	[tilespmem:$0xC200] =	vst v63  }
0x39: {  	s4 =	simm.s32 $0x2800  }
0x3a: {  	[tilespmem:s4], [sflag:$0x5] =	stream.indirect_vreg.gather [hbm4b:s9+s1], $0x80, v3, vm0, $0xb8;
	[tilespmem:$0xC200] =	vst v63  }
0x3b: {  	v3 =	vld [tilespmem:$0xC010];
	_ =	sdelay $0x4  }
0x3c: {  	v61 =	vshrl.u32 v3, $0x3  }
0x3d: {  	v4 =	vmul.u32 $0x30, v61  }
0x3e: {  	v3 =	vand.u32 $0x7, v3  }
0x3f: {  	v3 =	vor.u32 v3, v4  }
0x40: {  	v4 =	vperm.xlane v3, v0;
	_ =	sdelay $0x1  }
0x41: {  	v4 =	vadd.s32 v1, v4;
	_ =	sdelay $0x3  }
0x42: {  	s2 =	simm.s32 $0x3000;
	v3 =	vperm.xlane v3, v2  }
0x43: {  	[tilespmem:s2], [sflag:$0x5] =	stream.indirect_vreg.gather [hbm4b:s3+s1], $0x80, v4, vm0, $0xb8;
	[tilespmem:$0xC200] =	vst v63  }
0x44: {  	s4 =	simm.s32 $0x3800;
	v3 =	vadd.s32 v1, v3  }
0x45: {  	[tilespmem:s4], [sflag:$0x5] =	stream.indirect_vreg.gather [hbm4b:s8+s1], $0x80, v4, vm0, $0xb8;
	[tilespmem:$0xC200] =	vst v63  }
0x46: {  	s2 =	simm.s32 $0x4000  }
0x47: {  	[tilespmem:s2], [sflag:$0x5] =	stream.indirect_vreg.gather [hbm4b:s9+s1], $0x80, v4, vm0, $0xb8;
	[tilespmem:$0xC200] =	vst v63  }
0x48: {  	s4 =	simm.s32 $0x4800  }
0x49: {  	[tilespmem:s4], [sflag:$0x5] =	stream.indirect_vreg.gather [hbm4b:s3+s1], $0x80, v3, vm0, $0xb8;
	[tilespmem:$0xC200] =	vst v63  }
0x4a: {  	_ = 	snop  }
0x4b: {  	[tilespmem:s5], [sflag:$0x5] =	stream.indirect_vreg.gather [hbm4b:s8+s1], $0x80, v3, vm0, $0xb8;
	[tilespmem:$0xC200] =	vst v63  }
0x4c: {  	_ = 	snop  }
0x4d: {  	[tilespmem:s6], [sflag:$0x5] =	stream.indirect_vreg.gather [hbm4b:s9+s1], $0x80, v3, vm0, $0xb8;
	[tilespmem:$0xC200] =	vst v63  }
0x4e: {  	v3 =	vld [tilespmem:$0xC020];
	_ =	sdelay $0x4  }
0x4f: {  	v62 =	vshrl.u32 v3, $0x3  }
0x50: {  	v4 =	vmul.u32 $0x30, v62  }
0x51: {  	v3 =	vand.u32 $0x7, v3  }
0x52: {  	v3 =	vor.u32 v3, v4  }
0x53: {  	v4 =	vperm.xlane v3, v0;
	_ =	sdelay $0x1  }
0x54: {  	v4 =	vadd.s32 v1, v4;
	_ =	sdelay $0x3  }
0x55: {  	v3 =	vperm.xlane v3, v2  }
0x56: {  	[tilespmem:s7], [sflag:$0x5] =	stream.indirect_vreg.gather [hbm4b:s3+s1], $0x80, v4, vm0, $0xb8;
	[tilespmem:$0xC200] =	vst v63  }
0x57: {  	v3 =	vadd.s32 v1, v3  }
0x58: {  	[tilespmem:s19], [sflag:$0x5] =	stream.indirect_vreg.gather [hbm4b:s8+s1], $0x80, v4, vm0, $0xb8;
	[tilespmem:$0xC200] =	vst v63  }
0x59: {  	_ = 	snop  }
0x5a: {  	[tilespmem:s10], [sflag:$0x5] =	stream.indirect_vreg.gather [hbm4b:s9+s1], $0x80, v4, vm0, $0xb8;
	[tilespmem:$0xC200] =	vst v63  }
0x5b: {  	_ = 	snop  }
0x5c: {  	[tilespmem:s23], [sflag:$0x5] =	stream.indirect_vreg.gather [hbm4b:s3+s1], $0x80, v3, vm0, $0xb8;
	[tilespmem:$0xC200] =	vst v63  }
0x5d: {  	_ = 	snop  }
0x5e: {  	[tilespmem:s11], [sflag:$0x5] =	stream.indirect_vreg.gather [hbm4b:s8+s1], $0x80, v3, vm0, $0xb8;
	[tilespmem:$0xC200] =	vst v63  }
0x5f: {  	_ = 	snop  }
0x60: {  	[tilespmem:s12], [sflag:$0x5] =	stream.indirect_vreg.gather [hbm4b:s9+s1], $0x80, v3, vm0, $0xb8;
	[tilespmem:$0xC200] =	vst v63  }
0x61: {  	v3 =	vld [tilespmem:$0xC030];
	_ =	sdelay $0x4  }
0x62: {  	v63 =	vshrl.u32 v3, $0x3  }
0x63: {  	v4 =	vmul.u32 $0x30, v63  }
0x64: {  	v3 =	vand.u32 $0x7, v3  }
0x65: {  	v3 =	vor.u32 v3, v4  }
0x66: {  	v4 =	vperm.xlane v3, v0;
	_ =	sdelay $0x1  }
0x67: {  	v4 =	vadd.s32 v1, v4;
	_ =	sdelay $0x3  }
0x68: {  	v3 =	vperm.xlane v3, v2  }
0x69: {  	[tilespmem:s13], [sflag:$0x5] =	stream.indirect_vreg.gather [hbm4b:s3+s1], $0x80, v4, vm0, $0xb8;
	[tilespmem:$0xC200] =	vst v63  }
0x6a: {  	v3 =	vadd.s32 v1, v3  }
0x6b: {  	[tilespmem:s14], [sflag:$0x5] =	stream.indirect_vreg.gather [hbm4b:s8+s1], $0x80, v4, vm0, $0xb8;
	[tilespmem:$0xC200] =	vst v63  }
0x6c: {  	_ = 	snop  }
0x6d: {  	[tilespmem:s15], [sflag:$0x5] =	stream.indirect_vreg.gather [hbm4b:s9+s1], $0x80, v4, vm0, $0xb8;
	[tilespmem:$0xC200] =	vst v63  }
0x6e: {  	_ = 	snop  }
0x6f: {  	[tilespmem:s16], [sflag:$0x5] =	stream.indirect_vreg.gather [hbm4b:s3+s1], $0x80, v3, vm0, $0xb8;
	[tilespmem:$0xC200] =	vst v63  }
0x70: {  	_ = 	snop  }
0x71: {  	[tilespmem:s17], [sflag:$0x5] =	stream.indirect_vreg.gather [hbm4b:s8+s1], $0x80, v3, vm0, $0xb8;
	[tilespmem:$0xC200] =	vst v63  }
0x72: {  	_ = 	snop  }
0x73: {  	[tilespmem:s18], [sflag:$0x5] =	stream.indirect_vreg.gather [hbm4b:s9+s1], $0x80, v3, vm0, $0xb8;
	[tilespmem:$0xC200] =	vst v63  }
0x74: {  	_ =	swait.ge [sflag:s25], $0xC000  }
0x75: {  	[sflag:s25] =	ssyncset.done $0x0  }
0x76: {  	s31 =	simm.s32 $0x0;
	s0 =	simm.s32 $0x0;
	[sflag:s25] =	ssyncadd.s32 $0xFFFF4000  }
.LBB2_2:
0x77: {  	v3 =	vmov s0  }
0x78: {  	s2 =	sshrl.u32 s0, $0x3  }
0x79: {  	s2 =	smul.u32 $0x6000, s2;
	_ =	sdelay $0x1  }
0x7a: {  	s4 =	sand.u32 $0x380, s31;
	s2 =	sshra.s32 s2, $0x2  }
0x7b: {  	s2 =	sor.u32 s4, s2;
	v3 =	vld.idx.msk [tilespmem:v3+s20+$0x0], $0xffff  }
0x7c: {  	v4 =	vld [tilespmem:s2+$0x0]  }
0x7d: {  	v5 =	vld [tilespmem:s2+$0x10]  }
0x7e: {  	v6 =	vld [tilespmem:s2+$0x20]  }
0x7f: {  	v7 =	vld [tilespmem:s2+$0x30]  }
0x80: {  	v8 =	vld [tilespmem:s2+$0x40]  }
0x81: {  	v9 =	vld [tilespmem:s2+$0x50];
	v4 =	vmul.f32 v4, v3  }
0x82: {  	v10 =	vld [tilespmem:s2+$0x60];
	v5 =	vmul.f32 v5, v3  }
0x83: {  	v31 =	vld [tilespmem:s2+$0x70];
	v30 =	vmul.f32 v6, v3;
	[tilespmem:s2+$0x0] =	vst v4  }
0x84: {  	v33 =	vld [tilespmem:s2+$0x400];
	v32 =	vmul.f32 v7, v3;
	[tilespmem:s2+$0x10] =	vst v5  }
0x85: {  	v35 =	vld [tilespmem:s2+$0x410];
	v34 =	vmul.f32 v8, v3;
	[tilespmem:s2+$0x20] =	vst v30  }
0x86: {  	v37 =	vld [tilespmem:s2+$0x420];
	v36 =	vmul.f32 v9, v3;
	[tilespmem:s2+$0x30] =	vst v32  }
0x87: {  	v39 =	vld [tilespmem:s2+$0x430];
	v38 =	vmul.f32 v10, v3;
	[tilespmem:s2+$0x40] =	vst v34  }
0x88: {  	v41 =	vld [tilespmem:s2+$0x440];
	v40 =	vmul.f32 v31, v3;
	[tilespmem:s2+$0x50] =	vst v36  }
0x89: {  	v43 =	vld [tilespmem:s2+$0x450];
	v42 =	vmul.f32 v33, v3;
	[tilespmem:s2+$0x60] =	vst v38  }
0x8a: {  	v45 =	vld [tilespmem:s2+$0x460];
	v44 =	vmul.f32 v35, v3;
	[tilespmem:s2+$0x70] =	vst v40  }
0x8b: {  	v47 =	vld [tilespmem:s2+$0x470];
	v46 =	vmul.f32 v37, v3;
	[tilespmem:s2+$0x400] =	vst v42  }
0x8c: {  	v49 =	vld [tilespmem:s2+$0x800];
	v48 =	vmul.f32 v39, v3;
	[tilespmem:s2+$0x410] =	vst v44  }
0x8d: {  	v51 =	vld [tilespmem:s2+$0x810];
	v50 =	vmul.f32 v41, v3;
	[tilespmem:s2+$0x420] =	vst v46  }
0x8e: {  	v53 =	vld [tilespmem:s2+$0x820];
	v52 =	vmul.f32 v43, v3;
	[tilespmem:s2+$0x430] =	vst v48  }
0x8f: {  	v55 =	vld [tilespmem:s2+$0x830];
	v54 =	vmul.f32 v45, v3;
	[tilespmem:s2+$0x440] =	vst v50  }
0x90: {  	v57 =	vld [tilespmem:s2+$0x840];
	v56 =	vmul.f32 v47, v3;
	[tilespmem:s2+$0x450] =	vst v52  }
0x91: {  	v59 =	vld [tilespmem:s2+$0x850];
	v58 =	vmul.f32 v49, v3;
	[tilespmem:s2+$0x460] =	vst v54  }
0x92: {  	v61 =	vld [tilespmem:s2+$0x860];
	v60 =	vmul.f32 v51, v3;
	[tilespmem:s2+$0x470] =	vst v56  }
0x93: {  	v63 =	vld [tilespmem:s2+$0x870];
	v62 =	vmul.f32 v53, v3;
	[tilespmem:s2+$0x800] =	vst v58  }
0x94: {  	v13 =	vld [tilespmem:s2+$0xC00];
	v12 =	vmul.f32 v55, v3;
	[tilespmem:s2+$0x810] =	vst v60  }
0x95: {  	v15 =	vld [tilespmem:s2+$0xC10];
	v14 =	vmul.f32 v57, v3;
	[tilespmem:s2+$0x820] =	vst v62  }
0x96: {  	v17 =	vld [tilespmem:s2+$0xC20];
	v16 =	vmul.f32 v59, v3;
	[tilespmem:s2+$0x830] =	vst v12  }
0x97: {  	v19 =	vld [tilespmem:s2+$0xC30];
	v18 =	vmul.f32 v61, v3;
	[tilespmem:s2+$0x840] =	vst v14  }
0x98: {  	v21 =	vld [tilespmem:s2+$0xC40];
	v20 =	vmul.f32 v63, v3;
	[tilespmem:s2+$0x850] =	vst v16  }
0x99: {  	v23 =	vld [tilespmem:s2+$0xC50];
	v22 =	vmul.f32 v13, v3;
	[tilespmem:s2+$0x860] =	vst v18  }
0x9a: {  	v25 =	vld [tilespmem:s2+$0xC60];
	v24 =	vmul.f32 v15, v3;
	[tilespmem:s2+$0x870] =	vst v20  }
0x9b: {  	v27 =	vld [tilespmem:s2+$0xC70];
	v26 =	vmul.f32 v17, v3;
	[tilespmem:s2+$0xC00] =	vst v22  }
0x9c: {  	v29 =	vld [tilespmem:s2+$0x1000];
	v28 =	vmul.f32 v19, v3;
	[tilespmem:s2+$0xC10] =	vst v24  }
0x9d: {  	v31 =	vld [tilespmem:s2+$0x1010];
	[tilespmem:s2+$0xC20] =	vst v26;
	v30 =	vmul.f32 v21, v3  }
0x9e: {  	v33 =	vld [tilespmem:s2+$0x1020];
	[tilespmem:s2+$0xC30] =	vst v28;
	v32 =	vmul.f32 v23, v3  }
0x9f: {  	v35 =	vld [tilespmem:s2+$0x1030];
	v34 =	vmul.f32 v25, v3;
	[tilespmem:s2+$0xC40] =	vst v30  }
0xa0: {  	v37 =	vld [tilespmem:s2+$0x1040];
	v36 =	vmul.f32 v27, v3;
	[tilespmem:s2+$0xC50] =	vst v32  }
0xa1: {  	v39 =	vld [tilespmem:s2+$0x1050];
	v38 =	vmul.f32 v29, v3;
	[tilespmem:s2+$0xC60] =	vst v34  }
0xa2: {  	v41 =	vld [tilespmem:s2+$0x1060];
	[tilespmem:s2+$0xC70] =	vst v36;
	v40 =	vmul.f32 v31, v3  }
0xa3: {  	v43 =	vld [tilespmem:s2+$0x1070];
	[tilespmem:s2+$0x1000] =	vst v38;
	v42 =	vmul.f32 v33, v3  }
0xa4: {  	v45 =	vld [tilespmem:s2+$0x1400];
	v44 =	vmul.f32 v35, v3;
	[tilespmem:s2+$0x1010] =	vst v40  }
0xa5: {  	v47 =	vld [tilespmem:s2+$0x1410];
	v46 =	vmul.f32 v37, v3;
	[tilespmem:s2+$0x1020] =	vst v42  }
0xa6: {  	v49 =	vld [tilespmem:s2+$0x1420];
	v48 =	vmul.f32 v39, v3;
	[tilespmem:s2+$0x1030] =	vst v44  }
0xa7: {  	v51 =	vld [tilespmem:s2+$0x1430];
	v50 =	vmul.f32 v41, v3;
	[tilespmem:s2+$0x1040] =	vst v46  }
0xa8: {  	v53 =	vld [tilespmem:s2+$0x1440];
	v52 =	vmul.f32 v43, v3;
	[tilespmem:s2+$0x1050] =	vst v48  }
0xa9: {  	v55 =	vld [tilespmem:s2+$0x1450];
	v54 =	vmul.f32 v45, v3;
	[tilespmem:s2+$0x1060] =	vst v50  }
0xaa: {  	v57 =	vld [tilespmem:s2+$0x1460];
	v56 =	vmul.f32 v47, v3;
	[tilespmem:s2+$0x1070] =	vst v52  }
0xab: {  	v59 =	vld [tilespmem:s2+$0x1470];
	v58 =	vmul.f32 v49, v3;
	[tilespmem:s2+$0x1400] =	vst v54  }
0xac: {  	v60 =	vmul.f32 v51, v3;
	[tilespmem:s2+$0x1410] =	vst v56  }
0xad: {  	p0 =	sne.s32 s0, $0x3F;
	v61 =	vmul.f32 v53, v3;
	[tilespmem:s2+$0x1420] =	vst v58  }
.Ltmp0:
0xae: {  	v62 =	vmul.f32 v55, v3;
	[tilespmem:s2+$0x1430] =	vst v60;
	(pc) =	sbr.rel @p0 .LBB2_2-.Ltmp0, $4  }
0xaf: {  	v63 =	vmul.f32 v57, v3;
	[tilespmem:s2+$0x1440] =	vst v61  }
0xb0: {  	v3 =	vmul.f32 v59, v3;
	[tilespmem:s2+$0x1450] =	vst v62  }
0xb1: {  	[tilespmem:s2+$0x1460] =	vst v63  }
0xb2: {  	s31 =	sadd.s32 $0x80, s31;
	s0 =	sadd.s32 $0x1, s0;
	[tilespmem:s2+$0x1470] =	vst v3  }
0xb3: {  	s31 =	simm.s32 $0x0;
	s0 =	rddreg [dreg:$0x7]  }
0xb4: {  	[hbm4b:s0+s31] =	stream.linear.scatter [tilespmem:s31], [sflag:$0x6], $0xC000, $0x38;
	[tilespmem:$0xC200] =	vst v63  }
0xb5: {  	_ =	swait.ge [sflag:s26], $0xC000  }
0xb6: {  	[sflag:s26] =	ssyncset.done $0x0  }
0xb7: {  	[sflag:s26] =	ssyncadd.s32 $0xFFFF4000  }
0xb8: {  	_ =	swait.ge [sflag:s28], $0x40  }
0xb9: {  	[sflag:s28] =	ssyncset.done $0x0  }
0xba: {  	[sflag:s28] =	ssyncadd.s32 $0xFFFFFFC0  }
0xbb: {  	_ =	swait.ge [sflag:s29], $0x40  }
0xbc: {  	[sflag:s29] =	ssyncset.done $0x0  }
0xbd: {  	s2 =	simm.s32 $0xC000;
	s4 =	rddreg [dreg:$0x8];
	[sflag:s29] =	ssyncadd.s32 $0xFFFFFFC0  }
0xbe: {  	[tilespmem:s2], [sflag:$0x1] =	stream.linear.gather [hbm4b:s4+s31], $0x40, $0x38;
	[tilespmem:$0xC200] =	vst v63  }
0xbf: {  	s2 =	rddreg [dreg:$0x9]  }
0xc0: {  	[tilespmem:s20], [sflag:$0x3] =	stream.linear.gather [hbm4b:s2+s31], $0x40, $0x38;
	[tilespmem:$0xC200] =	vst v63  }
0xc1: {  	v3 =	vld [tilespmem:$0xC080];
	_ =	sdelay $0x4  }
0xc2: {  	v4 =	vshrl.u32 v3, $0x3  }
0xc3: {  	v4 =	vmul.u32 $0x30, v4  }
0xc4: {  	v3 =	vand.u32 $0x7, v3  }
0xc5: {  	v3 =	vor.u32 v3, v4  }
0xc6: {  	v4 =	vperm.xlane v3, v0;
	_ =	sdelay $0x1  }
0xc7: {  	v4 =	vadd.s32 v1, v4;
	_ =	sdelay $0x3  }
0xc8: {  	v3 =	vperm.xlane v3, v2  }
0xc9: {  	[tilespmem:s31], [sflag:$0x5] =	stream.indirect_vreg.gather [hbm4b:s3+s31], $0x80, v4, vm0, $0xb8;
	[tilespmem:$0xC200] =	vst v63  }
0xca: {  	s4 =	simm.s32 $0x800;
	v3 =	vadd.s32 v1, v3  }
0xcb: {  	[tilespmem:s4], [sflag:$0x5] =	stream.indirect_vreg.gather [hbm4b:s8+s31], $0x80, v4, vm0, $0xb8;
	[tilespmem:$0xC200] =	vst v63  }
0xcc: {  	s2 =	simm.s32 $0x1000  }
0xcd: {  	[tilespmem:s2], [sflag:$0x5] =	stream.indirect_vreg.gather [hbm4b:s9+s31], $0x80, v4, vm0, $0xb8;
	[tilespmem:$0xC200] =	vst v63  }
0xce: {  	s4 =	simm.s32 $0x1800  }
0xcf: {  	[tilespmem:s4], [sflag:$0x5] =	stream.indirect_vreg.gather [hbm4b:s3+s31], $0x80, v3, vm0, $0xb8;
	[tilespmem:$0xC200] =	vst v63  }
0xd0: {  	s2 =	simm.s32 $0x2000  }
0xd1: {  	[tilespmem:s2], [sflag:$0x5] =	stream.indirect_vreg.gather [hbm4b:s8+s31], $0x80, v3, vm0, $0xb8;
	[tilespmem:$0xC200] =	vst v63  }
0xd2: {  	s4 =	simm.s32 $0x2800  }
0xd3: {  	[tilespmem:s4], [sflag:$0x5] =	stream.indirect_vreg.gather [hbm4b:s9+s31], $0x80, v3, vm0, $0xb8;
	[tilespmem:$0xC200] =	vst v63  }
0xd4: {  	v3 =	vld [tilespmem:$0xC090];
	_ =	sdelay $0x4  }
0xd5: {  	v61 =	vshrl.u32 v3, $0x3  }
0xd6: {  	v4 =	vmul.u32 $0x30, v61  }
0xd7: {  	v3 =	vand.u32 $0x7, v3  }
0xd8: {  	v3 =	vor.u32 v3, v4  }
0xd9: {  	v4 =	vperm.xlane v3, v0;
	_ =	sdelay $0x1  }
0xda: {  	v4 =	vadd.s32 v1, v4;
	_ =	sdelay $0x3  }
0xdb: {  	s2 =	simm.s32 $0x3000;
	v3 =	vperm.xlane v3, v2  }
0xdc: {  	[tilespmem:s2], [sflag:$0x5] =	stream.indirect_vreg.gather [hbm4b:s3+s31], $0x80, v4, vm0, $0xb8;
	[tilespmem:$0xC200] =	vst v63  }
0xdd: {  	s4 =	simm.s32 $0x3800;
	v3 =	vadd.s32 v1, v3  }
0xde: {  	[tilespmem:s4], [sflag:$0x5] =	stream.indirect_vreg.gather [hbm4b:s8+s31], $0x80, v4, vm0, $0xb8;
	[tilespmem:$0xC200] =	vst v63  }
0xdf: {  	s2 =	simm.s32 $0x4000  }
0xe0: {  	[tilespmem:s2], [sflag:$0x5] =	stream.indirect_vreg.gather [hbm4b:s9+s31], $0x80, v4, vm0, $0xb8;
	[tilespmem:$0xC200] =	vst v63  }
0xe1: {  	s4 =	simm.s32 $0x4800  }
0xe2: {  	[tilespmem:s4], [sflag:$0x5] =	stream.indirect_vreg.gather [hbm4b:s3+s31], $0x80, v3, vm0, $0xb8;
	[tilespmem:$0xC200] =	vst v63  }
0xe3: {  	_ = 	snop  }
0xe4: {  	[tilespmem:s5], [sflag:$0x5] =	stream.indirect_vreg.gather [hbm4b:s8+s31], $0x80, v3, vm0, $0xb8;
	[tilespmem:$0xC200] =	vst v63  }
0xe5: {  	_ = 	snop  }
0xe6: {  	[tilespmem:s6], [sflag:$0x5] =	stream.indirect_vreg.gather [hbm4b:s9+s31], $0x80, v3, vm0, $0xb8;
	[tilespmem:$0xC200] =	vst v63  }
0xe7: {  	v3 =	vld [tilespmem:$0xC0A0];
	_ =	sdelay $0x4  }
0xe8: {  	v62 =	vshrl.u32 v3, $0x3  }
0xe9: {  	v4 =	vmul.u32 $0x30, v62  }
0xea: {  	v3 =	vand.u32 $0x7, v3  }
0xeb: {  	v3 =	vor.u32 v3, v4  }
0xec: {  	v4 =	vperm.xlane v3, v0;
	_ =	sdelay $0x1  }
0xed: {  	v4 =	vadd.s32 v1, v4;
	_ =	sdelay $0x3  }
0xee: {  	v3 =	vperm.xlane v3, v2  }
0xef: {  	[tilespmem:s7], [sflag:$0x5] =	stream.indirect_vreg.gather [hbm4b:s3+s31], $0x80, v4, vm0, $0xb8;
	[tilespmem:$0xC200] =	vst v63  }
0xf0: {  	v3 =	vadd.s32 v1, v3  }
0xf1: {  	[tilespmem:s19], [sflag:$0x5] =	stream.indirect_vreg.gather [hbm4b:s8+s31], $0x80, v4, vm0, $0xb8;
	[tilespmem:$0xC200] =	vst v63  }
0xf2: {  	_ = 	snop  }
0xf3: {  	[tilespmem:s10], [sflag:$0x5] =	stream.indirect_vreg.gather [hbm4b:s9+s31], $0x80, v4, vm0, $0xb8;
	[tilespmem:$0xC200] =	vst v63  }
0xf4: {  	_ = 	snop  }
0xf5: {  	[tilespmem:s23], [sflag:$0x5] =	stream.indirect_vreg.gather [hbm4b:s3+s31], $0x80, v3, vm0, $0xb8;
	[tilespmem:$0xC200] =	vst v63  }
0xf6: {  	_ = 	snop  }
0xf7: {  	[tilespmem:s11], [sflag:$0x5] =	stream.indirect_vreg.gather [hbm4b:s8+s31], $0x80, v3, vm0, $0xb8;
	[tilespmem:$0xC200] =	vst v63  }
0xf8: {  	_ = 	snop  }
0xf9: {  	[tilespmem:s12], [sflag:$0x5] =	stream.indirect_vreg.gather [hbm4b:s9+s31], $0x80, v3, vm0, $0xb8;
	[tilespmem:$0xC200] =	vst v63  }
0xfa: {  	v3 =	vld [tilespmem:$0xC0B0];
	_ =	sdelay $0x4  }
0xfb: {  	v63 =	vshrl.u32 v3, $0x3  }
0xfc: {  	v4 =	vmul.u32 $0x30, v63  }
0xfd: {  	v3 =	vand.u32 $0x7, v3  }
0xfe: {  	v3 =	vor.u32 v3, v4  }
0xff: {  	v4 =	vperm.xlane v3, v0;
	_ =	sdelay $0x1  }
0x100: {  	v4 =	vadd.s32 v1, v4;
	_ =	sdelay $0x3  }
0x101: {  	v3 =	vperm.xlane v3, v2  }
0x102: {  	[tilespmem:s13], [sflag:$0x5] =	stream.indirect_vreg.gather [hbm4b:s3+s31], $0x80, v4, vm0, $0xb8;
	[tilespmem:$0xC200] =	vst v63  }
0x103: {  	v3 =	vadd.s32 v1, v3  }
0x104: {  	[tilespmem:s14], [sflag:$0x5] =	stream.indirect_vreg.gather [hbm4b:s8+s31], $0x80, v4, vm0, $0xb8;
	[tilespmem:$0xC200] =	vst v63  }
0x105: {  	_ = 	snop  }
0x106: {  	[tilespmem:s15], [sflag:$0x5] =	stream.indirect_vreg.gather [hbm4b:s9+s31], $0x80, v4, vm0, $0xb8;
	[tilespmem:$0xC200] =	vst v63  }
0x107: {  	_ = 	snop  }
0x108: {  	[tilespmem:s16], [sflag:$0x5] =	stream.indirect_vreg.gather [hbm4b:s3+s31], $0x80, v3, vm0, $0xb8;
	[tilespmem:$0xC200] =	vst v63  }
0x109: {  	_ = 	snop  }
0x10a: {  	[tilespmem:s17], [sflag:$0x5] =	stream.indirect_vreg.gather [hbm4b:s8+s31], $0x80, v3, vm0, $0xb8;
	[tilespmem:$0xC200] =	vst v63  }
0x10b: {  	_ = 	snop  }
0x10c: {  	[tilespmem:s18], [sflag:$0x5] =	stream.indirect_vreg.gather [hbm4b:s9+s31], $0x80, v3, vm0, $0xb8;
	[tilespmem:$0xC200] =	vst v63  }
0x10d: {  	_ =	swait.ge [sflag:s25], $0xC000  }
0x10e: {  	[sflag:s25] =	ssyncset.done $0x0  }
0x10f: {  	s0 =	simm.s32 $0x0;
	[sflag:s25] =	ssyncadd.s32 $0xFFFF4000  }
.LBB2_4:
0x110: {  	v3 =	vmov s0  }
0x111: {  	s2 =	sshrl.u32 s0, $0x3  }
0x112: {  	s2 =	smul.u32 $0x6000, s2;
	_ =	sdelay $0x1  }
0x113: {  	s4 =	sand.u32 $0x380, s31;
	s2 =	sshra.s32 s2, $0x2  }
0x114: {  	s2 =	sor.u32 s4, s2;
	v3 =	vld.idx.msk [tilespmem:v3+s24+$0x0], $0xffff  }
0x115: {  	v4 =	vld [tilespmem:s2+$0x0]  }
0x116: {  	v5 =	vld [tilespmem:s2+$0x10]  }
0x117: {  	v6 =	vld [tilespmem:s2+$0x20]  }
0x118: {  	v7 =	vld [tilespmem:s2+$0x30]  }
0x119: {  	v8 =	vld [tilespmem:s2+$0x40]  }
0x11a: {  	v9 =	vld [tilespmem:s2+$0x50];
	v4 =	vmul.f32 v4, v3  }
0x11b: {  	v10 =	vld [tilespmem:s2+$0x60];
	v5 =	vmul.f32 v5, v3  }
0x11c: {  	v31 =	vld [tilespmem:s2+$0x70];
	v30 =	vmul.f32 v6, v3;
	[tilespmem:s2+$0x0] =	vst v4  }
0x11d: {  	v33 =	vld [tilespmem:s2+$0x400];
	v32 =	vmul.f32 v7, v3;
	[tilespmem:s2+$0x10] =	vst v5  }
0x11e: {  	v35 =	vld [tilespmem:s2+$0x410];
	v34 =	vmul.f32 v8, v3;
	[tilespmem:s2+$0x20] =	vst v30  }
0x11f: {  	v37 =	vld [tilespmem:s2+$0x420];
	v36 =	vmul.f32 v9, v3;
	[tilespmem:s2+$0x30] =	vst v32  }
0x120: {  	v39 =	vld [tilespmem:s2+$0x430];
	v38 =	vmul.f32 v10, v3;
	[tilespmem:s2+$0x40] =	vst v34  }
0x121: {  	v41 =	vld [tilespmem:s2+$0x440];
	v40 =	vmul.f32 v31, v3;
	[tilespmem:s2+$0x50] =	vst v36  }
0x122: {  	v43 =	vld [tilespmem:s2+$0x450];
	v42 =	vmul.f32 v33, v3;
	[tilespmem:s2+$0x60] =	vst v38  }
0x123: {  	v45 =	vld [tilespmem:s2+$0x460];
	v44 =	vmul.f32 v35, v3;
	[tilespmem:s2+$0x70] =	vst v40  }
0x124: {  	v47 =	vld [tilespmem:s2+$0x470];
	v46 =	vmul.f32 v37, v3;
	[tilespmem:s2+$0x400] =	vst v42  }
0x125: {  	v49 =	vld [tilespmem:s2+$0x800];
	v48 =	vmul.f32 v39, v3;
	[tilespmem:s2+$0x410] =	vst v44  }
0x126: {  	v51 =	vld [tilespmem:s2+$0x810];
	v50 =	vmul.f32 v41, v3;
	[tilespmem:s2+$0x420] =	vst v46  }
0x127: {  	v53 =	vld [tilespmem:s2+$0x820];
	v52 =	vmul.f32 v43, v3;
	[tilespmem:s2+$0x430] =	vst v48  }
0x128: {  	v55 =	vld [tilespmem:s2+$0x830];
	v54 =	vmul.f32 v45, v3;
	[tilespmem:s2+$0x440] =	vst v50  }
0x129: {  	v57 =	vld [tilespmem:s2+$0x840];
	v56 =	vmul.f32 v47, v3;
	[tilespmem:s2+$0x450] =	vst v52  }
0x12a: {  	v59 =	vld [tilespmem:s2+$0x850];
	v58 =	vmul.f32 v49, v3;
	[tilespmem:s2+$0x460] =	vst v54  }
0x12b: {  	v61 =	vld [tilespmem:s2+$0x860];
	v60 =	vmul.f32 v51, v3;
	[tilespmem:s2+$0x470] =	vst v56  }
0x12c: {  	v63 =	vld [tilespmem:s2+$0x870];
	v62 =	vmul.f32 v53, v3;
	[tilespmem:s2+$0x800] =	vst v58  }
0x12d: {  	v13 =	vld [tilespmem:s2+$0xC00];
	v12 =	vmul.f32 v55, v3;
	[tilespmem:s2+$0x810] =	vst v60  }
0x12e: {  	v15 =	vld [tilespmem:s2+$0xC10];
	v14 =	vmul.f32 v57, v3;
	[tilespmem:s2+$0x820] =	vst v62  }
0x12f: {  	v17 =	vld [tilespmem:s2+$0xC20];
	v16 =	vmul.f32 v59, v3;
	[tilespmem:s2+$0x830] =	vst v12  }
0x130: {  	v19 =	vld [tilespmem:s2+$0xC30];
	v18 =	vmul.f32 v61, v3;
	[tilespmem:s2+$0x840] =	vst v14  }
0x131: {  	v21 =	vld [tilespmem:s2+$0xC40];
	v20 =	vmul.f32 v63, v3;
	[tilespmem:s2+$0x850] =	vst v16  }
0x132: {  	v23 =	vld [tilespmem:s2+$0xC50];
	v22 =	vmul.f32 v13, v3;
	[tilespmem:s2+$0x860] =	vst v18  }
0x133: {  	v25 =	vld [tilespmem:s2+$0xC60];
	v24 =	vmul.f32 v15, v3;
	[tilespmem:s2+$0x870] =	vst v20  }
0x134: {  	v27 =	vld [tilespmem:s2+$0xC70];
	v26 =	vmul.f32 v17, v3;
	[tilespmem:s2+$0xC00] =	vst v22  }
0x135: {  	v29 =	vld [tilespmem:s2+$0x1000];
	v28 =	vmul.f32 v19, v3;
	[tilespmem:s2+$0xC10] =	vst v24  }
0x136: {  	v31 =	vld [tilespmem:s2+$0x1010];
	[tilespmem:s2+$0xC20] =	vst v26;
	v30 =	vmul.f32 v21, v3  }
0x137: {  	v33 =	vld [tilespmem:s2+$0x1020];
	[tilespmem:s2+$0xC30] =	vst v28;
	v32 =	vmul.f32 v23, v3  }
0x138: {  	v35 =	vld [tilespmem:s2+$0x1030];
	v34 =	vmul.f32 v25, v3;
	[tilespmem:s2+$0xC40] =	vst v30  }
0x139: {  	v37 =	vld [tilespmem:s2+$0x1040];
	v36 =	vmul.f32 v27, v3;
	[tilespmem:s2+$0xC50] =	vst v32  }
0x13a: {  	v39 =	vld [tilespmem:s2+$0x1050];
	v38 =	vmul.f32 v29, v3;
	[tilespmem:s2+$0xC60] =	vst v34  }
0x13b: {  	v41 =	vld [tilespmem:s2+$0x1060];
	[tilespmem:s2+$0xC70] =	vst v36;
	v40 =	vmul.f32 v31, v3  }
0x13c: {  	v43 =	vld [tilespmem:s2+$0x1070];
	[tilespmem:s2+$0x1000] =	vst v38;
	v42 =	vmul.f32 v33, v3  }
0x13d: {  	v45 =	vld [tilespmem:s2+$0x1400];
	v44 =	vmul.f32 v35, v3;
	[tilespmem:s2+$0x1010] =	vst v40  }
0x13e: {  	v47 =	vld [tilespmem:s2+$0x1410];
	v46 =	vmul.f32 v37, v3;
	[tilespmem:s2+$0x1020] =	vst v42  }
0x13f: {  	v49 =	vld [tilespmem:s2+$0x1420];
	v48 =	vmul.f32 v39, v3;
	[tilespmem:s2+$0x1030] =	vst v44  }
0x140: {  	v51 =	vld [tilespmem:s2+$0x1430];
	v50 =	vmul.f32 v41, v3;
	[tilespmem:s2+$0x1040] =	vst v46  }
0x141: {  	v53 =	vld [tilespmem:s2+$0x1440];
	v52 =	vmul.f32 v43, v3;
	[tilespmem:s2+$0x1050] =	vst v48  }
0x142: {  	v55 =	vld [tilespmem:s2+$0x1450];
	v54 =	vmul.f32 v45, v3;
	[tilespmem:s2+$0x1060] =	vst v50  }
0x143: {  	v57 =	vld [tilespmem:s2+$0x1460];
	v56 =	vmul.f32 v47, v3;
	[tilespmem:s2+$0x1070] =	vst v52  }
0x144: {  	v59 =	vld [tilespmem:s2+$0x1470];
	v58 =	vmul.f32 v49, v3;
	[tilespmem:s2+$0x1400] =	vst v54  }
0x145: {  	v60 =	vmul.f32 v51, v3;
	[tilespmem:s2+$0x1410] =	vst v56  }
0x146: {  	p0 =	sne.s32 s0, $0x3F;
	v61 =	vmul.f32 v53, v3;
	[tilespmem:s2+$0x1420] =	vst v58  }
.Ltmp1:
0x147: {  	v62 =	vmul.f32 v55, v3;
	[tilespmem:s2+$0x1430] =	vst v60;
	(pc) =	sbr.rel @p0 .LBB2_4-.Ltmp1, $4  }
0x148: {  	v63 =	vmul.f32 v57, v3;
	[tilespmem:s2+$0x1440] =	vst v61  }
0x149: {  	v3 =	vmul.f32 v59, v3;
	[tilespmem:s2+$0x1450] =	vst v62  }
0x14a: {  	[tilespmem:s2+$0x1460] =	vst v63  }
0x14b: {  	s31 =	sadd.s32 $0x80, s31;
	s0 =	sadd.s32 $0x1, s0;
	[tilespmem:s2+$0x1470] =	vst v3  }
0x14c: {  	s31 =	simm.s32 $0x0;
	s0 =	rddreg [dreg:$0xa]  }
0x14d: {  	[hbm4b:s0+s31] =	stream.linear.scatter [tilespmem:s31], [sflag:$0x6], $0xC000, $0x38;
	[tilespmem:$0xC200] =	vst v63  }
0x14e: {  	_ =	swait.ge [sflag:s26], $0xC000  }
0x14f: {  	[sflag:s26] =	ssyncset.done $0x0  }
0x150: {  	[sflag:s26] =	ssyncadd.s32 $0xFFFF4000  }
0x151: {  	_ =	swait.ge [sflag:s21], $0x40  }
0x152: {  	[sflag:s21] =	ssyncset.done $0x0  }
0x153: {  	[sflag:s21] =	ssyncadd.s32 $0xFFFFFFC0  }
0x154: {  	_ =	swait.ge [sflag:s22], $0x40  }
0x155: {  	[sflag:s22] =	ssyncset.done $0x0  }
0x156: {  	s2 =	simm.s32 $0xC080;
	s4 =	rddreg [dreg:$0xb];
	[sflag:s22] =	ssyncadd.s32 $0xFFFFFFC0  }
0x157: {  	[tilespmem:s2], [sflag:$0x2] =	stream.linear.gather [hbm4b:s4+s31], $0x40, $0x38;
	[tilespmem:$0xC200] =	vst v63  }
0x158: {  	s2 =	rddreg [dreg:$0xc]  }
0x159: {  	[tilespmem:s24], [sflag:$0x4] =	stream.linear.gather [hbm4b:s2+s31], $0x40, $0x38;
	[tilespmem:$0xC200] =	vst v63  }
0x15a: {  	v3 =	vld [tilespmem:$0xC000];
	_ =	sdelay $0x4  }
0x15b: {  	v4 =	vshrl.u32 v3, $0x3  }
0x15c: {  	v4 =	vmul.u32 $0x30, v4  }
0x15d: {  	v3 =	vand.u32 $0x7, v3  }
0x15e: {  	v3 =	vor.u32 v3, v4  }
0x15f: {  	v4 =	vperm.xlane v3, v0;
	_ =	sdelay $0x1  }
0x160: {  	v4 =	vadd.s32 v1, v4;
	_ =	sdelay $0x3  }
0x161: {  	v3 =	vperm.xlane v3, v2  }
0x162: {  	[tilespmem:s31], [sflag:$0x5] =	stream.indirect_vreg.gather [hbm4b:s3+s31], $0x80, v4, vm0, $0xb8;
	[tilespmem:$0xC200] =	vst v63  }
0x163: {  	s4 =	simm.s32 $0x800;
	v3 =	vadd.s32 v1, v3  }
0x164: {  	[tilespmem:s4], [sflag:$0x5] =	stream.indirect_vreg.gather [hbm4b:s8+s31], $0x80, v4, vm0, $0xb8;
	[tilespmem:$0xC200] =	vst v63  }
0x165: {  	s2 =	simm.s32 $0x1000  }
0x166: {  	[tilespmem:s2], [sflag:$0x5] =	stream.indirect_vreg.gather [hbm4b:s9+s31], $0x80, v4, vm0, $0xb8;
	[tilespmem:$0xC200] =	vst v63  }
0x167: {  	s4 =	simm.s32 $0x1800  }
0x168: {  	[tilespmem:s4], [sflag:$0x5] =	stream.indirect_vreg.gather [hbm4b:s3+s31], $0x80, v3, vm0, $0xb8;
	[tilespmem:$0xC200] =	vst v63  }
0x169: {  	s2 =	simm.s32 $0x2000  }
0x16a: {  	[tilespmem:s2], [sflag:$0x5] =	stream.indirect_vreg.gather [hbm4b:s8+s31], $0x80, v3, vm0, $0xb8;
	[tilespmem:$0xC200] =	vst v63  }
0x16b: {  	s4 =	simm.s32 $0x2800  }
0x16c: {  	[tilespmem:s4], [sflag:$0x5] =	stream.indirect_vreg.gather [hbm4b:s9+s31], $0x80, v3, vm0, $0xb8;
	[tilespmem:$0xC200] =	vst v63  }
0x16d: {  	v3 =	vld [tilespmem:$0xC010];
	_ =	sdelay $0x4  }
0x16e: {  	v61 =	vshrl.u32 v3, $0x3  }
0x16f: {  	v4 =	vmul.u32 $0x30, v61  }
0x170: {  	v3 =	vand.u32 $0x7, v3  }
0x171: {  	v3 =	vor.u32 v3, v4  }
0x172: {  	v4 =	vperm.xlane v3, v0;
	_ =	sdelay $0x1  }
0x173: {  	v4 =	vadd.s32 v1, v4;
	_ =	sdelay $0x3  }
0x174: {  	s2 =	simm.s32 $0x3000;
	v3 =	vperm.xlane v3, v2  }
0x175: {  	[tilespmem:s2], [sflag:$0x5] =	stream.indirect_vreg.gather [hbm4b:s3+s31], $0x80, v4, vm0, $0xb8;
	[tilespmem:$0xC200] =	vst v63  }
0x176: {  	s4 =	simm.s32 $0x3800;
	v3 =	vadd.s32 v1, v3  }
0x177: {  	[tilespmem:s4], [sflag:$0x5] =	stream.indirect_vreg.gather [hbm4b:s8+s31], $0x80, v4, vm0, $0xb8;
	[tilespmem:$0xC200] =	vst v63  }
0x178: {  	s2 =	simm.s32 $0x4000  }
0x179: {  	[tilespmem:s2], [sflag:$0x5] =	stream.indirect_vreg.gather [hbm4b:s9+s31], $0x80, v4, vm0, $0xb8;
	[tilespmem:$0xC200] =	vst v63  }
0x17a: {  	s4 =	simm.s32 $0x4800  }
0x17b: {  	[tilespmem:s4], [sflag:$0x5] =	stream.indirect_vreg.gather [hbm4b:s3+s31], $0x80, v3, vm0, $0xb8;
	[tilespmem:$0xC200] =	vst v63  }
0x17c: {  	_ = 	snop  }
0x17d: {  	[tilespmem:s5], [sflag:$0x5] =	stream.indirect_vreg.gather [hbm4b:s8+s31], $0x80, v3, vm0, $0xb8;
	[tilespmem:$0xC200] =	vst v63  }
0x17e: {  	_ = 	snop  }
0x17f: {  	[tilespmem:s6], [sflag:$0x5] =	stream.indirect_vreg.gather [hbm4b:s9+s31], $0x80, v3, vm0, $0xb8;
	[tilespmem:$0xC200] =	vst v63  }
0x180: {  	v3 =	vld [tilespmem:$0xC020];
	_ =	sdelay $0x4  }
0x181: {  	v62 =	vshrl.u32 v3, $0x3  }
0x182: {  	v4 =	vmul.u32 $0x30, v62  }
0x183: {  	v3 =	vand.u32 $0x7, v3  }
0x184: {  	v3 =	vor.u32 v3, v4  }
0x185: {  	v4 =	vperm.xlane v3, v0;
	_ =	sdelay $0x1  }
0x186: {  	v4 =	vadd.s32 v1, v4;
	_ =	sdelay $0x3  }
0x187: {  	v3 =	vperm.xlane v3, v2  }
0x188: {  	[tilespmem:s7], [sflag:$0x5] =	stream.indirect_vreg.gather [hbm4b:s3+s31], $0x80, v4, vm0, $0xb8;
	[tilespmem:$0xC200] =	vst v63  }
0x189: {  	v3 =	vadd.s32 v1, v3  }
0x18a: {  	[tilespmem:s19], [sflag:$0x5] =	stream.indirect_vreg.gather [hbm4b:s8+s31], $0x80, v4, vm0, $0xb8;
	[tilespmem:$0xC200] =	vst v63  }
0x18b: {  	_ = 	snop  }
0x18c: {  	[tilespmem:s10], [sflag:$0x5] =	stream.indirect_vreg.gather [hbm4b:s9+s31], $0x80, v4, vm0, $0xb8;
	[tilespmem:$0xC200] =	vst v63  }
0x18d: {  	_ = 	snop  }
0x18e: {  	[tilespmem:s23], [sflag:$0x5] =	stream.indirect_vreg.gather [hbm4b:s3+s31], $0x80, v3, vm0, $0xb8;
	[tilespmem:$0xC200] =	vst v63  }
0x18f: {  	_ = 	snop  }
0x190: {  	[tilespmem:s11], [sflag:$0x5] =	stream.indirect_vreg.gather [hbm4b:s8+s31], $0x80, v3, vm0, $0xb8;
	[tilespmem:$0xC200] =	vst v63  }
0x191: {  	_ = 	snop  }
0x192: {  	[tilespmem:s12], [sflag:$0x5] =	stream.indirect_vreg.gather [hbm4b:s9+s31], $0x80, v3, vm0, $0xb8;
	[tilespmem:$0xC200] =	vst v63  }
0x193: {  	v3 =	vld [tilespmem:$0xC030];
	_ =	sdelay $0x4  }
0x194: {  	v63 =	vshrl.u32 v3, $0x3  }
0x195: {  	v4 =	vmul.u32 $0x30, v63  }
0x196: {  	v3 =	vand.u32 $0x7, v3  }
0x197: {  	v3 =	vor.u32 v3, v4  }
0x198: {  	v4 =	vperm.xlane v3, v0;
	_ =	sdelay $0x1  }
0x199: {  	v4 =	vadd.s32 v1, v4;
	_ =	sdelay $0x3  }
0x19a: {  	v3 =	vperm.xlane v3, v2  }
0x19b: {  	[tilespmem:s13], [sflag:$0x5] =	stream.indirect_vreg.gather [hbm4b:s3+s31], $0x80, v4, vm0, $0xb8;
	[tilespmem:$0xC200] =	vst v63  }
0x19c: {  	v3 =	vadd.s32 v1, v3  }
0x19d: {  	[tilespmem:s14], [sflag:$0x5] =	stream.indirect_vreg.gather [hbm4b:s8+s31], $0x80, v4, vm0, $0xb8;
	[tilespmem:$0xC200] =	vst v63  }
0x19e: {  	_ = 	snop  }
0x19f: {  	[tilespmem:s15], [sflag:$0x5] =	stream.indirect_vreg.gather [hbm4b:s9+s31], $0x80, v4, vm0, $0xb8;
	[tilespmem:$0xC200] =	vst v63  }
0x1a0: {  	_ = 	snop  }
0x1a1: {  	[tilespmem:s16], [sflag:$0x5] =	stream.indirect_vreg.gather [hbm4b:s3+s31], $0x80, v3, vm0, $0xb8;
	[tilespmem:$0xC200] =	vst v63  }
0x1a2: {  	_ = 	snop  }
0x1a3: {  	[tilespmem:s17], [sflag:$0x5] =	stream.indirect_vreg.gather [hbm4b:s8+s31], $0x80, v3, vm0, $0xb8;
	[tilespmem:$0xC200] =	vst v63  }
0x1a4: {  	_ = 	snop  }
0x1a5: {  	[tilespmem:s18], [sflag:$0x5] =	stream.indirect_vreg.gather [hbm4b:s9+s31], $0x80, v3, vm0, $0xb8;
	[tilespmem:$0xC200] =	vst v63  }
0x1a6: {  	_ =	swait.ge [sflag:s25], $0xC000  }
0x1a7: {  	[sflag:s25] =	ssyncset.done $0x0  }
0x1a8: {  	s0 =	simm.s32 $0x0;
	[sflag:s25] =	ssyncadd.s32 $0xFFFF4000  }
.LBB2_6:
0x1a9: {  	v3 =	vmov s0  }
0x1aa: {  	s2 =	sshrl.u32 s0, $0x3  }
0x1ab: {  	s2 =	smul.u32 $0x6000, s2;
	_ =	sdelay $0x1  }
0x1ac: {  	s4 =	sand.u32 $0x380, s31;
	s2 =	sshra.s32 s2, $0x2  }
0x1ad: {  	s2 =	sor.u32 s4, s2;
	v3 =	vld.idx.msk [tilespmem:v3+s20+$0x0], $0xffff  }
0x1ae: {  	v4 =	vld [tilespmem:s2+$0x0]  }
0x1af: {  	v5 =	vld [tilespmem:s2+$0x10]  }
0x1b0: {  	v6 =	vld [tilespmem:s2+$0x20]  }
0x1b1: {  	v7 =	vld [tilespmem:s2+$0x30]  }
0x1b2: {  	v8 =	vld [tilespmem:s2+$0x40]  }
0x1b3: {  	v9 =	vld [tilespmem:s2+$0x50];
	v4 =	vmul.f32 v4, v3  }
0x1b4: {  	v10 =	vld [tilespmem:s2+$0x60];
	v5 =	vmul.f32 v5, v3  }
0x1b5: {  	v31 =	vld [tilespmem:s2+$0x70];
	v30 =	vmul.f32 v6, v3;
	[tilespmem:s2+$0x0] =	vst v4  }
0x1b6: {  	v33 =	vld [tilespmem:s2+$0x400];
	v32 =	vmul.f32 v7, v3;
	[tilespmem:s2+$0x10] =	vst v5  }
0x1b7: {  	v35 =	vld [tilespmem:s2+$0x410];
	v34 =	vmul.f32 v8, v3;
	[tilespmem:s2+$0x20] =	vst v30  }
0x1b8: {  	v37 =	vld [tilespmem:s2+$0x420];
	v36 =	vmul.f32 v9, v3;
	[tilespmem:s2+$0x30] =	vst v32  }
0x1b9: {  	v39 =	vld [tilespmem:s2+$0x430];
	v38 =	vmul.f32 v10, v3;
	[tilespmem:s2+$0x40] =	vst v34  }
0x1ba: {  	v41 =	vld [tilespmem:s2+$0x440];
	v40 =	vmul.f32 v31, v3;
	[tilespmem:s2+$0x50] =	vst v36  }
0x1bb: {  	v43 =	vld [tilespmem:s2+$0x450];
	v42 =	vmul.f32 v33, v3;
	[tilespmem:s2+$0x60] =	vst v38  }
0x1bc: {  	v45 =	vld [tilespmem:s2+$0x460];
	v44 =	vmul.f32 v35, v3;
	[tilespmem:s2+$0x70] =	vst v40  }
0x1bd: {  	v47 =	vld [tilespmem:s2+$0x470];
	v46 =	vmul.f32 v37, v3;
	[tilespmem:s2+$0x400] =	vst v42  }
0x1be: {  	v49 =	vld [tilespmem:s2+$0x800];
	v48 =	vmul.f32 v39, v3;
	[tilespmem:s2+$0x410] =	vst v44  }
0x1bf: {  	v51 =	vld [tilespmem:s2+$0x810];
	v50 =	vmul.f32 v41, v3;
	[tilespmem:s2+$0x420] =	vst v46  }
0x1c0: {  	v53 =	vld [tilespmem:s2+$0x820];
	v52 =	vmul.f32 v43, v3;
	[tilespmem:s2+$0x430] =	vst v48  }
0x1c1: {  	v55 =	vld [tilespmem:s2+$0x830];
	v54 =	vmul.f32 v45, v3;
	[tilespmem:s2+$0x440] =	vst v50  }
0x1c2: {  	v57 =	vld [tilespmem:s2+$0x840];
	v56 =	vmul.f32 v47, v3;
	[tilespmem:s2+$0x450] =	vst v52  }
0x1c3: {  	v59 =	vld [tilespmem:s2+$0x850];
	v58 =	vmul.f32 v49, v3;
	[tilespmem:s2+$0x460] =	vst v54  }
0x1c4: {  	v61 =	vld [tilespmem:s2+$0x860];
	v60 =	vmul.f32 v51, v3;
	[tilespmem:s2+$0x470] =	vst v56  }
0x1c5: {  	v63 =	vld [tilespmem:s2+$0x870];
	v62 =	vmul.f32 v53, v3;
	[tilespmem:s2+$0x800] =	vst v58  }
0x1c6: {  	v13 =	vld [tilespmem:s2+$0xC00];
	v12 =	vmul.f32 v55, v3;
	[tilespmem:s2+$0x810] =	vst v60  }
0x1c7: {  	v15 =	vld [tilespmem:s2+$0xC10];
	v14 =	vmul.f32 v57, v3;
	[tilespmem:s2+$0x820] =	vst v62  }
0x1c8: {  	v17 =	vld [tilespmem:s2+$0xC20];
	v16 =	vmul.f32 v59, v3;
	[tilespmem:s2+$0x830] =	vst v12  }
0x1c9: {  	v19 =	vld [tilespmem:s2+$0xC30];
	v18 =	vmul.f32 v61, v3;
	[tilespmem:s2+$0x840] =	vst v14  }
0x1ca: {  	v21 =	vld [tilespmem:s2+$0xC40];
	v20 =	vmul.f32 v63, v3;
	[tilespmem:s2+$0x850] =	vst v16  }
0x1cb: {  	v23 =	vld [tilespmem:s2+$0xC50];
	v22 =	vmul.f32 v13, v3;
	[tilespmem:s2+$0x860] =	vst v18  }
0x1cc: {  	v25 =	vld [tilespmem:s2+$0xC60];
	v24 =	vmul.f32 v15, v3;
	[tilespmem:s2+$0x870] =	vst v20  }
0x1cd: {  	v27 =	vld [tilespmem:s2+$0xC70];
	v26 =	vmul.f32 v17, v3;
	[tilespmem:s2+$0xC00] =	vst v22  }
0x1ce: {  	v29 =	vld [tilespmem:s2+$0x1000];
	v28 =	vmul.f32 v19, v3;
	[tilespmem:s2+$0xC10] =	vst v24  }
0x1cf: {  	v31 =	vld [tilespmem:s2+$0x1010];
	[tilespmem:s2+$0xC20] =	vst v26;
	v30 =	vmul.f32 v21, v3  }
0x1d0: {  	v33 =	vld [tilespmem:s2+$0x1020];
	[tilespmem:s2+$0xC30] =	vst v28;
	v32 =	vmul.f32 v23, v3  }
0x1d1: {  	v35 =	vld [tilespmem:s2+$0x1030];
	v34 =	vmul.f32 v25, v3;
	[tilespmem:s2+$0xC40] =	vst v30  }
0x1d2: {  	v37 =	vld [tilespmem:s2+$0x1040];
	v36 =	vmul.f32 v27, v3;
	[tilespmem:s2+$0xC50] =	vst v32  }
0x1d3: {  	v39 =	vld [tilespmem:s2+$0x1050];
	v38 =	vmul.f32 v29, v3;
	[tilespmem:s2+$0xC60] =	vst v34  }
0x1d4: {  	v41 =	vld [tilespmem:s2+$0x1060];
	[tilespmem:s2+$0xC70] =	vst v36;
	v40 =	vmul.f32 v31, v3  }
0x1d5: {  	v43 =	vld [tilespmem:s2+$0x1070];
	[tilespmem:s2+$0x1000] =	vst v38;
	v42 =	vmul.f32 v33, v3  }
0x1d6: {  	v45 =	vld [tilespmem:s2+$0x1400];
	v44 =	vmul.f32 v35, v3;
	[tilespmem:s2+$0x1010] =	vst v40  }
0x1d7: {  	v47 =	vld [tilespmem:s2+$0x1410];
	v46 =	vmul.f32 v37, v3;
	[tilespmem:s2+$0x1020] =	vst v42  }
0x1d8: {  	v49 =	vld [tilespmem:s2+$0x1420];
	v48 =	vmul.f32 v39, v3;
	[tilespmem:s2+$0x1030] =	vst v44  }
0x1d9: {  	v51 =	vld [tilespmem:s2+$0x1430];
	v50 =	vmul.f32 v41, v3;
	[tilespmem:s2+$0x1040] =	vst v46  }
0x1da: {  	v53 =	vld [tilespmem:s2+$0x1440];
	v52 =	vmul.f32 v43, v3;
	[tilespmem:s2+$0x1050] =	vst v48  }
0x1db: {  	v55 =	vld [tilespmem:s2+$0x1450];
	v54 =	vmul.f32 v45, v3;
	[tilespmem:s2+$0x1060] =	vst v50  }
0x1dc: {  	v57 =	vld [tilespmem:s2+$0x1460];
	v56 =	vmul.f32 v47, v3;
	[tilespmem:s2+$0x1070] =	vst v52  }
0x1dd: {  	v59 =	vld [tilespmem:s2+$0x1470];
	v58 =	vmul.f32 v49, v3;
	[tilespmem:s2+$0x1400] =	vst v54  }
0x1de: {  	v60 =	vmul.f32 v51, v3;
	[tilespmem:s2+$0x1410] =	vst v56  }
0x1df: {  	p0 =	sne.s32 s0, $0x3F;
	v61 =	vmul.f32 v53, v3;
	[tilespmem:s2+$0x1420] =	vst v58  }
.Ltmp2:
0x1e0: {  	v62 =	vmul.f32 v55, v3;
	[tilespmem:s2+$0x1430] =	vst v60;
	(pc) =	sbr.rel @p0 .LBB2_6-.Ltmp2, $4  }
0x1e1: {  	v63 =	vmul.f32 v57, v3;
	[tilespmem:s2+$0x1440] =	vst v61  }
0x1e2: {  	v3 =	vmul.f32 v59, v3;
	[tilespmem:s2+$0x1450] =	vst v62  }
0x1e3: {  	[tilespmem:s2+$0x1460] =	vst v63  }
0x1e4: {  	s31 =	sadd.s32 $0x80, s31;
	s0 =	sadd.s32 $0x1, s0;
	[tilespmem:s2+$0x1470] =	vst v3  }
0x1e5: {  	s31 =	simm.s32 $0x0;
	s0 =	rddreg [dreg:$0xd]  }
0x1e6: {  	[hbm4b:s0+s31] =	stream.linear.scatter [tilespmem:s31], [sflag:$0x6], $0xC000, $0x38;
	[tilespmem:$0xC200] =	vst v63  }
0x1e7: {  	_ =	swait.ge [sflag:s26], $0xC000  }
0x1e8: {  	[sflag:s26] =	ssyncset.done $0x0  }
0x1e9: {  	[sflag:s26] =	ssyncadd.s32 $0xFFFF4000  }
0x1ea: {  	_ =	swait.ge [sflag:s28], $0x40  }
0x1eb: {  	[sflag:s28] =	ssyncset.done $0x0  }
0x1ec: {  	[sflag:s28] =	ssyncadd.s32 $0xFFFFFFC0  }
0x1ed: {  	_ =	swait.ge [sflag:s29], $0x40  }
0x1ee: {  	[sflag:s29] =	ssyncset.done $0x0  }
0x1ef: {  	[sflag:s29] =	ssyncadd.s32 $0xFFFFFFC0  }
0x1f0: {  	v3 =	vld [tilespmem:$0xC080];
	_ =	sdelay $0x4  }
0x1f1: {  	v4 =	vshrl.u32 v3, $0x3  }
0x1f2: {  	v4 =	vmul.u32 $0x30, v4  }
0x1f3: {  	v3 =	vand.u32 $0x7, v3  }
0x1f4: {  	v3 =	vor.u32 v3, v4  }
0x1f5: {  	v4 =	vperm.xlane v3, v0;
	_ =	sdelay $0x1  }
0x1f6: {  	v4 =	vadd.s32 v1, v4;
	_ =	sdelay $0x3  }
0x1f7: {  	v3 =	vperm.xlane v3, v2  }
0x1f8: {  	[tilespmem:s31], [sflag:$0x5] =	stream.indirect_vreg.gather [hbm4b:s3+s31], $0x80, v4, vm0, $0xb8;
	[tilespmem:$0xC200] =	vst v63  }
0x1f9: {  	s4 =	simm.s32 $0x800;
	v3 =	vadd.s32 v1, v3  }
0x1fa: {  	[tilespmem:s4], [sflag:$0x5] =	stream.indirect_vreg.gather [hbm4b:s8+s31], $0x80, v4, vm0, $0xb8;
	[tilespmem:$0xC200] =	vst v63  }
0x1fb: {  	s2 =	simm.s32 $0x1000  }
0x1fc: {  	[tilespmem:s2], [sflag:$0x5] =	stream.indirect_vreg.gather [hbm4b:s9+s31], $0x80, v4, vm0, $0xb8;
	[tilespmem:$0xC200] =	vst v63  }
0x1fd: {  	s4 =	simm.s32 $0x1800  }
0x1fe: {  	[tilespmem:s4], [sflag:$0x5] =	stream.indirect_vreg.gather [hbm4b:s3+s31], $0x80, v3, vm0, $0xb8;
	[tilespmem:$0xC200] =	vst v63  }
0x1ff: {  	s2 =	simm.s32 $0x2000  }
0x200: {  	[tilespmem:s2], [sflag:$0x5] =	stream.indirect_vreg.gather [hbm4b:s8+s31], $0x80, v3, vm0, $0xb8;
	[tilespmem:$0xC200] =	vst v63  }
0x201: {  	s4 =	simm.s32 $0x2800  }
0x202: {  	[tilespmem:s4], [sflag:$0x5] =	stream.indirect_vreg.gather [hbm4b:s9+s31], $0x80, v3, vm0, $0xb8;
	[tilespmem:$0xC200] =	vst v63  }
0x203: {  	v3 =	vld [tilespmem:$0xC090];
	_ =	sdelay $0x4  }
0x204: {  	v61 =	vshrl.u32 v3, $0x3  }
0x205: {  	v4 =	vmul.u32 $0x30, v61  }
0x206: {  	v3 =	vand.u32 $0x7, v3  }
0x207: {  	v3 =	vor.u32 v3, v4  }
0x208: {  	v4 =	vperm.xlane v3, v0;
	_ =	sdelay $0x1  }
0x209: {  	v4 =	vadd.s32 v1, v4;
	_ =	sdelay $0x3  }
0x20a: {  	s2 =	simm.s32 $0x3000;
	v3 =	vperm.xlane v3, v2  }
0x20b: {  	[tilespmem:s2], [sflag:$0x5] =	stream.indirect_vreg.gather [hbm4b:s3+s31], $0x80, v4, vm0, $0xb8;
	[tilespmem:$0xC200] =	vst v63  }
0x20c: {  	s4 =	simm.s32 $0x3800;
	v3 =	vadd.s32 v1, v3  }
0x20d: {  	[tilespmem:s4], [sflag:$0x5] =	stream.indirect_vreg.gather [hbm4b:s8+s31], $0x80, v4, vm0, $0xb8;
	[tilespmem:$0xC200] =	vst v63  }
0x20e: {  	s2 =	simm.s32 $0x4000  }
0x20f: {  	[tilespmem:s2], [sflag:$0x5] =	stream.indirect_vreg.gather [hbm4b:s9+s31], $0x80, v4, vm0, $0xb8;
	[tilespmem:$0xC200] =	vst v63  }
0x210: {  	s4 =	simm.s32 $0x4800  }
0x211: {  	[tilespmem:s4], [sflag:$0x5] =	stream.indirect_vreg.gather [hbm4b:s3+s31], $0x80, v3, vm0, $0xb8;
	[tilespmem:$0xC200] =	vst v63  }
0x212: {  	_ = 	snop  }
0x213: {  	[tilespmem:s5], [sflag:$0x5] =	stream.indirect_vreg.gather [hbm4b:s8+s31], $0x80, v3, vm0, $0xb8;
	[tilespmem:$0xC200] =	vst v63  }
0x214: {  	_ = 	snop  }
0x215: {  	[tilespmem:s6], [sflag:$0x5] =	stream.indirect_vreg.gather [hbm4b:s9+s31], $0x80, v3, vm0, $0xb8;
	[tilespmem:$0xC200] =	vst v63  }
0x216: {  	v3 =	vld [tilespmem:$0xC0A0];
	_ =	sdelay $0x4  }
0x217: {  	v62 =	vshrl.u32 v3, $0x3  }
0x218: {  	v4 =	vmul.u32 $0x30, v62  }
0x219: {  	v3 =	vand.u32 $0x7, v3  }
0x21a: {  	v3 =	vor.u32 v3, v4  }
0x21b: {  	v4 =	vperm.xlane v3, v0;
	_ =	sdelay $0x1  }
0x21c: {  	v4 =	vadd.s32 v1, v4;
	_ =	sdelay $0x3  }
0x21d: {  	v3 =	vperm.xlane v3, v2  }
0x21e: {  	[tilespmem:s7], [sflag:$0x5] =	stream.indirect_vreg.gather [hbm4b:s3+s31], $0x80, v4, vm0, $0xb8;
	[tilespmem:$0xC200] =	vst v63  }
0x21f: {  	v3 =	vadd.s32 v1, v3  }
0x220: {  	[tilespmem:s19], [sflag:$0x5] =	stream.indirect_vreg.gather [hbm4b:s8+s31], $0x80, v4, vm0, $0xb8;
	[tilespmem:$0xC200] =	vst v63  }
0x221: {  	_ = 	snop  }
0x222: {  	[tilespmem:s10], [sflag:$0x5] =	stream.indirect_vreg.gather [hbm4b:s9+s31], $0x80, v4, vm0, $0xb8;
	[tilespmem:$0xC200] =	vst v63  }
0x223: {  	_ = 	snop  }
0x224: {  	[tilespmem:s23], [sflag:$0x5] =	stream.indirect_vreg.gather [hbm4b:s3+s31], $0x80, v3, vm0, $0xb8;
	[tilespmem:$0xC200] =	vst v63  }
0x225: {  	_ = 	snop  }
0x226: {  	[tilespmem:s11], [sflag:$0x5] =	stream.indirect_vreg.gather [hbm4b:s8+s31], $0x80, v3, vm0, $0xb8;
	[tilespmem:$0xC200] =	vst v63  }
0x227: {  	_ = 	snop  }
0x228: {  	[tilespmem:s12], [sflag:$0x5] =	stream.indirect_vreg.gather [hbm4b:s9+s31], $0x80, v3, vm0, $0xb8;
	[tilespmem:$0xC200] =	vst v63  }
0x229: {  	v3 =	vld [tilespmem:$0xC0B0];
	_ =	sdelay $0x4  }
0x22a: {  	v63 =	vshrl.u32 v3, $0x3  }
0x22b: {  	v4 =	vmul.u32 $0x30, v63  }
0x22c: {  	v3 =	vand.u32 $0x7, v3  }
0x22d: {  	v3 =	vor.u32 v3, v4  }
0x22e: {  	v4 =	vperm.xlane v3, v0;
	_ =	sdelay $0x1  }
0x22f: {  	v4 =	vadd.s32 v1, v4;
	_ =	sdelay $0x3  }
0x230: {  	v3 =	vperm.xlane v3, v2  }
0x231: {  	[tilespmem:s13], [sflag:$0x5] =	stream.indirect_vreg.gather [hbm4b:s3+s31], $0x80, v4, vm0, $0xb8;
	[tilespmem:$0xC200] =	vst v63  }
0x232: {  	v3 =	vadd.s32 v1, v3  }
0x233: {  	[tilespmem:s14], [sflag:$0x5] =	stream.indirect_vreg.gather [hbm4b:s8+s31], $0x80, v4, vm0, $0xb8;
	[tilespmem:$0xC200] =	vst v63  }
0x234: {  	_ = 	snop  }
0x235: {  	[tilespmem:s15], [sflag:$0x5] =	stream.indirect_vreg.gather [hbm4b:s9+s31], $0x80, v4, vm0, $0xb8;
	[tilespmem:$0xC200] =	vst v63  }
0x236: {  	_ = 	snop  }
0x237: {  	[tilespmem:s16], [sflag:$0x5] =	stream.indirect_vreg.gather [hbm4b:s3+s31], $0x80, v3, vm0, $0xb8;
	[tilespmem:$0xC200] =	vst v63  }
0x238: {  	_ = 	snop  }
0x239: {  	[tilespmem:s17], [sflag:$0x5] =	stream.indirect_vreg.gather [hbm4b:s8+s31], $0x80, v3, vm0, $0xb8;
	[tilespmem:$0xC200] =	vst v63  }
0x23a: {  	_ = 	snop  }
0x23b: {  	[tilespmem:s18], [sflag:$0x5] =	stream.indirect_vreg.gather [hbm4b:s9+s31], $0x80, v3, vm0, $0xb8;
	[tilespmem:$0xC200] =	vst v63  }
0x23c: {  	_ =	swait.ge [sflag:s25], $0xC000  }
0x23d: {  	[sflag:s25] =	ssyncset.done $0x0  }
0x23e: {  	s0 =	simm.s32 $0x0;
	[sflag:s25] =	ssyncadd.s32 $0xFFFF4000  }
.LBB2_8:
0x23f: {  	v3 =	vmov s0  }
0x240: {  	s2 =	sshrl.u32 s0, $0x3  }
0x241: {  	s2 =	smul.u32 $0x6000, s2;
	_ =	sdelay $0x1  }
0x242: {  	s4 =	sand.u32 $0x380, s31;
	s2 =	sshra.s32 s2, $0x2  }
0x243: {  	s2 =	sor.u32 s4, s2;
	v3 =	vld.idx.msk [tilespmem:v3+s24+$0x0], $0xffff  }
0x244: {  	v4 =	vld [tilespmem:s2+$0x0]  }
0x245: {  	v5 =	vld [tilespmem:s2+$0x10]  }
0x246: {  	v6 =	vld [tilespmem:s2+$0x20]  }
0x247: {  	v7 =	vld [tilespmem:s2+$0x30]  }
0x248: {  	v8 =	vld [tilespmem:s2+$0x40]  }
0x249: {  	v9 =	vld [tilespmem:s2+$0x50];
	v4 =	vmul.f32 v4, v3  }
0x24a: {  	v10 =	vld [tilespmem:s2+$0x60];
	v5 =	vmul.f32 v5, v3  }
0x24b: {  	v31 =	vld [tilespmem:s2+$0x70];
	v30 =	vmul.f32 v6, v3;
	[tilespmem:s2+$0x0] =	vst v4  }
0x24c: {  	v33 =	vld [tilespmem:s2+$0x400];
	v32 =	vmul.f32 v7, v3;
	[tilespmem:s2+$0x10] =	vst v5  }
0x24d: {  	v35 =	vld [tilespmem:s2+$0x410];
	v34 =	vmul.f32 v8, v3;
	[tilespmem:s2+$0x20] =	vst v30  }
0x24e: {  	v37 =	vld [tilespmem:s2+$0x420];
	v36 =	vmul.f32 v9, v3;
	[tilespmem:s2+$0x30] =	vst v32  }
0x24f: {  	v39 =	vld [tilespmem:s2+$0x430];
	v38 =	vmul.f32 v10, v3;
	[tilespmem:s2+$0x40] =	vst v34  }
0x250: {  	v41 =	vld [tilespmem:s2+$0x440];
	v40 =	vmul.f32 v31, v3;
	[tilespmem:s2+$0x50] =	vst v36  }
0x251: {  	v43 =	vld [tilespmem:s2+$0x450];
	v42 =	vmul.f32 v33, v3;
	[tilespmem:s2+$0x60] =	vst v38  }
0x252: {  	v45 =	vld [tilespmem:s2+$0x460];
	v44 =	vmul.f32 v35, v3;
	[tilespmem:s2+$0x70] =	vst v40  }
0x253: {  	v47 =	vld [tilespmem:s2+$0x470];
	v46 =	vmul.f32 v37, v3;
	[tilespmem:s2+$0x400] =	vst v42  }
0x254: {  	v49 =	vld [tilespmem:s2+$0x800];
	v48 =	vmul.f32 v39, v3;
	[tilespmem:s2+$0x410] =	vst v44  }
0x255: {  	v51 =	vld [tilespmem:s2+$0x810];
	v50 =	vmul.f32 v41, v3;
	[tilespmem:s2+$0x420] =	vst v46  }
0x256: {  	v53 =	vld [tilespmem:s2+$0x820];
	v52 =	vmul.f32 v43, v3;
	[tilespmem:s2+$0x430] =	vst v48  }
0x257: {  	v55 =	vld [tilespmem:s2+$0x830];
	v54 =	vmul.f32 v45, v3;
	[tilespmem:s2+$0x440] =	vst v50  }
0x258: {  	v57 =	vld [tilespmem:s2+$0x840];
	v56 =	vmul.f32 v47, v3;
	[tilespmem:s2+$0x450] =	vst v52  }
0x259: {  	v59 =	vld [tilespmem:s2+$0x850];
	v58 =	vmul.f32 v49, v3;
	[tilespmem:s2+$0x460] =	vst v54  }
0x25a: {  	v61 =	vld [tilespmem:s2+$0x860];
	v60 =	vmul.f32 v51, v3;
	[tilespmem:s2+$0x470] =	vst v56  }
0x25b: {  	v63 =	vld [tilespmem:s2+$0x870];
	v62 =	vmul.f32 v53, v3;
	[tilespmem:s2+$0x800] =	vst v58  }
0x25c: {  	v13 =	vld [tilespmem:s2+$0xC00];
	v12 =	vmul.f32 v55, v3;
	[tilespmem:s2+$0x810] =	vst v60  }
0x25d: {  	v15 =	vld [tilespmem:s2+$0xC10];
	v14 =	vmul.f32 v57, v3;
	[tilespmem:s2+$0x820] =	vst v62  }
0x25e: {  	v17 =	vld [tilespmem:s2+$0xC20];
	v16 =	vmul.f32 v59, v3;
	[tilespmem:s2+$0x830] =	vst v12  }
0x25f: {  	v19 =	vld [tilespmem:s2+$0xC30];
	v18 =	vmul.f32 v61, v3;
	[tilespmem:s2+$0x840] =	vst v14  }
0x260: {  	v21 =	vld [tilespmem:s2+$0xC40];
	v20 =	vmul.f32 v63, v3;
	[tilespmem:s2+$0x850] =	vst v16  }
0x261: {  	v23 =	vld [tilespmem:s2+$0xC50];
	v22 =	vmul.f32 v13, v3;
	[tilespmem:s2+$0x860] =	vst v18  }
0x262: {  	v25 =	vld [tilespmem:s2+$0xC60];
	v24 =	vmul.f32 v15, v3;
	[tilespmem:s2+$0x870] =	vst v20  }
0x263: {  	v27 =	vld [tilespmem:s2+$0xC70];
	v26 =	vmul.f32 v17, v3;
	[tilespmem:s2+$0xC00] =	vst v22  }
0x264: {  	v29 =	vld [tilespmem:s2+$0x1000];
	v28 =	vmul.f32 v19, v3;
	[tilespmem:s2+$0xC10] =	vst v24  }
0x265: {  	v31 =	vld [tilespmem:s2+$0x1010];
	[tilespmem:s2+$0xC20] =	vst v26;
	v30 =	vmul.f32 v21, v3  }
0x266: {  	v33 =	vld [tilespmem:s2+$0x1020];
	[tilespmem:s2+$0xC30] =	vst v28;
	v32 =	vmul.f32 v23, v3  }
0x267: {  	v35 =	vld [tilespmem:s2+$0x1030];
	v34 =	vmul.f32 v25, v3;
	[tilespmem:s2+$0xC40] =	vst v30  }
0x268: {  	v37 =	vld [tilespmem:s2+$0x1040];
	v36 =	vmul.f32 v27, v3;
	[tilespmem:s2+$0xC50] =	vst v32  }
0x269: {  	v39 =	vld [tilespmem:s2+$0x1050];
	v38 =	vmul.f32 v29, v3;
	[tilespmem:s2+$0xC60] =	vst v34  }
0x26a: {  	v41 =	vld [tilespmem:s2+$0x1060];
	[tilespmem:s2+$0xC70] =	vst v36;
	v40 =	vmul.f32 v31, v3  }
0x26b: {  	v43 =	vld [tilespmem:s2+$0x1070];
	[tilespmem:s2+$0x1000] =	vst v38;
	v42 =	vmul.f32 v33, v3  }
0x26c: {  	v45 =	vld [tilespmem:s2+$0x1400];
	v44 =	vmul.f32 v35, v3;
	[tilespmem:s2+$0x1010] =	vst v40  }
0x26d: {  	v47 =	vld [tilespmem:s2+$0x1410];
	v46 =	vmul.f32 v37, v3;
	[tilespmem:s2+$0x1020] =	vst v42  }
0x26e: {  	v49 =	vld [tilespmem:s2+$0x1420];
	v48 =	vmul.f32 v39, v3;
	[tilespmem:s2+$0x1030] =	vst v44  }
0x26f: {  	v51 =	vld [tilespmem:s2+$0x1430];
	v50 =	vmul.f32 v41, v3;
	[tilespmem:s2+$0x1040] =	vst v46  }
0x270: {  	v53 =	vld [tilespmem:s2+$0x1440];
	v52 =	vmul.f32 v43, v3;
	[tilespmem:s2+$0x1050] =	vst v48  }
0x271: {  	v55 =	vld [tilespmem:s2+$0x1450];
	v54 =	vmul.f32 v45, v3;
	[tilespmem:s2+$0x1060] =	vst v50  }
0x272: {  	v57 =	vld [tilespmem:s2+$0x1460];
	v56 =	vmul.f32 v47, v3;
	[tilespmem:s2+$0x1070] =	vst v52  }
0x273: {  	v59 =	vld [tilespmem:s2+$0x1470];
	v58 =	vmul.f32 v49, v3;
	[tilespmem:s2+$0x1400] =	vst v54  }
0x274: {  	v60 =	vmul.f32 v51, v3;
	[tilespmem:s2+$0x1410] =	vst v56  }
0x275: {  	p0 =	sne.s32 s0, $0x3F;
	v61 =	vmul.f32 v53, v3;
	[tilespmem:s2+$0x1420] =	vst v58  }
.Ltmp3:
0x276: {  	v62 =	vmul.f32 v55, v3;
	[tilespmem:s2+$0x1430] =	vst v60;
	(pc) =	sbr.rel @p0 .LBB2_8-.Ltmp3, $4  }
0x277: {  	v63 =	vmul.f32 v57, v3;
	[tilespmem:s2+$0x1440] =	vst v61  }
0x278: {  	v3 =	vmul.f32 v59, v3;
	[tilespmem:s2+$0x1450] =	vst v62  }
0x279: {  	[tilespmem:s2+$0x1460] =	vst v63  }
0x27a: {  	s31 =	sadd.s32 $0x80, s31;
	s0 =	sadd.s32 $0x1, s0;
	[tilespmem:s2+$0x1470] =	vst v3  }
0x27b: {  	s0 =	rddreg [dreg:$0xe]  }
0x27c: {  	[hbm4b:s0+s1] =	stream.linear.scatter [tilespmem:s1], [sflag:$0x6], $0xC000, $0x38;
	[tilespmem:$0xC200] =	vst v63  }
0x27d: {  	_ =	swait.ge [sflag:s26], $0xC000  }
0x27e: {  	s30 =	sadd.s32 $0x1, s30;
	s31 =	rddreg [dreg:$0xf]  }
0x27f: {  	p0 =	sne.s32 s30, s31  }
.Ltmp4:
0x280: {  	_ = 	snop;
	(pc) =	sbr.rel @p0 .LBB2_1-.Ltmp4, $3  }
0x281: {  	_ =	sdelay $0x1  }
0x282: {  	[sflag:s26] =	ssyncset.done $0x0  }
0x283: {  	[sflag:s26] =	ssyncadd.s32 $0xFFFF4000  }
0x284: {  	_ =	sfence.sel $0x180000  }
0x285: {  	[bflag:$0x0] =	sbarrier.arrive $0xFFFF  }
0x286: {  	_ =	strace $0x9000004A  }
0x287: {  	s0 =	stileid.u32;
	[bflag:$0x2] =	sbarrier.arrive $0xFFFF  }
0x288: {  	p0 =	sne.s32 s0, $0x0;
	s0 =	rddreg [dreg:$0x2]  }
0x289: {  	s0 =	sadd.s32 @!p0 $0x100000, s0  }
0x28a: {  	[sflag:s0] =	ssyncadd.tile.s32 @!p0 $0x1;
	_ =	shalt  }
.Lfunc_end2:
_tile_overlayer_lowered:
.L_overlay_start_2:
0x28b: {  	(tag) =	ssettag $0x2  }
0x28c: {  	s0 =	rddreg [dreg:$0x0];
	s2 =	stileid.u32  }
0x28d: {  	s1 =	rddreg [dreg:$0x1];
	p0 =	sne.s32 s2, $0x0  }
0x28e: {  	s3 =	rddreg [dreg:$0x2];
	[bflag:$0x3] =	sbarrier.arrive $0xFFFF;
	s2 =	simm.s32 @!p0 $0x1C06  }
0x28f: {  	[timem:s3], [sflag:s2] =	dma.local @!p0 [hbm:s0], s1  }
0x290: {  	s0 =	simm.s32 @!p0 $0x6  }
0x291: {  	_ =	swait.ge @!p0 [sflag:s0], s1  }
0x292: {  	s1 =	ssub.s32 @!p0 $0x0, s1;
	[sflag:s0] =	ssyncset.done @!p0 $0x0  }
0x293: {  	[sflag:s0] =	ssyncadd.s32 @!p0 s1  }
0x294: {  	[bflag:$0x3] =	sbarrier.arrive $0xFFFF  }
0x295: {  	_ =	shalt  }

</sc_bundles>
